<compile_context>
chip_gen: v7x
topology: tpu7x:2x2x1
jax: 0.10.2.dev20260603
libtpu: 0.0.44.dev20260713+nightly
codegen_flags: <defaults>
</compile_context>

<pallas_src>
import functools

import jax
import jax.numpy as jnp
import numpy as np
from jax import lax
from jax.experimental import pallas as pl
from jax.experimental.pallas import tpu as pltpu
from jax.experimental.pallas import tpu_sc as plsc

_B = 32768
_NC = 1
_NS = 16
_NW = _NC * _NS
_CHUNK = _B // _NW
_LANES = 16
_BLK = 128
_NBLK = _CHUNK // _BLK
_SB = 4
_SBTOK = _CHUNK // _SB
_SBGRP = _SBTOK // _LANES



def _rotl32(x, d):
    return ((x << np.uint32(d)) | (x >> np.uint32(32 - d))).astype(np.uint32)


def _threefry2x32_bits(key_hi, key_lo, n):
    x0 = np.zeros(n, dtype=np.uint32)
    x1 = np.arange(n, dtype=np.uint32)
    ks0, ks1 = np.uint32(key_hi), np.uint32(key_lo)
    ks2 = np.uint32(0x1BD11BDA) ^ ks0 ^ ks1
    rot_a, rot_b = (13, 15, 26, 6), (17, 29, 16, 24)

    def rounds(x0, x1, rots):
        for r in rots:
            x0 = (x0 + x1).astype(np.uint32)
            x1 = _rotl32(x1, r) ^ x0
        return x0, x1

    x0 += ks0; x1 += ks1
    x0, x1 = rounds(x0, x1, rot_a); x0 += ks1; x1 += ks2 + np.uint32(1)
    x0, x1 = rounds(x0, x1, rot_b); x0 += ks2; x1 += ks0 + np.uint32(2)
    x0, x1 = rounds(x0, x1, rot_a); x0 += ks0; x1 += ks1 + np.uint32(3)
    x0, x1 = rounds(x0, x1, rot_b); x0 += ks1; x1 += ks2 + np.uint32(4)
    x0, x1 = rounds(x0, x1, rot_a); x0 += ks2; x1 += ks0 + np.uint32(5)
    return x0 ^ x1


_KD_THR = (1832780943, 270669613)
_KD_EXPL = (2350016172, 1168365246)

_THRESHOLDS = (
    (_threefry2x32_bits(*_KD_THR, _B) >> np.uint32(9)) | np.uint32(0x3F800000)
).view(np.float32) - np.float32(1.0)
_EXPLORE = (_threefry2x32_bits(*_KD_EXPL, _B) & np.uint32(1)).astype(np.int32)

_EXPL_WORDS = np.zeros((_B // 32,), dtype=np.uint32)
for _j in range(32):
    _EXPL_WORDS |= _EXPLORE.astype(np.uint32).reshape(-1, 32)[:, _j] << np.uint32(_j)
_PACKED = np.concatenate([_THRESHOLDS, _EXPL_WORDS.view(np.float32)])


@functools.cache
def _build_sc_route():
    mesh = plsc.VectorSubcoreMesh(
        core_axis_name="c", subcore_axis_name="s",
        num_cores=_NC, num_subcores=_NS,
    )

    @functools.partial(
        pl.kernel,
        out_type=(
            jax.ShapeDtypeStruct((_B,), jnp.int32),
            jax.ShapeDtypeStruct((2 * _B,), jnp.int32),
        ),
        mesh=mesh,
        compiler_params=pltpu.CompilerParams(needs_layout_passes=False),
        scratch_types=[
            pltpu.VMEM((2 * _CHUNK,), jnp.float32),
            pltpu.VMEM((_CHUNK,), jnp.float32),
            pltpu.VMEM((_CHUNK // 32,), jnp.float32),
            pltpu.VMEM((_LANES,), jnp.float32),
            pltpu.VMEM((_CHUNK,), jnp.int32),
            pltpu.VMEM((2 * _CHUNK,), jnp.int32),
            [pltpu.SemaphoreType.DMA] * _SB,
            pltpu.SemaphoreType.DMA,
            pltpu.SemaphoreType.DMA,
        ],
    )
    def sc_route(q_hbm, pk_hbm, m0_hbm, m1_hbm, eps_hbm,
                 act_hbm, srm_hbm,
                 q_v, thr_v, bits_v, eps_v, act_v, srm_v,
                 in_sems, mask_sem, out_sem):
        wid = lax.axis_index("s") * _NC + lax.axis_index("c")
        base = wid * _CHUNK

        in_copies = []
        for sb in range(_SB):
            h = [
                pltpu.async_copy(
                    q_hbm.at[pl.ds(2 * base + 2 * _SBTOK * sb, 2 * _SBTOK)],
                    q_v.at[pl.ds(2 * _SBTOK * sb, 2 * _SBTOK)], in_sems[sb]),
                pltpu.async_copy(
                    pk_hbm.at[pl.ds(base + _SBTOK * sb, _SBTOK)],
                    thr_v.at[pl.ds(_SBTOK * sb, _SBTOK)], in_sems[sb]),
                pltpu.async_copy(
                    pk_hbm.at[pl.ds(
                        pl.multiple_of(
                            _B + (_CHUNK // 32) * wid + (_SBTOK // 32) * sb, 8),
                        _SBTOK // 32)],
                    bits_v.at[pl.ds(_SBTOK * sb // 32, _SBTOK // 32)],
                    in_sems[sb]),
            ]
            if sb == 0:
                h.append(pltpu.async_copy(eps_hbm, eps_v.at[pl.ds(0, 1)],
                                          in_sems[0]))
            in_copies.append(h)
        mask_copies = []
        for b in range(_NBLK):
            mask_copies.append(pltpu.async_copy(
                m0_hbm.at[pl.ds(base + _BLK * b, _BLK)],
                srm_v.at[pl.ds(2 * _BLK * b, _BLK)], mask_sem))
            mask_copies.append(pltpu.async_copy(
                m1_hbm.at[pl.ds(base + _BLK * b, _BLK)],
                srm_v.at[pl.ds(2 * _BLK * b + _BLK, _BLK)], mask_sem))
        lanes = lax.iota(jnp.int32, _LANES)
        shift = (lanes, lanes + 16)

        for sb in range(_SB):
            for c in in_copies[sb]:
                c.wait()
            if sb == 0:
                eps = jnp.full((_LANES,), eps_v[...][0], dtype=jnp.float32)
            _wps = _SBTOK // 32
            _woff = (_wps * sb) // _LANES * _LANES
            wvec = plsc.bitcast(bits_v[pl.ds(_woff, _LANES)], jnp.int32)
            for k in range(_SBGRP):
                tok = _SBTOK * sb + _LANES * k
                qoff = 2 * _SBTOK * sb + 256 * (k // 8) + 16 * (k % 8)
                q0 = q_v[pl.ds(qoff, _LANES)]
                q1 = q_v[pl.ds(qoff + _BLK, _LANES)]
                exploit = (q1 > q0).astype(jnp.int32)
                thr = thr_v[pl.ds(tok, _LANES)]
                word = jnp.full((_LANES,), wvec[_wps * sb - _woff + k // 2],
                                dtype=jnp.int32)
                expl = (word >> shift[k % 2]) & 1
                act = jnp.where(eps > thr, expl, exploit)
                act_v[pl.ds(tok, _LANES)] = act

        act_out = pltpu.async_copy(act_v, act_hbm.at[pl.ds(base, _CHUNK)],
                                   out_sem)
        for c in mask_copies:
            c.wait()
        srm_out = pltpu.async_copy(
            srm_v, srm_hbm.at[pl.ds(2 * base, 2 * _CHUNK)], out_sem)
        srm_out.wait()
        act_out.wait()

    return sc_route


def kernel(q_table_predicted, input_ig_routing_matrix, is_warm_up_period,
           ig_activations, sc_routing_matrix, sc_mask_0, sc_mask_1, eps,
           is_training):
    del input_ig_routing_matrix, is_warm_up_period, ig_activations
    del sc_routing_matrix
    q_lin = (
        q_table_predicted.reshape(_B // _BLK, _BLK, 2)
        .transpose(0, 2, 1)
        .reshape(2 * _B)
    )
    eps_eff = jnp.where(is_training, eps.astype(jnp.float32), jnp.float32(-1.0))
    actions, srm_lin = _build_sc_route()(
        q_lin,
        jnp.asarray(_PACKED),
        sc_mask_0,
        sc_mask_1,
        eps_eff.reshape(1),
    )
    srm = (
        srm_lin.reshape(_B // _BLK, 2, _BLK)
        .transpose(0, 2, 1)
        .reshape(_B, 2)
    )
    return actions, srm

# --- scband reference (transcript-rebuilt; emitter-appended) ---
"""Pipeline reference for scband-cign-binary-rl-routing-layer-44478681317831 (READ-ONLY COPY).

The authoritative reference and input builder live on the scoring server;
editing this copy changes nothing except your own understanding.
"""

import jax, jax.numpy as jnp
import numpy as np

B = 32768
NUM_ACTIONS = 2

def setup_inputs(seed: int = 0) -> dict:
    key = jax.random.key(seed)
    ks = jax.random.split(key, 8)
    q_table_predicted = jax.random.normal(ks[0], (B, NUM_ACTIONS), dtype=jnp.float32)
    input_ig_routing_matrix = jax.random.uniform(ks[1], (B, NUM_ACTIONS), dtype=jnp.float32)
    is_warm_up_period = jnp.zeros((), dtype=bool)
    ig_activations = jax.random.normal(ks[2], (B, NUM_ACTIONS), dtype=jnp.float32)
    sc_routing_matrix = jax.random.uniform(ks[3], (B, NUM_ACTIONS), dtype=jnp.float32)
    sc_mask_0 = jax.random.randint(ks[4], (B,), 0, 2, dtype=jnp.int32)
    sc_mask_1 = jax.random.randint(ks[5], (B,), 0, 2, dtype=jnp.int32)
    eps = jnp.float32(0.5)
    is_training = jnp.ones((), dtype=bool)
    return {
        'q_table_predicted': q_table_predicted,
        'input_ig_routing_matrix': input_ig_routing_matrix,
        'is_warm_up_period': is_warm_up_period,
        'ig_activations': ig_activations,
        'sc_routing_matrix': sc_routing_matrix,
        'sc_mask_0': sc_mask_0,
        'sc_mask_1': sc_mask_1,
        'eps': eps,
        'is_training': is_training,
    }


def reference(q_table_predicted, input_ig_routing_matrix, is_warm_up_period,
              ig_activations, sc_routing_matrix, sc_mask_0, sc_mask_1, eps, is_training):
    n = q_table_predicted.shape[0]
    kr = jax.random.key(42)
    k1, k2 = jax.random.split(kr)
    # thresholds = tf.random.uniform([B], 0, 1)
    thresholds = jax.random.uniform(k1, (n,), dtype=q_table_predicted.dtype, minval=0.0, maxval=1.0)
    # eps = network.exploreExploitEpsilon(globalStep) -- provided as scalar input
    explore_exploit_vec = eps > thresholds
    exploit_actions = jnp.argmax(q_table_predicted, axis=-1)
    # tf.random.uniform int in [0, 2)
    explore_actions = jax.random.randint(k2, (n,), 0, 2, dtype=jnp.int32).astype(exploit_actions.dtype)
    training_actions = jnp.where(explore_exploit_vec, explore_actions, exploit_actions)
    test_actions = exploit_actions
    final_actions = jnp.where(is_training, training_actions, test_actions)
    # sc_routing_matrix_2 = tf.stack(sc_mask_vectors, axis=-1)
    sc_routing_matrix_2 = jnp.stack([sc_mask_0, sc_mask_1], axis=-1)
    return final_actions, sc_routing_matrix_2

if __name__ == "__main__":
    import jax
    _d = setup_inputs()
    print(jax.jit(kernel)(*tuple(_d.values())))

</pallas_src>

<mosaic_0001>
#map = affine_map<(d0, d1) -> (0)>
module attributes {stable_mosaic.version = 14 : i64} {
  func.func @sc_route(%arg0: i32, %arg1: i32, %arg2: memref<65536xf32, #tpu.memory_space<hbm>>, %arg3: memref<33792xf32, #tpu.memory_space<hbm>>, %arg4: memref<32768xi32, #tpu.memory_space<hbm>>, %arg5: memref<32768xi32, #tpu.memory_space<hbm>>, %arg6: memref<1xf32, #tpu.memory_space<hbm>>, %arg7: memref<32768xi32, #tpu.memory_space<hbm>>, %arg8: memref<65536xi32, #tpu.memory_space<hbm>>, %arg9: memref<4096xf32, #tpu.memory_space<vmem>>, %arg10: memref<2048xf32, #tpu.memory_space<vmem>>, %arg11: memref<64xf32, #tpu.memory_space<vmem>>, %arg12: memref<16xf32, #tpu.memory_space<vmem>>, %arg13: memref<2048xi32, #tpu.memory_space<vmem>>, %arg14: memref<4096xi32, #tpu.memory_space<vmem>>, %arg15: memref<!tpu.dma_semaphore, #tpu.memory_space<semaphore_mem>>, %arg16: memref<!tpu.dma_semaphore, #tpu.memory_space<semaphore_mem>>, %arg17: memref<!tpu.dma_semaphore, #tpu.memory_space<semaphore_mem>>, %arg18: memref<!tpu.dma_semaphore, #tpu.memory_space<semaphore_mem>>, %arg19: memref<!tpu.dma_semaphore, #tpu.memory_space<semaphore_mem>>, %arg20: memref<!tpu.dma_semaphore, #tpu.memory_space<semaphore_mem>>) attributes {dimension_semantics = [#tpu.dimension_semantics<core_parallel>, #tpu.dimension_semantics<subcore_parallel>], iteration_bounds = array<i64: 1, 16>, scalar_prefetch = 0 : i64, scratch_operands = 12 : i64, tpu.core_type = #tpu.core_type<sc_vector_subcore>, window_params = [{transform_indices = #map}, {transform_indices = #map}, {transform_indices = #map}, {transform_indices = #map}, {transform_indices = #map}, {transform_indices = #map}, {transform_indices = #map}]} {
    %mul3A = arith.constant 1 : i32
    %mul3A_0 = arith.muli %arg1, %mul3A : i32
    %add3A = arith.addi %mul3A_0, %arg0 : i32
    %mul3A_1 = arith.constant 2048 : i32
    %mul3A_2 = arith.muli %add3A, %mul3A_1 : i32
    %mul3A_3 = arith.constant 2 : i32
    %mul3A_4 = arith.muli %mul3A_3, %mul3A_2 : i32
    %add3A_5 = arith.constant 0 : i32
    %add3A_6 = arith.addi %mul3A_4, %add3A_5 : i32
    %dma_start3A = arith.constant 0 : i32
    %dma_start3A_7 = tpu.memref_slice %arg9[%dma_start3A] : memref<4096xf32, #tpu.memory_space<vmem>> -> memref<1024xf32, #tpu.memory_space<vmem>>
    %dma_start3A_8 = tpu.memref_slice %arg2[%add3A_6] : memref<65536xf32, #tpu.memory_space<hbm>> -> memref<1024xf32, #tpu.memory_space<hbm>>
    %dma_start3A_9 = arith.constant 0 : i32
    %dma_start3A_10 = tpu.memref_slice %arg9[%dma_start3A_9] : memref<4096xf32, #tpu.memory_space<vmem>> -> memref<1024xf32, #tpu.memory_space<vmem>>
    %dma_start3A_11 = tpu.memref_slice %arg2[%add3A_6] : memref<65536xf32, #tpu.memory_space<hbm>> -> memref<1024xf32, #tpu.memory_space<hbm>>
    tpu.enqueue_dma source(%dma_start3A_11 : memref<1024xf32, #tpu.memory_space<hbm>>) target(%dma_start3A_10 : memref<1024xf32, #tpu.memory_space<vmem>>) target_semaphore(%arg15 : memref<!tpu.dma_semaphore, #tpu.memory_space<semaphore_mem>>)
    %add3A_12 = arith.constant 0 : i32
    %add3A_13 = arith.addi %mul3A_2, %add3A_12 : i32
    %dma_start3A_14 = arith.constant 0 : i32
    %dma_start3A_15 = tpu.memref_slice %arg10[%dma_start3A_14] : memref<2048xf32, #tpu.memory_space<vmem>> -> memref<512xf32, #tpu.memory_space<vmem>>
    %dma_start3A_16 = tpu.memref_slice %arg3[%add3A_13] : memref<33792xf32, #tpu.memory_space<hbm>> -> memref<512xf32, #tpu.memory_space<hbm>>
    %dma_start3A_17 = arith.constant 0 : i32
    %dma_start3A_18 = tpu.memref_slice %arg10[%dma_start3A_17] : memref<2048xf32, #tpu.memory_space<vmem>> -> memref<512xf32, #tpu.memory_space<vmem>>
    %dma_start3A_19 = tpu.memref_slice %arg3[%add3A_13] : memref<33792xf32, #tpu.memory_space<hbm>> -> memref<512xf32, #tpu.memory_space<hbm>>
    tpu.enqueue_dma source(%dma_start3A_19 : memref<512xf32, #tpu.memory_space<hbm>>) target(%dma_start3A_18 : memref<512xf32, #tpu.memory_space<vmem>>) target_semaphore(%arg15 : memref<!tpu.dma_semaphore, #tpu.memory_space<semaphore_mem>>)
    %mul3A_20 = arith.constant 64 : i32
    %mul3A_21 = arith.muli %mul3A_20, %add3A : i32
    %add3A_22 = arith.constant 32768 : i32
    %add3A_23 = arith.addi %add3A_22, %mul3A_21 : i32
    %add3A_24 = arith.constant 0 : i32
    %add3A_25 = arith.addi %add3A_23, %add3A_24 : i32
    %multiple_of3A = tpu.assume_multiple %add3A_25, 8 : i32
    %dma_start3A_26 = arith.constant 0 : i32
    %dma_start3A_27 = tpu.memref_slice %arg11[%dma_start3A_26] : memref<64xf32, #tpu.memory_space<vmem>> -> memref<16xf32, #tpu.memory_space<vmem>>
    %dma_start3A_28 = tpu.memref_slice %arg3[%multiple_of3A] : memref<33792xf32, #tpu.memory_space<hbm>> -> memref<16xf32, #tpu.memory_space<hbm>>
    %dma_start3A_29 = arith.constant 0 : i32
    %dma_start3A_30 = tpu.memref_slice %arg11[%dma_start3A_29] : memref<64xf32, #tpu.memory_space<vmem>> -> memref<16xf32, #tpu.memory_space<vmem>>
    %dma_start3A_31 = tpu.memref_slice %arg3[%multiple_of3A] : memref<33792xf32, #tpu.memory_space<hbm>> -> memref<16xf32, #tpu.memory_space<hbm>>
    tpu.enqueue_dma source(%dma_start3A_31 : memref<16xf32, #tpu.memory_space<hbm>>) target(%dma_start3A_30 : memref<16xf32, #tpu.memory_space<vmem>>) target_semaphore(%arg15 : memref<!tpu.dma_semaphore, #tpu.memory_space<semaphore_mem>>)
    %dma_start3A_32 = arith.constant 0 : i32
    %dma_start3A_33 = tpu.memref_slice %arg12[%dma_start3A_32] : memref<16xf32, #tpu.memory_space<vmem>> -> memref<1xf32, #tpu.memory_space<vmem>>
    %dma_start3A_34 = arith.constant 0 : i32
    %dma_start3A_35 = tpu.memref_slice %arg12[%dma_start3A_34] : memref<16xf32, #tpu.memory_space<vmem>> -> memref<1xf32, #tpu.memory_space<vmem>>
    tpu.enqueue_dma source(%arg6 : memref<1xf32, #tpu.memory_space<hbm>>) target(%dma_start3A_35 : memref<1xf32, #tpu.memory_space<vmem>>) target_semaphore(%arg15 : memref<!tpu.dma_semaphore, #tpu.memory_space<semaphore_mem>>)
    %mul3A_36 = arith.constant 2 : i32
    %mul3A_37 = arith.muli %mul3A_36, %mul3A_2 : i32
    %add3A_38 = arith.constant 1024 : i32
    %add3A_39 = arith.addi %mul3A_37, %add3A_38 : i32
    %dma_start3A_40 = arith.constant 1024 : i32
    %dma_start3A_41 = tpu.memref_slice %arg9[%dma_start3A_40] : memref<4096xf32, #tpu.memory_space<vmem>> -> memref<1024xf32, #tpu.memory_space<vmem>>
    %dma_start3A_42 = tpu.memref_slice %arg2[%add3A_39] : memref<65536xf32, #tpu.memory_space<hbm>> -> memref<1024xf32, #tpu.memory_space<hbm>>
    %dma_start3A_43 = arith.constant 1024 : i32
    %dma_start3A_44 = tpu.memref_slice %arg9[%dma_start3A_43] : memref<4096xf32, #tpu.memory_space<vmem>> -> memref<1024xf32, #tpu.memory_space<vmem>>
    %dma_start3A_45 = tpu.memref_slice %arg2[%add3A_39] : memref<65536xf32, #tpu.memory_space<hbm>> -> memref<1024xf32, #tpu.memory_space<hbm>>
    tpu.enqueue_dma source(%dma_start3A_45 : memref<1024xf32, #tpu.memory_space<hbm>>) target(%dma_start3A_44 : memref<1024xf32, #tpu.memory_space<vmem>>) target_semaphore(%arg16 : memref<!tpu.dma_semaphore, #tpu.memory_space<semaphore_mem>>)
    %add3A_46 = arith.constant 512 : i32
    %add3A_47 = arith.addi %mul3A_2, %add3A_46 : i32
    %dma_start3A_48 = arith.constant 512 : i32
    %dma_start3A_49 = tpu.memref_slice %arg10[%dma_start3A_48] : memref<2048xf32, #tpu.memory_space<vmem>> -> memref<512xf32, #tpu.memory_space<vmem>>
    %dma_start3A_50 = tpu.memref_slice %arg3[%add3A_47] : memref<33792xf32, #tpu.memory_space<hbm>> -> memref<512xf32, #tpu.memory_space<hbm>>
    %dma_start3A_51 = arith.constant 512 : i32
    %dma_start3A_52 = tpu.memref_slice %arg10[%dma_start3A_51] : memref<2048xf32, #tpu.memory_space<vmem>> -> memref<512xf32, #tpu.memory_space<vmem>>
    %dma_start3A_53 = tpu.memref_slice %arg3[%add3A_47] : memref<33792xf32, #tpu.memory_space<hbm>> -> memref<512xf32, #tpu.memory_space<hbm>>
    tpu.enqueue_dma source(%dma_start3A_53 : memref<512xf32, #tpu.memory_space<hbm>>) target(%dma_start3A_52 : memref<512xf32, #tpu.memory_space<vmem>>) target_semaphore(%arg16 : memref<!tpu.dma_semaphore, #tpu.memory_space<semaphore_mem>>)
    %mul3A_54 = arith.constant 64 : i32
    %mul3A_55 = arith.muli %mul3A_54, %add3A : i32
    %add3A_56 = arith.constant 32768 : i32
    %add3A_57 = arith.addi %add3A_56, %mul3A_55 : i32
    %add3A_58 = arith.constant 16 : i32
    %add3A_59 = arith.addi %add3A_57, %add3A_58 : i32
    %multiple_of3A_60 = tpu.assume_multiple %add3A_59, 8 : i32
    %dma_start3A_61 = arith.constant 16 : i32
    %dma_start3A_62 = tpu.memref_slice %arg11[%dma_start3A_61] : memref<64xf32, #tpu.memory_space<vmem>> -> memref<16xf32, #tpu.memory_space<vmem>>
    %dma_start3A_63 = tpu.memref_slice %arg3[%multiple_of3A_60] : memref<33792xf32, #tpu.memory_space<hbm>> -> memref<16xf32, #tpu.memory_space<hbm>>
    %dma_start3A_64 = arith.constant 16 : i32
    %dma_start3A_65 = tpu.memref_slice %arg11[%dma_start3A_64] : memref<64xf32, #tpu.memory_space<vmem>> -> memref<16xf32, #tpu.memory_space<vmem>>
    %dma_start3A_66 = tpu.memref_slice %arg3[%multiple_of3A_60] : memref<33792xf32, #tpu.memory_space<hbm>> -> memref<16xf32, #tpu.memory_space<hbm>>
    tpu.enqueue_dma source(%dma_start3A_66 : memref<16xf32, #tpu.memory_space<hbm>>) target(%dma_start3A_65 : memref<16xf32, #tpu.memory_space<vmem>>) target_semaphore(%arg16 : memref<!tpu.dma_semaphore, #tpu.memory_space<semaphore_mem>>)
    %mul3A_67 = arith.constant 2 : i32
    %mul3A_68 = arith.muli %mul3A_67, %mul3A_2 : i32
    %add3A_69 = arith.constant 2048 : i32
    %add3A_70 = arith.addi %mul3A_68, %add3A_69 : i32
    %dma_start3A_71 = arith.constant 2048 : i32
    %dma_start3A_72 = tpu.memref_slice %arg9[%dma_start3A_71] : memref<4096xf32, #tpu.memory_space<vmem>> -> memref<1024xf32, #tpu.memory_space<vmem>>
    %dma_start3A_73 = tpu.memref_slice %arg2[%add3A_70] : memref<65536xf32, #tpu.memory_space<hbm>> -> memref<1024xf32, #tpu.memory_space<hbm>>
    %dma_start3A_74 = arith.constant 2048 : i32
    %dma_start3A_75 = tpu.memref_slice %arg9[%dma_start3A_74] : memref<4096xf32, #tpu.memory_space<vmem>> -> memref<1024xf32, #tpu.memory_space<vmem>>
    %dma_start3A_76 = tpu.memref_slice %arg2[%add3A_70] : memref<65536xf32, #tpu.memory_space<hbm>> -> memref<1024xf32, #tpu.memory_space<hbm>>
    tpu.enqueue_dma source(%dma_start3A_76 : memref<1024xf32, #tpu.memory_space<hbm>>) target(%dma_start3A_75 : memref<1024xf32, #tpu.memory_space<vmem>>) target_semaphore(%arg17 : memref<!tpu.dma_semaphore, #tpu.memory_space<semaphore_mem>>)
    %add3A_77 = arith.constant 1024 : i32
    %add3A_78 = arith.addi %mul3A_2, %add3A_77 : i32
    %dma_start3A_79 = arith.constant 1024 : i32
    %dma_start3A_80 = tpu.memref_slice %arg10[%dma_start3A_79] : memref<2048xf32, #tpu.memory_space<vmem>> -> memref<512xf32, #tpu.memory_space<vmem>>
    %dma_start3A_81 = tpu.memref_slice %arg3[%add3A_78] : memref<33792xf32, #tpu.memory_space<hbm>> -> memref<512xf32, #tpu.memory_space<hbm>>
    %dma_start3A_82 = arith.constant 1024 : i32
    %dma_start3A_83 = tpu.memref_slice %arg10[%dma_start3A_82] : memref<2048xf32, #tpu.memory_space<vmem>> -> memref<512xf32, #tpu.memory_space<vmem>>
    %dma_start3A_84 = tpu.memref_slice %arg3[%add3A_78] : memref<33792xf32, #tpu.memory_space<hbm>> -> memref<512xf32, #tpu.memory_space<hbm>>
    tpu.enqueue_dma source(%dma_start3A_84 : memref<512xf32, #tpu.memory_space<hbm>>) target(%dma_start3A_83 : memref<512xf32, #tpu.memory_space<vmem>>) target_semaphore(%arg17 : memref<!tpu.dma_semaphore, #tpu.memory_space<semaphore_mem>>)
    %mul3A_85 = arith.constant 64 : i32
    %mul3A_86 = arith.muli %mul3A_85, %add3A : i32
    %add3A_87 = arith.constant 32768 : i32
    %add3A_88 = arith.addi %add3A_87, %mul3A_86 : i32
    %add3A_89 = arith.constant 32 : i32
    %add3A_90 = arith.addi %add3A_88, %add3A_89 : i32
    %multiple_of3A_91 = tpu.assume_multiple %add3A_90, 8 : i32
    %dma_start3A_92 = arith.constant 32 : i32
    %dma_start3A_93 = tpu.memref_slice %arg11[%dma_start3A_92] : memref<64xf32, #tpu.memory_space<vmem>> -> memref<16xf32, #tpu.memory_space<vmem>>
    %dma_start3A_94 = tpu.memref_slice %arg3[%multiple_of3A_91] : memref<33792xf32, #tpu.memory_space<hbm>> -> memref<16xf32, #tpu.memory_space<hbm>>
    %dma_start3A_95 = arith.constant 32 : i32
    %dma_start3A_96 = tpu.memref_slice %arg11[%dma_start3A_95] : memref<64xf32, #tpu.memory_space<vmem>> -> memref<16xf32, #tpu.memory_space<vmem>>
    %dma_start3A_97 = tpu.memref_slice %arg3[%multiple_of3A_91] : memref<33792xf32, #tpu.memory_space<hbm>> -> memref<16xf32, #tpu.memory_space<hbm>>
    tpu.enqueue_dma source(%dma_start3A_97 : memref<16xf32, #tpu.memory_space<hbm>>) target(%dma_start3A_96 : memref<16xf32, #tpu.memory_space<vmem>>) target_semaphore(%arg17 : memref<!tpu.dma_semaphore, #tpu.memory_space<semaphore_mem>>)
    %mul3A_98 = arith.constant 2 : i32
    %mul3A_99 = arith.muli %mul3A_98, %mul3A_2 : i32
    %add3A_100 = arith.constant 3072 : i32
    %add3A_101 = arith.addi %mul3A_99, %add3A_100 : i32
    %dma_start3A_102 = arith.constant 3072 : i32
    %dma_start3A_103 = tpu.memref_slice %arg9[%dma_start3A_102] : memref<4096xf32, #tpu.memory_space<vmem>> -> memref<1024xf32, #tpu.memory_space<vmem>>
    %dma_start3A_104 = tpu.memref_slice %arg2[%add3A_101] : memref<65536xf32, #tpu.memory_space<hbm>> -> memref<1024xf32, #tpu.memory_space<hbm>>
    %dma_start3A_105 = arith.constant 3072 : i32
    %dma_start3A_106 = tpu.memref_slice %arg9[%dma_start3A_105] : memref<4096xf32, #tpu.memory_space<vmem>> -> memref<1024xf32, #tpu.memory_space<vmem>>
    %dma_start3A_107 = tpu.memref_slice %arg2[%add3A_101] : memref<65536xf32, #tpu.memory_space<hbm>> -> memref<1024xf32, #tpu.memory_space<hbm>>
    tpu.enqueue_dma source(%dma_start3A_107 : memref<1024xf32, #tpu.memory_space<hbm>>) target(%dma_start3A_106 : memref<1024xf32, #tpu.memory_space<vmem>>) target_semaphore(%arg18 : memref<!tpu.dma_semaphore, #tpu.memory_space<semaphore_mem>>)
    %add3A_108 = arith.constant 1536 : i32
    %add3A_109 = arith.addi %mul3A_2, %add3A_108 : i32
    %dma_start3A_110 = arith.constant 1536 : i32
    %dma_start3A_111 = tpu.memref_slice %arg10[%dma_start3A_110] : memref<2048xf32, #tpu.memory_space<vmem>> -> memref<512xf32, #tpu.memory_space<vmem>>
    %dma_start3A_112 = tpu.memref_slice %arg3[%add3A_109] : memref<33792xf32, #tpu.memory_space<hbm>> -> memref<512xf32, #tpu.memory_space<hbm>>
    %dma_start3A_113 = arith.constant 1536 : i32
    %dma_start3A_114 = tpu.memref_slice %arg10[%dma_start3A_113] : memref<2048xf32, #tpu.memory_space<vmem>> -> memref<512xf32, #tpu.memory_space<vmem>>
    %dma_start3A_115 = tpu.memref_slice %arg3[%add3A_109] : memref<33792xf32, #tpu.memory_space<hbm>> -> memref<512xf32, #tpu.memory_space<hbm>>
    tpu.enqueue_dma source(%dma_start3A_115 : memref<512xf32, #tpu.memory_space<hbm>>) target(%dma_start3A_114 : memref<512xf32, #tpu.memory_space<vmem>>) target_semaphore(%arg18 : memref<!tpu.dma_semaphore, #tpu.memory_space<semaphore_mem>>)
    %mul3A_116 = arith.constant 64 : i32
    %mul3A_117 = arith.muli %mul3A_116, %add3A : i32
    %add3A_118 = arith.constant 32768 : i32
    %add3A_119 = arith.addi %add3A_118, %mul3A_117 : i32
    %add3A_120 = arith.constant 48 : i32
    %add3A_121 = arith.addi %add3A_119, %add3A_120 : i32
    %multiple_of3A_122 = tpu.assume_multiple %add3A_121, 8 : i32
    %dma_start3A_123 = arith.constant 48 : i32
    %dma_start3A_124 = tpu.memref_slice %arg11[%dma_start3A_123] : memref<64xf32, #tpu.memory_space<vmem>> -> memref<16xf32, #tpu.memory_space<vmem>>
    %dma_start3A_125 = tpu.memref_slice %arg3[%multiple_of3A_122] : memref<33792xf32, #tpu.memory_space<hbm>> -> memref<16xf32, #tpu.memory_space<hbm>>
    %dma_start3A_126 = arith.constant 48 : i32
    %dma_start3A_127 = tpu.memref_slice %arg11[%dma_start3A_126] : memref<64xf32, #tpu.memory_space<vmem>> -> memref<16xf32, #tpu.memory_space<vmem>>
    %dma_start3A_128 = tpu.memref_slice %arg3[%multiple_of3A_122] : memref<33792xf32, #tpu.memory_space<hbm>> -> memref<16xf32, #tpu.memory_space<hbm>>
    tpu.enqueue_dma source(%dma_start3A_128 : memref<16xf32, #tpu.memory_space<hbm>>) target(%dma_start3A_127 : memref<16xf32, #tpu.memory_space<vmem>>) target_semaphore(%arg18 : memref<!tpu.dma_semaphore, #tpu.memory_space<semaphore_mem>>)
    %add3A_129 = arith.constant 0 : i32
    %add3A_130 = arith.addi %mul3A_2, %add3A_129 : i32
    %dma_start3A_131 = arith.constant 0 : i32
    %dma_start3A_132 = tpu.memref_slice %arg14[%dma_start3A_131] : memref<4096xi32, #tpu.memory_space<vmem>> -> memref<128xi32, #tpu.memory_space<vmem>>
    %dma_start3A_133 = tpu.memref_slice %arg4[%add3A_130] : memref<32768xi32, #tpu.memory_space<hbm>> -> memref<128xi32, #tpu.memory_space<hbm>>
    %dma_start3A_134 = arith.constant 0 : i32
    %dma_start3A_135 = tpu.memref_slice %arg14[%dma_start3A_134] : memref<4096xi32, #tpu.memory_space<vmem>> -> memref<128xi32, #tpu.memory_space<vmem>>
    %dma_start3A_136 = tpu.memref_slice %arg4[%add3A_130] : memref<32768xi32, #tpu.memory_space<hbm>> -> memref<128xi32, #tpu.memory_space<hbm>>
    tpu.enqueue_dma source(%dma_start3A_136 : memref<128xi32, #tpu.memory_space<hbm>>) target(%dma_start3A_135 : memref<128xi32, #tpu.memory_space<vmem>>) target_semaphore(%arg19 : memref<!tpu.dma_semaphore, #tpu.memory_space<semaphore_mem>>)
    %add3A_137 = arith.constant 0 : i32
    %add3A_138 = arith.addi %mul3A_2, %add3A_137 : i32
    %dma_start3A_139 = arith.constant 128 : i32
    %dma_start3A_140 = tpu.memref_slice %arg14[%dma_start3A_139] : memref<4096xi32, #tpu.memory_space<vmem>> -> memref<128xi32, #tpu.memory_space<vmem>>
    %dma_start3A_141 = tpu.memref_slice %arg5[%add3A_138] : memref<32768xi32, #tpu.memory_space<hbm>> -> memref<128xi32, #tpu.memory_space<hbm>>
    %dma_start3A_142 = arith.constant 128 : i32
    %dma_start3A_143 = tpu.memref_slice %arg14[%dma_start3A_142] : memref<4096xi32, #tpu.memory_space<vmem>> -> memref<128xi32, #tpu.memory_space<vmem>>
    %dma_start3A_144 = tpu.memref_slice %arg5[%add3A_138] : memref<32768xi32, #tpu.memory_space<hbm>> -> memref<128xi32, #tpu.memory_space<hbm>>
    tpu.enqueue_dma source(%dma_start3A_144 : memref<128xi32, #tpu.memory_space<hbm>>) target(%dma_start3A_143 : memref<128xi32, #tpu.memory_space<vmem>>) target_semaphore(%arg19 : memref<!tpu.dma_semaphore, #tpu.memory_space<semaphore_mem>>)
    %add3A_145 = arith.constant 128 : i32
    %add3A_146 = arith.addi %mul3A_2, %add3A_145 : i32
    %dma_start3A_147 = arith.constant 256 : i32
    %dma_start3A_148 = tpu.memref_slice %arg14[%dma_start3A_147] : memref<4096xi32, #tpu.memory_space<vmem>> -> memref<128xi32, #tpu.memory_space<vmem>>
    %dma_start3A_149 = tpu.memref_slice %arg4[%add3A_146] : memref<32768xi32, #tpu.memory_space<hbm>> -> memref<128xi32, #tpu.memory_space<hbm>>
    %dma_start3A_150 = arith.constant 256 : i32
    %dma_start3A_151 = tpu.memref_slice %arg14[%dma_start3A_150] : memref<4096xi32, #tpu.memory_space<vmem>> -> memref<128xi32, #tpu.memory_space<vmem>>
    %dma_start3A_152 = tpu.memref_slice %arg4[%add3A_146] : memref<32768xi32, #tpu.memory_space<hbm>> -> memref<128xi32, #tpu.memory_space<hbm>>
    tpu.enqueue_dma source(%dma_start3A_152 : memref<128xi32, #tpu.memory_space<hbm>>) target(%dma_start3A_151 : memref<128xi32, #tpu.memory_space<vmem>>) target_semaphore(%arg19 : memref<!tpu.dma_semaphore, #tpu.memory_space<semaphore_mem>>)
    %add3A_153 = arith.constant 128 : i32
    %add3A_154 = arith.addi %mul3A_2, %add3A_153 : i32
    %dma_start3A_155 = arith.constant 384 : i32
    %dma_start3A_156 = tpu.memref_slice %arg14[%dma_start3A_155] : memref<4096xi32, #tpu.memory_space<vmem>> -> memref<128xi32, #tpu.memory_space<vmem>>
    %dma_start3A_157 = tpu.memref_slice %arg5[%add3A_154] : memref<32768xi32, #tpu.memory_space<hbm>> -> memref<128xi32, #tpu.memory_space<hbm>>
    %dma_start3A_158 = arith.constant 384 : i32
    %dma_start3A_159 = tpu.memref_slice %arg14[%dma_start3A_158] : memref<4096xi32, #tpu.memory_space<vmem>> -> memref<128xi32, #tpu.memory_space<vmem>>
    %dma_start3A_160 = tpu.memref_slice %arg5[%add3A_154] : memref<32768xi32, #tpu.memory_space<hbm>> -> memref<128xi32, #tpu.memory_space<hbm>>
    tpu.enqueue_dma source(%dma_start3A_160 : memref<128xi32, #tpu.memory_space<hbm>>) target(%dma_start3A_159 : memref<128xi32, #tpu.memory_space<vmem>>) target_semaphore(%arg19 : memref<!tpu.dma_semaphore, #tpu.memory_space<semaphore_mem>>)
    %add3A_161 = arith.constant 256 : i32
    %add3A_162 = arith.addi %mul3A_2, %add3A_161 : i32
    %dma_start3A_163 = arith.constant 512 : i32
    %dma_start3A_164 = tpu.memref_slice %arg14[%dma_start3A_163] : memref<4096xi32, #tpu.memory_space<vmem>> -> memref<128xi32, #tpu.memory_space<vmem>>
    %dma_start3A_165 = tpu.memref_slice %arg4[%add3A_162] : memref<32768xi32, #tpu.memory_space<hbm>> -> memref<128xi32, #tpu.memory_space<hbm>>
    %dma_start3A_166 = arith.constant 512 : i32
    %dma_start3A_167 = tpu.memref_slice %arg14[%dma_start3A_166] : memref<4096xi32, #tpu.memory_space<vmem>> -> memref<128xi32, #tpu.memory_space<vmem>>
    %dma_start3A_168 = tpu.memref_slice %arg4[%add3A_162] : memref<32768xi32, #tpu.memory_space<hbm>> -> memref<128xi32, #tpu.memory_space<hbm>>
    tpu.enqueue_dma source(%dma_start3A_168 : memref<128xi32, #tpu.memory_space<hbm>>) target(%dma_start3A_167 : memref<128xi32, #tpu.memory_space<vmem>>) target_semaphore(%arg19 : memref<!tpu.dma_semaphore, #tpu.memory_space<semaphore_mem>>)
    %add3A_169 = arith.constant 256 : i32
    %add3A_170 = arith.addi %mul3A_2, %add3A_169 : i32
    %dma_start3A_171 = arith.constant 640 : i32
    %dma_start3A_172 = tpu.memref_slice %arg14[%dma_start3A_171] : memref<4096xi32, #tpu.memory_space<vmem>> -> memref<128xi32, #tpu.memory_space<vmem>>
    %dma_start3A_173 = tpu.memref_slice %arg5[%add3A_170] : memref<32768xi32, #tpu.memory_space<hbm>> -> memref<128xi32, #tpu.memory_space<hbm>>
    %dma_start3A_174 = arith.constant 640 : i32
    %dma_start3A_175 = tpu.memref_slice %arg14[%dma_start3A_174] : memref<4096xi32, #tpu.memory_space<vmem>> -> memref<128xi32, #tpu.memory_space<vmem>>
    %dma_start3A_176 = tpu.memref_slice %arg5[%add3A_170] : memref<32768xi32, #tpu.memory_space<hbm>> -> memref<128xi32, #tpu.memory_space<hbm>>
    tpu.enqueue_dma source(%dma_start3A_176 : memref<128xi32, #tpu.memory_space<hbm>>) target(%dma_start3A_175 : memref<128xi32, #tpu.memory_space<vmem>>) target_semaphore(%arg19 : memref<!tpu.dma_semaphore, #tpu.memory_space<semaphore_mem>>)
    %add3A_177 = arith.constant 384 : i32
    %add3A_178 = arith.addi %mul3A_2, %add3A_177 : i32
    %dma_start3A_179 = arith.constant 768 : i32
    %dma_start3A_180 = tpu.memref_slice %arg14[%dma_start3A_179] : memref<4096xi32, #tpu.memory_space<vmem>> -> memref<128xi32, #tpu.memory_space<vmem>>
    %dma_start3A_181 = tpu.memref_slice %arg4[%add3A_178] : memref<32768xi32, #tpu.memory_space<hbm>> -> memref<128xi32, #tpu.memory_space<hbm>>
    %dma_start3A_182 = arith.constant 768 : i32
    %dma_start3A_183 = tpu.memref_slice %arg14[%dma_start3A_182] : memref<4096xi32, #tpu.memory_space<vmem>> -> memref<128xi32, #tpu.memory_space<vmem>>
    %dma_start3A_184 = tpu.memref_slice %arg4[%add3A_178] : memref<32768xi32, #tpu.memory_space<hbm>> -> memref<128xi32, #tpu.memory_space<hbm>>
    tpu.enqueue_dma source(%dma_start3A_184 : memref<128xi32, #tpu.memory_space<hbm>>) target(%dma_start3A_183 : memref<128xi32, #tpu.memory_space<vmem>>) target_semaphore(%arg19 : memref<!tpu.dma_semaphore, #tpu.memory_space<semaphore_mem>>)
    %add3A_185 = arith.constant 384 : i32
    %add3A_186 = arith.addi %mul3A_2, %add3A_185 : i32
    %dma_start3A_187 = arith.constant 896 : i32
    %dma_start3A_188 = tpu.memref_slice %arg14[%dma_start3A_187] : memref<4096xi32, #tpu.memory_space<vmem>> -> memref<128xi32, #tpu.memory_space<vmem>>
    %dma_start3A_189 = tpu.memref_slice %arg5[%add3A_186] : memref<32768xi32, #tpu.memory_space<hbm>> -> memref<128xi32, #tpu.memory_space<hbm>>
    %dma_start3A_190 = arith.constant 896 : i32
    %dma_start3A_191 = tpu.memref_slice %arg14[%dma_start3A_190] : memref<4096xi32, #tpu.memory_space<vmem>> -> memref<128xi32, #tpu.memory_space<vmem>>
    %dma_start3A_192 = tpu.memref_slice %arg5[%add3A_186] : memref<32768xi32, #tpu.memory_space<hbm>> -> memref<128xi32, #tpu.memory_space<hbm>>
    tpu.enqueue_dma source(%dma_start3A_192 : memref<128xi32, #tpu.memory_space<hbm>>) target(%dma_start3A_191 : memref<128xi32, #tpu.memory_space<vmem>>) target_semaphore(%arg19 : memref<!tpu.dma_semaphore, #tpu.memory_space<semaphore_mem>>)
    %add3A_193 = arith.constant 512 : i32
    %add3A_194 = arith.addi %mul3A_2, %add3A_193 : i32
    %dma_start3A_195 = arith.constant 1024 : i32
    %dma_start3A_196 = tpu.memref_slice %arg14[%dma_start3A_195] : memref<4096xi32, #tpu.memory_space<vmem>> -> memref<128xi32, #tpu.memory_space<vmem>>
    %dma_start3A_197 = tpu.memref_slice %arg4[%add3A_194] : memref<32768xi32, #tpu.memory_space<hbm>> -> memref<128xi32, #tpu.memory_space<hbm>>
    %dma_start3A_198 = arith.constant 1024 : i32
    %dma_start3A_199 = tpu.memref_slice %arg14[%dma_start3A_198] : memref<4096xi32, #tpu.memory_space<vmem>> -> memref<128xi32, #tpu.memory_space<vmem>>
    %dma_start3A_200 = tpu.memref_slice %arg4[%add3A_194] : memref<32768xi32, #tpu.memory_space<hbm>> -> memref<128xi32, #tpu.memory_space<hbm>>
    tpu.enqueue_dma source(%dma_start3A_200 : memref<128xi32, #tpu.memory_space<hbm>>) target(%dma_start3A_199 : memref<128xi32, #tpu.memory_space<vmem>>) target_semaphore(%arg19 : memref<!tpu.dma_semaphore, #tpu.memory_space<semaphore_mem>>)
    %add3A_201 = arith.constant 512 : i32
    %add3A_202 = arith.addi %mul3A_2, %add3A_201 : i32
    %dma_start3A_203 = arith.constant 1152 : i32
    %dma_start3A_204 = tpu.memref_slice %arg14[%dma_start3A_203] : memref<4096xi32, #tpu.memory_space<vmem>> -> memref<128xi32, #tpu.memory_space<vmem>>
    %dma_start3A_205 = tpu.memref_slice %arg5[%add3A_202] : memref<32768xi32, #tpu.memory_space<hbm>> -> memref<128xi32, #tpu.memory_space<hbm>>
    %dma_start3A_206 = arith.constant 1152 : i32
    %dma_start3A_207 = tpu.memref_slice %arg14[%dma_start3A_206] : memref<4096xi32, #tpu.memory_space<vmem>> -> memref<128xi32, #tpu.memory_space<vmem>>
    %dma_start3A_208 = tpu.memref_slice %arg5[%add3A_202] : memref<32768xi32, #tpu.memory_space<hbm>> -> memref<128xi32, #tpu.memory_space<hbm>>
    tpu.enqueue_dma source(%dma_start3A_208 : memref<128xi32, #tpu.memory_space<hbm>>) target(%dma_start3A_207 : memref<128xi32, #tpu.memory_space<vmem>>) target_semaphore(%arg19 : memref<!tpu.dma_semaphore, #tpu.memory_space<semaphore_mem>>)
    %add3A_209 = arith.constant 640 : i32
    %add3A_210 = arith.addi %mul3A_2, %add3A_209 : i32
    %dma_start3A_211 = arith.constant 1280 : i32
    %dma_start3A_212 = tpu.memref_slice %arg14[%dma_start3A_211] : memref<4096xi32, #tpu.memory_space<vmem>> -> memref<128xi32, #tpu.memory_space<vmem>>
    %dma_start3A_213 = tpu.memref_slice %arg4[%add3A_210] : memref<32768xi32, #tpu.memory_space<hbm>> -> memref<128xi32, #tpu.memory_space<hbm>>
    %dma_start3A_214 = arith.constant 1280 : i32
    %dma_start3A_215 = tpu.memref_slice %arg14[%dma_start3A_214] : memref<4096xi32, #tpu.memory_space<vmem>> -> memref<128xi32, #tpu.memory_space<vmem>>
    %dma_start3A_216 = tpu.memref_slice %arg4[%add3A_210] : memref<32768xi32, #tpu.memory_space<hbm>> -> memref<128xi32, #tpu.memory_space<hbm>>
    tpu.enqueue_dma source(%dma_start3A_216 : memref<128xi32, #tpu.memory_space<hbm>>) target(%dma_start3A_215 : memref<128xi32, #tpu.memory_space<vmem>>) target_semaphore(%arg19 : memref<!tpu.dma_semaphore, #tpu.memory_space<semaphore_mem>>)
    %add3A_217 = arith.constant 640 : i32
    %add3A_218 = arith.addi %mul3A_2, %add3A_217 : i32
    %dma_start3A_219 = arith.constant 1408 : i32
    %dma_start3A_220 = tpu.memref_slice %arg14[%dma_start3A_219] : memref<4096xi32, #tpu.memory_space<vmem>> -> memref<128xi32, #tpu.memory_space<vmem>>
    %dma_start3A_221 = tpu.memref_slice %arg5[%add3A_218] : memref<32768xi32, #tpu.memory_space<hbm>> -> memref<128xi32, #tpu.memory_space<hbm>>
    %dma_start3A_222 = arith.constant 1408 : i32
    %dma_start3A_223 = tpu.memref_slice %arg14[%dma_start3A_222] : memref<4096xi32, #tpu.memory_space<vmem>> -> memref<128xi32, #tpu.memory_space<vmem>>
    %dma_start3A_224 = tpu.memref_slice %arg5[%add3A_218] : memref<32768xi32, #tpu.memory_space<hbm>> -> memref<128xi32, #tpu.memory_space<hbm>>
    tpu.enqueue_dma source(%dma_start3A_224 : memref<128xi32, #tpu.memory_space<hbm>>) target(%dma_start3A_223 : memref<128xi32, #tpu.memory_space<vmem>>) target_semaphore(%arg19 : memref<!tpu.dma_semaphore, #tpu.memory_space<semaphore_mem>>)
    %add3A_225 = arith.constant 768 : i32
    %add3A_226 = arith.addi %mul3A_2, %add3A_225 : i32
    %dma_start3A_227 = arith.constant 1536 : i32
    %dma_start3A_228 = tpu.memref_slice %arg14[%dma_start3A_227] : memref<4096xi32, #tpu.memory_space<vmem>> -> memref<128xi32, #tpu.memory_space<vmem>>
    %dma_start3A_229 = tpu.memref_slice %arg4[%add3A_226] : memref<32768xi32, #tpu.memory_space<hbm>> -> memref<128xi32, #tpu.memory_space<hbm>>
    %dma_start3A_230 = arith.constant 1536 : i32
    %dma_start3A_231 = tpu.memref_slice %arg14[%dma_start3A_230] : memref<4096xi32, #tpu.memory_space<vmem>> -> memref<128xi32, #tpu.memory_space<vmem>>
    %dma_start3A_232 = tpu.memref_slice %arg4[%add3A_226] : memref<32768xi32, #tpu.memory_space<hbm>> -> memref<128xi32, #tpu.memory_space<hbm>>
    tpu.enqueue_dma source(%dma_start3A_232 : memref<128xi32, #tpu.memory_space<hbm>>) target(%dma_start3A_231 : memref<128xi32, #tpu.memory_space<vmem>>) target_semaphore(%arg19 : memref<!tpu.dma_semaphore, #tpu.memory_space<semaphore_mem>>)
    %add3A_233 = arith.constant 768 : i32
    %add3A_234 = arith.addi %mul3A_2, %add3A_233 : i32
    %dma_start3A_235 = arith.constant 1664 : i32
    %dma_start3A_236 = tpu.memref_slice %arg14[%dma_start3A_235] : memref<4096xi32, #tpu.memory_space<vmem>> -> memref<128xi32, #tpu.memory_space<vmem>>
    %dma_start3A_237 = tpu.memref_slice %arg5[%add3A_234] : memref<32768xi32, #tpu.memory_space<hbm>> -> memref<128xi32, #tpu.memory_space<hbm>>
    %dma_start3A_238 = arith.constant 1664 : i32
    %dma_start3A_239 = tpu.memref_slice %arg14[%dma_start3A_238] : memref<4096xi32, #tpu.memory_space<vmem>> -> memref<128xi32, #tpu.memory_space<vmem>>
    %dma_start3A_240 = tpu.memref_slice %arg5[%add3A_234] : memref<32768xi32, #tpu.memory_space<hbm>> -> memref<128xi32, #tpu.memory_space<hbm>>
    tpu.enqueue_dma source(%dma_start3A_240 : memref<128xi32, #tpu.memory_space<hbm>>) target(%dma_start3A_239 : memref<128xi32, #tpu.memory_space<vmem>>) target_semaphore(%arg19 : memref<!tpu.dma_semaphore, #tpu.memory_space<semaphore_mem>>)
    %add3A_241 = arith.constant 896 : i32
    %add3A_242 = arith.addi %mul3A_2, %add3A_241 : i32
    %dma_start3A_243 = arith.constant 1792 : i32
    %dma_start3A_244 = tpu.memref_slice %arg14[%dma_start3A_243] : memref<4096xi32, #tpu.memory_space<vmem>> -> memref<128xi32, #tpu.memory_space<vmem>>
    %dma_start3A_245 = tpu.memref_slice %arg4[%add3A_242] : memref<32768xi32, #tpu.memory_space<hbm>> -> memref<128xi32, #tpu.memory_space<hbm>>
    %dma_start3A_246 = arith.constant 1792 : i32
    %dma_start3A_247 = tpu.memref_slice %arg14[%dma_start3A_246] : memref<4096xi32, #tpu.memory_space<vmem>> -> memref<128xi32, #tpu.memory_space<vmem>>
    %dma_start3A_248 = tpu.memref_slice %arg4[%add3A_242] : memref<32768xi32, #tpu.memory_space<hbm>> -> memref<128xi32, #tpu.memory_space<hbm>>
    tpu.enqueue_dma source(%dma_start3A_248 : memref<128xi32, #tpu.memory_space<hbm>>) target(%dma_start3A_247 : memref<128xi32, #tpu.memory_space<vmem>>) target_semaphore(%arg19 : memref<!tpu.dma_semaphore, #tpu.memory_space<semaphore_mem>>)
    %add3A_249 = arith.constant 896 : i32
    %add3A_250 = arith.addi %mul3A_2, %add3A_249 : i32
    %dma_start3A_251 = arith.constant 1920 : i32
    %dma_start3A_252 = tpu.memref_slice %arg14[%dma_start3A_251] : memref<4096xi32, #tpu.memory_space<vmem>> -> memref<128xi32, #tpu.memory_space<vmem>>
    %dma_start3A_253 = tpu.memref_slice %arg5[%add3A_250] : memref<32768xi32, #tpu.memory_space<hbm>> -> memref<128xi32, #tpu.memory_space<hbm>>
    %dma_start3A_254 = arith.constant 1920 : i32
    %dma_start3A_255 = tpu.memref_slice %arg14[%dma_start3A_254] : memref<4096xi32, #tpu.memory_space<vmem>> -> memref<128xi32, #tpu.memory_space<vmem>>
    %dma_start3A_256 = tpu.memref_slice %arg5[%add3A_250] : memref<32768xi32, #tpu.memory_space<hbm>> -> memref<128xi32, #tpu.memory_space<hbm>>
    tpu.enqueue_dma source(%dma_start3A_256 : memref<128xi32, #tpu.memory_space<hbm>>) target(%dma_start3A_255 : memref<128xi32, #tpu.memory_space<vmem>>) target_semaphore(%arg19 : memref<!tpu.dma_semaphore, #tpu.memory_space<semaphore_mem>>)
    %add3A_257 = arith.constant 1024 : i32
    %add3A_258 = arith.addi %mul3A_2, %add3A_257 : i32
    %dma_start3A_259 = arith.constant 2048 : i32
    %dma_start3A_260 = tpu.memref_slice %arg14[%dma_start3A_259] : memref<4096xi32, #tpu.memory_space<vmem>> -> memref<128xi32, #tpu.memory_space<vmem>>
    %dma_start3A_261 = tpu.memref_slice %arg4[%add3A_258] : memref<32768xi32, #tpu.memory_space<hbm>> -> memref<128xi32, #tpu.memory_space<hbm>>
    %dma_start3A_262 = arith.constant 2048 : i32
    %dma_start3A_263 = tpu.memref_slice %arg14[%dma_start3A_262] : memref<4096xi32, #tpu.memory_space<vmem>> -> memref<128xi32, #tpu.memory_space<vmem>>
    %dma_start3A_264 = tpu.memref_slice %arg4[%add3A_258] : memref<32768xi32, #tpu.memory_space<hbm>> -> memref<128xi32, #tpu.memory_space<hbm>>
    tpu.enqueue_dma source(%dma_start3A_264 : memref<128xi32, #tpu.memory_space<hbm>>) target(%dma_start3A_263 : memref<128xi32, #tpu.memory_space<vmem>>) target_semaphore(%arg19 : memref<!tpu.dma_semaphore, #tpu.memory_space<semaphore_mem>>)
    %add3A_265 = arith.constant 1024 : i32
    %add3A_266 = arith.addi %mul3A_2, %add3A_265 : i32
    %dma_start3A_267 = arith.constant 2176 : i32
    %dma_start3A_268 = tpu.memref_slice %arg14[%dma_start3A_267] : memref<4096xi32, #tpu.memory_space<vmem>> -> memref<128xi32, #tpu.memory_space<vmem>>
    %dma_start3A_269 = tpu.memref_slice %arg5[%add3A_266] : memref<32768xi32, #tpu.memory_space<hbm>> -> memref<128xi32, #tpu.memory_space<hbm>>
    %dma_start3A_270 = arith.constant 2176 : i32
    %dma_start3A_271 = tpu.memref_slice %arg14[%dma_start3A_270] : memref<4096xi32, #tpu.memory_space<vmem>> -> memref<128xi32, #tpu.memory_space<vmem>>
    %dma_start3A_272 = tpu.memref_slice %arg5[%add3A_266] : memref<32768xi32, #tpu.memory_space<hbm>> -> memref<128xi32, #tpu.memory_space<hbm>>
    tpu.enqueue_dma source(%dma_start3A_272 : memref<128xi32, #tpu.memory_space<hbm>>) target(%dma_start3A_271 : memref<128xi32, #tpu.memory_space<vmem>>) target_semaphore(%arg19 : memref<!tpu.dma_semaphore, #tpu.memory_space<semaphore_mem>>)
    %add3A_273 = arith.constant 1152 : i32
    %add3A_274 = arith.addi %mul3A_2, %add3A_273 : i32
    %dma_start3A_275 = arith.constant 2304 : i32
    %dma_start3A_276 = tpu.memref_slice %arg14[%dma_start3A_275] : memref<4096xi32, #tpu.memory_space<vmem>> -> memref<128xi32, #tpu.memory_space<vmem>>
    %dma_start3A_277 = tpu.memref_slice %arg4[%add3A_274] : memref<32768xi32, #tpu.memory_space<hbm>> -> memref<128xi32, #tpu.memory_space<hbm>>
    %dma_start3A_278 = arith.constant 2304 : i32
    %dma_start3A_279 = tpu.memref_slice %arg14[%dma_start3A_278] : memref<4096xi32, #tpu.memory_space<vmem>> -> memref<128xi32, #tpu.memory_space<vmem>>
    %dma_start3A_280 = tpu.memref_slice %arg4[%add3A_274] : memref<32768xi32, #tpu.memory_space<hbm>> -> memref<128xi32, #tpu.memory_space<hbm>>
    tpu.enqueue_dma source(%dma_start3A_280 : memref<128xi32, #tpu.memory_space<hbm>>) target(%dma_start3A_279 : memref<128xi32, #tpu.memory_space<vmem>>) target_semaphore(%arg19 : memref<!tpu.dma_semaphore, #tpu.memory_space<semaphore_mem>>)
    %add3A_281 = arith.constant 1152 : i32
    %add3A_282 = arith.addi %mul3A_2, %add3A_281 : i32
    %dma_start3A_283 = arith.constant 2432 : i32
    %dma_start3A_284 = tpu.memref_slice %arg14[%dma_start3A_283] : memref<4096xi32, #tpu.memory_space<vmem>> -> memref<128xi32, #tpu.memory_space<vmem>>
    %dma_start3A_285 = tpu.memref_slice %arg5[%add3A_282] : memref<32768xi32, #tpu.memory_space<hbm>> -> memref<128xi32, #tpu.memory_space<hbm>>
    %dma_start3A_286 = arith.constant 2432 : i32
    %dma_start3A_287 = tpu.memref_slice %arg14[%dma_start3A_286] : memref<4096xi32, #tpu.memory_space<vmem>> -> memref<128xi32, #tpu.memory_space<vmem>>
    %dma_start3A_288 = tpu.memref_slice %arg5[%add3A_282] : memref<32768xi32, #tpu.memory_space<hbm>> -> memref<128xi32, #tpu.memory_space<hbm>>
    tpu.enqueue_dma source(%dma_start3A_288 : memref<128xi32, #tpu.memory_space<hbm>>) target(%dma_start3A_287 : memref<128xi32, #tpu.memory_space<vmem>>) target_semaphore(%arg19 : memref<!tpu.dma_semaphore, #tpu.memory_space<semaphore_mem>>)
    %add3A_289 = arith.constant 1280 : i32
    %add3A_290 = arith.addi %mul3A_2, %add3A_289 : i32
    %dma_start3A_291 = arith.constant 2560 : i32
    %dma_start3A_292 = tpu.memref_slice %arg14[%dma_start3A_291] : memref<4096xi32, #tpu.memory_space<vmem>> -> memref<128xi32, #tpu.memory_space<vmem>>
    %dma_start3A_293 = tpu.memref_slice %arg4[%add3A_290] : memref<32768xi32, #tpu.memory_space<hbm>> -> memref<128xi32, #tpu.memory_space<hbm>>
    %dma_start3A_294 = arith.constant 2560 : i32
    %dma_start3A_295 = tpu.memref_slice %arg14[%dma_start3A_294] : memref<4096xi32, #tpu.memory_space<vmem>> -> memref<128xi32, #tpu.memory_space<vmem>>
    %dma_start3A_296 = tpu.memref_slice %arg4[%add3A_290] : memref<32768xi32, #tpu.memory_space<hbm>> -> memref<128xi32, #tpu.memory_space<hbm>>
    tpu.enqueue_dma source(%dma_start3A_296 : memref<128xi32, #tpu.memory_space<hbm>>) target(%dma_start3A_295 : memref<128xi32, #tpu.memory_space<vmem>>) target_semaphore(%arg19 : memref<!tpu.dma_semaphore, #tpu.memory_space<semaphore_mem>>)
    %add3A_297 = arith.constant 1280 : i32
    %add3A_298 = arith.addi %mul3A_2, %add3A_297 : i32
    %dma_start3A_299 = arith.constant 2688 : i32
    %dma_start3A_300 = tpu.memref_slice %arg14[%dma_start3A_299] : memref<4096xi32, #tpu.memory_space<vmem>> -> memref<128xi32, #tpu.memory_space<vmem>>
    %dma_start3A_301 = tpu.memref_slice %arg5[%add3A_298] : memref<32768xi32, #tpu.memory_space<hbm>> -> memref<128xi32, #tpu.memory_space<hbm>>
    %dma_start3A_302 = arith.constant 2688 : i32
    %dma_start3A_303 = tpu.memref_slice %arg14[%dma_start3A_302] : memref<4096xi32, #tpu.memory_space<vmem>> -> memref<128xi32, #tpu.memory_space<vmem>>
    %dma_start3A_304 = tpu.memref_slice %arg5[%add3A_298] : memref<32768xi32, #tpu.memory_space<hbm>> -> memref<128xi32, #tpu.memory_space<hbm>>
    tpu.enqueue_dma source(%dma_start3A_304 : memref<128xi32, #tpu.memory_space<hbm>>) target(%dma_start3A_303 : memref<128xi32, #tpu.memory_space<vmem>>) target_semaphore(%arg19 : memref<!tpu.dma_semaphore, #tpu.memory_space<semaphore_mem>>)
    %add3A_305 = arith.constant 1408 : i32
    %add3A_306 = arith.addi %mul3A_2, %add3A_305 : i32
    %dma_start3A_307 = arith.constant 2816 : i32
    %dma_start3A_308 = tpu.memref_slice %arg14[%dma_start3A_307] : memref<4096xi32, #tpu.memory_space<vmem>> -> memref<128xi32, #tpu.memory_space<vmem>>
    %dma_start3A_309 = tpu.memref_slice %arg4[%add3A_306] : memref<32768xi32, #tpu.memory_space<hbm>> -> memref<128xi32, #tpu.memory_space<hbm>>
    %dma_start3A_310 = arith.constant 2816 : i32
    %dma_start3A_311 = tpu.memref_slice %arg14[%dma_start3A_310] : memref<4096xi32, #tpu.memory_space<vmem>> -> memref<128xi32, #tpu.memory_space<vmem>>
    %dma_start3A_312 = tpu.memref_slice %arg4[%add3A_306] : memref<32768xi32, #tpu.memory_space<hbm>> -> memref<128xi32, #tpu.memory_space<hbm>>
    tpu.enqueue_dma source(%dma_start3A_312 : memref<128xi32, #tpu.memory_space<hbm>>) target(%dma_start3A_311 : memref<128xi32, #tpu.memory_space<vmem>>) target_semaphore(%arg19 : memref<!tpu.dma_semaphore, #tpu.memory_space<semaphore_mem>>)
    %add3A_313 = arith.constant 1408 : i32
    %add3A_314 = arith.addi %mul3A_2, %add3A_313 : i32
    %dma_start3A_315 = arith.constant 2944 : i32
    %dma_start3A_316 = tpu.memref_slice %arg14[%dma_start3A_315] : memref<4096xi32, #tpu.memory_space<vmem>> -> memref<128xi32, #tpu.memory_space<vmem>>
    %dma_start3A_317 = tpu.memref_slice %arg5[%add3A_314] : memref<32768xi32, #tpu.memory_space<hbm>> -> memref<128xi32, #tpu.memory_space<hbm>>
    %dma_start3A_318 = arith.constant 2944 : i32
    %dma_start3A_319 = tpu.memref_slice %arg14[%dma_start3A_318] : memref<4096xi32, #tpu.memory_space<vmem>> -> memref<128xi32, #tpu.memory_space<vmem>>
    %dma_start3A_320 = tpu.memref_slice %arg5[%add3A_314] : memref<32768xi32, #tpu.memory_space<hbm>> -> memref<128xi32, #tpu.memory_space<hbm>>
    tpu.enqueue_dma source(%dma_start3A_320 : memref<128xi32, #tpu.memory_space<hbm>>) target(%dma_start3A_319 : memref<128xi32, #tpu.memory_space<vmem>>) target_semaphore(%arg19 : memref<!tpu.dma_semaphore, #tpu.memory_space<semaphore_mem>>)
    %add3A_321 = arith.constant 1536 : i32
    %add3A_322 = arith.addi %mul3A_2, %add3A_321 : i32
    %dma_start3A_323 = arith.constant 3072 : i32
    %dma_start3A_324 = tpu.memref_slice %arg14[%dma_start3A_323] : memref<4096xi32, #tpu.memory_space<vmem>> -> memref<128xi32, #tpu.memory_space<vmem>>
    %dma_start3A_325 = tpu.memref_slice %arg4[%add3A_322] : memref<32768xi32, #tpu.memory_space<hbm>> -> memref<128xi32, #tpu.memory_space<hbm>>
    %dma_start3A_326 = arith.constant 3072 : i32
    %dma_start3A_327 = tpu.memref_slice %arg14[%dma_start3A_326] : memref<4096xi32, #tpu.memory_space<vmem>> -> memref<128xi32, #tpu.memory_space<vmem>>
    %dma_start3A_328 = tpu.memref_slice %arg4[%add3A_322] : memref<32768xi32, #tpu.memory_space<hbm>> -> memref<128xi32, #tpu.memory_space<hbm>>
    tpu.enqueue_dma source(%dma_start3A_328 : memref<128xi32, #tpu.memory_space<hbm>>) target(%dma_start3A_327 : memref<128xi32, #tpu.memory_space<vmem>>) target_semaphore(%arg19 : memref<!tpu.dma_semaphore, #tpu.memory_space<semaphore_mem>>)
    %add3A_329 = arith.constant 1536 : i32
    %add3A_330 = arith.addi %mul3A_2, %add3A_329 : i32
    %dma_start3A_331 = arith.constant 3200 : i32
    %dma_start3A_332 = tpu.memref_slice %arg14[%dma_start3A_331] : memref<4096xi32, #tpu.memory_space<vmem>> -> memref<128xi32, #tpu.memory_space<vmem>>
    %dma_start3A_333 = tpu.memref_slice %arg5[%add3A_330] : memref<32768xi32, #tpu.memory_space<hbm>> -> memref<128xi32, #tpu.memory_space<hbm>>
    %dma_start3A_334 = arith.constant 3200 : i32
    %dma_start3A_335 = tpu.memref_slice %arg14[%dma_start3A_334] : memref<4096xi32, #tpu.memory_space<vmem>> -> memref<128xi32, #tpu.memory_space<vmem>>
    %dma_start3A_336 = tpu.memref_slice %arg5[%add3A_330] : memref<32768xi32, #tpu.memory_space<hbm>> -> memref<128xi32, #tpu.memory_space<hbm>>
    tpu.enqueue_dma source(%dma_start3A_336 : memref<128xi32, #tpu.memory_space<hbm>>) target(%dma_start3A_335 : memref<128xi32, #tpu.memory_space<vmem>>) target_semaphore(%arg19 : memref<!tpu.dma_semaphore, #tpu.memory_space<semaphore_mem>>)
    %add3A_337 = arith.constant 1664 : i32
    %add3A_338 = arith.addi %mul3A_2, %add3A_337 : i32
    %dma_start3A_339 = arith.constant 3328 : i32
    %dma_start3A_340 = tpu.memref_slice %arg14[%dma_start3A_339] : memref<4096xi32, #tpu.memory_space<vmem>> -> memref<128xi32, #tpu.memory_space<vmem>>
    %dma_start3A_341 = tpu.memref_slice %arg4[%add3A_338] : memref<32768xi32, #tpu.memory_space<hbm>> -> memref<128xi32, #tpu.memory_space<hbm>>
    %dma_start3A_342 = arith.constant 3328 : i32
    %dma_start3A_343 = tpu.memref_slice %arg14[%dma_start3A_342] : memref<4096xi32, #tpu.memory_space<vmem>> -> memref<128xi32, #tpu.memory_space<vmem>>
    %dma_start3A_344 = tpu.memref_slice %arg4[%add3A_338] : memref<32768xi32, #tpu.memory_space<hbm>> -> memref<128xi32, #tpu.memory_space<hbm>>
    tpu.enqueue_dma source(%dma_start3A_344 : memref<128xi32, #tpu.memory_space<hbm>>) target(%dma_start3A_343 : memref<128xi32, #tpu.memory_space<vmem>>) target_semaphore(%arg19 : memref<!tpu.dma_semaphore, #tpu.memory_space<semaphore_mem>>)
    %add3A_345 = arith.constant 1664 : i32
    %add3A_346 = arith.addi %mul3A_2, %add3A_345 : i32
    %dma_start3A_347 = arith.constant 3456 : i32
    %dma_start3A_348 = tpu.memref_slice %arg14[%dma_start3A_347] : memref<4096xi32, #tpu.memory_space<vmem>> -> memref<128xi32, #tpu.memory_space<vmem>>
    %dma_start3A_349 = tpu.memref_slice %arg5[%add3A_346] : memref<32768xi32, #tpu.memory_space<hbm>> -> memref<128xi32, #tpu.memory_space<hbm>>
    %dma_start3A_350 = arith.constant 3456 : i32
    %dma_start3A_351 = tpu.memref_slice %arg14[%dma_start3A_350] : memref<4096xi32, #tpu.memory_space<vmem>> -> memref<128xi32, #tpu.memory_space<vmem>>
    %dma_start3A_352 = tpu.memref_slice %arg5[%add3A_346] : memref<32768xi32, #tpu.memory_space<hbm>> -> memref<128xi32, #tpu.memory_space<hbm>>
    tpu.enqueue_dma source(%dma_start3A_352 : memref<128xi32, #tpu.memory_space<hbm>>) target(%dma_start3A_351 : memref<128xi32, #tpu.memory_space<vmem>>) target_semaphore(%arg19 : memref<!tpu.dma_semaphore, #tpu.memory_space<semaphore_mem>>)
    %add3A_353 = arith.constant 1792 : i32
    %add3A_354 = arith.addi %mul3A_2, %add3A_353 : i32
    %dma_start3A_355 = arith.constant 3584 : i32
    %dma_start3A_356 = tpu.memref_slice %arg14[%dma_start3A_355] : memref<4096xi32, #tpu.memory_space<vmem>> -> memref<128xi32, #tpu.memory_space<vmem>>
    %dma_start3A_357 = tpu.memref_slice %arg4[%add3A_354] : memref<32768xi32, #tpu.memory_space<hbm>> -> memref<128xi32, #tpu.memory_space<hbm>>
    %dma_start3A_358 = arith.constant 3584 : i32
    %dma_start3A_359 = tpu.memref_slice %arg14[%dma_start3A_358] : memref<4096xi32, #tpu.memory_space<vmem>> -> memref<128xi32, #tpu.memory_space<vmem>>
    %dma_start3A_360 = tpu.memref_slice %arg4[%add3A_354] : memref<32768xi32, #tpu.memory_space<hbm>> -> memref<128xi32, #tpu.memory_space<hbm>>
    tpu.enqueue_dma source(%dma_start3A_360 : memref<128xi32, #tpu.memory_space<hbm>>) target(%dma_start3A_359 : memref<128xi32, #tpu.memory_space<vmem>>) target_semaphore(%arg19 : memref<!tpu.dma_semaphore, #tpu.memory_space<semaphore_mem>>)
    %add3A_361 = arith.constant 1792 : i32
    %add3A_362 = arith.addi %mul3A_2, %add3A_361 : i32
    %dma_start3A_363 = arith.constant 3712 : i32
    %dma_start3A_364 = tpu.memref_slice %arg14[%dma_start3A_363] : memref<4096xi32, #tpu.memory_space<vmem>> -> memref<128xi32, #tpu.memory_space<vmem>>
    %dma_start3A_365 = tpu.memref_slice %arg5[%add3A_362] : memref<32768xi32, #tpu.memory_space<hbm>> -> memref<128xi32, #tpu.memory_space<hbm>>
    %dma_start3A_366 = arith.constant 3712 : i32
    %dma_start3A_367 = tpu.memref_slice %arg14[%dma_start3A_366] : memref<4096xi32, #tpu.memory_space<vmem>> -> memref<128xi32, #tpu.memory_space<vmem>>
    %dma_start3A_368 = tpu.memref_slice %arg5[%add3A_362] : memref<32768xi32, #tpu.memory_space<hbm>> -> memref<128xi32, #tpu.memory_space<hbm>>
    tpu.enqueue_dma source(%dma_start3A_368 : memref<128xi32, #tpu.memory_space<hbm>>) target(%dma_start3A_367 : memref<128xi32, #tpu.memory_space<vmem>>) target_semaphore(%arg19 : memref<!tpu.dma_semaphore, #tpu.memory_space<semaphore_mem>>)
    %add3A_369 = arith.constant 1920 : i32
    %add3A_370 = arith.addi %mul3A_2, %add3A_369 : i32
    %dma_start3A_371 = arith.constant 3840 : i32
    %dma_start3A_372 = tpu.memref_slice %arg14[%dma_start3A_371] : memref<4096xi32, #tpu.memory_space<vmem>> -> memref<128xi32, #tpu.memory_space<vmem>>
    %dma_start3A_373 = tpu.memref_slice %arg4[%add3A_370] : memref<32768xi32, #tpu.memory_space<hbm>> -> memref<128xi32, #tpu.memory_space<hbm>>
    %dma_start3A_374 = arith.constant 3840 : i32
    %dma_start3A_375 = tpu.memref_slice %arg14[%dma_start3A_374] : memref<4096xi32, #tpu.memory_space<vmem>> -> memref<128xi32, #tpu.memory_space<vmem>>
    %dma_start3A_376 = tpu.memref_slice %arg4[%add3A_370] : memref<32768xi32, #tpu.memory_space<hbm>> -> memref<128xi32, #tpu.memory_space<hbm>>
    tpu.enqueue_dma source(%dma_start3A_376 : memref<128xi32, #tpu.memory_space<hbm>>) target(%dma_start3A_375 : memref<128xi32, #tpu.memory_space<vmem>>) target_semaphore(%arg19 : memref<!tpu.dma_semaphore, #tpu.memory_space<semaphore_mem>>)
    %add3A_377 = arith.constant 1920 : i32
    %add3A_378 = arith.addi %mul3A_2, %add3A_377 : i32
    %dma_start3A_379 = arith.constant 3968 : i32
    %dma_start3A_380 = tpu.memref_slice %arg14[%dma_start3A_379] : memref<4096xi32, #tpu.memory_space<vmem>> -> memref<128xi32, #tpu.memory_space<vmem>>
    %dma_start3A_381 = tpu.memref_slice %arg5[%add3A_378] : memref<32768xi32, #tpu.memory_space<hbm>> -> memref<128xi32, #tpu.memory_space<hbm>>
    %dma_start3A_382 = arith.constant 3968 : i32
    %dma_start3A_383 = tpu.memref_slice %arg14[%dma_start3A_382] : memref<4096xi32, #tpu.memory_space<vmem>> -> memref<128xi32, #tpu.memory_space<vmem>>
    %dma_start3A_384 = tpu.memref_slice %arg5[%add3A_378] : memref<32768xi32, #tpu.memory_space<hbm>> -> memref<128xi32, #tpu.memory_space<hbm>>
    tpu.enqueue_dma source(%dma_start3A_384 : memref<128xi32, #tpu.memory_space<hbm>>) target(%dma_start3A_383 : memref<128xi32, #tpu.memory_space<vmem>>) target_semaphore(%arg19 : memref<!tpu.dma_semaphore, #tpu.memory_space<semaphore_mem>>)
    %iota3A = tpu.iota {dimensions = array<i32: 0>} : vector<16xi32>
    %add3A_385 = arith.constant 16 : i32
    %add3A_386 = vector.broadcast %add3A_385 : i32 to vector<16xi32>
    %add3A_387 = arith.addi %iota3A, %add3A_386 : vector<16xi32>
    %dma_wait3A = arith.constant 0 : i32
    %dma_wait3A_388 = tpu.memref_slice %arg9[%dma_wait3A] : memref<4096xf32, #tpu.memory_space<vmem>> -> memref<1024xf32, #tpu.memory_space<vmem>>
    %dma_wait3A_389 = tpu.memref_slice %arg2[%add3A_6] : memref<65536xf32, #tpu.memory_space<hbm>> -> memref<1024xf32, #tpu.memory_space<hbm>>
    %dma_wait3A_390 = arith.constant 0 : i32
    %dma_wait3A_391 = tpu.memref_slice %arg9[%dma_wait3A_390] : memref<4096xf32, #tpu.memory_space<vmem>> -> memref<1024xf32, #tpu.memory_space<vmem>>
    %dma_wait3A_392 = tpu.memref_slice %arg2[%add3A_6] : memref<65536xf32, #tpu.memory_space<hbm>> -> memref<1024xf32, #tpu.memory_space<hbm>>
    tpu.wait_dma2 semaphore(%arg15 : memref<!tpu.dma_semaphore, #tpu.memory_space<semaphore_mem>>) src(%dma_wait3A_392 : memref<1024xf32, #tpu.memory_space<hbm>>) dst(%dma_wait3A_391 : memref<1024xf32, #tpu.memory_space<vmem>>)
    %dma_wait3A_393 = arith.constant 0 : i32
    %dma_wait3A_394 = tpu.memref_slice %arg10[%dma_wait3A_393] : memref<2048xf32, #tpu.memory_space<vmem>> -> memref<512xf32, #tpu.memory_space<vmem>>
    %dma_wait3A_395 = tpu.memref_slice %arg3[%add3A_13] : memref<33792xf32, #tpu.memory_space<hbm>> -> memref<512xf32, #tpu.memory_space<hbm>>
    %dma_wait3A_396 = arith.constant 0 : i32
    %dma_wait3A_397 = tpu.memref_slice %arg10[%dma_wait3A_396] : memref<2048xf32, #tpu.memory_space<vmem>> -> memref<512xf32, #tpu.memory_space<vmem>>
    %dma_wait3A_398 = tpu.memref_slice %arg3[%add3A_13] : memref<33792xf32, #tpu.memory_space<hbm>> -> memref<512xf32, #tpu.memory_space<hbm>>
    tpu.wait_dma2 semaphore(%arg15 : memref<!tpu.dma_semaphore, #tpu.memory_space<semaphore_mem>>) src(%dma_wait3A_398 : memref<512xf32, #tpu.memory_space<hbm>>) dst(%dma_wait3A_397 : memref<512xf32, #tpu.memory_space<vmem>>)
    %dma_wait3A_399 = arith.constant 0 : i32
    %dma_wait3A_400 = tpu.memref_slice %arg11[%dma_wait3A_399] : memref<64xf32, #tpu.memory_space<vmem>> -> memref<16xf32, #tpu.memory_space<vmem>>
    %dma_wait3A_401 = tpu.memref_slice %arg3[%multiple_of3A] : memref<33792xf32, #tpu.memory_space<hbm>> -> memref<16xf32, #tpu.memory_space<hbm>>
    %dma_wait3A_402 = arith.constant 0 : i32
    %dma_wait3A_403 = tpu.memref_slice %arg11[%dma_wait3A_402] : memref<64xf32, #tpu.memory_space<vmem>> -> memref<16xf32, #tpu.memory_space<vmem>>
    %dma_wait3A_404 = tpu.memref_slice %arg3[%multiple_of3A] : memref<33792xf32, #tpu.memory_space<hbm>> -> memref<16xf32, #tpu.memory_space<hbm>>
    tpu.wait_dma2 semaphore(%arg15 : memref<!tpu.dma_semaphore, #tpu.memory_space<semaphore_mem>>) src(%dma_wait3A_404 : memref<16xf32, #tpu.memory_space<hbm>>) dst(%dma_wait3A_403 : memref<16xf32, #tpu.memory_space<vmem>>)
    %dma_wait3A_405 = arith.constant 0 : i32
    %dma_wait3A_406 = tpu.memref_slice %arg12[%dma_wait3A_405] : memref<16xf32, #tpu.memory_space<vmem>> -> memref<1xf32, #tpu.memory_space<vmem>>
    %dma_wait3A_407 = arith.constant 0 : i32
    %dma_wait3A_408 = tpu.memref_slice %arg12[%dma_wait3A_407] : memref<16xf32, #tpu.memory_space<vmem>> -> memref<1xf32, #tpu.memory_space<vmem>>
    tpu.wait_dma2 semaphore(%arg15 : memref<!tpu.dma_semaphore, #tpu.memory_space<semaphore_mem>>) src(%arg6 : memref<1xf32, #tpu.memory_space<hbm>>) dst(%dma_wait3A_408 : memref<1xf32, #tpu.memory_space<vmem>>)
    %get3A = arith.constant 0 : index
    %get3A_409 = tpu.vector_load %arg12[%get3A] {strides = array<i32>} : memref<16xf32, #tpu.memory_space<vmem>>, vector<16xf32>,
    %slice3A = vector.extract_strided_slice %get3A_409 {offsets = [0], sizes = [1], strides = [1]} : vector<16xf32> to vector<1xf32>
    %squeeze3A = vector.extract %slice3A[0] : f32 from vector<1xf32>
    %broadcast_in_dim3A = vector.broadcast %squeeze3A : f32 to vector<16xf32>
    %get3A_410 = arith.constant 0 : index
    %get3A_411 = tpu.vector_load %arg11[%get3A_410] {strides = array<i32>} : memref<64xf32, #tpu.memory_space<vmem>>, vector<16xf32>,
    %bitcast3A = vector.bitcast %get3A_411 : vector<16xf32> to vector<16xi32>
    %get3A_412 = arith.constant 0 : index
    %get3A_413 = tpu.vector_load %arg9[%get3A_412] {strides = array<i32>} : memref<4096xf32, #tpu.memory_space<vmem>>, vector<16xf32>,
    %get3A_414 = arith.constant 128 : index
    %get3A_415 = tpu.vector_load %arg9[%get3A_414] {strides = array<i32>} : memref<4096xf32, #tpu.memory_space<vmem>>, vector<16xf32>,
    %gt3A = arith.cmpf ogt, %get3A_415, %get3A_413 : vector<16xf32>
    %convert_element_type3A = arith.extui %gt3A : vector<16xi1> to vector<16xi32>
    %get3A_416 = arith.constant 0 : index
    %get3A_417 = tpu.vector_load %arg10[%get3A_416] {strides = array<i32>} : memref<2048xf32, #tpu.memory_space<vmem>>, vector<16xf32>,
    %slice3A_418 = vector.extract_strided_slice %bitcast3A {offsets = [0], sizes = [1], strides = [1]} : vector<16xi32> to vector<1xi32>
    %squeeze3A_419 = vector.extract %slice3A_418[0] : i32 from vector<1xi32>
    %broadcast_in_dim3A_420 = vector.broadcast %squeeze3A_419 : i32 to vector<16xi32>
    %shift_right_arithmetic3A = arith.shrsi %broadcast_in_dim3A_420, %iota3A : vector<16xi32>
    %and3A = arith.constant 1 : i32
    %and3A_421 = vector.broadcast %and3A : i32 to vector<16xi32>
    %and3A_422 = arith.andi %shift_right_arithmetic3A, %and3A_421 : vector<16xi32>
    %gt3A_423 = arith.cmpf ogt, %broadcast_in_dim3A, %get3A_417 : vector<16xf32>
    %select_n3A = arith.select %gt3A_423, %and3A_422, %convert_element_type3A : vector<16xi1>, vector<16xi32>
    %swap3A = arith.constant 0 : index
    %swap3A_424 = tpu.vector_load %arg13[%swap3A] {strides = array<i32>} : memref<2048xi32, #tpu.memory_space<vmem>>, vector<16xi32>,
    tpu.vector_store %arg13[%swap3A], %select_n3A {strides = array<i32>} : memref<2048xi32, #tpu.memory_space<vmem>>, vector<16xi32>,
    %get3A_425 = arith.constant 16 : index
    %get3A_426 = tpu.vector_load %arg9[%get3A_425] {strides = array<i32>} : memref<4096xf32, #tpu.memory_space<vmem>>, vector<16xf32>,
    %get3A_427 = arith.constant 144 : index
    %get3A_428 = tpu.vector_load %arg9[%get3A_427] {strides = array<i32>} : memref<4096xf32, #tpu.memory_space<vmem>>, vector<16xf32>,
    %gt3A_429 = arith.cmpf ogt, %get3A_428, %get3A_426 : vector<16xf32>
    %convert_element_type3A_430 = arith.extui %gt3A_429 : vector<16xi1> to vector<16xi32>
    %get3A_431 = arith.constant 16 : index
    %get3A_432 = tpu.vector_load %arg10[%get3A_431] {strides = array<i32>} : memref<2048xf32, #tpu.memory_space<vmem>>, vector<16xf32>,
    %slice3A_433 = vector.extract_strided_slice %bitcast3A {offsets = [0], sizes = [1], strides = [1]} : vector<16xi32> to vector<1xi32>
    %squeeze3A_434 = vector.extract %slice3A_433[0] : i32 from vector<1xi32>
    %broadcast_in_dim3A_435 = vector.broadcast %squeeze3A_434 : i32 to vector<16xi32>
    %shift_right_arithmetic3A_436 = arith.shrsi %broadcast_in_dim3A_435, %add3A_387 : vector<16xi32>
    %and3A_437 = arith.constant 1 : i32
    %and3A_438 = vector.broadcast %and3A_437 : i32 to vector<16xi32>
    %and3A_439 = arith.andi %shift_right_arithmetic3A_436, %and3A_438 : vector<16xi32>
    %gt3A_440 = arith.cmpf ogt, %broadcast_in_dim3A, %get3A_432 : vector<16xf32>
    %select_n3A_441 = arith.select %gt3A_440, %and3A_439, %convert_element_type3A_430 : vector<16xi1>, vector<16xi32>
    %swap3A_442 = arith.constant 16 : index
    %swap3A_443 = tpu.vector_load %arg13[%swap3A_442] {strides = array<i32>} : memref<2048xi32, #tpu.memory_space<vmem>>, vector<16xi32>,
    tpu.vector_store %arg13[%swap3A_442], %select_n3A_441 {strides = array<i32>} : memref<2048xi32, #tpu.memory_space<vmem>>, vector<16xi32>,
    %get3A_444 = arith.constant 32 : index
    %get3A_445 = tpu.vector_load %arg9[%get3A_444] {strides = array<i32>} : memref<4096xf32, #tpu.memory_space<vmem>>, vector<16xf32>,
    %get3A_446 = arith.constant 160 : index
    %get3A_447 = tpu.vector_load %arg9[%get3A_446] {strides = array<i32>} : memref<4096xf32, #tpu.memory_space<vmem>>, vector<16xf32>,
    %gt3A_448 = arith.cmpf ogt, %get3A_447, %get3A_445 : vector<16xf32>
    %convert_element_type3A_449 = arith.extui %gt3A_448 : vector<16xi1> to vector<16xi32>
    %get3A_450 = arith.constant 32 : index
    %get3A_451 = tpu.vector_load %arg10[%get3A_450] {strides = array<i32>} : memref<2048xf32, #tpu.memory_space<vmem>>, vector<16xf32>,
    %slice3A_452 = vector.extract_strided_slice %bitcast3A {offsets = [1], sizes = [1], strides = [1]} : vector<16xi32> to vector<1xi32>
    %squeeze3A_453 = vector.extract %slice3A_452[0] : i32 from vector<1xi32>
    %broadcast_in_dim3A_454 = vector.broadcast %squeeze3A_453 : i32 to vector<16xi32>
    %shift_right_arithmetic3A_455 = arith.shrsi %broadcast_in_dim3A_454, %iota3A : vector<16xi32>
    %and3A_456 = arith.constant 1 : i32
    %and3A_457 = vector.broadcast %and3A_456 : i32 to vector<16xi32>
    %and3A_458 = arith.andi %shift_right_arithmetic3A_455, %and3A_457 : vector<16xi32>
    %gt3A_459 = arith.cmpf ogt, %broadcast_in_dim3A, %get3A_451 : vector<16xf32>
    %select_n3A_460 = arith.select %gt3A_459, %and3A_458, %convert_element_type3A_449 : vector<16xi1>, vector<16xi32>
    %swap3A_461 = arith.constant 32 : index
    %swap3A_462 = tpu.vector_load %arg13[%swap3A_461] {strides = array<i32>} : memref<2048xi32, #tpu.memory_space<vmem>>, vector<16xi32>,
    tpu.vector_store %arg13[%swap3A_461], %select_n3A_460 {strides = array<i32>} : memref<2048xi32, #tpu.memory_space<vmem>>, vector<16xi32>,
    %get3A_463 = arith.constant 48 : index
    %get3A_464 = tpu.vector_load %arg9[%get3A_463] {strides = array<i32>} : memref<4096xf32, #tpu.memory_space<vmem>>, vector<16xf32>,
    %get3A_465 = arith.constant 176 : index
    %get3A_466 = tpu.vector_load %arg9[%get3A_465] {strides = array<i32>} : memref<4096xf32, #tpu.memory_space<vmem>>, vector<16xf32>,
    %gt3A_467 = arith.cmpf ogt, %get3A_466, %get3A_464 : vector<16xf32>
    %convert_element_type3A_468 = arith.extui %gt3A_467 : vector<16xi1> to vector<16xi32>
    %get3A_469 = arith.constant 48 : index
    %get3A_470 = tpu.vector_load %arg10[%get3A_469] {strides = array<i32>} : memref<2048xf32, #tpu.memory_space<vmem>>, vector<16xf32>,
    %slice3A_471 = vector.extract_strided_slice %bitcast3A {offsets = [1], sizes = [1], strides = [1]} : vector<16xi32> to vector<1xi32>
    %squeeze3A_472 = vector.extract %slice3A_471[0] : i32 from vector<1xi32>
    %broadcast_in_dim3A_473 = vector.broadcast %squeeze3A_472 : i32 to vector<16xi32>
    %shift_right_arithmetic3A_474 = arith.shrsi %broadcast_in_dim3A_473, %add3A_387 : vector<16xi32>
    %and3A_475 = arith.constant 1 : i32
    %and3A_476 = vector.broadcast %and3A_475 : i32 to vector<16xi32>
    %and3A_477 = arith.andi %shift_right_arithmetic3A_474, %and3A_476 : vector<16xi32>
    %gt3A_478 = arith.cmpf ogt, %broadcast_in_dim3A, %get3A_470 : vector<16xf32>
    %select_n3A_479 = arith.select %gt3A_478, %and3A_477, %convert_element_type3A_468 : vector<16xi1>, vector<16xi32>
    %swap3A_480 = arith.constant 48 : index
    %swap3A_481 = tpu.vector_load %arg13[%swap3A_480] {strides = array<i32>} : memref<2048xi32, #tpu.memory_space<vmem>>, vector<16xi32>,
    tpu.vector_store %arg13[%swap3A_480], %select_n3A_479 {strides = array<i32>} : memref<2048xi32, #tpu.memory_space<vmem>>, vector<16xi32>,
    %get3A_482 = arith.constant 64 : index
    %get3A_483 = tpu.vector_load %arg9[%get3A_482] {strides = array<i32>} : memref<4096xf32, #tpu.memory_space<vmem>>, vector<16xf32>,
    %get3A_484 = arith.constant 192 : index
    %get3A_485 = tpu.vector_load %arg9[%get3A_484] {strides = array<i32>} : memref<4096xf32, #tpu.memory_space<vmem>>, vector<16xf32>,
    %gt3A_486 = arith.cmpf ogt, %get3A_485, %get3A_483 : vector<16xf32>
    %convert_element_type3A_487 = arith.extui %gt3A_486 : vector<16xi1> to vector<16xi32>
    %get3A_488 = arith.constant 64 : index
    %get3A_489 = tpu.vector_load %arg10[%get3A_488] {strides = array<i32>} : memref<2048xf32, #tpu.memory_space<vmem>>, vector<16xf32>,
    %slice3A_490 = vector.extract_strided_slice %bitcast3A {offsets = [2], sizes = [1], strides = [1]} : vector<16xi32> to vector<1xi32>
    %squeeze3A_491 = vector.extract %slice3A_490[0] : i32 from vector<1xi32>
    %broadcast_in_dim3A_492 = vector.broadcast %squeeze3A_491 : i32 to vector<16xi32>
    %shift_right_arithmetic3A_493 = arith.shrsi %broadcast_in_dim3A_492, %iota3A : vector<16xi32>
    %and3A_494 = arith.constant 1 : i32
    %and3A_495 = vector.broadcast %and3A_494 : i32 to vector<16xi32>
    %and3A_496 = arith.andi %shift_right_arithmetic3A_493, %and3A_495 : vector<16xi32>
    %gt3A_497 = arith.cmpf ogt, %broadcast_in_dim3A, %get3A_489 : vector<16xf32>
    %select_n3A_498 = arith.select %gt3A_497, %and3A_496, %convert_element_type3A_487 : vector<16xi1>, vector<16xi32>
    %swap3A_499 = arith.constant 64 : index
    %swap3A_500 = tpu.vector_load %arg13[%swap3A_499] {strides = array<i32>} : memref<2048xi32, #tpu.memory_space<vmem>>, vector<16xi32>,
    tpu.vector_store %arg13[%swap3A_499], %select_n3A_498 {strides = array<i32>} : memref<2048xi32, #tpu.memory_space<vmem>>, vector<16xi32>,
    %get3A_501 = arith.constant 80 : index
    %get3A_502 = tpu.vector_load %arg9[%get3A_501] {strides = array<i32>} : memref<4096xf32, #tpu.memory_space<vmem>>, vector<16xf32>,
    %get3A_503 = arith.constant 208 : index
    %get3A_504 = tpu.vector_load %arg9[%get3A_503] {strides = array<i32>} : memref<4096xf32, #tpu.memory_space<vmem>>, vector<16xf32>,
    %gt3A_505 = arith.cmpf ogt, %get3A_504, %get3A_502 : vector<16xf32>
    %convert_element_type3A_506 = arith.extui %gt3A_505 : vector<16xi1> to vector<16xi32>
    %get3A_507 = arith.constant 80 : index
    %get3A_508 = tpu.vector_load %arg10[%get3A_507] {strides = array<i32>} : memref<2048xf32, #tpu.memory_space<vmem>>, vector<16xf32>,
    %slice3A_509 = vector.extract_strided_slice %bitcast3A {offsets = [2], sizes = [1], strides = [1]} : vector<16xi32> to vector<1xi32>
    %squeeze3A_510 = vector.extract %slice3A_509[0] : i32 from vector<1xi32>
    %broadcast_in_dim3A_511 = vector.broadcast %squeeze3A_510 : i32 to vector<16xi32>
    %shift_right_arithmetic3A_512 = arith.shrsi %broadcast_in_dim3A_511, %add3A_387 : vector<16xi32>
    %and3A_513 = arith.constant 1 : i32
    %and3A_514 = vector.broadcast %and3A_513 : i32 to vector<16xi32>
    %and3A_515 = arith.andi %shift_right_arithmetic3A_512, %and3A_514 : vector<16xi32>
    %gt3A_516 = arith.cmpf ogt, %broadcast_in_dim3A, %get3A_508 : vector<16xf32>
    %select_n3A_517 = arith.select %gt3A_516, %and3A_515, %convert_element_type3A_506 : vector<16xi1>, vector<16xi32>
    %swap3A_518 = arith.constant 80 : index
    %swap3A_519 = tpu.vector_load %arg13[%swap3A_518] {strides = array<i32>} : memref<2048xi32, #tpu.memory_space<vmem>>, vector<16xi32>,
    tpu.vector_store %arg13[%swap3A_518], %select_n3A_517 {strides = array<i32>} : memref<2048xi32, #tpu.memory_space<vmem>>, vector<16xi32>,
    %get3A_520 = arith.constant 96 : index
    %get3A_521 = tpu.vector_load %arg9[%get3A_520] {strides = array<i32>} : memref<4096xf32, #tpu.memory_space<vmem>>, vector<16xf32>,
    %get3A_522 = arith.constant 224 : index
    %get3A_523 = tpu.vector_load %arg9[%get3A_522] {strides = array<i32>} : memref<4096xf32, #tpu.memory_space<vmem>>, vector<16xf32>,
    %gt3A_524 = arith.cmpf ogt, %get3A_523, %get3A_521 : vector<16xf32>
    %convert_element_type3A_525 = arith.extui %gt3A_524 : vector<16xi1> to vector<16xi32>
    %get3A_526 = arith.constant 96 : index
    %get3A_527 = tpu.vector_load %arg10[%get3A_526] {strides = array<i32>} : memref<2048xf32, #tpu.memory_space<vmem>>, vector<16xf32>,
    %slice3A_528 = vector.extract_strided_slice %bitcast3A {offsets = [3], sizes = [1], strides = [1]} : vector<16xi32> to vector<1xi32>
    %squeeze3A_529 = vector.extract %slice3A_528[0] : i32 from vector<1xi32>
    %broadcast_in_dim3A_530 = vector.broadcast %squeeze3A_529 : i32 to vector<16xi32>
    %shift_right_arithmetic3A_531 = arith.shrsi %broadcast_in_dim3A_530, %iota3A : vector<16xi32>
    %and3A_532 = arith.constant 1 : i32
    %and3A_533 = vector.broadcast %and3A_532 : i32 to vector<16xi32>
    %and3A_534 = arith.andi %shift_right_arithmetic3A_531, %and3A_533 : vector<16xi32>
    %gt3A_535 = arith.cmpf ogt, %broadcast_in_dim3A, %get3A_527 : vector<16xf32>
    %select_n3A_536 = arith.select %gt3A_535, %and3A_534, %convert_element_type3A_525 : vector<16xi1>, vector<16xi32>
    %swap3A_537 = arith.constant 96 : index
    %swap3A_538 = tpu.vector_load %arg13[%swap3A_537] {strides = array<i32>} : memref<2048xi32, #tpu.memory_space<vmem>>, vector<16xi32>,
    tpu.vector_store %arg13[%swap3A_537], %select_n3A_536 {strides = array<i32>} : memref<2048xi32, #tpu.memory_space<vmem>>, vector<16xi32>,
    %get3A_539 = arith.constant 112 : index
    %get3A_540 = tpu.vector_load %arg9[%get3A_539] {strides = array<i32>} : memref<4096xf32, #tpu.memory_space<vmem>>, vector<16xf32>,
    %get3A_541 = arith.constant 240 : index
    %get3A_542 = tpu.vector_load %arg9[%get3A_541] {strides = array<i32>} : memref<4096xf32, #tpu.memory_space<vmem>>, vector<16xf32>,
    %gt3A_543 = arith.cmpf ogt, %get3A_542, %get3A_540 : vector<16xf32>
    %convert_element_type3A_544 = arith.extui %gt3A_543 : vector<16xi1> to vector<16xi32>
    %get3A_545 = arith.constant 112 : index
    %get3A_546 = tpu.vector_load %arg10[%get3A_545] {strides = array<i32>} : memref<2048xf32, #tpu.memory_space<vmem>>, vector<16xf32>,
    %slice3A_547 = vector.extract_strided_slice %bitcast3A {offsets = [3], sizes = [1], strides = [1]} : vector<16xi32> to vector<1xi32>
    %squeeze3A_548 = vector.extract %slice3A_547[0] : i32 from vector<1xi32>
    %broadcast_in_dim3A_549 = vector.broadcast %squeeze3A_548 : i32 to vector<16xi32>
    %shift_right_arithmetic3A_550 = arith.shrsi %broadcast_in_dim3A_549, %add3A_387 : vector<16xi32>
    %and3A_551 = arith.constant 1 : i32
    %and3A_552 = vector.broadcast %and3A_551 : i32 to vector<16xi32>
    %and3A_553 = arith.andi %shift_right_arithmetic3A_550, %and3A_552 : vector<16xi32>
    %gt3A_554 = arith.cmpf ogt, %broadcast_in_dim3A, %get3A_546 : vector<16xf32>
    %select_n3A_555 = arith.select %gt3A_554, %and3A_553, %convert_element_type3A_544 : vector<16xi1>, vector<16xi32>
    %swap3A_556 = arith.constant 112 : index
    %swap3A_557 = tpu.vector_load %arg13[%swap3A_556] {strides = array<i32>} : memref<2048xi32, #tpu.memory_space<vmem>>, vector<16xi32>,
    tpu.vector_store %arg13[%swap3A_556], %select_n3A_555 {strides = array<i32>} : memref<2048xi32, #tpu.memory_space<vmem>>, vector<16xi32>,
    %get3A_558 = arith.constant 256 : index
    %get3A_559 = tpu.vector_load %arg9[%get3A_558] {strides = array<i32>} : memref<4096xf32, #tpu.memory_space<vmem>>, vector<16xf32>,
    %get3A_560 = arith.constant 384 : index
    %get3A_561 = tpu.vector_load %arg9[%get3A_560] {strides = array<i32>} : memref<4096xf32, #tpu.memory_space<vmem>>, vector<16xf32>,
    %gt3A_562 = arith.cmpf ogt, %get3A_561, %get3A_559 : vector<16xf32>
    %convert_element_type3A_563 = arith.extui %gt3A_562 : vector<16xi1> to vector<16xi32>
    %get3A_564 = arith.constant 128 : index
    %get3A_565 = tpu.vector_load %arg10[%get3A_564] {strides = array<i32>} : memref<2048xf32, #tpu.memory_space<vmem>>, vector<16xf32>,
    %slice3A_566 = vector.extract_strided_slice %bitcast3A {offsets = [4], sizes = [1], strides = [1]} : vector<16xi32> to vector<1xi32>
    %squeeze3A_567 = vector.extract %slice3A_566[0] : i32 from vector<1xi32>
    %broadcast_in_dim3A_568 = vector.broadcast %squeeze3A_567 : i32 to vector<16xi32>
    %shift_right_arithmetic3A_569 = arith.shrsi %broadcast_in_dim3A_568, %iota3A : vector<16xi32>
    %and3A_570 = arith.constant 1 : i32
    %and3A_571 = vector.broadcast %and3A_570 : i32 to vector<16xi32>
    %and3A_572 = arith.andi %shift_right_arithmetic3A_569, %and3A_571 : vector<16xi32>
    %gt3A_573 = arith.cmpf ogt, %broadcast_in_dim3A, %get3A_565 : vector<16xf32>
    %select_n3A_574 = arith.select %gt3A_573, %and3A_572, %convert_element_type3A_563 : vector<16xi1>, vector<16xi32>
    %swap3A_575 = arith.constant 128 : index
    %swap3A_576 = tpu.vector_load %arg13[%swap3A_575] {strides = array<i32>} : memref<2048xi32, #tpu.memory_space<vmem>>, vector<16xi32>,
    tpu.vector_store %arg13[%swap3A_575], %select_n3A_574 {strides = array<i32>} : memref<2048xi32, #tpu.memory_space<vmem>>, vector<16xi32>,
    %get3A_577 = arith.constant 272 : index
    %get3A_578 = tpu.vector_load %arg9[%get3A_577] {strides = array<i32>} : memref<4096xf32, #tpu.memory_space<vmem>>, vector<16xf32>,
    %get3A_579 = arith.constant 400 : index
    %get3A_580 = tpu.vector_load %arg9[%get3A_579] {strides = array<i32>} : memref<4096xf32, #tpu.memory_space<vmem>>, vector<16xf32>,
    %gt3A_581 = arith.cmpf ogt, %get3A_580, %get3A_578 : vector<16xf32>
    %convert_element_type3A_582 = arith.extui %gt3A_581 : vector<16xi1> to vector<16xi32>
    %get3A_583 = arith.constant 144 : index
    %get3A_584 = tpu.vector_load %arg10[%get3A_583] {strides = array<i32>} : memref<2048xf32, #tpu.memory_space<vmem>>, vector<16xf32>,
    %slice3A_585 = vector.extract_strided_slice %bitcast3A {offsets = [4], sizes = [1], strides = [1]} : vector<16xi32> to vector<1xi32>
    %squeeze3A_586 = vector.extract %slice3A_585[0] : i32 from vector<1xi32>
    %broadcast_in_dim3A_587 = vector.broadcast %squeeze3A_586 : i32 to vector<16xi32>
    %shift_right_arithmetic3A_588 = arith.shrsi %broadcast_in_dim3A_587, %add3A_387 : vector<16xi32>
    %and3A_589 = arith.constant 1 : i32
    %and3A_590 = vector.broadcast %and3A_589 : i32 to vector<16xi32>
    %and3A_591 = arith.andi %shift_right_arithmetic3A_588, %and3A_590 : vector<16xi32>
    %gt3A_592 = arith.cmpf ogt, %broadcast_in_dim3A, %get3A_584 : vector<16xf32>
    %select_n3A_593 = arith.select %gt3A_592, %and3A_591, %convert_element_type3A_582 : vector<16xi1>, vector<16xi32>
    %swap3A_594 = arith.constant 144 : index
    %swap3A_595 = tpu.vector_load %arg13[%swap3A_594] {strides = array<i32>} : memref<2048xi32, #tpu.memory_space<vmem>>, vector<16xi32>,
    tpu.vector_store %arg13[%swap3A_594], %select_n3A_593 {strides = array<i32>} : memref<2048xi32, #tpu.memory_space<vmem>>, vector<16xi32>,
    %get3A_596 = arith.constant 288 : index
    %get3A_597 = tpu.vector_load %arg9[%get3A_596] {strides = array<i32>} : memref<4096xf32, #tpu.memory_space<vmem>>, vector<16xf32>,
    %get3A_598 = arith.constant 416 : index
    %get3A_599 = tpu.vector_load %arg9[%get3A_598] {strides = array<i32>} : memref<4096xf32, #tpu.memory_space<vmem>>, vector<16xf32>,
    %gt3A_600 = arith.cmpf ogt, %get3A_599, %get3A_597 : vector<16xf32>
    %convert_element_type3A_601 = arith.extui %gt3A_600 : vector<16xi1> to vector<16xi32>
    %get3A_602 = arith.constant 160 : index
    %get3A_603 = tpu.vector_load %arg10[%get3A_602] {strides = array<i32>} : memref<2048xf32, #tpu.memory_space<vmem>>, vector<16xf32>,
    %slice3A_604 = vector.extract_strided_slice %bitcast3A {offsets = [5], sizes = [1], strides = [1]} : vector<16xi32> to vector<1xi32>
    %squeeze3A_605 = vector.extract %slice3A_604[0] : i32 from vector<1xi32>
    %broadcast_in_dim3A_606 = vector.broadcast %squeeze3A_605 : i32 to vector<16xi32>
    %shift_right_arithmetic3A_607 = arith.shrsi %broadcast_in_dim3A_606, %iota3A : vector<16xi32>
    %and3A_608 = arith.constant 1 : i32
    %and3A_609 = vector.broadcast %and3A_608 : i32 to vector<16xi32>
    %and3A_610 = arith.andi %shift_right_arithmetic3A_607, %and3A_609 : vector<16xi32>
    %gt3A_611 = arith.cmpf ogt, %broadcast_in_dim3A, %get3A_603 : vector<16xf32>
    %select_n3A_612 = arith.select %gt3A_611, %and3A_610, %convert_element_type3A_601 : vector<16xi1>, vector<16xi32>
    %swap3A_613 = arith.constant 160 : index
    %swap3A_614 = tpu.vector_load %arg13[%swap3A_613] {strides = array<i32>} : memref<2048xi32, #tpu.memory_space<vmem>>, vector<16xi32>,
    tpu.vector_store %arg13[%swap3A_613], %select_n3A_612 {strides = array<i32>} : memref<2048xi32, #tpu.memory_space<vmem>>, vector<16xi32>,
    %get3A_615 = arith.constant 304 : index
    %get3A_616 = tpu.vector_load %arg9[%get3A_615] {strides = array<i32>} : memref<4096xf32, #tpu.memory_space<vmem>>, vector<16xf32>,
    %get3A_617 = arith.constant 432 : index
    %get3A_618 = tpu.vector_load %arg9[%get3A_617] {strides = array<i32>} : memref<4096xf32, #tpu.memory_space<vmem>>, vector<16xf32>,
    %gt3A_619 = arith.cmpf ogt, %get3A_618, %get3A_616 : vector<16xf32>
    %convert_element_type3A_620 = arith.extui %gt3A_619 : vector<16xi1> to vector<16xi32>
    %get3A_621 = arith.constant 176 : index
    %get3A_622 = tpu.vector_load %arg10[%get3A_621] {strides = array<i32>} : memref<2048xf32, #tpu.memory_space<vmem>>, vector<16xf32>,
    %slice3A_623 = vector.extract_strided_slice %bitcast3A {offsets = [5], sizes = [1], strides = [1]} : vector<16xi32> to vector<1xi32>
    %squeeze3A_624 = vector.extract %slice3A_623[0] : i32 from vector<1xi32>
    %broadcast_in_dim3A_625 = vector.broadcast %squeeze3A_624 : i32 to vector<16xi32>
    %shift_right_arithmetic3A_626 = arith.shrsi %broadcast_in_dim3A_625, %add3A_387 : vector<16xi32>
    %and3A_627 = arith.constant 1 : i32
    %and3A_628 = vector.broadcast %and3A_627 : i32 to vector<16xi32>
    %and3A_629 = arith.andi %shift_right_arithmetic3A_626, %and3A_628 : vector<16xi32>
    %gt3A_630 = arith.cmpf ogt, %broadcast_in_dim3A, %get3A_622 : vector<16xf32>
    %select_n3A_631 = arith.select %gt3A_630, %and3A_629, %convert_element_type3A_620 : vector<16xi1>, vector<16xi32>
    %swap3A_632 = arith.constant 176 : index
    %swap3A_633 = tpu.vector_load %arg13[%swap3A_632] {strides = array<i32>} : memref<2048xi32, #tpu.memory_space<vmem>>, vector<16xi32>,
    tpu.vector_store %arg13[%swap3A_632], %select_n3A_631 {strides = array<i32>} : memref<2048xi32, #tpu.memory_space<vmem>>, vector<16xi32>,
    %get3A_634 = arith.constant 320 : index
    %get3A_635 = tpu.vector_load %arg9[%get3A_634] {strides = array<i32>} : memref<4096xf32, #tpu.memory_space<vmem>>, vector<16xf32>,
    %get3A_636 = arith.constant 448 : index
    %get3A_637 = tpu.vector_load %arg9[%get3A_636] {strides = array<i32>} : memref<4096xf32, #tpu.memory_space<vmem>>, vector<16xf32>,
    %gt3A_638 = arith.cmpf ogt, %get3A_637, %get3A_635 : vector<16xf32>
    %convert_element_type3A_639 = arith.extui %gt3A_638 : vector<16xi1> to vector<16xi32>
    %get3A_640 = arith.constant 192 : index
    %get3A_641 = tpu.vector_load %arg10[%get3A_640] {strides = array<i32>} : memref<2048xf32, #tpu.memory_space<vmem>>, vector<16xf32>,
    %slice3A_642 = vector.extract_strided_slice %bitcast3A {offsets = [6], sizes = [1], strides = [1]} : vector<16xi32> to vector<1xi32>
    %squeeze3A_643 = vector.extract %slice3A_642[0] : i32 from vector<1xi32>
    %broadcast_in_dim3A_644 = vector.broadcast %squeeze3A_643 : i32 to vector<16xi32>
    %shift_right_arithmetic3A_645 = arith.shrsi %broadcast_in_dim3A_644, %iota3A : vector<16xi32>
    %and3A_646 = arith.constant 1 : i32
    %and3A_647 = vector.broadcast %and3A_646 : i32 to vector<16xi32>
    %and3A_648 = arith.andi %shift_right_arithmetic3A_645, %and3A_647 : vector<16xi32>
    %gt3A_649 = arith.cmpf ogt, %broadcast_in_dim3A, %get3A_641 : vector<16xf32>
    %select_n3A_650 = arith.select %gt3A_649, %and3A_648, %convert_element_type3A_639 : vector<16xi1>, vector<16xi32>
    %swap3A_651 = arith.constant 192 : index
    %swap3A_652 = tpu.vector_load %arg13[%swap3A_651] {strides = array<i32>} : memref<2048xi32, #tpu.memory_space<vmem>>, vector<16xi32>,
    tpu.vector_store %arg13[%swap3A_651], %select_n3A_650 {strides = array<i32>} : memref<2048xi32, #tpu.memory_space<vmem>>, vector<16xi32>,
    %get3A_653 = arith.constant 336 : index
    %get3A_654 = tpu.vector_load %arg9[%get3A_653] {strides = array<i32>} : memref<4096xf32, #tpu.memory_space<vmem>>, vector<16xf32>,
    %get3A_655 = arith.constant 464 : index
    %get3A_656 = tpu.vector_load %arg9[%get3A_655] {strides = array<i32>} : memref<4096xf32, #tpu.memory_space<vmem>>, vector<16xf32>,
    %gt3A_657 = arith.cmpf ogt, %get3A_656, %get3A_654 : vector<16xf32>
    %convert_element_type3A_658 = arith.extui %gt3A_657 : vector<16xi1> to vector<16xi32>
    %get3A_659 = arith.constant 208 : index
    %get3A_660 = tpu.vector_load %arg10[%get3A_659] {strides = array<i32>} : memref<2048xf32, #tpu.memory_space<vmem>>, vector<16xf32>,
    %slice3A_661 = vector.extract_strided_slice %bitcast3A {offsets = [6], sizes = [1], strides = [1]} : vector<16xi32> to vector<1xi32>
    %squeeze3A_662 = vector.extract %slice3A_661[0] : i32 from vector<1xi32>
    %broadcast_in_dim3A_663 = vector.broadcast %squeeze3A_662 : i32 to vector<16xi32>
    %shift_right_arithmetic3A_664 = arith.shrsi %broadcast_in_dim3A_663, %add3A_387 : vector<16xi32>
    %and3A_665 = arith.constant 1 : i32
    %and3A_666 = vector.broadcast %and3A_665 : i32 to vector<16xi32>
    %and3A_667 = arith.andi %shift_right_arithmetic3A_664, %and3A_666 : vector<16xi32>
    %gt3A_668 = arith.cmpf ogt, %broadcast_in_dim3A, %get3A_660 : vector<16xf32>
    %select_n3A_669 = arith.select %gt3A_668, %and3A_667, %convert_element_type3A_658 : vector<16xi1>, vector<16xi32>
    %swap3A_670 = arith.constant 208 : index
    %swap3A_671 = tpu.vector_load %arg13[%swap3A_670] {strides = array<i32>} : memref<2048xi32, #tpu.memory_space<vmem>>, vector<16xi32>,
    tpu.vector_store %arg13[%swap3A_670], %select_n3A_669 {strides = array<i32>} : memref<2048xi32, #tpu.memory_space<vmem>>, vector<16xi32>,
    %get3A_672 = arith.constant 352 : index
    %get3A_673 = tpu.vector_load %arg9[%get3A_672] {strides = array<i32>} : memref<4096xf32, #tpu.memory_space<vmem>>, vector<16xf32>,
    %get3A_674 = arith.constant 480 : index
    %get3A_675 = tpu.vector_load %arg9[%get3A_674] {strides = array<i32>} : memref<4096xf32, #tpu.memory_space<vmem>>, vector<16xf32>,
    %gt3A_676 = arith.cmpf ogt, %get3A_675, %get3A_673 : vector<16xf32>
    %convert_element_type3A_677 = arith.extui %gt3A_676 : vector<16xi1> to vector<16xi32>
    %get3A_678 = arith.constant 224 : index
    %get3A_679 = tpu.vector_load %arg10[%get3A_678] {strides = array<i32>} : memref<2048xf32, #tpu.memory_space<vmem>>, vector<16xf32>,
    %slice3A_680 = vector.extract_strided_slice %bitcast3A {offsets = [7], sizes = [1], strides = [1]} : vector<16xi32> to vector<1xi32>
    %squeeze3A_681 = vector.extract %slice3A_680[0] : i32 from vector<1xi32>
    %broadcast_in_dim3A_682 = vector.broadcast %squeeze3A_681 : i32 to vector<16xi32>
    %shift_right_arithmetic3A_683 = arith.shrsi %broadcast_in_dim3A_682, %iota3A : vector<16xi32>
    %and3A_684 = arith.constant 1 : i32
    %and3A_685 = vector.broadcast %and3A_684 : i32 to vector<16xi32>
    %and3A_686 = arith.andi %shift_right_arithmetic3A_683, %and3A_685 : vector<16xi32>
    %gt3A_687 = arith.cmpf ogt, %broadcast_in_dim3A, %get3A_679 : vector<16xf32>
    %select_n3A_688 = arith.select %gt3A_687, %and3A_686, %convert_element_type3A_677 : vector<16xi1>, vector<16xi32>
    %swap3A_689 = arith.constant 224 : index
    %swap3A_690 = tpu.vector_load %arg13[%swap3A_689] {strides = array<i32>} : memref<2048xi32, #tpu.memory_space<vmem>>, vector<16xi32>,
    tpu.vector_store %arg13[%swap3A_689], %select_n3A_688 {strides = array<i32>} : memref<2048xi32, #tpu.memory_space<vmem>>, vector<16xi32>,
    %get3A_691 = arith.constant 368 : index
    %get3A_692 = tpu.vector_load %arg9[%get3A_691] {strides = array<i32>} : memref<4096xf32, #tpu.memory_space<vmem>>, vector<16xf32>,
    %get3A_693 = arith.constant 496 : index
    %get3A_694 = tpu.vector_load %arg9[%get3A_693] {strides = array<i32>} : memref<4096xf32, #tpu.memory_space<vmem>>, vector<16xf32>,
    %gt3A_695 = arith.cmpf ogt, %get3A_694, %get3A_692 : vector<16xf32>
    %convert_element_type3A_696 = arith.extui %gt3A_695 : vector<16xi1> to vector<16xi32>
    %get3A_697 = arith.constant 240 : index
    %get3A_698 = tpu.vector_load %arg10[%get3A_697] {strides = array<i32>} : memref<2048xf32, #tpu.memory_space<vmem>>, vector<16xf32>,
    %slice3A_699 = vector.extract_strided_slice %bitcast3A {offsets = [7], sizes = [1], strides = [1]} : vector<16xi32> to vector<1xi32>
    %squeeze3A_700 = vector.extract %slice3A_699[0] : i32 from vector<1xi32>
    %broadcast_in_dim3A_701 = vector.broadcast %squeeze3A_700 : i32 to vector<16xi32>
    %shift_right_arithmetic3A_702 = arith.shrsi %broadcast_in_dim3A_701, %add3A_387 : vector<16xi32>
    %and3A_703 = arith.constant 1 : i32
    %and3A_704 = vector.broadcast %and3A_703 : i32 to vector<16xi32>
    %and3A_705 = arith.andi %shift_right_arithmetic3A_702, %and3A_704 : vector<16xi32>
    %gt3A_706 = arith.cmpf ogt, %broadcast_in_dim3A, %get3A_698 : vector<16xf32>
    %select_n3A_707 = arith.select %gt3A_706, %and3A_705, %convert_element_type3A_696 : vector<16xi1>, vector<16xi32>
    %swap3A_708 = arith.constant 240 : index
    %swap3A_709 = tpu.vector_load %arg13[%swap3A_708] {strides = array<i32>} : memref<2048xi32, #tpu.memory_space<vmem>>, vector<16xi32>,
    tpu.vector_store %arg13[%swap3A_708], %select_n3A_707 {strides = array<i32>} : memref<2048xi32, #tpu.memory_space<vmem>>, vector<16xi32>,
    %get3A_710 = arith.constant 512 : index
    %get3A_711 = tpu.vector_load %arg9[%get3A_710] {strides = array<i32>} : memref<4096xf32, #tpu.memory_space<vmem>>, vector<16xf32>,
    %get3A_712 = arith.constant 640 : index
    %get3A_713 = tpu.vector_load %arg9[%get3A_712] {strides = array<i32>} : memref<4096xf32, #tpu.memory_space<vmem>>, vector<16xf32>,
    %gt3A_714 = arith.cmpf ogt, %get3A_713, %get3A_711 : vector<16xf32>
    %convert_element_type3A_715 = arith.extui %gt3A_714 : vector<16xi1> to vector<16xi32>
    %get3A_716 = arith.constant 256 : index
    %get3A_717 = tpu.vector_load %arg10[%get3A_716] {strides = array<i32>} : memref<2048xf32, #tpu.memory_space<vmem>>, vector<16xf32>,
    %slice3A_718 = vector.extract_strided_slice %bitcast3A {offsets = [8], sizes = [1], strides = [1]} : vector<16xi32> to vector<1xi32>
    %squeeze3A_719 = vector.extract %slice3A_718[0] : i32 from vector<1xi32>
    %broadcast_in_dim3A_720 = vector.broadcast %squeeze3A_719 : i32 to vector<16xi32>
    %shift_right_arithmetic3A_721 = arith.shrsi %broadcast_in_dim3A_720, %iota3A : vector<16xi32>
    %and3A_722 = arith.constant 1 : i32
    %and3A_723 = vector.broadcast %and3A_722 : i32 to vector<16xi32>
    %and3A_724 = arith.andi %shift_right_arithmetic3A_721, %and3A_723 : vector<16xi32>
    %gt3A_725 = arith.cmpf ogt, %broadcast_in_dim3A, %get3A_717 : vector<16xf32>
    %select_n3A_726 = arith.select %gt3A_725, %and3A_724, %convert_element_type3A_715 : vector<16xi1>, vector<16xi32>
    %swap3A_727 = arith.constant 256 : index
    %swap3A_728 = tpu.vector_load %arg13[%swap3A_727] {strides = array<i32>} : memref<2048xi32, #tpu.memory_space<vmem>>, vector<16xi32>,
    tpu.vector_store %arg13[%swap3A_727], %select_n3A_726 {strides = array<i32>} : memref<2048xi32, #tpu.memory_space<vmem>>, vector<16xi32>,
    %get3A_729 = arith.constant 528 : index
    %get3A_730 = tpu.vector_load %arg9[%get3A_729] {strides = array<i32>} : memref<4096xf32, #tpu.memory_space<vmem>>, vector<16xf32>,
    %get3A_731 = arith.constant 656 : index
    %get3A_732 = tpu.vector_load %arg9[%get3A_731] {strides = array<i32>} : memref<4096xf32, #tpu.memory_space<vmem>>, vector<16xf32>,
    %gt3A_733 = arith.cmpf ogt, %get3A_732, %get3A_730 : vector<16xf32>
    %convert_element_type3A_734 = arith.extui %gt3A_733 : vector<16xi1> to vector<16xi32>
    %get3A_735 = arith.constant 272 : index
    %get3A_736 = tpu.vector_load %arg10[%get3A_735] {strides = array<i32>} : memref<2048xf32, #tpu.memory_space<vmem>>, vector<16xf32>,
    %slice3A_737 = vector.extract_strided_slice %bitcast3A {offsets = [8], sizes = [1], strides = [1]} : vector<16xi32> to vector<1xi32>
    %squeeze3A_738 = vector.extract %slice3A_737[0] : i32 from vector<1xi32>
    %broadcast_in_dim3A_739 = vector.broadcast %squeeze3A_738 : i32 to vector<16xi32>
    %shift_right_arithmetic3A_740 = arith.shrsi %broadcast_in_dim3A_739, %add3A_387 : vector<16xi32>
    %and3A_741 = arith.constant 1 : i32
    %and3A_742 = vector.broadcast %and3A_741 : i32 to vector<16xi32>
    %and3A_743 = arith.andi %shift_right_arithmetic3A_740, %and3A_742 : vector<16xi32>
    %gt3A_744 = arith.cmpf ogt, %broadcast_in_dim3A, %get3A_736 : vector<16xf32>
    %select_n3A_745 = arith.select %gt3A_744, %and3A_743, %convert_element_type3A_734 : vector<16xi1>, vector<16xi32>
    %swap3A_746 = arith.constant 272 : index
    %swap3A_747 = tpu.vector_load %arg13[%swap3A_746] {strides = array<i32>} : memref<2048xi32, #tpu.memory_space<vmem>>, vector<16xi32>,
    tpu.vector_store %arg13[%swap3A_746], %select_n3A_745 {strides = array<i32>} : memref<2048xi32, #tpu.memory_space<vmem>>, vector<16xi32>,
    %get3A_748 = arith.constant 544 : index
    %get3A_749 = tpu.vector_load %arg9[%get3A_748] {strides = array<i32>} : memref<4096xf32, #tpu.memory_space<vmem>>, vector<16xf32>,
    %get3A_750 = arith.constant 672 : index
    %get3A_751 = tpu.vector_load %arg9[%get3A_750] {strides = array<i32>} : memref<4096xf32, #tpu.memory_space<vmem>>, vector<16xf32>,
    %gt3A_752 = arith.cmpf ogt, %get3A_751, %get3A_749 : vector<16xf32>
    %convert_element_type3A_753 = arith.extui %gt3A_752 : vector<16xi1> to vector<16xi32>
    %get3A_754 = arith.constant 288 : index
    %get3A_755 = tpu.vector_load %arg10[%get3A_754] {strides = array<i32>} : memref<2048xf32, #tpu.memory_space<vmem>>, vector<16xf32>,
    %slice3A_756 = vector.extract_strided_slice %bitcast3A {offsets = [9], sizes = [1], strides = [1]} : vector<16xi32> to vector<1xi32>
    %squeeze3A_757 = vector.extract %slice3A_756[0] : i32 from vector<1xi32>
    %broadcast_in_dim3A_758 = vector.broadcast %squeeze3A_757 : i32 to vector<16xi32>
    %shift_right_arithmetic3A_759 = arith.shrsi %broadcast_in_dim3A_758, %iota3A : vector<16xi32>
    %and3A_760 = arith.constant 1 : i32
    %and3A_761 = vector.broadcast %and3A_760 : i32 to vector<16xi32>
    %and3A_762 = arith.andi %shift_right_arithmetic3A_759, %and3A_761 : vector<16xi32>
    %gt3A_763 = arith.cmpf ogt, %broadcast_in_dim3A, %get3A_755 : vector<16xf32>
    %select_n3A_764 = arith.select %gt3A_763, %and3A_762, %convert_element_type3A_753 : vector<16xi1>, vector<16xi32>
    %swap3A_765 = arith.constant 288 : index
    %swap3A_766 = tpu.vector_load %arg13[%swap3A_765] {strides = array<i32>} : memref<2048xi32, #tpu.memory_space<vmem>>, vector<16xi32>,
    tpu.vector_store %arg13[%swap3A_765], %select_n3A_764 {strides = array<i32>} : memref<2048xi32, #tpu.memory_space<vmem>>, vector<16xi32>,
    %get3A_767 = arith.constant 560 : index
    %get3A_768 = tpu.vector_load %arg9[%get3A_767] {strides = array<i32>} : memref<4096xf32, #tpu.memory_space<vmem>>, vector<16xf32>,
    %get3A_769 = arith.constant 688 : index
    %get3A_770 = tpu.vector_load %arg9[%get3A_769] {strides = array<i32>} : memref<4096xf32, #tpu.memory_space<vmem>>, vector<16xf32>,
    %gt3A_771 = arith.cmpf ogt, %get3A_770, %get3A_768 : vector<16xf32>
    %convert_element_type3A_772 = arith.extui %gt3A_771 : vector<16xi1> to vector<16xi32>
    %get3A_773 = arith.constant 304 : index
    %get3A_774 = tpu.vector_load %arg10[%get3A_773] {strides = array<i32>} : memref<2048xf32, #tpu.memory_space<vmem>>, vector<16xf32>,
    %slice3A_775 = vector.extract_strided_slice %bitcast3A {offsets = [9], sizes = [1], strides = [1]} : vector<16xi32> to vector<1xi32>
    %squeeze3A_776 = vector.extract %slice3A_775[0] : i32 from vector<1xi32>
    %broadcast_in_dim3A_777 = vector.broadcast %squeeze3A_776 : i32 to vector<16xi32>
    %shift_right_arithmetic3A_778 = arith.shrsi %broadcast_in_dim3A_777, %add3A_387 : vector<16xi32>
    %and3A_779 = arith.constant 1 : i32
    %and3A_780 = vector.broadcast %and3A_779 : i32 to vector<16xi32>
    %and3A_781 = arith.andi %shift_right_arithmetic3A_778, %and3A_780 : vector<16xi32>
    %gt3A_782 = arith.cmpf ogt, %broadcast_in_dim3A, %get3A_774 : vector<16xf32>
    %select_n3A_783 = arith.select %gt3A_782, %and3A_781, %convert_element_type3A_772 : vector<16xi1>, vector<16xi32>
    %swap3A_784 = arith.constant 304 : index
    %swap3A_785 = tpu.vector_load %arg13[%swap3A_784] {strides = array<i32>} : memref<2048xi32, #tpu.memory_space<vmem>>, vector<16xi32>,
    tpu.vector_store %arg13[%swap3A_784], %select_n3A_783 {strides = array<i32>} : memref<2048xi32, #tpu.memory_space<vmem>>, vector<16xi32>,
    %get3A_786 = arith.constant 576 : index
    %get3A_787 = tpu.vector_load %arg9[%get3A_786] {strides = array<i32>} : memref<4096xf32, #tpu.memory_space<vmem>>, vector<16xf32>,
    %get3A_788 = arith.constant 704 : index
    %get3A_789 = tpu.vector_load %arg9[%get3A_788] {strides = array<i32>} : memref<4096xf32, #tpu.memory_space<vmem>>, vector<16xf32>,
    %gt3A_790 = arith.cmpf ogt, %get3A_789, %get3A_787 : vector<16xf32>
    %convert_element_type3A_791 = arith.extui %gt3A_790 : vector<16xi1> to vector<16xi32>
    %get3A_792 = arith.constant 320 : index
    %get3A_793 = tpu.vector_load %arg10[%get3A_792] {strides = array<i32>} : memref<2048xf32, #tpu.memory_space<vmem>>, vector<16xf32>,
    %slice3A_794 = vector.extract_strided_slice %bitcast3A {offsets = [10], sizes = [1], strides = [1]} : vector<16xi32> to vector<1xi32>
    %squeeze3A_795 = vector.extract %slice3A_794[0] : i32 from vector<1xi32>
    %broadcast_in_dim3A_796 = vector.broadcast %squeeze3A_795 : i32 to vector<16xi32>
    %shift_right_arithmetic3A_797 = arith.shrsi %broadcast_in_dim3A_796, %iota3A : vector<16xi32>
    %and3A_798 = arith.constant 1 : i32
    %and3A_799 = vector.broadcast %and3A_798 : i32 to vector<16xi32>
    %and3A_800 = arith.andi %shift_right_arithmetic3A_797, %and3A_799 : vector<16xi32>
    %gt3A_801 = arith.cmpf ogt, %broadcast_in_dim3A, %get3A_793 : vector<16xf32>
    %select_n3A_802 = arith.select %gt3A_801, %and3A_800, %convert_element_type3A_791 : vector<16xi1>, vector<16xi32>
    %swap3A_803 = arith.constant 320 : index
    %swap3A_804 = tpu.vector_load %arg13[%swap3A_803] {strides = array<i32>} : memref<2048xi32, #tpu.memory_space<vmem>>, vector<16xi32>,
    tpu.vector_store %arg13[%swap3A_803], %select_n3A_802 {strides = array<i32>} : memref<2048xi32, #tpu.memory_space<vmem>>, vector<16xi32>,
    %get3A_805 = arith.constant 592 : index
    %get3A_806 = tpu.vector_load %arg9[%get3A_805] {strides = array<i32>} : memref<4096xf32, #tpu.memory_space<vmem>>, vector<16xf32>,
    %get3A_807 = arith.constant 720 : index
    %get3A_808 = tpu.vector_load %arg9[%get3A_807] {strides = array<i32>} : memref<4096xf32, #tpu.memory_space<vmem>>, vector<16xf32>,
    %gt3A_809 = arith.cmpf ogt, %get3A_808, %get3A_806 : vector<16xf32>
    %convert_element_type3A_810 = arith.extui %gt3A_809 : vector<16xi1> to vector<16xi32>
    %get3A_811 = arith.constant 336 : index
    %get3A_812 = tpu.vector_load %arg10[%get3A_811] {strides = array<i32>} : memref<2048xf32, #tpu.memory_space<vmem>>, vector<16xf32>,
    %slice3A_813 = vector.extract_strided_slice %bitcast3A {offsets = [10], sizes = [1], strides = [1]} : vector<16xi32> to vector<1xi32>
    %squeeze3A_814 = vector.extract %slice3A_813[0] : i32 from vector<1xi32>
    %broadcast_in_dim3A_815 = vector.broadcast %squeeze3A_814 : i32 to vector<16xi32>
    %shift_right_arithmetic3A_816 = arith.shrsi %broadcast_in_dim3A_815, %add3A_387 : vector<16xi32>
    %and3A_817 = arith.constant 1 : i32
    %and3A_818 = vector.broadcast %and3A_817 : i32 to vector<16xi32>
    %and3A_819 = arith.andi %shift_right_arithmetic3A_816, %and3A_818 : vector<16xi32>
    %gt3A_820 = arith.cmpf ogt, %broadcast_in_dim3A, %get3A_812 : vector<16xf32>
    %select_n3A_821 = arith.select %gt3A_820, %and3A_819, %convert_element_type3A_810 : vector<16xi1>, vector<16xi32>
    %swap3A_822 = arith.constant 336 : index
    %swap3A_823 = tpu.vector_load %arg13[%swap3A_822] {strides = array<i32>} : memref<2048xi32, #tpu.memory_space<vmem>>, vector<16xi32>,
    tpu.vector_store %arg13[%swap3A_822], %select_n3A_821 {strides = array<i32>} : memref<2048xi32, #tpu.memory_space<vmem>>, vector<16xi32>,
    %get3A_824 = arith.constant 608 : index
    %get3A_825 = tpu.vector_load %arg9[%get3A_824] {strides = array<i32>} : memref<4096xf32, #tpu.memory_space<vmem>>, vector<16xf32>,
    %get3A_826 = arith.constant 736 : index
    %get3A_827 = tpu.vector_load %arg9[%get3A_826] {strides = array<i32>} : memref<4096xf32, #tpu.memory_space<vmem>>, vector<16xf32>,
    %gt3A_828 = arith.cmpf ogt, %get3A_827, %get3A_825 : vector<16xf32>
    %convert_element_type3A_829 = arith.extui %gt3A_828 : vector<16xi1> to vector<16xi32>
    %get3A_830 = arith.constant 352 : index
    %get3A_831 = tpu.vector_load %arg10[%get3A_830] {strides = array<i32>} : memref<2048xf32, #tpu.memory_space<vmem>>, vector<16xf32>,
    %slice3A_832 = vector.extract_strided_slice %bitcast3A {offsets = [11], sizes = [1], strides = [1]} : vector<16xi32> to vector<1xi32>
    %squeeze3A_833 = vector.extract %slice3A_832[0] : i32 from vector<1xi32>
    %broadcast_in_dim3A_834 = vector.broadcast %squeeze3A_833 : i32 to vector<16xi32>
    %shift_right_arithmetic3A_835 = arith.shrsi %broadcast_in_dim3A_834, %iota3A : vector<16xi32>
    %and3A_836 = arith.constant 1 : i32
    %and3A_837 = vector.broadcast %and3A_836 : i32 to vector<16xi32>
    %and3A_838 = arith.andi %shift_right_arithmetic3A_835, %and3A_837 : vector<16xi32>
    %gt3A_839 = arith.cmpf ogt, %broadcast_in_dim3A, %get3A_831 : vector<16xf32>
    %select_n3A_840 = arith.select %gt3A_839, %and3A_838, %convert_element_type3A_829 : vector<16xi1>, vector<16xi32>
    %swap3A_841 = arith.constant 352 : index
    %swap3A_842 = tpu.vector_load %arg13[%swap3A_841] {strides = array<i32>} : memref<2048xi32, #tpu.memory_space<vmem>>, vector<16xi32>,
    tpu.vector_store %arg13[%swap3A_841], %select_n3A_840 {strides = array<i32>} : memref<2048xi32, #tpu.memory_space<vmem>>, vector<16xi32>,
    %get3A_843 = arith.constant 624 : index
    %get3A_844 = tpu.vector_load %arg9[%get3A_843] {strides = array<i32>} : memref<4096xf32, #tpu.memory_space<vmem>>, vector<16xf32>,
    %get3A_845 = arith.constant 752 : index
    %get3A_846 = tpu.vector_load %arg9[%get3A_845] {strides = array<i32>} : memref<4096xf32, #tpu.memory_space<vmem>>, vector<16xf32>,
    %gt3A_847 = arith.cmpf ogt, %get3A_846, %get3A_844 : vector<16xf32>
    %convert_element_type3A_848 = arith.extui %gt3A_847 : vector<16xi1> to vector<16xi32>
    %get3A_849 = arith.constant 368 : index
    %get3A_850 = tpu.vector_load %arg10[%get3A_849] {strides = array<i32>} : memref<2048xf32, #tpu.memory_space<vmem>>, vector<16xf32>,
    %slice3A_851 = vector.extract_strided_slice %bitcast3A {offsets = [11], sizes = [1], strides = [1]} : vector<16xi32> to vector<1xi32>
    %squeeze3A_852 = vector.extract %slice3A_851[0] : i32 from vector<1xi32>
    %broadcast_in_dim3A_853 = vector.broadcast %squeeze3A_852 : i32 to vector<16xi32>
    %shift_right_arithmetic3A_854 = arith.shrsi %broadcast_in_dim3A_853, %add3A_387 : vector<16xi32>
    %and3A_855 = arith.constant 1 : i32
    %and3A_856 = vector.broadcast %and3A_855 : i32 to vector<16xi32>
    %and3A_857 = arith.andi %shift_right_arithmetic3A_854, %and3A_856 : vector<16xi32>
    %gt3A_858 = arith.cmpf ogt, %broadcast_in_dim3A, %get3A_850 : vector<16xf32>
    %select_n3A_859 = arith.select %gt3A_858, %and3A_857, %convert_element_type3A_848 : vector<16xi1>, vector<16xi32>
    %swap3A_860 = arith.constant 368 : index
    %swap3A_861 = tpu.vector_load %arg13[%swap3A_860] {strides = array<i32>} : memref<2048xi32, #tpu.memory_space<vmem>>, vector<16xi32>,
    tpu.vector_store %arg13[%swap3A_860], %select_n3A_859 {strides = array<i32>} : memref<2048xi32, #tpu.memory_space<vmem>>, vector<16xi32>,
    %get3A_862 = arith.constant 768 : index
    %get3A_863 = tpu.vector_load %arg9[%get3A_862] {strides = array<i32>} : memref<4096xf32, #tpu.memory_space<vmem>>, vector<16xf32>,
    %get3A_864 = arith.constant 896 : index
    %get3A_865 = tpu.vector_load %arg9[%get3A_864] {strides = array<i32>} : memref<4096xf32, #tpu.memory_space<vmem>>, vector<16xf32>,
    %gt3A_866 = arith.cmpf ogt, %get3A_865, %get3A_863 : vector<16xf32>
    %convert_element_type3A_867 = arith.extui %gt3A_866 : vector<16xi1> to vector<16xi32>
    %get3A_868 = arith.constant 384 : index
    %get3A_869 = tpu.vector_load %arg10[%get3A_868] {strides = array<i32>} : memref<2048xf32, #tpu.memory_space<vmem>>, vector<16xf32>,
    %slice3A_870 = vector.extract_strided_slice %bitcast3A {offsets = [12], sizes = [1], strides = [1]} : vector<16xi32> to vector<1xi32>
    %squeeze3A_871 = vector.extract %slice3A_870[0] : i32 from vector<1xi32>
    %broadcast_in_dim3A_872 = vector.broadcast %squeeze3A_871 : i32 to vector<16xi32>
    %shift_right_arithmetic3A_873 = arith.shrsi %broadcast_in_dim3A_872, %iota3A : vector<16xi32>
    %and3A_874 = arith.constant 1 : i32
    %and3A_875 = vector.broadcast %and3A_874 : i32 to vector<16xi32>
    %and3A_876 = arith.andi %shift_right_arithmetic3A_873, %and3A_875 : vector<16xi32>
    %gt3A_877 = arith.cmpf ogt, %broadcast_in_dim3A, %get3A_869 : vector<16xf32>
    %select_n3A_878 = arith.select %gt3A_877, %and3A_876, %convert_element_type3A_867 : vector<16xi1>, vector<16xi32>
    %swap3A_879 = arith.constant 384 : index
    %swap3A_880 = tpu.vector_load %arg13[%swap3A_879] {strides = array<i32>} : memref<2048xi32, #tpu.memory_space<vmem>>, vector<16xi32>,
    tpu.vector_store %arg13[%swap3A_879], %select_n3A_878 {strides = array<i32>} : memref<2048xi32, #tpu.memory_space<vmem>>, vector<16xi32>,
    %get3A_881 = arith.constant 784 : index
    %get3A_882 = tpu.vector_load %arg9[%get3A_881] {strides = array<i32>} : memref<4096xf32, #tpu.memory_space<vmem>>, vector<16xf32>,
    %get3A_883 = arith.constant 912 : index
    %get3A_884 = tpu.vector_load %arg9[%get3A_883] {strides = array<i32>} : memref<4096xf32, #tpu.memory_space<vmem>>, vector<16xf32>,
    %gt3A_885 = arith.cmpf ogt, %get3A_884, %get3A_882 : vector<16xf32>
    %convert_element_type3A_886 = arith.extui %gt3A_885 : vector<16xi1> to vector<16xi32>
    %get3A_887 = arith.constant 400 : index
    %get3A_888 = tpu.vector_load %arg10[%get3A_887] {strides = array<i32>} : memref<2048xf32, #tpu.memory_space<vmem>>, vector<16xf32>,
    %slice3A_889 = vector.extract_strided_slice %bitcast3A {offsets = [12], sizes = [1], strides = [1]} : vector<16xi32> to vector<1xi32>
    %squeeze3A_890 = vector.extract %slice3A_889[0] : i32 from vector<1xi32>
    %broadcast_in_dim3A_891 = vector.broadcast %squeeze3A_890 : i32 to vector<16xi32>
    %shift_right_arithmetic3A_892 = arith.shrsi %broadcast_in_dim3A_891, %add3A_387 : vector<16xi32>
    %and3A_893 = arith.constant 1 : i32
    %and3A_894 = vector.broadcast %and3A_893 : i32 to vector<16xi32>
    %and3A_895 = arith.andi %shift_right_arithmetic3A_892, %and3A_894 : vector<16xi32>
    %gt3A_896 = arith.cmpf ogt, %broadcast_in_dim3A, %get3A_888 : vector<16xf32>
    %select_n3A_897 = arith.select %gt3A_896, %and3A_895, %convert_element_type3A_886 : vector<16xi1>, vector<16xi32>
    %swap3A_898 = arith.constant 400 : index
    %swap3A_899 = tpu.vector_load %arg13[%swap3A_898] {strides = array<i32>} : memref<2048xi32, #tpu.memory_space<vmem>>, vector<16xi32>,
    tpu.vector_store %arg13[%swap3A_898], %select_n3A_897 {strides = array<i32>} : memref<2048xi32, #tpu.memory_space<vmem>>, vector<16xi32>,
    %get3A_900 = arith.constant 800 : index
    %get3A_901 = tpu.vector_load %arg9[%get3A_900] {strides = array<i32>} : memref<4096xf32, #tpu.memory_space<vmem>>, vector<16xf32>,
    %get3A_902 = arith.constant 928 : index
    %get3A_903 = tpu.vector_load %arg9[%get3A_902] {strides = array<i32>} : memref<4096xf32, #tpu.memory_space<vmem>>, vector<16xf32>,
    %gt3A_904 = arith.cmpf ogt, %get3A_903, %get3A_901 : vector<16xf32>
    %convert_element_type3A_905 = arith.extui %gt3A_904 : vector<16xi1> to vector<16xi32>
    %get3A_906 = arith.constant 416 : index
    %get3A_907 = tpu.vector_load %arg10[%get3A_906] {strides = array<i32>} : memref<2048xf32, #tpu.memory_space<vmem>>, vector<16xf32>,
    %slice3A_908 = vector.extract_strided_slice %bitcast3A {offsets = [13], sizes = [1], strides = [1]} : vector<16xi32> to vector<1xi32>
    %squeeze3A_909 = vector.extract %slice3A_908[0] : i32 from vector<1xi32>
    %broadcast_in_dim3A_910 = vector.broadcast %squeeze3A_909 : i32 to vector<16xi32>
    %shift_right_arithmetic3A_911 = arith.shrsi %broadcast_in_dim3A_910, %iota3A : vector<16xi32>
    %and3A_912 = arith.constant 1 : i32
    %and3A_913 = vector.broadcast %and3A_912 : i32 to vector<16xi32>
    %and3A_914 = arith.andi %shift_right_arithmetic3A_911, %and3A_913 : vector<16xi32>
    %gt3A_915 = arith.cmpf ogt, %broadcast_in_dim3A, %get3A_907 : vector<16xf32>
    %select_n3A_916 = arith.select %gt3A_915, %and3A_914, %convert_element_type3A_905 : vector<16xi1>, vector<16xi32>
    %swap3A_917 = arith.constant 416 : index
    %swap3A_918 = tpu.vector_load %arg13[%swap3A_917] {strides = array<i32>} : memref<2048xi32, #tpu.memory_space<vmem>>, vector<16xi32>,
    tpu.vector_store %arg13[%swap3A_917], %select_n3A_916 {strides = array<i32>} : memref<2048xi32, #tpu.memory_space<vmem>>, vector<16xi32>,
    %get3A_919 = arith.constant 816 : index
    %get3A_920 = tpu.vector_load %arg9[%get3A_919] {strides = array<i32>} : memref<4096xf32, #tpu.memory_space<vmem>>, vector<16xf32>,
    %get3A_921 = arith.constant 944 : index
    %get3A_922 = tpu.vector_load %arg9[%get3A_921] {strides = array<i32>} : memref<4096xf32, #tpu.memory_space<vmem>>, vector<16xf32>,
    %gt3A_923 = arith.cmpf ogt, %get3A_922, %get3A_920 : vector<16xf32>
    %convert_element_type3A_924 = arith.extui %gt3A_923 : vector<16xi1> to vector<16xi32>
    %get3A_925 = arith.constant 432 : index
    %get3A_926 = tpu.vector_load %arg10[%get3A_925] {strides = array<i32>} : memref<2048xf32, #tpu.memory_space<vmem>>, vector<16xf32>,
    %slice3A_927 = vector.extract_strided_slice %bitcast3A {offsets = [13], sizes = [1], strides = [1]} : vector<16xi32> to vector<1xi32>
    %squeeze3A_928 = vector.extract %slice3A_927[0] : i32 from vector<1xi32>
    %broadcast_in_dim3A_929 = vector.broadcast %squeeze3A_928 : i32 to vector<16xi32>
    %shift_right_arithmetic3A_930 = arith.shrsi %broadcast_in_dim3A_929, %add3A_387 : vector<16xi32>
    %and3A_931 = arith.constant 1 : i32
    %and3A_932 = vector.broadcast %and3A_931 : i32 to vector<16xi32>
    %and3A_933 = arith.andi %shift_right_arithmetic3A_930, %and3A_932 : vector<16xi32>
    %gt3A_934 = arith.cmpf ogt, %broadcast_in_dim3A, %get3A_926 : vector<16xf32>
    %select_n3A_935 = arith.select %gt3A_934, %and3A_933, %convert_element_type3A_924 : vector<16xi1>, vector<16xi32>
    %swap3A_936 = arith.constant 432 : index
    %swap3A_937 = tpu.vector_load %arg13[%swap3A_936] {strides = array<i32>} : memref<2048xi32, #tpu.memory_space<vmem>>, vector<16xi32>,
    tpu.vector_store %arg13[%swap3A_936], %select_n3A_935 {strides = array<i32>} : memref<2048xi32, #tpu.memory_space<vmem>>, vector<16xi32>,
    %get3A_938 = arith.constant 832 : index
    %get3A_939 = tpu.vector_load %arg9[%get3A_938] {strides = array<i32>} : memref<4096xf32, #tpu.memory_space<vmem>>, vector<16xf32>,
    %get3A_940 = arith.constant 960 : index
    %get3A_941 = tpu.vector_load %arg9[%get3A_940] {strides = array<i32>} : memref<4096xf32, #tpu.memory_space<vmem>>, vector<16xf32>,
    %gt3A_942 = arith.cmpf ogt, %get3A_941, %get3A_939 : vector<16xf32>
    %convert_element_type3A_943 = arith.extui %gt3A_942 : vector<16xi1> to vector<16xi32>
    %get3A_944 = arith.constant 448 : index
    %get3A_945 = tpu.vector_load %arg10[%get3A_944] {strides = array<i32>} : memref<2048xf32, #tpu.memory_space<vmem>>, vector<16xf32>,
    %slice3A_946 = vector.extract_strided_slice %bitcast3A {offsets = [14], sizes = [1], strides = [1]} : vector<16xi32> to vector<1xi32>
    %squeeze3A_947 = vector.extract %slice3A_946[0] : i32 from vector<1xi32>
    %broadcast_in_dim3A_948 = vector.broadcast %squeeze3A_947 : i32 to vector<16xi32>
    %shift_right_arithmetic3A_949 = arith.shrsi %broadcast_in_dim3A_948, %iota3A : vector<16xi32>
    %and3A_950 = arith.constant 1 : i32
    %and3A_951 = vector.broadcast %and3A_950 : i32 to vector<16xi32>
    %and3A_952 = arith.andi %shift_right_arithmetic3A_949, %and3A_951 : vector<16xi32>
    %gt3A_953 = arith.cmpf ogt, %broadcast_in_dim3A, %get3A_945 : vector<16xf32>
    %select_n3A_954 = arith.select %gt3A_953, %and3A_952, %convert_element_type3A_943 : vector<16xi1>, vector<16xi32>
    %swap3A_955 = arith.constant 448 : index
    %swap3A_956 = tpu.vector_load %arg13[%swap3A_955] {strides = array<i32>} : memref<2048xi32, #tpu.memory_space<vmem>>, vector<16xi32>,
    tpu.vector_store %arg13[%swap3A_955], %select_n3A_954 {strides = array<i32>} : memref<2048xi32, #tpu.memory_space<vmem>>, vector<16xi32>,
    %get3A_957 = arith.constant 848 : index
    %get3A_958 = tpu.vector_load %arg9[%get3A_957] {strides = array<i32>} : memref<4096xf32, #tpu.memory_space<vmem>>, vector<16xf32>,
    %get3A_959 = arith.constant 976 : index
    %get3A_960 = tpu.vector_load %arg9[%get3A_959] {strides = array<i32>} : memref<4096xf32, #tpu.memory_space<vmem>>, vector<16xf32>,
    %gt3A_961 = arith.cmpf ogt, %get3A_960, %get3A_958 : vector<16xf32>
    %convert_element_type3A_962 = arith.extui %gt3A_961 : vector<16xi1> to vector<16xi32>
    %get3A_963 = arith.constant 464 : index
    %get3A_964 = tpu.vector_load %arg10[%get3A_963] {strides = array<i32>} : memref<2048xf32, #tpu.memory_space<vmem>>, vector<16xf32>,
    %slice3A_965 = vector.extract_strided_slice %bitcast3A {offsets = [14], sizes = [1], strides = [1]} : vector<16xi32> to vector<1xi32>
    %squeeze3A_966 = vector.extract %slice3A_965[0] : i32 from vector<1xi32>
    %broadcast_in_dim3A_967 = vector.broadcast %squeeze3A_966 : i32 to vector<16xi32>
    %shift_right_arithmetic3A_968 = arith.shrsi %broadcast_in_dim3A_967, %add3A_387 : vector<16xi32>
    %and3A_969 = arith.constant 1 : i32
    %and3A_970 = vector.broadcast %and3A_969 : i32 to vector<16xi32>
    %and3A_971 = arith.andi %shift_right_arithmetic3A_968, %and3A_970 : vector<16xi32>
    %gt3A_972 = arith.cmpf ogt, %broadcast_in_dim3A, %get3A_964 : vector<16xf32>
    %select_n3A_973 = arith.select %gt3A_972, %and3A_971, %convert_element_type3A_962 : vector<16xi1>, vector<16xi32>
    %swap3A_974 = arith.constant 464 : index
    %swap3A_975 = tpu.vector_load %arg13[%swap3A_974] {strides = array<i32>} : memref<2048xi32, #tpu.memory_space<vmem>>, vector<16xi32>,
    tpu.vector_store %arg13[%swap3A_974], %select_n3A_973 {strides = array<i32>} : memref<2048xi32, #tpu.memory_space<vmem>>, vector<16xi32>,
    %get3A_976 = arith.constant 864 : index
    %get3A_977 = tpu.vector_load %arg9[%get3A_976] {strides = array<i32>} : memref<4096xf32, #tpu.memory_space<vmem>>, vector<16xf32>,
    %get3A_978 = arith.constant 992 : index
    %get3A_979 = tpu.vector_load %arg9[%get3A_978] {strides = array<i32>} : memref<4096xf32, #tpu.memory_space<vmem>>, vector<16xf32>,
    %gt3A_980 = arith.cmpf ogt, %get3A_979, %get3A_977 : vector<16xf32>
    %convert_element_type3A_981 = arith.extui %gt3A_980 : vector<16xi1> to vector<16xi32>
    %get3A_982 = arith.constant 480 : index
    %get3A_983 = tpu.vector_load %arg10[%get3A_982] {strides = array<i32>} : memref<2048xf32, #tpu.memory_space<vmem>>, vector<16xf32>,
    %slice3A_984 = vector.extract_strided_slice %bitcast3A {offsets = [15], sizes = [1], strides = [1]} : vector<16xi32> to vector<1xi32>
    %squeeze3A_985 = vector.extract %slice3A_984[0] : i32 from vector<1xi32>
    %broadcast_in_dim3A_986 = vector.broadcast %squeeze3A_985 : i32 to vector<16xi32>
    %shift_right_arithmetic3A_987 = arith.shrsi %broadcast_in_dim3A_986, %iota3A : vector<16xi32>
    %and3A_988 = arith.constant 1 : i32
    %and3A_989 = vector.broadcast %and3A_988 : i32 to vector<16xi32>
    %and3A_990 = arith.andi %shift_right_arithmetic3A_987, %and3A_989 : vector<16xi32>
    %gt3A_991 = arith.cmpf ogt, %broadcast_in_dim3A, %get3A_983 : vector<16xf32>
    %select_n3A_992 = arith.select %gt3A_991, %and3A_990, %convert_element_type3A_981 : vector<16xi1>, vector<16xi32>
    %swap3A_993 = arith.constant 480 : index
    %swap3A_994 = tpu.vector_load %arg13[%swap3A_993] {strides = array<i32>} : memref<2048xi32, #tpu.memory_space<vmem>>, vector<16xi32>,
    tpu.vector_store %arg13[%swap3A_993], %select_n3A_992 {strides = array<i32>} : memref<2048xi32, #tpu.memory_space<vmem>>, vector<16xi32>,
    %get3A_995 = arith.constant 880 : index
    %get3A_996 = tpu.vector_load %arg9[%get3A_995] {strides = array<i32>} : memref<4096xf32, #tpu.memory_space<vmem>>, vector<16xf32>,
    %get3A_997 = arith.constant 1008 : index
    %get3A_998 = tpu.vector_load %arg9[%get3A_997] {strides = array<i32>} : memref<4096xf32, #tpu.memory_space<vmem>>, vector<16xf32>,
    %gt3A_999 = arith.cmpf ogt, %get3A_998, %get3A_996 : vector<16xf32>
    %convert_element_type3A_1000 = arith.extui %gt3A_999 : vector<16xi1> to vector<16xi32>
    %get3A_1001 = arith.constant 496 : index
    %get3A_1002 = tpu.vector_load %arg10[%get3A_1001] {strides = array<i32>} : memref<2048xf32, #tpu.memory_space<vmem>>, vector<16xf32>,
    %slice3A_1003 = vector.extract_strided_slice %bitcast3A {offsets = [15], sizes = [1], strides = [1]} : vector<16xi32> to vector<1xi32>
    %squeeze3A_1004 = vector.extract %slice3A_1003[0] : i32 from vector<1xi32>
    %broadcast_in_dim3A_1005 = vector.broadcast %squeeze3A_1004 : i32 to vector<16xi32>
    %shift_right_arithmetic3A_1006 = arith.shrsi %broadcast_in_dim3A_1005, %add3A_387 : vector<16xi32>
    %and3A_1007 = arith.constant 1 : i32
    %and3A_1008 = vector.broadcast %and3A_1007 : i32 to vector<16xi32>
    %and3A_1009 = arith.andi %shift_right_arithmetic3A_1006, %and3A_1008 : vector<16xi32>
    %gt3A_1010 = arith.cmpf ogt, %broadcast_in_dim3A, %get3A_1002 : vector<16xf32>
    %select_n3A_1011 = arith.select %gt3A_1010, %and3A_1009, %convert_element_type3A_1000 : vector<16xi1>, vector<16xi32>
    %swap3A_1012 = arith.constant 496 : index
    %swap3A_1013 = tpu.vector_load %arg13[%swap3A_1012] {strides = array<i32>} : memref<2048xi32, #tpu.memory_space<vmem>>, vector<16xi32>,
    tpu.vector_store %arg13[%swap3A_1012], %select_n3A_1011 {strides = array<i32>} : memref<2048xi32, #tpu.memory_space<vmem>>, vector<16xi32>,
    %dma_wait3A_1014 = arith.constant 1024 : i32
    %dma_wait3A_1015 = tpu.memref_slice %arg9[%dma_wait3A_1014] : memref<4096xf32, #tpu.memory_space<vmem>> -> memref<1024xf32, #tpu.memory_space<vmem>>
    %dma_wait3A_1016 = tpu.memref_slice %arg2[%add3A_39] : memref<65536xf32, #tpu.memory_space<hbm>> -> memref<1024xf32, #tpu.memory_space<hbm>>
    %dma_wait3A_1017 = arith.constant 1024 : i32
    %dma_wait3A_1018 = tpu.memref_slice %arg9[%dma_wait3A_1017] : memref<4096xf32, #tpu.memory_space<vmem>> -> memref<1024xf32, #tpu.memory_space<vmem>>
    %dma_wait3A_1019 = tpu.memref_slice %arg2[%add3A_39] : memref<65536xf32, #tpu.memory_space<hbm>> -> memref<1024xf32, #tpu.memory_space<hbm>>
    tpu.wait_dma2 semaphore(%arg16 : memref<!tpu.dma_semaphore, #tpu.memory_space<semaphore_mem>>) src(%dma_wait3A_1019 : memref<1024xf32, #tpu.memory_space<hbm>>) dst(%dma_wait3A_1018 : memref<1024xf32, #tpu.memory_space<vmem>>)
    %dma_wait3A_1020 = arith.constant 512 : i32
    %dma_wait3A_1021 = tpu.memref_slice %arg10[%dma_wait3A_1020] : memref<2048xf32, #tpu.memory_space<vmem>> -> memref<512xf32, #tpu.memory_space<vmem>>
    %dma_wait3A_1022 = tpu.memref_slice %arg3[%add3A_47] : memref<33792xf32, #tpu.memory_space<hbm>> -> memref<512xf32, #tpu.memory_space<hbm>>
    %dma_wait3A_1023 = arith.constant 512 : i32
    %dma_wait3A_1024 = tpu.memref_slice %arg10[%dma_wait3A_1023] : memref<2048xf32, #tpu.memory_space<vmem>> -> memref<512xf32, #tpu.memory_space<vmem>>
    %dma_wait3A_1025 = tpu.memref_slice %arg3[%add3A_47] : memref<33792xf32, #tpu.memory_space<hbm>> -> memref<512xf32, #tpu.memory_space<hbm>>
    tpu.wait_dma2 semaphore(%arg16 : memref<!tpu.dma_semaphore, #tpu.memory_space<semaphore_mem>>) src(%dma_wait3A_1025 : memref<512xf32, #tpu.memory_space<hbm>>) dst(%dma_wait3A_1024 : memref<512xf32, #tpu.memory_space<vmem>>)
    %dma_wait3A_1026 = arith.constant 16 : i32
    %dma_wait3A_1027 = tpu.memref_slice %arg11[%dma_wait3A_1026] : memref<64xf32, #tpu.memory_space<vmem>> -> memref<16xf32, #tpu.memory_space<vmem>>
    %dma_wait3A_1028 = tpu.memref_slice %arg3[%multiple_of3A_60] : memref<33792xf32, #tpu.memory_space<hbm>> -> memref<16xf32, #tpu.memory_space<hbm>>
    %dma_wait3A_1029 = arith.constant 16 : i32
    %dma_wait3A_1030 = tpu.memref_slice %arg11[%dma_wait3A_1029] : memref<64xf32, #tpu.memory_space<vmem>> -> memref<16xf32, #tpu.memory_space<vmem>>
    %dma_wait3A_1031 = tpu.memref_slice %arg3[%multiple_of3A_60] : memref<33792xf32, #tpu.memory_space<hbm>> -> memref<16xf32, #tpu.memory_space<hbm>>
    tpu.wait_dma2 semaphore(%arg16 : memref<!tpu.dma_semaphore, #tpu.memory_space<semaphore_mem>>) src(%dma_wait3A_1031 : memref<16xf32, #tpu.memory_space<hbm>>) dst(%dma_wait3A_1030 : memref<16xf32, #tpu.memory_space<vmem>>)
    %get3A_1032 = arith.constant 16 : index
    %get3A_1033 = tpu.vector_load %arg11[%get3A_1032] {strides = array<i32>} : memref<64xf32, #tpu.memory_space<vmem>>, vector<16xf32>,
    %bitcast3A_1034 = vector.bitcast %get3A_1033 : vector<16xf32> to vector<16xi32>
    %get3A_1035 = arith.constant 1024 : index
    %get3A_1036 = tpu.vector_load %arg9[%get3A_1035] {strides = array<i32>} : memref<4096xf32, #tpu.memory_space<vmem>>, vector<16xf32>,
    %get3A_1037 = arith.constant 1152 : index
    %get3A_1038 = tpu.vector_load %arg9[%get3A_1037] {strides = array<i32>} : memref<4096xf32, #tpu.memory_space<vmem>>, vector<16xf32>,
    %gt3A_1039 = arith.cmpf ogt, %get3A_1038, %get3A_1036 : vector<16xf32>
    %convert_element_type3A_1040 = arith.extui %gt3A_1039 : vector<16xi1> to vector<16xi32>
    %get3A_1041 = arith.constant 512 : index
    %get3A_1042 = tpu.vector_load %arg10[%get3A_1041] {strides = array<i32>} : memref<2048xf32, #tpu.memory_space<vmem>>, vector<16xf32>,
    %slice3A_1043 = vector.extract_strided_slice %bitcast3A_1034 {offsets = [0], sizes = [1], strides = [1]} : vector<16xi32> to vector<1xi32>
    %squeeze3A_1044 = vector.extract %slice3A_1043[0] : i32 from vector<1xi32>
    %broadcast_in_dim3A_1045 = vector.broadcast %squeeze3A_1044 : i32 to vector<16xi32>
    %shift_right_arithmetic3A_1046 = arith.shrsi %broadcast_in_dim3A_1045, %iota3A : vector<16xi32>
    %and3A_1047 = arith.constant 1 : i32
    %and3A_1048 = vector.broadcast %and3A_1047 : i32 to vector<16xi32>
    %and3A_1049 = arith.andi %shift_right_arithmetic3A_1046, %and3A_1048 : vector<16xi32>
    %gt3A_1050 = arith.cmpf ogt, %broadcast_in_dim3A, %get3A_1042 : vector<16xf32>
    %select_n3A_1051 = arith.select %gt3A_1050, %and3A_1049, %convert_element_type3A_1040 : vector<16xi1>, vector<16xi32>
    %swap3A_1052 = arith.constant 512 : index
    %swap3A_1053 = tpu.vector_load %arg13[%swap3A_1052] {strides = array<i32>} : memref<2048xi32, #tpu.memory_space<vmem>>, vector<16xi32>,
    tpu.vector_store %arg13[%swap3A_1052], %select_n3A_1051 {strides = array<i32>} : memref<2048xi32, #tpu.memory_space<vmem>>, vector<16xi32>,
    %get3A_1054 = arith.constant 1040 : index
    %get3A_1055 = tpu.vector_load %arg9[%get3A_1054] {strides = array<i32>} : memref<4096xf32, #tpu.memory_space<vmem>>, vector<16xf32>,
    %get3A_1056 = arith.constant 1168 : index
    %get3A_1057 = tpu.vector_load %arg9[%get3A_1056] {strides = array<i32>} : memref<4096xf32, #tpu.memory_space<vmem>>, vector<16xf32>,
    %gt3A_1058 = arith.cmpf ogt, %get3A_1057, %get3A_1055 : vector<16xf32>
    %convert_element_type3A_1059 = arith.extui %gt3A_1058 : vector<16xi1> to vector<16xi32>
    %get3A_1060 = arith.constant 528 : index
    %get3A_1061 = tpu.vector_load %arg10[%get3A_1060] {strides = array<i32>} : memref<2048xf32, #tpu.memory_space<vmem>>, vector<16xf32>,
    %slice3A_1062 = vector.extract_strided_slice %bitcast3A_1034 {offsets = [0], sizes = [1], strides = [1]} : vector<16xi32> to vector<1xi32>
    %squeeze3A_1063 = vector.extract %slice3A_1062[0] : i32 from vector<1xi32>
    %broadcast_in_dim3A_1064 = vector.broadcast %squeeze3A_1063 : i32 to vector<16xi32>
    %shift_right_arithmetic3A_1065 = arith.shrsi %broadcast_in_dim3A_1064, %add3A_387 : vector<16xi32>
    %and3A_1066 = arith.constant 1 : i32
    %and3A_1067 = vector.broadcast %and3A_1066 : i32 to vector<16xi32>
    %and3A_1068 = arith.andi %shift_right_arithmetic3A_1065, %and3A_1067 : vector<16xi32>
    %gt3A_1069 = arith.cmpf ogt, %broadcast_in_dim3A, %get3A_1061 : vector<16xf32>
    %select_n3A_1070 = arith.select %gt3A_1069, %and3A_1068, %convert_element_type3A_1059 : vector<16xi1>, vector<16xi32>
    %swap3A_1071 = arith.constant 528 : index
    %swap3A_1072 = tpu.vector_load %arg13[%swap3A_1071] {strides = array<i32>} : memref<2048xi32, #tpu.memory_space<vmem>>, vector<16xi32>,
    tpu.vector_store %arg13[%swap3A_1071], %select_n3A_1070 {strides = array<i32>} : memref<2048xi32, #tpu.memory_space<vmem>>, vector<16xi32>,
    %get3A_1073 = arith.constant 1056 : index
    %get3A_1074 = tpu.vector_load %arg9[%get3A_1073] {strides = array<i32>} : memref<4096xf32, #tpu.memory_space<vmem>>, vector<16xf32>,
    %get3A_1075 = arith.constant 1184 : index
    %get3A_1076 = tpu.vector_load %arg9[%get3A_1075] {strides = array<i32>} : memref<4096xf32, #tpu.memory_space<vmem>>, vector<16xf32>,
    %gt3A_1077 = arith.cmpf ogt, %get3A_1076, %get3A_1074 : vector<16xf32>
    %convert_element_type3A_1078 = arith.extui %gt3A_1077 : vector<16xi1> to vector<16xi32>
    %get3A_1079 = arith.constant 544 : index
    %get3A_1080 = tpu.vector_load %arg10[%get3A_1079] {strides = array<i32>} : memref<2048xf32, #tpu.memory_space<vmem>>, vector<16xf32>,
    %slice3A_1081 = vector.extract_strided_slice %bitcast3A_1034 {offsets = [1], sizes = [1], strides = [1]} : vector<16xi32> to vector<1xi32>
    %squeeze3A_1082 = vector.extract %slice3A_1081[0] : i32 from vector<1xi32>
    %broadcast_in_dim3A_1083 = vector.broadcast %squeeze3A_1082 : i32 to vector<16xi32>
    %shift_right_arithmetic3A_1084 = arith.shrsi %broadcast_in_dim3A_1083, %iota3A : vector<16xi32>
    %and3A_1085 = arith.constant 1 : i32
    %and3A_1086 = vector.broadcast %and3A_1085 : i32 to vector<16xi32>
    %and3A_1087 = arith.andi %shift_right_arithmetic3A_1084, %and3A_1086 : vector<16xi32>
    %gt3A_1088 = arith.cmpf ogt, %broadcast_in_dim3A, %get3A_1080 : vector<16xf32>
    %select_n3A_1089 = arith.select %gt3A_1088, %and3A_1087, %convert_element_type3A_1078 : vector<16xi1>, vector<16xi32>
    %swap3A_1090 = arith.constant 544 : index
    %swap3A_1091 = tpu.vector_load %arg13[%swap3A_1090] {strides = array<i32>} : memref<2048xi32, #tpu.memory_space<vmem>>, vector<16xi32>,
    tpu.vector_store %arg13[%swap3A_1090], %select_n3A_1089 {strides = array<i32>} : memref<2048xi32, #tpu.memory_space<vmem>>, vector<16xi32>,
    %get3A_1092 = arith.constant 1072 : index
    %get3A_1093 = tpu.vector_load %arg9[%get3A_1092] {strides = array<i32>} : memref<4096xf32, #tpu.memory_space<vmem>>, vector<16xf32>,
    %get3A_1094 = arith.constant 1200 : index
    %get3A_1095 = tpu.vector_load %arg9[%get3A_1094] {strides = array<i32>} : memref<4096xf32, #tpu.memory_space<vmem>>, vector<16xf32>,
    %gt3A_1096 = arith.cmpf ogt, %get3A_1095, %get3A_1093 : vector<16xf32>
    %convert_element_type3A_1097 = arith.extui %gt3A_1096 : vector<16xi1> to vector<16xi32>
    %get3A_1098 = arith.constant 560 : index
    %get3A_1099 = tpu.vector_load %arg10[%get3A_1098] {strides = array<i32>} : memref<2048xf32, #tpu.memory_space<vmem>>, vector<16xf32>,
    %slice3A_1100 = vector.extract_strided_slice %bitcast3A_1034 {offsets = [1], sizes = [1], strides = [1]} : vector<16xi32> to vector<1xi32>
    %squeeze3A_1101 = vector.extract %slice3A_1100[0] : i32 from vector<1xi32>
    %broadcast_in_dim3A_1102 = vector.broadcast %squeeze3A_1101 : i32 to vector<16xi32>
    %shift_right_arithmetic3A_1103 = arith.shrsi %broadcast_in_dim3A_1102, %add3A_387 : vector<16xi32>
    %and3A_1104 = arith.constant 1 : i32
    %and3A_1105 = vector.broadcast %and3A_1104 : i32 to vector<16xi32>
    %and3A_1106 = arith.andi %shift_right_arithmetic3A_1103, %and3A_1105 : vector<16xi32>
    %gt3A_1107 = arith.cmpf ogt, %broadcast_in_dim3A, %get3A_1099 : vector<16xf32>
    %select_n3A_1108 = arith.select %gt3A_1107, %and3A_1106, %convert_element_type3A_1097 : vector<16xi1>, vector<16xi32>
    %swap3A_1109 = arith.constant 560 : index
    %swap3A_1110 = tpu.vector_load %arg13[%swap3A_1109] {strides = array<i32>} : memref<2048xi32, #tpu.memory_space<vmem>>, vector<16xi32>,
    tpu.vector_store %arg13[%swap3A_1109], %select_n3A_1108 {strides = array<i32>} : memref<2048xi32, #tpu.memory_space<vmem>>, vector<16xi32>,
    %get3A_1111 = arith.constant 1088 : index
    %get3A_1112 = tpu.vector_load %arg9[%get3A_1111] {strides = array<i32>} : memref<4096xf32, #tpu.memory_space<vmem>>, vector<16xf32>,
    %get3A_1113 = arith.constant 1216 : index
    %get3A_1114 = tpu.vector_load %arg9[%get3A_1113] {strides = array<i32>} : memref<4096xf32, #tpu.memory_space<vmem>>, vector<16xf32>,
    %gt3A_1115 = arith.cmpf ogt, %get3A_1114, %get3A_1112 : vector<16xf32>
    %convert_element_type3A_1116 = arith.extui %gt3A_1115 : vector<16xi1> to vector<16xi32>
    %get3A_1117 = arith.constant 576 : index
    %get3A_1118 = tpu.vector_load %arg10[%get3A_1117] {strides = array<i32>} : memref<2048xf32, #tpu.memory_space<vmem>>, vector<16xf32>,
    %slice3A_1119 = vector.extract_strided_slice %bitcast3A_1034 {offsets = [2], sizes = [1], strides = [1]} : vector<16xi32> to vector<1xi32>
    %squeeze3A_1120 = vector.extract %slice3A_1119[0] : i32 from vector<1xi32>
    %broadcast_in_dim3A_1121 = vector.broadcast %squeeze3A_1120 : i32 to vector<16xi32>
    %shift_right_arithmetic3A_1122 = arith.shrsi %broadcast_in_dim3A_1121, %iota3A : vector<16xi32>
    %and3A_1123 = arith.constant 1 : i32
    %and3A_1124 = vector.broadcast %and3A_1123 : i32 to vector<16xi32>
    %and3A_1125 = arith.andi %shift_right_arithmetic3A_1122, %and3A_1124 : vector<16xi32>
    %gt3A_1126 = arith.cmpf ogt, %broadcast_in_dim3A, %get3A_1118 : vector<16xf32>
    %select_n3A_1127 = arith.select %gt3A_1126, %and3A_1125, %convert_element_type3A_1116 : vector<16xi1>, vector<16xi32>
    %swap3A_1128 = arith.constant 576 : index
    %swap3A_1129 = tpu.vector_load %arg13[%swap3A_1128] {strides = array<i32>} : memref<2048xi32, #tpu.memory_space<vmem>>, vector<16xi32>,
    tpu.vector_store %arg13[%swap3A_1128], %select_n3A_1127 {strides = array<i32>} : memref<2048xi32, #tpu.memory_space<vmem>>, vector<16xi32>,
    %get3A_1130 = arith.constant 1104 : index
    %get3A_1131 = tpu.vector_load %arg9[%get3A_1130] {strides = array<i32>} : memref<4096xf32, #tpu.memory_space<vmem>>, vector<16xf32>,
    %get3A_1132 = arith.constant 1232 : index
    %get3A_1133 = tpu.vector_load %arg9[%get3A_1132] {strides = array<i32>} : memref<4096xf32, #tpu.memory_space<vmem>>, vector<16xf32>,
    %gt3A_1134 = arith.cmpf ogt, %get3A_1133, %get3A_1131 : vector<16xf32>
    %convert_element_type3A_1135 = arith.extui %gt3A_1134 : vector<16xi1> to vector<16xi32>
    %get3A_1136 = arith.constant 592 : index
    %get3A_1137 = tpu.vector_load %arg10[%get3A_1136] {strides = array<i32>} : memref<2048xf32, #tpu.memory_space<vmem>>, vector<16xf32>,
    %slice3A_1138 = vector.extract_strided_slice %bitcast3A_1034 {offsets = [2], sizes = [1], strides = [1]} : vector<16xi32> to vector<1xi32>
    %squeeze3A_1139 = vector.extract %slice3A_1138[0] : i32 from vector<1xi32>
    %broadcast_in_dim3A_1140 = vector.broadcast %squeeze3A_1139 : i32 to vector<16xi32>
    %shift_right_arithmetic3A_1141 = arith.shrsi %broadcast_in_dim3A_1140, %add3A_387 : vector<16xi32>
    %and3A_1142 = arith.constant 1 : i32
    %and3A_1143 = vector.broadcast %and3A_1142 : i32 to vector<16xi32>
    %and3A_1144 = arith.andi %shift_right_arithmetic3A_1141, %and3A_1143 : vector<16xi32>
    %gt3A_1145 = arith.cmpf ogt, %broadcast_in_dim3A, %get3A_1137 : vector<16xf32>
    %select_n3A_1146 = arith.select %gt3A_1145, %and3A_1144, %convert_element_type3A_1135 : vector<16xi1>, vector<16xi32>
    %swap3A_1147 = arith.constant 592 : index
    %swap3A_1148 = tpu.vector_load %arg13[%swap3A_1147] {strides = array<i32>} : memref<2048xi32, #tpu.memory_space<vmem>>, vector<16xi32>,
    tpu.vector_store %arg13[%swap3A_1147], %select_n3A_1146 {strides = array<i32>} : memref<2048xi32, #tpu.memory_space<vmem>>, vector<16xi32>,
    %get3A_1149 = arith.constant 1120 : index
    %get3A_1150 = tpu.vector_load %arg9[%get3A_1149] {strides = array<i32>} : memref<4096xf32, #tpu.memory_space<vmem>>, vector<16xf32>,
    %get3A_1151 = arith.constant 1248 : index
    %get3A_1152 = tpu.vector_load %arg9[%get3A_1151] {strides = array<i32>} : memref<4096xf32, #tpu.memory_space<vmem>>, vector<16xf32>,
    %gt3A_1153 = arith.cmpf ogt, %get3A_1152, %get3A_1150 : vector<16xf32>
    %convert_element_type3A_1154 = arith.extui %gt3A_1153 : vector<16xi1> to vector<16xi32>
    %get3A_1155 = arith.constant 608 : index
    %get3A_1156 = tpu.vector_load %arg10[%get3A_1155] {strides = array<i32>} : memref<2048xf32, #tpu.memory_space<vmem>>, vector<16xf32>,
    %slice3A_1157 = vector.extract_strided_slice %bitcast3A_1034 {offsets = [3], sizes = [1], strides = [1]} : vector<16xi32> to vector<1xi32>
    %squeeze3A_1158 = vector.extract %slice3A_1157[0] : i32 from vector<1xi32>
    %broadcast_in_dim3A_1159 = vector.broadcast %squeeze3A_1158 : i32 to vector<16xi32>
    %shift_right_arithmetic3A_1160 = arith.shrsi %broadcast_in_dim3A_1159, %iota3A : vector<16xi32>
    %and3A_1161 = arith.constant 1 : i32
    %and3A_1162 = vector.broadcast %and3A_1161 : i32 to vector<16xi32>
    %and3A_1163 = arith.andi %shift_right_arithmetic3A_1160, %and3A_1162 : vector<16xi32>
    %gt3A_1164 = arith.cmpf ogt, %broadcast_in_dim3A, %get3A_1156 : vector<16xf32>
    %select_n3A_1165 = arith.select %gt3A_1164, %and3A_1163, %convert_element_type3A_1154 : vector<16xi1>, vector<16xi32>
    %swap3A_1166 = arith.constant 608 : index
    %swap3A_1167 = tpu.vector_load %arg13[%swap3A_1166] {strides = array<i32>} : memref<2048xi32, #tpu.memory_space<vmem>>, vector<16xi32>,
    tpu.vector_store %arg13[%swap3A_1166], %select_n3A_1165 {strides = array<i32>} : memref<2048xi32, #tpu.memory_space<vmem>>, vector<16xi32>,
    %get3A_1168 = arith.constant 1136 : index
    %get3A_1169 = tpu.vector_load %arg9[%get3A_1168] {strides = array<i32>} : memref<4096xf32, #tpu.memory_space<vmem>>, vector<16xf32>,
    %get3A_1170 = arith.constant 1264 : index
    %get3A_1171 = tpu.vector_load %arg9[%get3A_1170] {strides = array<i32>} : memref<4096xf32, #tpu.memory_space<vmem>>, vector<16xf32>,
    %gt3A_1172 = arith.cmpf ogt, %get3A_1171, %get3A_1169 : vector<16xf32>
    %convert_element_type3A_1173 = arith.extui %gt3A_1172 : vector<16xi1> to vector<16xi32>
    %get3A_1174 = arith.constant 624 : index
    %get3A_1175 = tpu.vector_load %arg10[%get3A_1174] {strides = array<i32>} : memref<2048xf32, #tpu.memory_space<vmem>>, vector<16xf32>,
    %slice3A_1176 = vector.extract_strided_slice %bitcast3A_1034 {offsets = [3], sizes = [1], strides = [1]} : vector<16xi32> to vector<1xi32>
    %squeeze3A_1177 = vector.extract %slice3A_1176[0] : i32 from vector<1xi32>
    %broadcast_in_dim3A_1178 = vector.broadcast %squeeze3A_1177 : i32 to vector<16xi32>
    %shift_right_arithmetic3A_1179 = arith.shrsi %broadcast_in_dim3A_1178, %add3A_387 : vector<16xi32>
    %and3A_1180 = arith.constant 1 : i32
    %and3A_1181 = vector.broadcast %and3A_1180 : i32 to vector<16xi32>
    %and3A_1182 = arith.andi %shift_right_arithmetic3A_1179, %and3A_1181 : vector<16xi32>
    %gt3A_1183 = arith.cmpf ogt, %broadcast_in_dim3A, %get3A_1175 : vector<16xf32>
    %select_n3A_1184 = arith.select %gt3A_1183, %and3A_1182, %convert_element_type3A_1173 : vector<16xi1>, vector<16xi32>
    %swap3A_1185 = arith.constant 624 : index
    %swap3A_1186 = tpu.vector_load %arg13[%swap3A_1185] {strides = array<i32>} : memref<2048xi32, #tpu.memory_space<vmem>>, vector<16xi32>,
    tpu.vector_store %arg13[%swap3A_1185], %select_n3A_1184 {strides = array<i32>} : memref<2048xi32, #tpu.memory_space<vmem>>, vector<16xi32>,
    %get3A_1187 = arith.constant 1280 : index
    %get3A_1188 = tpu.vector_load %arg9[%get3A_1187] {strides = array<i32>} : memref<4096xf32, #tpu.memory_space<vmem>>, vector<16xf32>,
    %get3A_1189 = arith.constant 1408 : index
    %get3A_1190 = tpu.vector_load %arg9[%get3A_1189] {strides = array<i32>} : memref<4096xf32, #tpu.memory_space<vmem>>, vector<16xf32>,
    %gt3A_1191 = arith.cmpf ogt, %get3A_1190, %get3A_1188 : vector<16xf32>
    %convert_element_type3A_1192 = arith.extui %gt3A_1191 : vector<16xi1> to vector<16xi32>
    %get3A_1193 = arith.constant 640 : index
    %get3A_1194 = tpu.vector_load %arg10[%get3A_1193] {strides = array<i32>} : memref<2048xf32, #tpu.memory_space<vmem>>, vector<16xf32>,
    %slice3A_1195 = vector.extract_strided_slice %bitcast3A_1034 {offsets = [4], sizes = [1], strides = [1]} : vector<16xi32> to vector<1xi32>
    %squeeze3A_1196 = vector.extract %slice3A_1195[0] : i32 from vector<1xi32>
    %broadcast_in_dim3A_1197 = vector.broadcast %squeeze3A_1196 : i32 to vector<16xi32>
    %shift_right_arithmetic3A_1198 = arith.shrsi %broadcast_in_dim3A_1197, %iota3A : vector<16xi32>
    %and3A_1199 = arith.constant 1 : i32
    %and3A_1200 = vector.broadcast %and3A_1199 : i32 to vector<16xi32>
    %and3A_1201 = arith.andi %shift_right_arithmetic3A_1198, %and3A_1200 : vector<16xi32>
    %gt3A_1202 = arith.cmpf ogt, %broadcast_in_dim3A, %get3A_1194 : vector<16xf32>
    %select_n3A_1203 = arith.select %gt3A_1202, %and3A_1201, %convert_element_type3A_1192 : vector<16xi1>, vector<16xi32>
    %swap3A_1204 = arith.constant 640 : index
    %swap3A_1205 = tpu.vector_load %arg13[%swap3A_1204] {strides = array<i32>} : memref<2048xi32, #tpu.memory_space<vmem>>, vector<16xi32>,
    tpu.vector_store %arg13[%swap3A_1204], %select_n3A_1203 {strides = array<i32>} : memref<2048xi32, #tpu.memory_space<vmem>>, vector<16xi32>,
    %get3A_1206 = arith.constant 1296 : index
    %get3A_1207 = tpu.vector_load %arg9[%get3A_1206] {strides = array<i32>} : memref<4096xf32, #tpu.memory_space<vmem>>, vector<16xf32>,
    %get3A_1208 = arith.constant 1424 : index
    %get3A_1209 = tpu.vector_load %arg9[%get3A_1208] {strides = array<i32>} : memref<4096xf32, #tpu.memory_space<vmem>>, vector<16xf32>,
    %gt3A_1210 = arith.cmpf ogt, %get3A_1209, %get3A_1207 : vector<16xf32>
    %convert_element_type3A_1211 = arith.extui %gt3A_1210 : vector<16xi1> to vector<16xi32>
    %get3A_1212 = arith.constant 656 : index
    %get3A_1213 = tpu.vector_load %arg10[%get3A_1212] {strides = array<i32>} : memref<2048xf32, #tpu.memory_space<vmem>>, vector<16xf32>,
    %slice3A_1214 = vector.extract_strided_slice %bitcast3A_1034 {offsets = [4], sizes = [1], strides = [1]} : vector<16xi32> to vector<1xi32>
    %squeeze3A_1215 = vector.extract %slice3A_1214[0] : i32 from vector<1xi32>
    %broadcast_in_dim3A_1216 = vector.broadcast %squeeze3A_1215 : i32 to vector<16xi32>
    %shift_right_arithmetic3A_1217 = arith.shrsi %broadcast_in_dim3A_1216, %add3A_387 : vector<16xi32>
    %and3A_1218 = arith.constant 1 : i32
    %and3A_1219 = vector.broadcast %and3A_1218 : i32 to vector<16xi32>
    %and3A_1220 = arith.andi %shift_right_arithmetic3A_1217, %and3A_1219 : vector<16xi32>
    %gt3A_1221 = arith.cmpf ogt, %broadcast_in_dim3A, %get3A_1213 : vector<16xf32>
    %select_n3A_1222 = arith.select %gt3A_1221, %and3A_1220, %convert_element_type3A_1211 : vector<16xi1>, vector<16xi32>
    %swap3A_1223 = arith.constant 656 : index
    %swap3A_1224 = tpu.vector_load %arg13[%swap3A_1223] {strides = array<i32>} : memref<2048xi32, #tpu.memory_space<vmem>>, vector<16xi32>,
    tpu.vector_store %arg13[%swap3A_1223], %select_n3A_1222 {strides = array<i32>} : memref<2048xi32, #tpu.memory_space<vmem>>, vector<16xi32>,
    %get3A_1225 = arith.constant 1312 : index
    %get3A_1226 = tpu.vector_load %arg9[%get3A_1225] {strides = array<i32>} : memref<4096xf32, #tpu.memory_space<vmem>>, vector<16xf32>,
    %get3A_1227 = arith.constant 1440 : index
    %get3A_1228 = tpu.vector_load %arg9[%get3A_1227] {strides = array<i32>} : memref<4096xf32, #tpu.memory_space<vmem>>, vector<16xf32>,
    %gt3A_1229 = arith.cmpf ogt, %get3A_1228, %get3A_1226 : vector<16xf32>
    %convert_element_type3A_1230 = arith.extui %gt3A_1229 : vector<16xi1> to vector<16xi32>
    %get3A_1231 = arith.constant 672 : index
    %get3A_1232 = tpu.vector_load %arg10[%get3A_1231] {strides = array<i32>} : memref<2048xf32, #tpu.memory_space<vmem>>, vector<16xf32>,
    %slice3A_1233 = vector.extract_strided_slice %bitcast3A_1034 {offsets = [5], sizes = [1], strides = [1]} : vector<16xi32> to vector<1xi32>
    %squeeze3A_1234 = vector.extract %slice3A_1233[0] : i32 from vector<1xi32>
    %broadcast_in_dim3A_1235 = vector.broadcast %squeeze3A_1234 : i32 to vector<16xi32>
    %shift_right_arithmetic3A_1236 = arith.shrsi %broadcast_in_dim3A_1235, %iota3A : vector<16xi32>
    %and3A_1237 = arith.constant 1 : i32
    %and3A_1238 = vector.broadcast %and3A_1237 : i32 to vector<16xi32>
    %and3A_1239 = arith.andi %shift_right_arithmetic3A_1236, %and3A_1238 : vector<16xi32>
    %gt3A_1240 = arith.cmpf ogt, %broadcast_in_dim3A, %get3A_1232 : vector<16xf32>
    %select_n3A_1241 = arith.select %gt3A_1240, %and3A_1239, %convert_element_type3A_1230 : vector<16xi1>, vector<16xi32>
    %swap3A_1242 = arith.constant 672 : index
    %swap3A_1243 = tpu.vector_load %arg13[%swap3A_1242] {strides = array<i32>} : memref<2048xi32, #tpu.memory_space<vmem>>, vector<16xi32>,
    tpu.vector_store %arg13[%swap3A_1242], %select_n3A_1241 {strides = array<i32>} : memref<2048xi32, #tpu.memory_space<vmem>>, vector<16xi32>,
    %get3A_1244 = arith.constant 1328 : index
    %get3A_1245 = tpu.vector_load %arg9[%get3A_1244] {strides = array<i32>} : memref<4096xf32, #tpu.memory_space<vmem>>, vector<16xf32>,
    %get3A_1246 = arith.constant 1456 : index
    %get3A_1247 = tpu.vector_load %arg9[%get3A_1246] {strides = array<i32>} : memref<4096xf32, #tpu.memory_space<vmem>>, vector<16xf32>,
    %gt3A_1248 = arith.cmpf ogt, %get3A_1247, %get3A_1245 : vector<16xf32>
    %convert_element_type3A_1249 = arith.extui %gt3A_1248 : vector<16xi1> to vector<16xi32>
    %get3A_1250 = arith.constant 688 : index
    %get3A_1251 = tpu.vector_load %arg10[%get3A_1250] {strides = array<i32>} : memref<2048xf32, #tpu.memory_space<vmem>>, vector<16xf32>,
    %slice3A_1252 = vector.extract_strided_slice %bitcast3A_1034 {offsets = [5], sizes = [1], strides = [1]} : vector<16xi32> to vector<1xi32>
    %squeeze3A_1253 = vector.extract %slice3A_1252[0] : i32 from vector<1xi32>
    %broadcast_in_dim3A_1254 = vector.broadcast %squeeze3A_1253 : i32 to vector<16xi32>
    %shift_right_arithmetic3A_1255 = arith.shrsi %broadcast_in_dim3A_1254, %add3A_387 : vector<16xi32>
    %and3A_1256 = arith.constant 1 : i32
    %and3A_1257 = vector.broadcast %and3A_1256 : i32 to vector<16xi32>
    %and3A_1258 = arith.andi %shift_right_arithmetic3A_1255, %and3A_1257 : vector<16xi32>
    %gt3A_1259 = arith.cmpf ogt, %broadcast_in_dim3A, %get3A_1251 : vector<16xf32>
    %select_n3A_1260 = arith.select %gt3A_1259, %and3A_1258, %convert_element_type3A_1249 : vector<16xi1>, vector<16xi32>
    %swap3A_1261 = arith.constant 688 : index
    %swap3A_1262 = tpu.vector_load %arg13[%swap3A_1261] {strides = array<i32>} : memref<2048xi32, #tpu.memory_space<vmem>>, vector<16xi32>,
    tpu.vector_store %arg13[%swap3A_1261], %select_n3A_1260 {strides = array<i32>} : memref<2048xi32, #tpu.memory_space<vmem>>, vector<16xi32>,
    %get3A_1263 = arith.constant 1344 : index
    %get3A_1264 = tpu.vector_load %arg9[%get3A_1263] {strides = array<i32>} : memref<4096xf32, #tpu.memory_space<vmem>>, vector<16xf32>,
    %get3A_1265 = arith.constant 1472 : index
    %get3A_1266 = tpu.vector_load %arg9[%get3A_1265] {strides = array<i32>} : memref<4096xf32, #tpu.memory_space<vmem>>, vector<16xf32>,
    %gt3A_1267 = arith.cmpf ogt, %get3A_1266, %get3A_1264 : vector<16xf32>
    %convert_element_type3A_1268 = arith.extui %gt3A_1267 : vector<16xi1> to vector<16xi32>
    %get3A_1269 = arith.constant 704 : index
    %get3A_1270 = tpu.vector_load %arg10[%get3A_1269] {strides = array<i32>} : memref<2048xf32, #tpu.memory_space<vmem>>, vector<16xf32>,
    %slice3A_1271 = vector.extract_strided_slice %bitcast3A_1034 {offsets = [6], sizes = [1], strides = [1]} : vector<16xi32> to vector<1xi32>
    %squeeze3A_1272 = vector.extract %slice3A_1271[0] : i32 from vector<1xi32>
    %broadcast_in_dim3A_1273 = vector.broadcast %squeeze3A_1272 : i32 to vector<16xi32>
    %shift_right_arithmetic3A_1274 = arith.shrsi %broadcast_in_dim3A_1273, %iota3A : vector<16xi32>
    %and3A_1275 = arith.constant 1 : i32
    %and3A_1276 = vector.broadcast %and3A_1275 : i32 to vector<16xi32>
    %and3A_1277 = arith.andi %shift_right_arithmetic3A_1274, %and3A_1276 : vector<16xi32>
    %gt3A_1278 = arith.cmpf ogt, %broadcast_in_dim3A, %get3A_1270 : vector<16xf32>
    %select_n3A_1279 = arith.select %gt3A_1278, %and3A_1277, %convert_element_type3A_1268 : vector<16xi1>, vector<16xi32>
    %swap3A_1280 = arith.constant 704 : index
    %swap3A_1281 = tpu.vector_load %arg13[%swap3A_1280] {strides = array<i32>} : memref<2048xi32, #tpu.memory_space<vmem>>, vector<16xi32>,
    tpu.vector_store %arg13[%swap3A_1280], %select_n3A_1279 {strides = array<i32>} : memref<2048xi32, #tpu.memory_space<vmem>>, vector<16xi32>,
    %get3A_1282 = arith.constant 1360 : index
    %get3A_1283 = tpu.vector_load %arg9[%get3A_1282] {strides = array<i32>} : memref<4096xf32, #tpu.memory_space<vmem>>, vector<16xf32>,
    %get3A_1284 = arith.constant 1488 : index
    %get3A_1285 = tpu.vector_load %arg9[%get3A_1284] {strides = array<i32>} : memref<4096xf32, #tpu.memory_space<vmem>>, vector<16xf32>,
    %gt3A_1286 = arith.cmpf ogt, %get3A_1285, %get3A_1283 : vector<16xf32>
    %convert_element_type3A_1287 = arith.extui %gt3A_1286 : vector<16xi1> to vector<16xi32>
    %get3A_1288 = arith.constant 720 : index
    %get3A_1289 = tpu.vector_load %arg10[%get3A_1288] {strides = array<i32>} : memref<2048xf32, #tpu.memory_space<vmem>>, vector<16xf32>,
    %slice3A_1290 = vector.extract_strided_slice %bitcast3A_1034 {offsets = [6], sizes = [1], strides = [1]} : vector<16xi32> to vector<1xi32>
    %squeeze3A_1291 = vector.extract %slice3A_1290[0] : i32 from vector<1xi32>
    %broadcast_in_dim3A_1292 = vector.broadcast %squeeze3A_1291 : i32 to vector<16xi32>
    %shift_right_arithmetic3A_1293 = arith.shrsi %broadcast_in_dim3A_1292, %add3A_387 : vector<16xi32>
    %and3A_1294 = arith.constant 1 : i32
    %and3A_1295 = vector.broadcast %and3A_1294 : i32 to vector<16xi32>
    %and3A_1296 = arith.andi %shift_right_arithmetic3A_1293, %and3A_1295 : vector<16xi32>
    %gt3A_1297 = arith.cmpf ogt, %broadcast_in_dim3A, %get3A_1289 : vector<16xf32>
    %select_n3A_1298 = arith.select %gt3A_1297, %and3A_1296, %convert_element_type3A_1287 : vector<16xi1>, vector<16xi32>
    %swap3A_1299 = arith.constant 720 : index
    %swap3A_1300 = tpu.vector_load %arg13[%swap3A_1299] {strides = array<i32>} : memref<2048xi32, #tpu.memory_space<vmem>>, vector<16xi32>,
    tpu.vector_store %arg13[%swap3A_1299], %select_n3A_1298 {strides = array<i32>} : memref<2048xi32, #tpu.memory_space<vmem>>, vector<16xi32>,
    %get3A_1301 = arith.constant 1376 : index
    %get3A_1302 = tpu.vector_load %arg9[%get3A_1301] {strides = array<i32>} : memref<4096xf32, #tpu.memory_space<vmem>>, vector<16xf32>,
    %get3A_1303 = arith.constant 1504 : index
    %get3A_1304 = tpu.vector_load %arg9[%get3A_1303] {strides = array<i32>} : memref<4096xf32, #tpu.memory_space<vmem>>, vector<16xf32>,
    %gt3A_1305 = arith.cmpf ogt, %get3A_1304, %get3A_1302 : vector<16xf32>
    %convert_element_type3A_1306 = arith.extui %gt3A_1305 : vector<16xi1> to vector<16xi32>
    %get3A_1307 = arith.constant 736 : index
    %get3A_1308 = tpu.vector_load %arg10[%get3A_1307] {strides = array<i32>} : memref<2048xf32, #tpu.memory_space<vmem>>, vector<16xf32>,
    %slice3A_1309 = vector.extract_strided_slice %bitcast3A_1034 {offsets = [7], sizes = [1], strides = [1]} : vector<16xi32> to vector<1xi32>
    %squeeze3A_1310 = vector.extract %slice3A_1309[0] : i32 from vector<1xi32>
    %broadcast_in_dim3A_1311 = vector.broadcast %squeeze3A_1310 : i32 to vector<16xi32>
    %shift_right_arithmetic3A_1312 = arith.shrsi %broadcast_in_dim3A_1311, %iota3A : vector<16xi32>
    %and3A_1313 = arith.constant 1 : i32
    %and3A_1314 = vector.broadcast %and3A_1313 : i32 to vector<16xi32>
    %and3A_1315 = arith.andi %shift_right_arithmetic3A_1312, %and3A_1314 : vector<16xi32>
    %gt3A_1316 = arith.cmpf ogt, %broadcast_in_dim3A, %get3A_1308 : vector<16xf32>
    %select_n3A_1317 = arith.select %gt3A_1316, %and3A_1315, %convert_element_type3A_1306 : vector<16xi1>, vector<16xi32>
    %swap3A_1318 = arith.constant 736 : index
    %swap3A_1319 = tpu.vector_load %arg13[%swap3A_1318] {strides = array<i32>} : memref<2048xi32, #tpu.memory_space<vmem>>, vector<16xi32>,
    tpu.vector_store %arg13[%swap3A_1318], %select_n3A_1317 {strides = array<i32>} : memref<2048xi32, #tpu.memory_space<vmem>>, vector<16xi32>,
    %get3A_1320 = arith.constant 1392 : index
    %get3A_1321 = tpu.vector_load %arg9[%get3A_1320] {strides = array<i32>} : memref<4096xf32, #tpu.memory_space<vmem>>, vector<16xf32>,
    %get3A_1322 = arith.constant 1520 : index
    %get3A_1323 = tpu.vector_load %arg9[%get3A_1322] {strides = array<i32>} : memref<4096xf32, #tpu.memory_space<vmem>>, vector<16xf32>,
    %gt3A_1324 = arith.cmpf ogt, %get3A_1323, %get3A_1321 : vector<16xf32>
    %convert_element_type3A_1325 = arith.extui %gt3A_1324 : vector<16xi1> to vector<16xi32>
    %get3A_1326 = arith.constant 752 : index
    %get3A_1327 = tpu.vector_load %arg10[%get3A_1326] {strides = array<i32>} : memref<2048xf32, #tpu.memory_space<vmem>>, vector<16xf32>,
    %slice3A_1328 = vector.extract_strided_slice %bitcast3A_1034 {offsets = [7], sizes = [1], strides = [1]} : vector<16xi32> to vector<1xi32>
    %squeeze3A_1329 = vector.extract %slice3A_1328[0] : i32 from vector<1xi32>
    %broadcast_in_dim3A_1330 = vector.broadcast %squeeze3A_1329 : i32 to vector<16xi32>
    %shift_right_arithmetic3A_1331 = arith.shrsi %broadcast_in_dim3A_1330, %add3A_387 : vector<16xi32>
    %and3A_1332 = arith.constant 1 : i32
    %and3A_1333 = vector.broadcast %and3A_1332 : i32 to vector<16xi32>
    %and3A_1334 = arith.andi %shift_right_arithmetic3A_1331, %and3A_1333 : vector<16xi32>
    %gt3A_1335 = arith.cmpf ogt, %broadcast_in_dim3A, %get3A_1327 : vector<16xf32>
    %select_n3A_1336 = arith.select %gt3A_1335, %and3A_1334, %convert_element_type3A_1325 : vector<16xi1>, vector<16xi32>
    %swap3A_1337 = arith.constant 752 : index
    %swap3A_1338 = tpu.vector_load %arg13[%swap3A_1337] {strides = array<i32>} : memref<2048xi32, #tpu.memory_space<vmem>>, vector<16xi32>,
    tpu.vector_store %arg13[%swap3A_1337], %select_n3A_1336 {strides = array<i32>} : memref<2048xi32, #tpu.memory_space<vmem>>, vector<16xi32>,
    %get3A_1339 = arith.constant 1536 : index
    %get3A_1340 = tpu.vector_load %arg9[%get3A_1339] {strides = array<i32>} : memref<4096xf32, #tpu.memory_space<vmem>>, vector<16xf32>,
    %get3A_1341 = arith.constant 1664 : index
    %get3A_1342 = tpu.vector_load %arg9[%get3A_1341] {strides = array<i32>} : memref<4096xf32, #tpu.memory_space<vmem>>, vector<16xf32>,
    %gt3A_1343 = arith.cmpf ogt, %get3A_1342, %get3A_1340 : vector<16xf32>
    %convert_element_type3A_1344 = arith.extui %gt3A_1343 : vector<16xi1> to vector<16xi32>
    %get3A_1345 = arith.constant 768 : index
    %get3A_1346 = tpu.vector_load %arg10[%get3A_1345] {strides = array<i32>} : memref<2048xf32, #tpu.memory_space<vmem>>, vector<16xf32>,
    %slice3A_1347 = vector.extract_strided_slice %bitcast3A_1034 {offsets = [8], sizes = [1], strides = [1]} : vector<16xi32> to vector<1xi32>
    %squeeze3A_1348 = vector.extract %slice3A_1347[0] : i32 from vector<1xi32>
    %broadcast_in_dim3A_1349 = vector.broadcast %squeeze3A_1348 : i32 to vector<16xi32>
    %shift_right_arithmetic3A_1350 = arith.shrsi %broadcast_in_dim3A_1349, %iota3A : vector<16xi32>
    %and3A_1351 = arith.constant 1 : i32
    %and3A_1352 = vector.broadcast %and3A_1351 : i32 to vector<16xi32>
    %and3A_1353 = arith.andi %shift_right_arithmetic3A_1350, %and3A_1352 : vector<16xi32>
    %gt3A_1354 = arith.cmpf ogt, %broadcast_in_dim3A, %get3A_1346 : vector<16xf32>
    %select_n3A_1355 = arith.select %gt3A_1354, %and3A_1353, %convert_element_type3A_1344 : vector<16xi1>, vector<16xi32>
    %swap3A_1356 = arith.constant 768 : index
    %swap3A_1357 = tpu.vector_load %arg13[%swap3A_1356] {strides = array<i32>} : memref<2048xi32, #tpu.memory_space<vmem>>, vector<16xi32>,
    tpu.vector_store %arg13[%swap3A_1356], %select_n3A_1355 {strides = array<i32>} : memref<2048xi32, #tpu.memory_space<vmem>>, vector<16xi32>,
    %get3A_1358 = arith.constant 1552 : index
    %get3A_1359 = tpu.vector_load %arg9[%get3A_1358] {strides = array<i32>} : memref<4096xf32, #tpu.memory_space<vmem>>, vector<16xf32>,
    %get3A_1360 = arith.constant 1680 : index
    %get3A_1361 = tpu.vector_load %arg9[%get3A_1360] {strides = array<i32>} : memref<4096xf32, #tpu.memory_space<vmem>>, vector<16xf32>,
    %gt3A_1362 = arith.cmpf ogt, %get3A_1361, %get3A_1359 : vector<16xf32>
    %convert_element_type3A_1363 = arith.extui %gt3A_1362 : vector<16xi1> to vector<16xi32>
    %get3A_1364 = arith.constant 784 : index
    %get3A_1365 = tpu.vector_load %arg10[%get3A_1364] {strides = array<i32>} : memref<2048xf32, #tpu.memory_space<vmem>>, vector<16xf32>,
    %slice3A_1366 = vector.extract_strided_slice %bitcast3A_1034 {offsets = [8], sizes = [1], strides = [1]} : vector<16xi32> to vector<1xi32>
    %squeeze3A_1367 = vector.extract %slice3A_1366[0] : i32 from vector<1xi32>
    %broadcast_in_dim3A_1368 = vector.broadcast %squeeze3A_1367 : i32 to vector<16xi32>
    %shift_right_arithmetic3A_1369 = arith.shrsi %broadcast_in_dim3A_1368, %add3A_387 : vector<16xi32>
    %and3A_1370 = arith.constant 1 : i32
    %and3A_1371 = vector.broadcast %and3A_1370 : i32 to vector<16xi32>
    %and3A_1372 = arith.andi %shift_right_arithmetic3A_1369, %and3A_1371 : vector<16xi32>
    %gt3A_1373 = arith.cmpf ogt, %broadcast_in_dim3A, %get3A_1365 : vector<16xf32>
    %select_n3A_1374 = arith.select %gt3A_1373, %and3A_1372, %convert_element_type3A_1363 : vector<16xi1>, vector<16xi32>
    %swap3A_1375 = arith.constant 784 : index
    %swap3A_1376 = tpu.vector_load %arg13[%swap3A_1375] {strides = array<i32>} : memref<2048xi32, #tpu.memory_space<vmem>>, vector<16xi32>,
    tpu.vector_store %arg13[%swap3A_1375], %select_n3A_1374 {strides = array<i32>} : memref<2048xi32, #tpu.memory_space<vmem>>, vector<16xi32>,
    %get3A_1377 = arith.constant 1568 : index
    %get3A_1378 = tpu.vector_load %arg9[%get3A_1377] {strides = array<i32>} : memref<4096xf32, #tpu.memory_space<vmem>>, vector<16xf32>,
    %get3A_1379 = arith.constant 1696 : index
    %get3A_1380 = tpu.vector_load %arg9[%get3A_1379] {strides = array<i32>} : memref<4096xf32, #tpu.memory_space<vmem>>, vector<16xf32>,
    %gt3A_1381 = arith.cmpf ogt, %get3A_1380, %get3A_1378 : vector<16xf32>
    %convert_element_type3A_1382 = arith.extui %gt3A_1381 : vector<16xi1> to vector<16xi32>
    %get3A_1383 = arith.constant 800 : index
    %get3A_1384 = tpu.vector_load %arg10[%get3A_1383] {strides = array<i32>} : memref<2048xf32, #tpu.memory_space<vmem>>, vector<16xf32>,
    %slice3A_1385 = vector.extract_strided_slice %bitcast3A_1034 {offsets = [9], sizes = [1], strides = [1]} : vector<16xi32> to vector<1xi32>
    %squeeze3A_1386 = vector.extract %slice3A_1385[0] : i32 from vector<1xi32>
    %broadcast_in_dim3A_1387 = vector.broadcast %squeeze3A_1386 : i32 to vector<16xi32>
    %shift_right_arithmetic3A_1388 = arith.shrsi %broadcast_in_dim3A_1387, %iota3A : vector<16xi32>
    %and3A_1389 = arith.constant 1 : i32
    %and3A_1390 = vector.broadcast %and3A_1389 : i32 to vector<16xi32>
    %and3A_1391 = arith.andi %shift_right_arithmetic3A_1388, %and3A_1390 : vector<16xi32>
    %gt3A_1392 = arith.cmpf ogt, %broadcast_in_dim3A, %get3A_1384 : vector<16xf32>
    %select_n3A_1393 = arith.select %gt3A_1392, %and3A_1391, %convert_element_type3A_1382 : vector<16xi1>, vector<16xi32>
    %swap3A_1394 = arith.constant 800 : index
    %swap3A_1395 = tpu.vector_load %arg13[%swap3A_1394] {strides = array<i32>} : memref<2048xi32, #tpu.memory_space<vmem>>, vector<16xi32>,
    tpu.vector_store %arg13[%swap3A_1394], %select_n3A_1393 {strides = array<i32>} : memref<2048xi32, #tpu.memory_space<vmem>>, vector<16xi32>,
    %get3A_1396 = arith.constant 1584 : index
    %get3A_1397 = tpu.vector_load %arg9[%get3A_1396] {strides = array<i32>} : memref<4096xf32, #tpu.memory_space<vmem>>, vector<16xf32>,
    %get3A_1398 = arith.constant 1712 : index
    %get3A_1399 = tpu.vector_load %arg9[%get3A_1398] {strides = array<i32>} : memref<4096xf32, #tpu.memory_space<vmem>>, vector<16xf32>,
    %gt3A_1400 = arith.cmpf ogt, %get3A_1399, %get3A_1397 : vector<16xf32>
    %convert_element_type3A_1401 = arith.extui %gt3A_1400 : vector<16xi1> to vector<16xi32>
    %get3A_1402 = arith.constant 816 : index
    %get3A_1403 = tpu.vector_load %arg10[%get3A_1402] {strides = array<i32>} : memref<2048xf32, #tpu.memory_space<vmem>>, vector<16xf32>,
    %slice3A_1404 = vector.extract_strided_slice %bitcast3A_1034 {offsets = [9], sizes = [1], strides = [1]} : vector<16xi32> to vector<1xi32>
    %squeeze3A_1405 = vector.extract %slice3A_1404[0] : i32 from vector<1xi32>
    %broadcast_in_dim3A_1406 = vector.broadcast %squeeze3A_1405 : i32 to vector<16xi32>
    %shift_right_arithmetic3A_1407 = arith.shrsi %broadcast_in_dim3A_1406, %add3A_387 : vector<16xi32>
    %and3A_1408 = arith.constant 1 : i32
    %and3A_1409 = vector.broadcast %and3A_1408 : i32 to vector<16xi32>
    %and3A_1410 = arith.andi %shift_right_arithmetic3A_1407, %and3A_1409 : vector<16xi32>
    %gt3A_1411 = arith.cmpf ogt, %broadcast_in_dim3A, %get3A_1403 : vector<16xf32>
    %select_n3A_1412 = arith.select %gt3A_1411, %and3A_1410, %convert_element_type3A_1401 : vector<16xi1>, vector<16xi32>
    %swap3A_1413 = arith.constant 816 : index
    %swap3A_1414 = tpu.vector_load %arg13[%swap3A_1413] {strides = array<i32>} : memref<2048xi32, #tpu.memory_space<vmem>>, vector<16xi32>,
    tpu.vector_store %arg13[%swap3A_1413], %select_n3A_1412 {strides = array<i32>} : memref<2048xi32, #tpu.memory_space<vmem>>, vector<16xi32>,
    %get3A_1415 = arith.constant 1600 : index
    %get3A_1416 = tpu.vector_load %arg9[%get3A_1415] {strides = array<i32>} : memref<4096xf32, #tpu.memory_space<vmem>>, vector<16xf32>,
    %get3A_1417 = arith.constant 1728 : index
    %get3A_1418 = tpu.vector_load %arg9[%get3A_1417] {strides = array<i32>} : memref<4096xf32, #tpu.memory_space<vmem>>, vector<16xf32>,
    %gt3A_1419 = arith.cmpf ogt, %get3A_1418, %get3A_1416 : vector<16xf32>
    %convert_element_type3A_1420 = arith.extui %gt3A_1419 : vector<16xi1> to vector<16xi32>
    %get3A_1421 = arith.constant 832 : index
    %get3A_1422 = tpu.vector_load %arg10[%get3A_1421] {strides = array<i32>} : memref<2048xf32, #tpu.memory_space<vmem>>, vector<16xf32>,
    %slice3A_1423 = vector.extract_strided_slice %bitcast3A_1034 {offsets = [10], sizes = [1], strides = [1]} : vector<16xi32> to vector<1xi32>
    %squeeze3A_1424 = vector.extract %slice3A_1423[0] : i32 from vector<1xi32>
    %broadcast_in_dim3A_1425 = vector.broadcast %squeeze3A_1424 : i32 to vector<16xi32>
    %shift_right_arithmetic3A_1426 = arith.shrsi %broadcast_in_dim3A_1425, %iota3A : vector<16xi32>
    %and3A_1427 = arith.constant 1 : i32
    %and3A_1428 = vector.broadcast %and3A_1427 : i32 to vector<16xi32>
    %and3A_1429 = arith.andi %shift_right_arithmetic3A_1426, %and3A_1428 : vector<16xi32>
    %gt3A_1430 = arith.cmpf ogt, %broadcast_in_dim3A, %get3A_1422 : vector<16xf32>
    %select_n3A_1431 = arith.select %gt3A_1430, %and3A_1429, %convert_element_type3A_1420 : vector<16xi1>, vector<16xi32>
    %swap3A_1432 = arith.constant 832 : index
    %swap3A_1433 = tpu.vector_load %arg13[%swap3A_1432] {strides = array<i32>} : memref<2048xi32, #tpu.memory_space<vmem>>, vector<16xi32>,
    tpu.vector_store %arg13[%swap3A_1432], %select_n3A_1431 {strides = array<i32>} : memref<2048xi32, #tpu.memory_space<vmem>>, vector<16xi32>,
    %get3A_1434 = arith.constant 1616 : index
    %get3A_1435 = tpu.vector_load %arg9[%get3A_1434] {strides = array<i32>} : memref<4096xf32, #tpu.memory_space<vmem>>, vector<16xf32>,
    %get3A_1436 = arith.constant 1744 : index
    %get3A_1437 = tpu.vector_load %arg9[%get3A_1436] {strides = array<i32>} : memref<4096xf32, #tpu.memory_space<vmem>>, vector<16xf32>,
    %gt3A_1438 = arith.cmpf ogt, %get3A_1437, %get3A_1435 : vector<16xf32>
    %convert_element_type3A_1439 = arith.extui %gt3A_1438 : vector<16xi1> to vector<16xi32>
    %get3A_1440 = arith.constant 848 : index
    %get3A_1441 = tpu.vector_load %arg10[%get3A_1440] {strides = array<i32>} : memref<2048xf32, #tpu.memory_space<vmem>>, vector<16xf32>,
    %slice3A_1442 = vector.extract_strided_slice %bitcast3A_1034 {offsets = [10], sizes = [1], strides = [1]} : vector<16xi32> to vector<1xi32>
    %squeeze3A_1443 = vector.extract %slice3A_1442[0] : i32 from vector<1xi32>
    %broadcast_in_dim3A_1444 = vector.broadcast %squeeze3A_1443 : i32 to vector<16xi32>
    %shift_right_arithmetic3A_1445 = arith.shrsi %broadcast_in_dim3A_1444, %add3A_387 : vector<16xi32>
    %and3A_1446 = arith.constant 1 : i32
    %and3A_1447 = vector.broadcast %and3A_1446 : i32 to vector<16xi32>
    %and3A_1448 = arith.andi %shift_right_arithmetic3A_1445, %and3A_1447 : vector<16xi32>
    %gt3A_1449 = arith.cmpf ogt, %broadcast_in_dim3A, %get3A_1441 : vector<16xf32>
    %select_n3A_1450 = arith.select %gt3A_1449, %and3A_1448, %convert_element_type3A_1439 : vector<16xi1>, vector<16xi32>
    %swap3A_1451 = arith.constant 848 : index
    %swap3A_1452 = tpu.vector_load %arg13[%swap3A_1451] {strides = array<i32>} : memref<2048xi32, #tpu.memory_space<vmem>>, vector<16xi32>,
    tpu.vector_store %arg13[%swap3A_1451], %select_n3A_1450 {strides = array<i32>} : memref<2048xi32, #tpu.memory_space<vmem>>, vector<16xi32>,
    %get3A_1453 = arith.constant 1632 : index
    %get3A_1454 = tpu.vector_load %arg9[%get3A_1453] {strides = array<i32>} : memref<4096xf32, #tpu.memory_space<vmem>>, vector<16xf32>,
    %get3A_1455 = arith.constant 1760 : index
    %get3A_1456 = tpu.vector_load %arg9[%get3A_1455] {strides = array<i32>} : memref<4096xf32, #tpu.memory_space<vmem>>, vector<16xf32>,
    %gt3A_1457 = arith.cmpf ogt, %get3A_1456, %get3A_1454 : vector<16xf32>
    %convert_element_type3A_1458 = arith.extui %gt3A_1457 : vector<16xi1> to vector<16xi32>
    %get3A_1459 = arith.constant 864 : index
    %get3A_1460 = tpu.vector_load %arg10[%get3A_1459] {strides = array<i32>} : memref<2048xf32, #tpu.memory_space<vmem>>, vector<16xf32>,
    %slice3A_1461 = vector.extract_strided_slice %bitcast3A_1034 {offsets = [11], sizes = [1], strides = [1]} : vector<16xi32> to vector<1xi32>
    %squeeze3A_1462 = vector.extract %slice3A_1461[0] : i32 from vector<1xi32>
    %broadcast_in_dim3A_1463 = vector.broadcast %squeeze3A_1462 : i32 to vector<16xi32>
    %shift_right_arithmetic3A_1464 = arith.shrsi %broadcast_in_dim3A_1463, %iota3A : vector<16xi32>
    %and3A_1465 = arith.constant 1 : i32
    %and3A_1466 = vector.broadcast %and3A_1465 : i32 to vector<16xi32>
    %and3A_1467 = arith.andi %shift_right_arithmetic3A_1464, %and3A_1466 : vector<16xi32>
    %gt3A_1468 = arith.cmpf ogt, %broadcast_in_dim3A, %get3A_1460 : vector<16xf32>
    %select_n3A_1469 = arith.select %gt3A_1468, %and3A_1467, %convert_element_type3A_1458 : vector<16xi1>, vector<16xi32>
    %swap3A_1470 = arith.constant 864 : index
    %swap3A_1471 = tpu.vector_load %arg13[%swap3A_1470] {strides = array<i32>} : memref<2048xi32, #tpu.memory_space<vmem>>, vector<16xi32>,
    tpu.vector_store %arg13[%swap3A_1470], %select_n3A_1469 {strides = array<i32>} : memref<2048xi32, #tpu.memory_space<vmem>>, vector<16xi32>,
    %get3A_1472 = arith.constant 1648 : index
    %get3A_1473 = tpu.vector_load %arg9[%get3A_1472] {strides = array<i32>} : memref<4096xf32, #tpu.memory_space<vmem>>, vector<16xf32>,
    %get3A_1474 = arith.constant 1776 : index
    %get3A_1475 = tpu.vector_load %arg9[%get3A_1474] {strides = array<i32>} : memref<4096xf32, #tpu.memory_space<vmem>>, vector<16xf32>,
    %gt3A_1476 = arith.cmpf ogt, %get3A_1475, %get3A_1473 : vector<16xf32>
    %convert_element_type3A_1477 = arith.extui %gt3A_1476 : vector<16xi1> to vector<16xi32>
    %get3A_1478 = arith.constant 880 : index
    %get3A_1479 = tpu.vector_load %arg10[%get3A_1478] {strides = array<i32>} : memref<2048xf32, #tpu.memory_space<vmem>>, vector<16xf32>,
    %slice3A_1480 = vector.extract_strided_slice %bitcast3A_1034 {offsets = [11], sizes = [1], strides = [1]} : vector<16xi32> to vector<1xi32>
    %squeeze3A_1481 = vector.extract %slice3A_1480[0] : i32 from vector<1xi32>
    %broadcast_in_dim3A_1482 = vector.broadcast %squeeze3A_1481 : i32 to vector<16xi32>
    %shift_right_arithmetic3A_1483 = arith.shrsi %broadcast_in_dim3A_1482, %add3A_387 : vector<16xi32>
    %and3A_1484 = arith.constant 1 : i32
    %and3A_1485 = vector.broadcast %and3A_1484 : i32 to vector<16xi32>
    %and3A_1486 = arith.andi %shift_right_arithmetic3A_1483, %and3A_1485 : vector<16xi32>
    %gt3A_1487 = arith.cmpf ogt, %broadcast_in_dim3A, %get3A_1479 : vector<16xf32>
    %select_n3A_1488 = arith.select %gt3A_1487, %and3A_1486, %convert_element_type3A_1477 : vector<16xi1>, vector<16xi32>
    %swap3A_1489 = arith.constant 880 : index
    %swap3A_1490 = tpu.vector_load %arg13[%swap3A_1489] {strides = array<i32>} : memref<2048xi32, #tpu.memory_space<vmem>>, vector<16xi32>,
    tpu.vector_store %arg13[%swap3A_1489], %select_n3A_1488 {strides = array<i32>} : memref<2048xi32, #tpu.memory_space<vmem>>, vector<16xi32>,
    %get3A_1491 = arith.constant 1792 : index
    %get3A_1492 = tpu.vector_load %arg9[%get3A_1491] {strides = array<i32>} : memref<4096xf32, #tpu.memory_space<vmem>>, vector<16xf32>,
    %get3A_1493 = arith.constant 1920 : index
    %get3A_1494 = tpu.vector_load %arg9[%get3A_1493] {strides = array<i32>} : memref<4096xf32, #tpu.memory_space<vmem>>, vector<16xf32>,
    %gt3A_1495 = arith.cmpf ogt, %get3A_1494, %get3A_1492 : vector<16xf32>
    %convert_element_type3A_1496 = arith.extui %gt3A_1495 : vector<16xi1> to vector<16xi32>
    %get3A_1497 = arith.constant 896 : index
    %get3A_1498 = tpu.vector_load %arg10[%get3A_1497] {strides = array<i32>} : memref<2048xf32, #tpu.memory_space<vmem>>, vector<16xf32>,
    %slice3A_1499 = vector.extract_strided_slice %bitcast3A_1034 {offsets = [12], sizes = [1], strides = [1]} : vector<16xi32> to vector<1xi32>
    %squeeze3A_1500 = vector.extract %slice3A_1499[0] : i32 from vector<1xi32>
    %broadcast_in_dim3A_1501 = vector.broadcast %squeeze3A_1500 : i32 to vector<16xi32>
    %shift_right_arithmetic3A_1502 = arith.shrsi %broadcast_in_dim3A_1501, %iota3A : vector<16xi32>
    %and3A_1503 = arith.constant 1 : i32
    %and3A_1504 = vector.broadcast %and3A_1503 : i32 to vector<16xi32>
    %and3A_1505 = arith.andi %shift_right_arithmetic3A_1502, %and3A_1504 : vector<16xi32>
    %gt3A_1506 = arith.cmpf ogt, %broadcast_in_dim3A, %get3A_1498 : vector<16xf32>
    %select_n3A_1507 = arith.select %gt3A_1506, %and3A_1505, %convert_element_type3A_1496 : vector<16xi1>, vector<16xi32>
    %swap3A_1508 = arith.constant 896 : index
    %swap3A_1509 = tpu.vector_load %arg13[%swap3A_1508] {strides = array<i32>} : memref<2048xi32, #tpu.memory_space<vmem>>, vector<16xi32>,
    tpu.vector_store %arg13[%swap3A_1508], %select_n3A_1507 {strides = array<i32>} : memref<2048xi32, #tpu.memory_space<vmem>>, vector<16xi32>,
    %get3A_1510 = arith.constant 1808 : index
    %get3A_1511 = tpu.vector_load %arg9[%get3A_1510] {strides = array<i32>} : memref<4096xf32, #tpu.memory_space<vmem>>, vector<16xf32>,
    %get3A_1512 = arith.constant 1936 : index
    %get3A_1513 = tpu.vector_load %arg9[%get3A_1512] {strides = array<i32>} : memref<4096xf32, #tpu.memory_space<vmem>>, vector<16xf32>,
    %gt3A_1514 = arith.cmpf ogt, %get3A_1513, %get3A_1511 : vector<16xf32>
    %convert_element_type3A_1515 = arith.extui %gt3A_1514 : vector<16xi1> to vector<16xi32>
    %get3A_1516 = arith.constant 912 : index
    %get3A_1517 = tpu.vector_load %arg10[%get3A_1516] {strides = array<i32>} : memref<2048xf32, #tpu.memory_space<vmem>>, vector<16xf32>,
    %slice3A_1518 = vector.extract_strided_slice %bitcast3A_1034 {offsets = [12], sizes = [1], strides = [1]} : vector<16xi32> to vector<1xi32>
    %squeeze3A_1519 = vector.extract %slice3A_1518[0] : i32 from vector<1xi32>
    %broadcast_in_dim3A_1520 = vector.broadcast %squeeze3A_1519 : i32 to vector<16xi32>
    %shift_right_arithmetic3A_1521 = arith.shrsi %broadcast_in_dim3A_1520, %add3A_387 : vector<16xi32>
    %and3A_1522 = arith.constant 1 : i32
    %and3A_1523 = vector.broadcast %and3A_1522 : i32 to vector<16xi32>
    %and3A_1524 = arith.andi %shift_right_arithmetic3A_1521, %and3A_1523 : vector<16xi32>
    %gt3A_1525 = arith.cmpf ogt, %broadcast_in_dim3A, %get3A_1517 : vector<16xf32>
    %select_n3A_1526 = arith.select %gt3A_1525, %and3A_1524, %convert_element_type3A_1515 : vector<16xi1>, vector<16xi32>
    %swap3A_1527 = arith.constant 912 : index
    %swap3A_1528 = tpu.vector_load %arg13[%swap3A_1527] {strides = array<i32>} : memref<2048xi32, #tpu.memory_space<vmem>>, vector<16xi32>,
    tpu.vector_store %arg13[%swap3A_1527], %select_n3A_1526 {strides = array<i32>} : memref<2048xi32, #tpu.memory_space<vmem>>, vector<16xi32>,
    %get3A_1529 = arith.constant 1824 : index
    %get3A_1530 = tpu.vector_load %arg9[%get3A_1529] {strides = array<i32>} : memref<4096xf32, #tpu.memory_space<vmem>>, vector<16xf32>,
    %get3A_1531 = arith.constant 1952 : index
    %get3A_1532 = tpu.vector_load %arg9[%get3A_1531] {strides = array<i32>} : memref<4096xf32, #tpu.memory_space<vmem>>, vector<16xf32>,
    %gt3A_1533 = arith.cmpf ogt, %get3A_1532, %get3A_1530 : vector<16xf32>
    %convert_element_type3A_1534 = arith.extui %gt3A_1533 : vector<16xi1> to vector<16xi32>
    %get3A_1535 = arith.constant 928 : index
    %get3A_1536 = tpu.vector_load %arg10[%get3A_1535] {strides = array<i32>} : memref<2048xf32, #tpu.memory_space<vmem>>, vector<16xf32>,
    %slice3A_1537 = vector.extract_strided_slice %bitcast3A_1034 {offsets = [13], sizes = [1], strides = [1]} : vector<16xi32> to vector<1xi32>
    %squeeze3A_1538 = vector.extract %slice3A_1537[0] : i32 from vector<1xi32>
    %broadcast_in_dim3A_1539 = vector.broadcast %squeeze3A_1538 : i32 to vector<16xi32>
    %shift_right_arithmetic3A_1540 = arith.shrsi %broadcast_in_dim3A_1539, %iota3A : vector<16xi32>
    %and3A_1541 = arith.constant 1 : i32
    %and3A_1542 = vector.broadcast %and3A_1541 : i32 to vector<16xi32>
    %and3A_1543 = arith.andi %shift_right_arithmetic3A_1540, %and3A_1542 : vector<16xi32>
    %gt3A_1544 = arith.cmpf ogt, %broadcast_in_dim3A, %get3A_1536 : vector<16xf32>
    %select_n3A_1545 = arith.select %gt3A_1544, %and3A_1543, %convert_element_type3A_1534 : vector<16xi1>, vector<16xi32>
    %swap3A_1546 = arith.constant 928 : index
    %swap3A_1547 = tpu.vector_load %arg13[%swap3A_1546] {strides = array<i32>} : memref<2048xi32, #tpu.memory_space<vmem>>, vector<16xi32>,
    tpu.vector_store %arg13[%swap3A_1546], %select_n3A_1545 {strides = array<i32>} : memref<2048xi32, #tpu.memory_space<vmem>>, vector<16xi32>,
    %get3A_1548 = arith.constant 1840 : index
    %get3A_1549 = tpu.vector_load %arg9[%get3A_1548] {strides = array<i32>} : memref<4096xf32, #tpu.memory_space<vmem>>, vector<16xf32>,
    %get3A_1550 = arith.constant 1968 : index
    %get3A_1551 = tpu.vector_load %arg9[%get3A_1550] {strides = array<i32>} : memref<4096xf32, #tpu.memory_space<vmem>>, vector<16xf32>,
    %gt3A_1552 = arith.cmpf ogt, %get3A_1551, %get3A_1549 : vector<16xf32>
    %convert_element_type3A_1553 = arith.extui %gt3A_1552 : vector<16xi1> to vector<16xi32>
    %get3A_1554 = arith.constant 944 : index
    %get3A_1555 = tpu.vector_load %arg10[%get3A_1554] {strides = array<i32>} : memref<2048xf32, #tpu.memory_space<vmem>>, vector<16xf32>,
    %slice3A_1556 = vector.extract_strided_slice %bitcast3A_1034 {offsets = [13], sizes = [1], strides = [1]} : vector<16xi32> to vector<1xi32>
    %squeeze3A_1557 = vector.extract %slice3A_1556[0] : i32 from vector<1xi32>
    %broadcast_in_dim3A_1558 = vector.broadcast %squeeze3A_1557 : i32 to vector<16xi32>
    %shift_right_arithmetic3A_1559 = arith.shrsi %broadcast_in_dim3A_1558, %add3A_387 : vector<16xi32>
    %and3A_1560 = arith.constant 1 : i32
    %and3A_1561 = vector.broadcast %and3A_1560 : i32 to vector<16xi32>
    %and3A_1562 = arith.andi %shift_right_arithmetic3A_1559, %and3A_1561 : vector<16xi32>
    %gt3A_1563 = arith.cmpf ogt, %broadcast_in_dim3A, %get3A_1555 : vector<16xf32>
    %select_n3A_1564 = arith.select %gt3A_1563, %and3A_1562, %convert_element_type3A_1553 : vector<16xi1>, vector<16xi32>
    %swap3A_1565 = arith.constant 944 : index
    %swap3A_1566 = tpu.vector_load %arg13[%swap3A_1565] {strides = array<i32>} : memref<2048xi32, #tpu.memory_space<vmem>>, vector<16xi32>,
    tpu.vector_store %arg13[%swap3A_1565], %select_n3A_1564 {strides = array<i32>} : memref<2048xi32, #tpu.memory_space<vmem>>, vector<16xi32>,
    %get3A_1567 = arith.constant 1856 : index
    %get3A_1568 = tpu.vector_load %arg9[%get3A_1567] {strides = array<i32>} : memref<4096xf32, #tpu.memory_space<vmem>>, vector<16xf32>,
    %get3A_1569 = arith.constant 1984 : index
    %get3A_1570 = tpu.vector_load %arg9[%get3A_1569] {strides = array<i32>} : memref<4096xf32, #tpu.memory_space<vmem>>, vector<16xf32>,
    %gt3A_1571 = arith.cmpf ogt, %get3A_1570, %get3A_1568 : vector<16xf32>
    %convert_element_type3A_1572 = arith.extui %gt3A_1571 : vector<16xi1> to vector<16xi32>
    %get3A_1573 = arith.constant 960 : index
    %get3A_1574 = tpu.vector_load %arg10[%get3A_1573] {strides = array<i32>} : memref<2048xf32, #tpu.memory_space<vmem>>, vector<16xf32>,
    %slice3A_1575 = vector.extract_strided_slice %bitcast3A_1034 {offsets = [14], sizes = [1], strides = [1]} : vector<16xi32> to vector<1xi32>
    %squeeze3A_1576 = vector.extract %slice3A_1575[0] : i32 from vector<1xi32>
    %broadcast_in_dim3A_1577 = vector.broadcast %squeeze3A_1576 : i32 to vector<16xi32>
    %shift_right_arithmetic3A_1578 = arith.shrsi %broadcast_in_dim3A_1577, %iota3A : vector<16xi32>
    %and3A_1579 = arith.constant 1 : i32
    %and3A_1580 = vector.broadcast %and3A_1579 : i32 to vector<16xi32>
    %and3A_1581 = arith.andi %shift_right_arithmetic3A_1578, %and3A_1580 : vector<16xi32>
    %gt3A_1582 = arith.cmpf ogt, %broadcast_in_dim3A, %get3A_1574 : vector<16xf32>
    %select_n3A_1583 = arith.select %gt3A_1582, %and3A_1581, %convert_element_type3A_1572 : vector<16xi1>, vector<16xi32>
    %swap3A_1584 = arith.constant 960 : index
    %swap3A_1585 = tpu.vector_load %arg13[%swap3A_1584] {strides = array<i32>} : memref<2048xi32, #tpu.memory_space<vmem>>, vector<16xi32>,
    tpu.vector_store %arg13[%swap3A_1584], %select_n3A_1583 {strides = array<i32>} : memref<2048xi32, #tpu.memory_space<vmem>>, vector<16xi32>,
    %get3A_1586 = arith.constant 1872 : index
    %get3A_1587 = tpu.vector_load %arg9[%get3A_1586] {strides = array<i32>} : memref<4096xf32, #tpu.memory_space<vmem>>, vector<16xf32>,
    %get3A_1588 = arith.constant 2000 : index
    %get3A_1589 = tpu.vector_load %arg9[%get3A_1588] {strides = array<i32>} : memref<4096xf32, #tpu.memory_space<vmem>>, vector<16xf32>,
    %gt3A_1590 = arith.cmpf ogt, %get3A_1589, %get3A_1587 : vector<16xf32>
    %convert_element_type3A_1591 = arith.extui %gt3A_1590 : vector<16xi1> to vector<16xi32>
    %get3A_1592 = arith.constant 976 : index
    %get3A_1593 = tpu.vector_load %arg10[%get3A_1592] {strides = array<i32>} : memref<2048xf32, #tpu.memory_space<vmem>>, vector<16xf32>,
    %slice3A_1594 = vector.extract_strided_slice %bitcast3A_1034 {offsets = [14], sizes = [1], strides = [1]} : vector<16xi32> to vector<1xi32>
    %squeeze3A_1595 = vector.extract %slice3A_1594[0] : i32 from vector<1xi32>
    %broadcast_in_dim3A_1596 = vector.broadcast %squeeze3A_1595 : i32 to vector<16xi32>
    %shift_right_arithmetic3A_1597 = arith.shrsi %broadcast_in_dim3A_1596, %add3A_387 : vector<16xi32>
    %and3A_1598 = arith.constant 1 : i32
    %and3A_1599 = vector.broadcast %and3A_1598 : i32 to vector<16xi32>
    %and3A_1600 = arith.andi %shift_right_arithmetic3A_1597, %and3A_1599 : vector<16xi32>
    %gt3A_1601 = arith.cmpf ogt, %broadcast_in_dim3A, %get3A_1593 : vector<16xf32>
    %select_n3A_1602 = arith.select %gt3A_1601, %and3A_1600, %convert_element_type3A_1591 : vector<16xi1>, vector<16xi32>
    %swap3A_1603 = arith.constant 976 : index
    %swap3A_1604 = tpu.vector_load %arg13[%swap3A_1603] {strides = array<i32>} : memref<2048xi32, #tpu.memory_space<vmem>>, vector<16xi32>,
    tpu.vector_store %arg13[%swap3A_1603], %select_n3A_1602 {strides = array<i32>} : memref<2048xi32, #tpu.memory_space<vmem>>, vector<16xi32>,
    %get3A_1605 = arith.constant 1888 : index
    %get3A_1606 = tpu.vector_load %arg9[%get3A_1605] {strides = array<i32>} : memref<4096xf32, #tpu.memory_space<vmem>>, vector<16xf32>,
    %get3A_1607 = arith.constant 2016 : index
    %get3A_1608 = tpu.vector_load %arg9[%get3A_1607] {strides = array<i32>} : memref<4096xf32, #tpu.memory_space<vmem>>, vector<16xf32>,
    %gt3A_1609 = arith.cmpf ogt, %get3A_1608, %get3A_1606 : vector<16xf32>
    %convert_element_type3A_1610 = arith.extui %gt3A_1609 : vector<16xi1> to vector<16xi32>
    %get3A_1611 = arith.constant 992 : index
    %get3A_1612 = tpu.vector_load %arg10[%get3A_1611] {strides = array<i32>} : memref<2048xf32, #tpu.memory_space<vmem>>, vector<16xf32>,
    %slice3A_1613 = vector.extract_strided_slice %bitcast3A_1034 {offsets = [15], sizes = [1], strides = [1]} : vector<16xi32> to vector<1xi32>
    %squeeze3A_1614 = vector.extract %slice3A_1613[0] : i32 from vector<1xi32>
    %broadcast_in_dim3A_1615 = vector.broadcast %squeeze3A_1614 : i32 to vector<16xi32>
    %shift_right_arithmetic3A_1616 = arith.shrsi %broadcast_in_dim3A_1615, %iota3A : vector<16xi32>
    %and3A_1617 = arith.constant 1 : i32
    %and3A_1618 = vector.broadcast %and3A_1617 : i32 to vector<16xi32>
    %and3A_1619 = arith.andi %shift_right_arithmetic3A_1616, %and3A_1618 : vector<16xi32>
    %gt3A_1620 = arith.cmpf ogt, %broadcast_in_dim3A, %get3A_1612 : vector<16xf32>
    %select_n3A_1621 = arith.select %gt3A_1620, %and3A_1619, %convert_element_type3A_1610 : vector<16xi1>, vector<16xi32>
    %swap3A_1622 = arith.constant 992 : index
    %swap3A_1623 = tpu.vector_load %arg13[%swap3A_1622] {strides = array<i32>} : memref<2048xi32, #tpu.memory_space<vmem>>, vector<16xi32>,
    tpu.vector_store %arg13[%swap3A_1622], %select_n3A_1621 {strides = array<i32>} : memref<2048xi32, #tpu.memory_space<vmem>>, vector<16xi32>,
    %get3A_1624 = arith.constant 1904 : index
    %get3A_1625 = tpu.vector_load %arg9[%get3A_1624] {strides = array<i32>} : memref<4096xf32, #tpu.memory_space<vmem>>, vector<16xf32>,
    %get3A_1626 = arith.constant 2032 : index
    %get3A_1627 = tpu.vector_load %arg9[%get3A_1626] {strides = array<i32>} : memref<4096xf32, #tpu.memory_space<vmem>>, vector<16xf32>,
    %gt3A_1628 = arith.cmpf ogt, %get3A_1627, %get3A_1625 : vector<16xf32>
    %convert_element_type3A_1629 = arith.extui %gt3A_1628 : vector<16xi1> to vector<16xi32>
    %get3A_1630 = arith.constant 1008 : index
    %get3A_1631 = tpu.vector_load %arg10[%get3A_1630] {strides = array<i32>} : memref<2048xf32, #tpu.memory_space<vmem>>, vector<16xf32>,
    %slice3A_1632 = vector.extract_strided_slice %bitcast3A_1034 {offsets = [15], sizes = [1], strides = [1]} : vector<16xi32> to vector<1xi32>
    %squeeze3A_1633 = vector.extract %slice3A_1632[0] : i32 from vector<1xi32>
    %broadcast_in_dim3A_1634 = vector.broadcast %squeeze3A_1633 : i32 to vector<16xi32>
    %shift_right_arithmetic3A_1635 = arith.shrsi %broadcast_in_dim3A_1634, %add3A_387 : vector<16xi32>
    %and3A_1636 = arith.constant 1 : i32
    %and3A_1637 = vector.broadcast %and3A_1636 : i32 to vector<16xi32>
    %and3A_1638 = arith.andi %shift_right_arithmetic3A_1635, %and3A_1637 : vector<16xi32>
    %gt3A_1639 = arith.cmpf ogt, %broadcast_in_dim3A, %get3A_1631 : vector<16xf32>
    %select_n3A_1640 = arith.select %gt3A_1639, %and3A_1638, %convert_element_type3A_1629 : vector<16xi1>, vector<16xi32>
    %swap3A_1641 = arith.constant 1008 : index
    %swap3A_1642 = tpu.vector_load %arg13[%swap3A_1641] {strides = array<i32>} : memref<2048xi32, #tpu.memory_space<vmem>>, vector<16xi32>,
    tpu.vector_store %arg13[%swap3A_1641], %select_n3A_1640 {strides = array<i32>} : memref<2048xi32, #tpu.memory_space<vmem>>, vector<16xi32>,
    %dma_wait3A_1643 = arith.constant 2048 : i32
    %dma_wait3A_1644 = tpu.memref_slice %arg9[%dma_wait3A_1643] : memref<4096xf32, #tpu.memory_space<vmem>> -> memref<1024xf32, #tpu.memory_space<vmem>>
    %dma_wait3A_1645 = tpu.memref_slice %arg2[%add3A_70] : memref<65536xf32, #tpu.memory_space<hbm>> -> memref<1024xf32, #tpu.memory_space<hbm>>
    %dma_wait3A_1646 = arith.constant 2048 : i32
    %dma_wait3A_1647 = tpu.memref_slice %arg9[%dma_wait3A_1646] : memref<4096xf32, #tpu.memory_space<vmem>> -> memref<1024xf32, #tpu.memory_space<vmem>>
    %dma_wait3A_1648 = tpu.memref_slice %arg2[%add3A_70] : memref<65536xf32, #tpu.memory_space<hbm>> -> memref<1024xf32, #tpu.memory_space<hbm>>
    tpu.wait_dma2 semaphore(%arg17 : memref<!tpu.dma_semaphore, #tpu.memory_space<semaphore_mem>>) src(%dma_wait3A_1648 : memref<1024xf32, #tpu.memory_space<hbm>>) dst(%dma_wait3A_1647 : memref<1024xf32, #tpu.memory_space<vmem>>)
    %dma_wait3A_1649 = arith.constant 1024 : i32
    %dma_wait3A_1650 = tpu.memref_slice %arg10[%dma_wait3A_1649] : memref<2048xf32, #tpu.memory_space<vmem>> -> memref<512xf32, #tpu.memory_space<vmem>>
    %dma_wait3A_1651 = tpu.memref_slice %arg3[%add3A_78] : memref<33792xf32, #tpu.memory_space<hbm>> -> memref<512xf32, #tpu.memory_space<hbm>>
    %dma_wait3A_1652 = arith.constant 1024 : i32
    %dma_wait3A_1653 = tpu.memref_slice %arg10[%dma_wait3A_1652] : memref<2048xf32, #tpu.memory_space<vmem>> -> memref<512xf32, #tpu.memory_space<vmem>>
    %dma_wait3A_1654 = tpu.memref_slice %arg3[%add3A_78] : memref<33792xf32, #tpu.memory_space<hbm>> -> memref<512xf32, #tpu.memory_space<hbm>>
    tpu.wait_dma2 semaphore(%arg17 : memref<!tpu.dma_semaphore, #tpu.memory_space<semaphore_mem>>) src(%dma_wait3A_1654 : memref<512xf32, #tpu.memory_space<hbm>>) dst(%dma_wait3A_1653 : memref<512xf32, #tpu.memory_space<vmem>>)
    %dma_wait3A_1655 = arith.constant 32 : i32
    %dma_wait3A_1656 = tpu.memref_slice %arg11[%dma_wait3A_1655] : memref<64xf32, #tpu.memory_space<vmem>> -> memref<16xf32, #tpu.memory_space<vmem>>
    %dma_wait3A_1657 = tpu.memref_slice %arg3[%multiple_of3A_91] : memref<33792xf32, #tpu.memory_space<hbm>> -> memref<16xf32, #tpu.memory_space<hbm>>
    %dma_wait3A_1658 = arith.constant 32 : i32
    %dma_wait3A_1659 = tpu.memref_slice %arg11[%dma_wait3A_1658] : memref<64xf32, #tpu.memory_space<vmem>> -> memref<16xf32, #tpu.memory_space<vmem>>
    %dma_wait3A_1660 = tpu.memref_slice %arg3[%multiple_of3A_91] : memref<33792xf32, #tpu.memory_space<hbm>> -> memref<16xf32, #tpu.memory_space<hbm>>
    tpu.wait_dma2 semaphore(%arg17 : memref<!tpu.dma_semaphore, #tpu.memory_space<semaphore_mem>>) src(%dma_wait3A_1660 : memref<16xf32, #tpu.memory_space<hbm>>) dst(%dma_wait3A_1659 : memref<16xf32, #tpu.memory_space<vmem>>)
    %get3A_1661 = arith.constant 32 : index
    %get3A_1662 = tpu.vector_load %arg11[%get3A_1661] {strides = array<i32>} : memref<64xf32, #tpu.memory_space<vmem>>, vector<16xf32>,
    %bitcast3A_1663 = vector.bitcast %get3A_1662 : vector<16xf32> to vector<16xi32>
    %get3A_1664 = arith.constant 2048 : index
    %get3A_1665 = tpu.vector_load %arg9[%get3A_1664] {strides = array<i32>} : memref<4096xf32, #tpu.memory_space<vmem>>, vector<16xf32>,
    %get3A_1666 = arith.constant 2176 : index
    %get3A_1667 = tpu.vector_load %arg9[%get3A_1666] {strides = array<i32>} : memref<4096xf32, #tpu.memory_space<vmem>>, vector<16xf32>,
    %gt3A_1668 = arith.cmpf ogt, %get3A_1667, %get3A_1665 : vector<16xf32>
    %convert_element_type3A_1669 = arith.extui %gt3A_1668 : vector<16xi1> to vector<16xi32>
    %get3A_1670 = arith.constant 1024 : index
    %get3A_1671 = tpu.vector_load %arg10[%get3A_1670] {strides = array<i32>} : memref<2048xf32, #tpu.memory_space<vmem>>, vector<16xf32>,
    %slice3A_1672 = vector.extract_strided_slice %bitcast3A_1663 {offsets = [0], sizes = [1], strides = [1]} : vector<16xi32> to vector<1xi32>
    %squeeze3A_1673 = vector.extract %slice3A_1672[0] : i32 from vector<1xi32>
    %broadcast_in_dim3A_1674 = vector.broadcast %squeeze3A_1673 : i32 to vector<16xi32>
    %shift_right_arithmetic3A_1675 = arith.shrsi %broadcast_in_dim3A_1674, %iota3A : vector<16xi32>
    %and3A_1676 = arith.constant 1 : i32
    %and3A_1677 = vector.broadcast %and3A_1676 : i32 to vector<16xi32>
    %and3A_1678 = arith.andi %shift_right_arithmetic3A_1675, %and3A_1677 : vector<16xi32>
    %gt3A_1679 = arith.cmpf ogt, %broadcast_in_dim3A, %get3A_1671 : vector<16xf32>
    %select_n3A_1680 = arith.select %gt3A_1679, %and3A_1678, %convert_element_type3A_1669 : vector<16xi1>, vector<16xi32>
    %swap3A_1681 = arith.constant 1024 : index
    %swap3A_1682 = tpu.vector_load %arg13[%swap3A_1681] {strides = array<i32>} : memref<2048xi32, #tpu.memory_space<vmem>>, vector<16xi32>,
    tpu.vector_store %arg13[%swap3A_1681], %select_n3A_1680 {strides = array<i32>} : memref<2048xi32, #tpu.memory_space<vmem>>, vector<16xi32>,
    %get3A_1683 = arith.constant 2064 : index
    %get3A_1684 = tpu.vector_load %arg9[%get3A_1683] {strides = array<i32>} : memref<4096xf32, #tpu.memory_space<vmem>>, vector<16xf32>,
    %get3A_1685 = arith.constant 2192 : index
    %get3A_1686 = tpu.vector_load %arg9[%get3A_1685] {strides = array<i32>} : memref<4096xf32, #tpu.memory_space<vmem>>, vector<16xf32>,
    %gt3A_1687 = arith.cmpf ogt, %get3A_1686, %get3A_1684 : vector<16xf32>
    %convert_element_type3A_1688 = arith.extui %gt3A_1687 : vector<16xi1> to vector<16xi32>
    %get3A_1689 = arith.constant 1040 : index
    %get3A_1690 = tpu.vector_load %arg10[%get3A_1689] {strides = array<i32>} : memref<2048xf32, #tpu.memory_space<vmem>>, vector<16xf32>,
    %slice3A_1691 = vector.extract_strided_slice %bitcast3A_1663 {offsets = [0], sizes = [1], strides = [1]} : vector<16xi32> to vector<1xi32>
    %squeeze3A_1692 = vector.extract %slice3A_1691[0] : i32 from vector<1xi32>
    %broadcast_in_dim3A_1693 = vector.broadcast %squeeze3A_1692 : i32 to vector<16xi32>
    %shift_right_arithmetic3A_1694 = arith.shrsi %broadcast_in_dim3A_1693, %add3A_387 : vector<16xi32>
    %and3A_1695 = arith.constant 1 : i32
    %and3A_1696 = vector.broadcast %and3A_1695 : i32 to vector<16xi32>
    %and3A_1697 = arith.andi %shift_right_arithmetic3A_1694, %and3A_1696 : vector<16xi32>
    %gt3A_1698 = arith.cmpf ogt, %broadcast_in_dim3A, %get3A_1690 : vector<16xf32>
    %select_n3A_1699 = arith.select %gt3A_1698, %and3A_1697, %convert_element_type3A_1688 : vector<16xi1>, vector<16xi32>
    %swap3A_1700 = arith.constant 1040 : index
    %swap3A_1701 = tpu.vector_load %arg13[%swap3A_1700] {strides = array<i32>} : memref<2048xi32, #tpu.memory_space<vmem>>, vector<16xi32>,
    tpu.vector_store %arg13[%swap3A_1700], %select_n3A_1699 {strides = array<i32>} : memref<2048xi32, #tpu.memory_space<vmem>>, vector<16xi32>,
    %get3A_1702 = arith.constant 2080 : index
    %get3A_1703 = tpu.vector_load %arg9[%get3A_1702] {strides = array<i32>} : memref<4096xf32, #tpu.memory_space<vmem>>, vector<16xf32>,
    %get3A_1704 = arith.constant 2208 : index
    %get3A_1705 = tpu.vector_load %arg9[%get3A_1704] {strides = array<i32>} : memref<4096xf32, #tpu.memory_space<vmem>>, vector<16xf32>,
    %gt3A_1706 = arith.cmpf ogt, %get3A_1705, %get3A_1703 : vector<16xf32>
    %convert_element_type3A_1707 = arith.extui %gt3A_1706 : vector<16xi1> to vector<16xi32>
    %get3A_1708 = arith.constant 1056 : index
    %get3A_1709 = tpu.vector_load %arg10[%get3A_1708] {strides = array<i32>} : memref<2048xf32, #tpu.memory_space<vmem>>, vector<16xf32>,
    %slice3A_1710 = vector.extract_strided_slice %bitcast3A_1663 {offsets = [1], sizes = [1], strides = [1]} : vector<16xi32> to vector<1xi32>
    %squeeze3A_1711 = vector.extract %slice3A_1710[0] : i32 from vector<1xi32>
    %broadcast_in_dim3A_1712 = vector.broadcast %squeeze3A_1711 : i32 to vector<16xi32>
    %shift_right_arithmetic3A_1713 = arith.shrsi %broadcast_in_dim3A_1712, %iota3A : vector<16xi32>
    %and3A_1714 = arith.constant 1 : i32
    %and3A_1715 = vector.broadcast %and3A_1714 : i32 to vector<16xi32>
    %and3A_1716 = arith.andi %shift_right_arithmetic3A_1713, %and3A_1715 : vector<16xi32>
    %gt3A_1717 = arith.cmpf ogt, %broadcast_in_dim3A, %get3A_1709 : vector<16xf32>
    %select_n3A_1718 = arith.select %gt3A_1717, %and3A_1716, %convert_element_type3A_1707 : vector<16xi1>, vector<16xi32>
    %swap3A_1719 = arith.constant 1056 : index
    %swap3A_1720 = tpu.vector_load %arg13[%swap3A_1719] {strides = array<i32>} : memref<2048xi32, #tpu.memory_space<vmem>>, vector<16xi32>,
    tpu.vector_store %arg13[%swap3A_1719], %select_n3A_1718 {strides = array<i32>} : memref<2048xi32, #tpu.memory_space<vmem>>, vector<16xi32>,
    %get3A_1721 = arith.constant 2096 : index
    %get3A_1722 = tpu.vector_load %arg9[%get3A_1721] {strides = array<i32>} : memref<4096xf32, #tpu.memory_space<vmem>>, vector<16xf32>,
    %get3A_1723 = arith.constant 2224 : index
    %get3A_1724 = tpu.vector_load %arg9[%get3A_1723] {strides = array<i32>} : memref<4096xf32, #tpu.memory_space<vmem>>, vector<16xf32>,
    %gt3A_1725 = arith.cmpf ogt, %get3A_1724, %get3A_1722 : vector<16xf32>
    %convert_element_type3A_1726 = arith.extui %gt3A_1725 : vector<16xi1> to vector<16xi32>
    %get3A_1727 = arith.constant 1072 : index
    %get3A_1728 = tpu.vector_load %arg10[%get3A_1727] {strides = array<i32>} : memref<2048xf32, #tpu.memory_space<vmem>>, vector<16xf32>,
    %slice3A_1729 = vector.extract_strided_slice %bitcast3A_1663 {offsets = [1], sizes = [1], strides = [1]} : vector<16xi32> to vector<1xi32>
    %squeeze3A_1730 = vector.extract %slice3A_1729[0] : i32 from vector<1xi32>
    %broadcast_in_dim3A_1731 = vector.broadcast %squeeze3A_1730 : i32 to vector<16xi32>
    %shift_right_arithmetic3A_1732 = arith.shrsi %broadcast_in_dim3A_1731, %add3A_387 : vector<16xi32>
    %and3A_1733 = arith.constant 1 : i32
    %and3A_1734 = vector.broadcast %and3A_1733 : i32 to vector<16xi32>
    %and3A_1735 = arith.andi %shift_right_arithmetic3A_1732, %and3A_1734 : vector<16xi32>
    %gt3A_1736 = arith.cmpf ogt, %broadcast_in_dim3A, %get3A_1728 : vector<16xf32>
    %select_n3A_1737 = arith.select %gt3A_1736, %and3A_1735, %convert_element_type3A_1726 : vector<16xi1>, vector<16xi32>
    %swap3A_1738 = arith.constant 1072 : index
    %swap3A_1739 = tpu.vector_load %arg13[%swap3A_1738] {strides = array<i32>} : memref<2048xi32, #tpu.memory_space<vmem>>, vector<16xi32>,
    tpu.vector_store %arg13[%swap3A_1738], %select_n3A_1737 {strides = array<i32>} : memref<2048xi32, #tpu.memory_space<vmem>>, vector<16xi32>,
    %get3A_1740 = arith.constant 2112 : index
    %get3A_1741 = tpu.vector_load %arg9[%get3A_1740] {strides = array<i32>} : memref<4096xf32, #tpu.memory_space<vmem>>, vector<16xf32>,
    %get3A_1742 = arith.constant 2240 : index
    %get3A_1743 = tpu.vector_load %arg9[%get3A_1742] {strides = array<i32>} : memref<4096xf32, #tpu.memory_space<vmem>>, vector<16xf32>,
    %gt3A_1744 = arith.cmpf ogt, %get3A_1743, %get3A_1741 : vector<16xf32>
    %convert_element_type3A_1745 = arith.extui %gt3A_1744 : vector<16xi1> to vector<16xi32>
    %get3A_1746 = arith.constant 1088 : index
    %get3A_1747 = tpu.vector_load %arg10[%get3A_1746] {strides = array<i32>} : memref<2048xf32, #tpu.memory_space<vmem>>, vector<16xf32>,
    %slice3A_1748 = vector.extract_strided_slice %bitcast3A_1663 {offsets = [2], sizes = [1], strides = [1]} : vector<16xi32> to vector<1xi32>
    %squeeze3A_1749 = vector.extract %slice3A_1748[0] : i32 from vector<1xi32>
    %broadcast_in_dim3A_1750 = vector.broadcast %squeeze3A_1749 : i32 to vector<16xi32>
    %shift_right_arithmetic3A_1751 = arith.shrsi %broadcast_in_dim3A_1750, %iota3A : vector<16xi32>
    %and3A_1752 = arith.constant 1 : i32
    %and3A_1753 = vector.broadcast %and3A_1752 : i32 to vector<16xi32>
    %and3A_1754 = arith.andi %shift_right_arithmetic3A_1751, %and3A_1753 : vector<16xi32>
    %gt3A_1755 = arith.cmpf ogt, %broadcast_in_dim3A, %get3A_1747 : vector<16xf32>
    %select_n3A_1756 = arith.select %gt3A_1755, %and3A_1754, %convert_element_type3A_1745 : vector<16xi1>, vector<16xi32>
    %swap3A_1757 = arith.constant 1088 : index
    %swap3A_1758 = tpu.vector_load %arg13[%swap3A_1757] {strides = array<i32>} : memref<2048xi32, #tpu.memory_space<vmem>>, vector<16xi32>,
    tpu.vector_store %arg13[%swap3A_1757], %select_n3A_1756 {strides = array<i32>} : memref<2048xi32, #tpu.memory_space<vmem>>, vector<16xi32>,
    %get3A_1759 = arith.constant 2128 : index
    %get3A_1760 = tpu.vector_load %arg9[%get3A_1759] {strides = array<i32>} : memref<4096xf32, #tpu.memory_space<vmem>>, vector<16xf32>,
    %get3A_1761 = arith.constant 2256 : index
    %get3A_1762 = tpu.vector_load %arg9[%get3A_1761] {strides = array<i32>} : memref<4096xf32, #tpu.memory_space<vmem>>, vector<16xf32>,
    %gt3A_1763 = arith.cmpf ogt, %get3A_1762, %get3A_1760 : vector<16xf32>
    %convert_element_type3A_1764 = arith.extui %gt3A_1763 : vector<16xi1> to vector<16xi32>
    %get3A_1765 = arith.constant 1104 : index
    %get3A_1766 = tpu.vector_load %arg10[%get3A_1765] {strides = array<i32>} : memref<2048xf32, #tpu.memory_space<vmem>>, vector<16xf32>,
    %slice3A_1767 = vector.extract_strided_slice %bitcast3A_1663 {offsets = [2], sizes = [1], strides = [1]} : vector<16xi32> to vector<1xi32>
    %squeeze3A_1768 = vector.extract %slice3A_1767[0] : i32 from vector<1xi32>
    %broadcast_in_dim3A_1769 = vector.broadcast %squeeze3A_1768 : i32 to vector<16xi32>
    %shift_right_arithmetic3A_1770 = arith.shrsi %broadcast_in_dim3A_1769, %add3A_387 : vector<16xi32>
    %and3A_1771 = arith.constant 1 : i32
    %and3A_1772 = vector.broadcast %and3A_1771 : i32 to vector<16xi32>
    %and3A_1773 = arith.andi %shift_right_arithmetic3A_1770, %and3A_1772 : vector<16xi32>
    %gt3A_1774 = arith.cmpf ogt, %broadcast_in_dim3A, %get3A_1766 : vector<16xf32>
    %select_n3A_1775 = arith.select %gt3A_1774, %and3A_1773, %convert_element_type3A_1764 : vector<16xi1>, vector<16xi32>
    %swap3A_1776 = arith.constant 1104 : index
    %swap3A_1777 = tpu.vector_load %arg13[%swap3A_1776] {strides = array<i32>} : memref<2048xi32, #tpu.memory_space<vmem>>, vector<16xi32>,
    tpu.vector_store %arg13[%swap3A_1776], %select_n3A_1775 {strides = array<i32>} : memref<2048xi32, #tpu.memory_space<vmem>>, vector<16xi32>,
    %get3A_1778 = arith.constant 2144 : index
    %get3A_1779 = tpu.vector_load %arg9[%get3A_1778] {strides = array<i32>} : memref<4096xf32, #tpu.memory_space<vmem>>, vector<16xf32>,
    %get3A_1780 = arith.constant 2272 : index
    %get3A_1781 = tpu.vector_load %arg9[%get3A_1780] {strides = array<i32>} : memref<4096xf32, #tpu.memory_space<vmem>>, vector<16xf32>,
    %gt3A_1782 = arith.cmpf ogt, %get3A_1781, %get3A_1779 : vector<16xf32>
    %convert_element_type3A_1783 = arith.extui %gt3A_1782 : vector<16xi1> to vector<16xi32>
    %get3A_1784 = arith.constant 1120 : index
    %get3A_1785 = tpu.vector_load %arg10[%get3A_1784] {strides = array<i32>} : memref<2048xf32, #tpu.memory_space<vmem>>, vector<16xf32>,
    %slice3A_1786 = vector.extract_strided_slice %bitcast3A_1663 {offsets = [3], sizes = [1], strides = [1]} : vector<16xi32> to vector<1xi32>
    %squeeze3A_1787 = vector.extract %slice3A_1786[0] : i32 from vector<1xi32>
    %broadcast_in_dim3A_1788 = vector.broadcast %squeeze3A_1787 : i32 to vector<16xi32>
    %shift_right_arithmetic3A_1789 = arith.shrsi %broadcast_in_dim3A_1788, %iota3A : vector<16xi32>
    %and3A_1790 = arith.constant 1 : i32
    %and3A_1791 = vector.broadcast %and3A_1790 : i32 to vector<16xi32>
    %and3A_1792 = arith.andi %shift_right_arithmetic3A_1789, %and3A_1791 : vector<16xi32>
    %gt3A_1793 = arith.cmpf ogt, %broadcast_in_dim3A, %get3A_1785 : vector<16xf32>
    %select_n3A_1794 = arith.select %gt3A_1793, %and3A_1792, %convert_element_type3A_1783 : vector<16xi1>, vector<16xi32>
    %swap3A_1795 = arith.constant 1120 : index
    %swap3A_1796 = tpu.vector_load %arg13[%swap3A_1795] {strides = array<i32>} : memref<2048xi32, #tpu.memory_space<vmem>>, vector<16xi32>,
    tpu.vector_store %arg13[%swap3A_1795], %select_n3A_1794 {strides = array<i32>} : memref<2048xi32, #tpu.memory_space<vmem>>, vector<16xi32>,
    %get3A_1797 = arith.constant 2160 : index
    %get3A_1798 = tpu.vector_load %arg9[%get3A_1797] {strides = array<i32>} : memref<4096xf32, #tpu.memory_space<vmem>>, vector<16xf32>,
    %get3A_1799 = arith.constant 2288 : index
    %get3A_1800 = tpu.vector_load %arg9[%get3A_1799] {strides = array<i32>} : memref<4096xf32, #tpu.memory_space<vmem>>, vector<16xf32>,
    %gt3A_1801 = arith.cmpf ogt, %get3A_1800, %get3A_1798 : vector<16xf32>
    %convert_element_type3A_1802 = arith.extui %gt3A_1801 : vector<16xi1> to vector<16xi32>
    %get3A_1803 = arith.constant 1136 : index
    %get3A_1804 = tpu.vector_load %arg10[%get3A_1803] {strides = array<i32>} : memref<2048xf32, #tpu.memory_space<vmem>>, vector<16xf32>,
    %slice3A_1805 = vector.extract_strided_slice %bitcast3A_1663 {offsets = [3], sizes = [1], strides = [1]} : vector<16xi32> to vector<1xi32>
    %squeeze3A_1806 = vector.extract %slice3A_1805[0] : i32 from vector<1xi32>
    %broadcast_in_dim3A_1807 = vector.broadcast %squeeze3A_1806 : i32 to vector<16xi32>
    %shift_right_arithmetic3A_1808 = arith.shrsi %broadcast_in_dim3A_1807, %add3A_387 : vector<16xi32>
    %and3A_1809 = arith.constant 1 : i32
    %and3A_1810 = vector.broadcast %and3A_1809 : i32 to vector<16xi32>
    %and3A_1811 = arith.andi %shift_right_arithmetic3A_1808, %and3A_1810 : vector<16xi32>
    %gt3A_1812 = arith.cmpf ogt, %broadcast_in_dim3A, %get3A_1804 : vector<16xf32>
    %select_n3A_1813 = arith.select %gt3A_1812, %and3A_1811, %convert_element_type3A_1802 : vector<16xi1>, vector<16xi32>
    %swap3A_1814 = arith.constant 1136 : index
    %swap3A_1815 = tpu.vector_load %arg13[%swap3A_1814] {strides = array<i32>} : memref<2048xi32, #tpu.memory_space<vmem>>, vector<16xi32>,
    tpu.vector_store %arg13[%swap3A_1814], %select_n3A_1813 {strides = array<i32>} : memref<2048xi32, #tpu.memory_space<vmem>>, vector<16xi32>,
    %get3A_1816 = arith.constant 2304 : index
    %get3A_1817 = tpu.vector_load %arg9[%get3A_1816] {strides = array<i32>} : memref<4096xf32, #tpu.memory_space<vmem>>, vector<16xf32>,
    %get3A_1818 = arith.constant 2432 : index
    %get3A_1819 = tpu.vector_load %arg9[%get3A_1818] {strides = array<i32>} : memref<4096xf32, #tpu.memory_space<vmem>>, vector<16xf32>,
    %gt3A_1820 = arith.cmpf ogt, %get3A_1819, %get3A_1817 : vector<16xf32>
    %convert_element_type3A_1821 = arith.extui %gt3A_1820 : vector<16xi1> to vector<16xi32>
    %get3A_1822 = arith.constant 1152 : index
    %get3A_1823 = tpu.vector_load %arg10[%get3A_1822] {strides = array<i32>} : memref<2048xf32, #tpu.memory_space<vmem>>, vector<16xf32>,
    %slice3A_1824 = vector.extract_strided_slice %bitcast3A_1663 {offsets = [4], sizes = [1], strides = [1]} : vector<16xi32> to vector<1xi32>
    %squeeze3A_1825 = vector.extract %slice3A_1824[0] : i32 from vector<1xi32>
    %broadcast_in_dim3A_1826 = vector.broadcast %squeeze3A_1825 : i32 to vector<16xi32>
    %shift_right_arithmetic3A_1827 = arith.shrsi %broadcast_in_dim3A_1826, %iota3A : vector<16xi32>
    %and3A_1828 = arith.constant 1 : i32
    %and3A_1829 = vector.broadcast %and3A_1828 : i32 to vector<16xi32>
    %and3A_1830 = arith.andi %shift_right_arithmetic3A_1827, %and3A_1829 : vector<16xi32>
    %gt3A_1831 = arith.cmpf ogt, %broadcast_in_dim3A, %get3A_1823 : vector<16xf32>
    %select_n3A_1832 = arith.select %gt3A_1831, %and3A_1830, %convert_element_type3A_1821 : vector<16xi1>, vector<16xi32>
    %swap3A_1833 = arith.constant 1152 : index
    %swap3A_1834 = tpu.vector_load %arg13[%swap3A_1833] {strides = array<i32>} : memref<2048xi32, #tpu.memory_space<vmem>>, vector<16xi32>,
    tpu.vector_store %arg13[%swap3A_1833], %select_n3A_1832 {strides = array<i32>} : memref<2048xi32, #tpu.memory_space<vmem>>, vector<16xi32>,
    %get3A_1835 = arith.constant 2320 : index
    %get3A_1836 = tpu.vector_load %arg9[%get3A_1835] {strides = array<i32>} : memref<4096xf32, #tpu.memory_space<vmem>>, vector<16xf32>,
    %get3A_1837 = arith.constant 2448 : index
    %get3A_1838 = tpu.vector_load %arg9[%get3A_1837] {strides = array<i32>} : memref<4096xf32, #tpu.memory_space<vmem>>, vector<16xf32>,
    %gt3A_1839 = arith.cmpf ogt, %get3A_1838, %get3A_1836 : vector<16xf32>
    %convert_element_type3A_1840 = arith.extui %gt3A_1839 : vector<16xi1> to vector<16xi32>
    %get3A_1841 = arith.constant 1168 : index
    %get3A_1842 = tpu.vector_load %arg10[%get3A_1841] {strides = array<i32>} : memref<2048xf32, #tpu.memory_space<vmem>>, vector<16xf32>,
    %slice3A_1843 = vector.extract_strided_slice %bitcast3A_1663 {offsets = [4], sizes = [1], strides = [1]} : vector<16xi32> to vector<1xi32>
    %squeeze3A_1844 = vector.extract %slice3A_1843[0] : i32 from vector<1xi32>
    %broadcast_in_dim3A_1845 = vector.broadcast %squeeze3A_1844 : i32 to vector<16xi32>
    %shift_right_arithmetic3A_1846 = arith.shrsi %broadcast_in_dim3A_1845, %add3A_387 : vector<16xi32>
    %and3A_1847 = arith.constant 1 : i32
    %and3A_1848 = vector.broadcast %and3A_1847 : i32 to vector<16xi32>
    %and3A_1849 = arith.andi %shift_right_arithmetic3A_1846, %and3A_1848 : vector<16xi32>
    %gt3A_1850 = arith.cmpf ogt, %broadcast_in_dim3A, %get3A_1842 : vector<16xf32>
    %select_n3A_1851 = arith.select %gt3A_1850, %and3A_1849, %convert_element_type3A_1840 : vector<16xi1>, vector<16xi32>
    %swap3A_1852 = arith.constant 1168 : index
    %swap3A_1853 = tpu.vector_load %arg13[%swap3A_1852] {strides = array<i32>} : memref<2048xi32, #tpu.memory_space<vmem>>, vector<16xi32>,
    tpu.vector_store %arg13[%swap3A_1852], %select_n3A_1851 {strides = array<i32>} : memref<2048xi32, #tpu.memory_space<vmem>>, vector<16xi32>,
    %get3A_1854 = arith.constant 2336 : index
    %get3A_1855 = tpu.vector_load %arg9[%get3A_1854] {strides = array<i32>} : memref<4096xf32, #tpu.memory_space<vmem>>, vector<16xf32>,
    %get3A_1856 = arith.constant 2464 : index
    %get3A_1857 = tpu.vector_load %arg9[%get3A_1856] {strides = array<i32>} : memref<4096xf32, #tpu.memory_space<vmem>>, vector<16xf32>,
    %gt3A_1858 = arith.cmpf ogt, %get3A_1857, %get3A_1855 : vector<16xf32>
    %convert_element_type3A_1859 = arith.extui %gt3A_1858 : vector<16xi1> to vector<16xi32>
    %get3A_1860 = arith.constant 1184 : index
    %get3A_1861 = tpu.vector_load %arg10[%get3A_1860] {strides = array<i32>} : memref<2048xf32, #tpu.memory_space<vmem>>, vector<16xf32>,
    %slice3A_1862 = vector.extract_strided_slice %bitcast3A_1663 {offsets = [5], sizes = [1], strides = [1]} : vector<16xi32> to vector<1xi32>
    %squeeze3A_1863 = vector.extract %slice3A_1862[0] : i32 from vector<1xi32>
    %broadcast_in_dim3A_1864 = vector.broadcast %squeeze3A_1863 : i32 to vector<16xi32>
    %shift_right_arithmetic3A_1865 = arith.shrsi %broadcast_in_dim3A_1864, %iota3A : vector<16xi32>
    %and3A_1866 = arith.constant 1 : i32
    %and3A_1867 = vector.broadcast %and3A_1866 : i32 to vector<16xi32>
    %and3A_1868 = arith.andi %shift_right_arithmetic3A_1865, %and3A_1867 : vector<16xi32>
    %gt3A_1869 = arith.cmpf ogt, %broadcast_in_dim3A, %get3A_1861 : vector<16xf32>
    %select_n3A_1870 = arith.select %gt3A_1869, %and3A_1868, %convert_element_type3A_1859 : vector<16xi1>, vector<16xi32>
    %swap3A_1871 = arith.constant 1184 : index
    %swap3A_1872 = tpu.vector_load %arg13[%swap3A_1871] {strides = array<i32>} : memref<2048xi32, #tpu.memory_space<vmem>>, vector<16xi32>,
    tpu.vector_store %arg13[%swap3A_1871], %select_n3A_1870 {strides = array<i32>} : memref<2048xi32, #tpu.memory_space<vmem>>, vector<16xi32>,
    %get3A_1873 = arith.constant 2352 : index
    %get3A_1874 = tpu.vector_load %arg9[%get3A_1873] {strides = array<i32>} : memref<4096xf32, #tpu.memory_space<vmem>>, vector<16xf32>,
    %get3A_1875 = arith.constant 2480 : index
    %get3A_1876 = tpu.vector_load %arg9[%get3A_1875] {strides = array<i32>} : memref<4096xf32, #tpu.memory_space<vmem>>, vector<16xf32>,
    %gt3A_1877 = arith.cmpf ogt, %get3A_1876, %get3A_1874 : vector<16xf32>
    %convert_element_type3A_1878 = arith.extui %gt3A_1877 : vector<16xi1> to vector<16xi32>
    %get3A_1879 = arith.constant 1200 : index
    %get3A_1880 = tpu.vector_load %arg10[%get3A_1879] {strides = array<i32>} : memref<2048xf32, #tpu.memory_space<vmem>>, vector<16xf32>,
    %slice3A_1881 = vector.extract_strided_slice %bitcast3A_1663 {offsets = [5], sizes = [1], strides = [1]} : vector<16xi32> to vector<1xi32>
    %squeeze3A_1882 = vector.extract %slice3A_1881[0] : i32 from vector<1xi32>
    %broadcast_in_dim3A_1883 = vector.broadcast %squeeze3A_1882 : i32 to vector<16xi32>
    %shift_right_arithmetic3A_1884 = arith.shrsi %broadcast_in_dim3A_1883, %add3A_387 : vector<16xi32>
    %and3A_1885 = arith.constant 1 : i32
    %and3A_1886 = vector.broadcast %and3A_1885 : i32 to vector<16xi32>
    %and3A_1887 = arith.andi %shift_right_arithmetic3A_1884, %and3A_1886 : vector<16xi32>
    %gt3A_1888 = arith.cmpf ogt, %broadcast_in_dim3A, %get3A_1880 : vector<16xf32>
    %select_n3A_1889 = arith.select %gt3A_1888, %and3A_1887, %convert_element_type3A_1878 : vector<16xi1>, vector<16xi32>
    %swap3A_1890 = arith.constant 1200 : index
    %swap3A_1891 = tpu.vector_load %arg13[%swap3A_1890] {strides = array<i32>} : memref<2048xi32, #tpu.memory_space<vmem>>, vector<16xi32>,
    tpu.vector_store %arg13[%swap3A_1890], %select_n3A_1889 {strides = array<i32>} : memref<2048xi32, #tpu.memory_space<vmem>>, vector<16xi32>,
    %get3A_1892 = arith.constant 2368 : index
    %get3A_1893 = tpu.vector_load %arg9[%get3A_1892] {strides = array<i32>} : memref<4096xf32, #tpu.memory_space<vmem>>, vector<16xf32>,
    %get3A_1894 = arith.constant 2496 : index
    %get3A_1895 = tpu.vector_load %arg9[%get3A_1894] {strides = array<i32>} : memref<4096xf32, #tpu.memory_space<vmem>>, vector<16xf32>,
    %gt3A_1896 = arith.cmpf ogt, %get3A_1895, %get3A_1893 : vector<16xf32>
    %convert_element_type3A_1897 = arith.extui %gt3A_1896 : vector<16xi1> to vector<16xi32>
    %get3A_1898 = arith.constant 1216 : index
    %get3A_1899 = tpu.vector_load %arg10[%get3A_1898] {strides = array<i32>} : memref<2048xf32, #tpu.memory_space<vmem>>, vector<16xf32>,
    %slice3A_1900 = vector.extract_strided_slice %bitcast3A_1663 {offsets = [6], sizes = [1], strides = [1]} : vector<16xi32> to vector<1xi32>
    %squeeze3A_1901 = vector.extract %slice3A_1900[0] : i32 from vector<1xi32>
    %broadcast_in_dim3A_1902 = vector.broadcast %squeeze3A_1901 : i32 to vector<16xi32>
    %shift_right_arithmetic3A_1903 = arith.shrsi %broadcast_in_dim3A_1902, %iota3A : vector<16xi32>
    %and3A_1904 = arith.constant 1 : i32
    %and3A_1905 = vector.broadcast %and3A_1904 : i32 to vector<16xi32>
    %and3A_1906 = arith.andi %shift_right_arithmetic3A_1903, %and3A_1905 : vector<16xi32>
    %gt3A_1907 = arith.cmpf ogt, %broadcast_in_dim3A, %get3A_1899 : vector<16xf32>
    %select_n3A_1908 = arith.select %gt3A_1907, %and3A_1906, %convert_element_type3A_1897 : vector<16xi1>, vector<16xi32>
    %swap3A_1909 = arith.constant 1216 : index
    %swap3A_1910 = tpu.vector_load %arg13[%swap3A_1909] {strides = array<i32>} : memref<2048xi32, #tpu.memory_space<vmem>>, vector<16xi32>,
    tpu.vector_store %arg13[%swap3A_1909], %select_n3A_1908 {strides = array<i32>} : memref<2048xi32, #tpu.memory_space<vmem>>, vector<16xi32>,
    %get3A_1911 = arith.constant 2384 : index
    %get3A_1912 = tpu.vector_load %arg9[%get3A_1911] {strides = array<i32>} : memref<4096xf32, #tpu.memory_space<vmem>>, vector<16xf32>,
    %get3A_1913 = arith.constant 2512 : index
    %get3A_1914 = tpu.vector_load %arg9[%get3A_1913] {strides = array<i32>} : memref<4096xf32, #tpu.memory_space<vmem>>, vector<16xf32>,
    %gt3A_1915 = arith.cmpf ogt, %get3A_1914, %get3A_1912 : vector<16xf32>
    %convert_element_type3A_1916 = arith.extui %gt3A_1915 : vector<16xi1> to vector<16xi32>
    %get3A_1917 = arith.constant 1232 : index
    %get3A_1918 = tpu.vector_load %arg10[%get3A_1917] {strides = array<i32>} : memref<2048xf32, #tpu.memory_space<vmem>>, vector<16xf32>,
    %slice3A_1919 = vector.extract_strided_slice %bitcast3A_1663 {offsets = [6], sizes = [1], strides = [1]} : vector<16xi32> to vector<1xi32>
    %squeeze3A_1920 = vector.extract %slice3A_1919[0] : i32 from vector<1xi32>
    %broadcast_in_dim3A_1921 = vector.broadcast %squeeze3A_1920 : i32 to vector<16xi32>
    %shift_right_arithmetic3A_1922 = arith.shrsi %broadcast_in_dim3A_1921, %add3A_387 : vector<16xi32>
    %and3A_1923 = arith.constant 1 : i32
    %and3A_1924 = vector.broadcast %and3A_1923 : i32 to vector<16xi32>
    %and3A_1925 = arith.andi %shift_right_arithmetic3A_1922, %and3A_1924 : vector<16xi32>
    %gt3A_1926 = arith.cmpf ogt, %broadcast_in_dim3A, %get3A_1918 : vector<16xf32>
    %select_n3A_1927 = arith.select %gt3A_1926, %and3A_1925, %convert_element_type3A_1916 : vector<16xi1>, vector<16xi32>
    %swap3A_1928 = arith.constant 1232 : index
    %swap3A_1929 = tpu.vector_load %arg13[%swap3A_1928] {strides = array<i32>} : memref<2048xi32, #tpu.memory_space<vmem>>, vector<16xi32>,
    tpu.vector_store %arg13[%swap3A_1928], %select_n3A_1927 {strides = array<i32>} : memref<2048xi32, #tpu.memory_space<vmem>>, vector<16xi32>,
    %get3A_1930 = arith.constant 2400 : index
    %get3A_1931 = tpu.vector_load %arg9[%get3A_1930] {strides = array<i32>} : memref<4096xf32, #tpu.memory_space<vmem>>, vector<16xf32>,
    %get3A_1932 = arith.constant 2528 : index
    %get3A_1933 = tpu.vector_load %arg9[%get3A_1932] {strides = array<i32>} : memref<4096xf32, #tpu.memory_space<vmem>>, vector<16xf32>,
    %gt3A_1934 = arith.cmpf ogt, %get3A_1933, %get3A_1931 : vector<16xf32>
    %convert_element_type3A_1935 = arith.extui %gt3A_1934 : vector<16xi1> to vector<16xi32>
    %get3A_1936 = arith.constant 1248 : index
    %get3A_1937 = tpu.vector_load %arg10[%get3A_1936] {strides = array<i32>} : memref<2048xf32, #tpu.memory_space<vmem>>, vector<16xf32>,
    %slice3A_1938 = vector.extract_strided_slice %bitcast3A_1663 {offsets = [7], sizes = [1], strides = [1]} : vector<16xi32> to vector<1xi32>
    %squeeze3A_1939 = vector.extract %slice3A_1938[0] : i32 from vector<1xi32>
    %broadcast_in_dim3A_1940 = vector.broadcast %squeeze3A_1939 : i32 to vector<16xi32>
    %shift_right_arithmetic3A_1941 = arith.shrsi %broadcast_in_dim3A_1940, %iota3A : vector<16xi32>
    %and3A_1942 = arith.constant 1 : i32
    %and3A_1943 = vector.broadcast %and3A_1942 : i32 to vector<16xi32>
    %and3A_1944 = arith.andi %shift_right_arithmetic3A_1941, %and3A_1943 : vector<16xi32>
    %gt3A_1945 = arith.cmpf ogt, %broadcast_in_dim3A, %get3A_1937 : vector<16xf32>
    %select_n3A_1946 = arith.select %gt3A_1945, %and3A_1944, %convert_element_type3A_1935 : vector<16xi1>, vector<16xi32>
    %swap3A_1947 = arith.constant 1248 : index
    %swap3A_1948 = tpu.vector_load %arg13[%swap3A_1947] {strides = array<i32>} : memref<2048xi32, #tpu.memory_space<vmem>>, vector<16xi32>,
    tpu.vector_store %arg13[%swap3A_1947], %select_n3A_1946 {strides = array<i32>} : memref<2048xi32, #tpu.memory_space<vmem>>, vector<16xi32>,
    %get3A_1949 = arith.constant 2416 : index
    %get3A_1950 = tpu.vector_load %arg9[%get3A_1949] {strides = array<i32>} : memref<4096xf32, #tpu.memory_space<vmem>>, vector<16xf32>,
    %get3A_1951 = arith.constant 2544 : index
    %get3A_1952 = tpu.vector_load %arg9[%get3A_1951] {strides = array<i32>} : memref<4096xf32, #tpu.memory_space<vmem>>, vector<16xf32>,
    %gt3A_1953 = arith.cmpf ogt, %get3A_1952, %get3A_1950 : vector<16xf32>
    %convert_element_type3A_1954 = arith.extui %gt3A_1953 : vector<16xi1> to vector<16xi32>
    %get3A_1955 = arith.constant 1264 : index
    %get3A_1956 = tpu.vector_load %arg10[%get3A_1955] {strides = array<i32>} : memref<2048xf32, #tpu.memory_space<vmem>>, vector<16xf32>,
    %slice3A_1957 = vector.extract_strided_slice %bitcast3A_1663 {offsets = [7], sizes = [1], strides = [1]} : vector<16xi32> to vector<1xi32>
    %squeeze3A_1958 = vector.extract %slice3A_1957[0] : i32 from vector<1xi32>
    %broadcast_in_dim3A_1959 = vector.broadcast %squeeze3A_1958 : i32 to vector<16xi32>
    %shift_right_arithmetic3A_1960 = arith.shrsi %broadcast_in_dim3A_1959, %add3A_387 : vector<16xi32>
    %and3A_1961 = arith.constant 1 : i32
    %and3A_1962 = vector.broadcast %and3A_1961 : i32 to vector<16xi32>
    %and3A_1963 = arith.andi %shift_right_arithmetic3A_1960, %and3A_1962 : vector<16xi32>
    %gt3A_1964 = arith.cmpf ogt, %broadcast_in_dim3A, %get3A_1956 : vector<16xf32>
    %select_n3A_1965 = arith.select %gt3A_1964, %and3A_1963, %convert_element_type3A_1954 : vector<16xi1>, vector<16xi32>
    %swap3A_1966 = arith.constant 1264 : index
    %swap3A_1967 = tpu.vector_load %arg13[%swap3A_1966] {strides = array<i32>} : memref<2048xi32, #tpu.memory_space<vmem>>, vector<16xi32>,
    tpu.vector_store %arg13[%swap3A_1966], %select_n3A_1965 {strides = array<i32>} : memref<2048xi32, #tpu.memory_space<vmem>>, vector<16xi32>,
    %get3A_1968 = arith.constant 2560 : index
    %get3A_1969 = tpu.vector_load %arg9[%get3A_1968] {strides = array<i32>} : memref<4096xf32, #tpu.memory_space<vmem>>, vector<16xf32>,
    %get3A_1970 = arith.constant 2688 : index
    %get3A_1971 = tpu.vector_load %arg9[%get3A_1970] {strides = array<i32>} : memref<4096xf32, #tpu.memory_space<vmem>>, vector<16xf32>,
    %gt3A_1972 = arith.cmpf ogt, %get3A_1971, %get3A_1969 : vector<16xf32>
    %convert_element_type3A_1973 = arith.extui %gt3A_1972 : vector<16xi1> to vector<16xi32>
    %get3A_1974 = arith.constant 1280 : index
    %get3A_1975 = tpu.vector_load %arg10[%get3A_1974] {strides = array<i32>} : memref<2048xf32, #tpu.memory_space<vmem>>, vector<16xf32>,
    %slice3A_1976 = vector.extract_strided_slice %bitcast3A_1663 {offsets = [8], sizes = [1], strides = [1]} : vector<16xi32> to vector<1xi32>
    %squeeze3A_1977 = vector.extract %slice3A_1976[0] : i32 from vector<1xi32>
    %broadcast_in_dim3A_1978 = vector.broadcast %squeeze3A_1977 : i32 to vector<16xi32>
    %shift_right_arithmetic3A_1979 = arith.shrsi %broadcast_in_dim3A_1978, %iota3A : vector<16xi32>
    %and3A_1980 = arith.constant 1 : i32
    %and3A_1981 = vector.broadcast %and3A_1980 : i32 to vector<16xi32>
    %and3A_1982 = arith.andi %shift_right_arithmetic3A_1979, %and3A_1981 : vector<16xi32>
    %gt3A_1983 = arith.cmpf ogt, %broadcast_in_dim3A, %get3A_1975 : vector<16xf32>
    %select_n3A_1984 = arith.select %gt3A_1983, %and3A_1982, %convert_element_type3A_1973 : vector<16xi1>, vector<16xi32>
    %swap3A_1985 = arith.constant 1280 : index
    %swap3A_1986 = tpu.vector_load %arg13[%swap3A_1985] {strides = array<i32>} : memref<2048xi32, #tpu.memory_space<vmem>>, vector<16xi32>,
    tpu.vector_store %arg13[%swap3A_1985], %select_n3A_1984 {strides = array<i32>} : memref<2048xi32, #tpu.memory_space<vmem>>, vector<16xi32>,
    %get3A_1987 = arith.constant 2576 : index
    %get3A_1988 = tpu.vector_load %arg9[%get3A_1987] {strides = array<i32>} : memref<4096xf32, #tpu.memory_space<vmem>>, vector<16xf32>,
    %get3A_1989 = arith.constant 2704 : index
    %get3A_1990 = tpu.vector_load %arg9[%get3A_1989] {strides = array<i32>} : memref<4096xf32, #tpu.memory_space<vmem>>, vector<16xf32>,
    %gt3A_1991 = arith.cmpf ogt, %get3A_1990, %get3A_1988 : vector<16xf32>
    %convert_element_type3A_1992 = arith.extui %gt3A_1991 : vector<16xi1> to vector<16xi32>
    %get3A_1993 = arith.constant 1296 : index
    %get3A_1994 = tpu.vector_load %arg10[%get3A_1993] {strides = array<i32>} : memref<2048xf32, #tpu.memory_space<vmem>>, vector<16xf32>,
    %slice3A_1995 = vector.extract_strided_slice %bitcast3A_1663 {offsets = [8], sizes = [1], strides = [1]} : vector<16xi32> to vector<1xi32>
    %squeeze3A_1996 = vector.extract %slice3A_1995[0] : i32 from vector<1xi32>
    %broadcast_in_dim3A_1997 = vector.broadcast %squeeze3A_1996 : i32 to vector<16xi32>
    %shift_right_arithmetic3A_1998 = arith.shrsi %broadcast_in_dim3A_1997, %add3A_387 : vector<16xi32>
    %and3A_1999 = arith.constant 1 : i32
    %and3A_2000 = vector.broadcast %and3A_1999 : i32 to vector<16xi32>
    %and3A_2001 = arith.andi %shift_right_arithmetic3A_1998, %and3A_2000 : vector<16xi32>
    %gt3A_2002 = arith.cmpf ogt, %broadcast_in_dim3A, %get3A_1994 : vector<16xf32>
    %select_n3A_2003 = arith.select %gt3A_2002, %and3A_2001, %convert_element_type3A_1992 : vector<16xi1>, vector<16xi32>
    %swap3A_2004 = arith.constant 1296 : index
    %swap3A_2005 = tpu.vector_load %arg13[%swap3A_2004] {strides = array<i32>} : memref<2048xi32, #tpu.memory_space<vmem>>, vector<16xi32>,
    tpu.vector_store %arg13[%swap3A_2004], %select_n3A_2003 {strides = array<i32>} : memref<2048xi32, #tpu.memory_space<vmem>>, vector<16xi32>,
    %get3A_2006 = arith.constant 2592 : index
    %get3A_2007 = tpu.vector_load %arg9[%get3A_2006] {strides = array<i32>} : memref<4096xf32, #tpu.memory_space<vmem>>, vector<16xf32>,
    %get3A_2008 = arith.constant 2720 : index
    %get3A_2009 = tpu.vector_load %arg9[%get3A_2008] {strides = array<i32>} : memref<4096xf32, #tpu.memory_space<vmem>>, vector<16xf32>,
    %gt3A_2010 = arith.cmpf ogt, %get3A_2009, %get3A_2007 : vector<16xf32>
    %convert_element_type3A_2011 = arith.extui %gt3A_2010 : vector<16xi1> to vector<16xi32>
    %get3A_2012 = arith.constant 1312 : index
    %get3A_2013 = tpu.vector_load %arg10[%get3A_2012] {strides = array<i32>} : memref<2048xf32, #tpu.memory_space<vmem>>, vector<16xf32>,
    %slice3A_2014 = vector.extract_strided_slice %bitcast3A_1663 {offsets = [9], sizes = [1], strides = [1]} : vector<16xi32> to vector<1xi32>
    %squeeze3A_2015 = vector.extract %slice3A_2014[0] : i32 from vector<1xi32>
    %broadcast_in_dim3A_2016 = vector.broadcast %squeeze3A_2015 : i32 to vector<16xi32>
    %shift_right_arithmetic3A_2017 = arith.shrsi %broadcast_in_dim3A_2016, %iota3A : vector<16xi32>
    %and3A_2018 = arith.constant 1 : i32
    %and3A_2019 = vector.broadcast %and3A_2018 : i32 to vector<16xi32>
    %and3A_2020 = arith.andi %shift_right_arithmetic3A_2017, %and3A_2019 : vector<16xi32>
    %gt3A_2021 = arith.cmpf ogt, %broadcast_in_dim3A, %get3A_2013 : vector<16xf32>
    %select_n3A_2022 = arith.select %gt3A_2021, %and3A_2020, %convert_element_type3A_2011 : vector<16xi1>, vector<16xi32>
    %swap3A_2023 = arith.constant 1312 : index
    %swap3A_2024 = tpu.vector_load %arg13[%swap3A_2023] {strides = array<i32>} : memref<2048xi32, #tpu.memory_space<vmem>>, vector<16xi32>,
    tpu.vector_store %arg13[%swap3A_2023], %select_n3A_2022 {strides = array<i32>} : memref<2048xi32, #tpu.memory_space<vmem>>, vector<16xi32>,
    %get3A_2025 = arith.constant 2608 : index
    %get3A_2026 = tpu.vector_load %arg9[%get3A_2025] {strides = array<i32>} : memref<4096xf32, #tpu.memory_space<vmem>>, vector<16xf32>,
    %get3A_2027 = arith.constant 2736 : index
    %get3A_2028 = tpu.vector_load %arg9[%get3A_2027] {strides = array<i32>} : memref<4096xf32, #tpu.memory_space<vmem>>, vector<16xf32>,
    %gt3A_2029 = arith.cmpf ogt, %get3A_2028, %get3A_2026 : vector<16xf32>
    %convert_element_type3A_2030 = arith.extui %gt3A_2029 : vector<16xi1> to vector<16xi32>
    %get3A_2031 = arith.constant 1328 : index
    %get3A_2032 = tpu.vector_load %arg10[%get3A_2031] {strides = array<i32>} : memref<2048xf32, #tpu.memory_space<vmem>>, vector<16xf32>,
    %slice3A_2033 = vector.extract_strided_slice %bitcast3A_1663 {offsets = [9], sizes = [1], strides = [1]} : vector<16xi32> to vector<1xi32>
    %squeeze3A_2034 = vector.extract %slice3A_2033[0] : i32 from vector<1xi32>
    %broadcast_in_dim3A_2035 = vector.broadcast %squeeze3A_2034 : i32 to vector<16xi32>
    %shift_right_arithmetic3A_2036 = arith.shrsi %broadcast_in_dim3A_2035, %add3A_387 : vector<16xi32>
    %and3A_2037 = arith.constant 1 : i32
    %and3A_2038 = vector.broadcast %and3A_2037 : i32 to vector<16xi32>
    %and3A_2039 = arith.andi %shift_right_arithmetic3A_2036, %and3A_2038 : vector<16xi32>
    %gt3A_2040 = arith.cmpf ogt, %broadcast_in_dim3A, %get3A_2032 : vector<16xf32>
    %select_n3A_2041 = arith.select %gt3A_2040, %and3A_2039, %convert_element_type3A_2030 : vector<16xi1>, vector<16xi32>
    %swap3A_2042 = arith.constant 1328 : index
    %swap3A_2043 = tpu.vector_load %arg13[%swap3A_2042] {strides = array<i32>} : memref<2048xi32, #tpu.memory_space<vmem>>, vector<16xi32>,
    tpu.vector_store %arg13[%swap3A_2042], %select_n3A_2041 {strides = array<i32>} : memref<2048xi32, #tpu.memory_space<vmem>>, vector<16xi32>,
    %get3A_2044 = arith.constant 2624 : index
    %get3A_2045 = tpu.vector_load %arg9[%get3A_2044] {strides = array<i32>} : memref<4096xf32, #tpu.memory_space<vmem>>, vector<16xf32>,
    %get3A_2046 = arith.constant 2752 : index
    %get3A_2047 = tpu.vector_load %arg9[%get3A_2046] {strides = array<i32>} : memref<4096xf32, #tpu.memory_space<vmem>>, vector<16xf32>,
    %gt3A_2048 = arith.cmpf ogt, %get3A_2047, %get3A_2045 : vector<16xf32>
    %convert_element_type3A_2049 = arith.extui %gt3A_2048 : vector<16xi1> to vector<16xi32>
    %get3A_2050 = arith.constant 1344 : index
    %get3A_2051 = tpu.vector_load %arg10[%get3A_2050] {strides = array<i32>} : memref<2048xf32, #tpu.memory_space<vmem>>, vector<16xf32>,
    %slice3A_2052 = vector.extract_strided_slice %bitcast3A_1663 {offsets = [10], sizes = [1], strides = [1]} : vector<16xi32> to vector<1xi32>
    %squeeze3A_2053 = vector.extract %slice3A_2052[0] : i32 from vector<1xi32>
    %broadcast_in_dim3A_2054 = vector.broadcast %squeeze3A_2053 : i32 to vector<16xi32>
    %shift_right_arithmetic3A_2055 = arith.shrsi %broadcast_in_dim3A_2054, %iota3A : vector<16xi32>
    %and3A_2056 = arith.constant 1 : i32
    %and3A_2057 = vector.broadcast %and3A_2056 : i32 to vector<16xi32>
    %and3A_2058 = arith.andi %shift_right_arithmetic3A_2055, %and3A_2057 : vector<16xi32>
    %gt3A_2059 = arith.cmpf ogt, %broadcast_in_dim3A, %get3A_2051 : vector<16xf32>
    %select_n3A_2060 = arith.select %gt3A_2059, %and3A_2058, %convert_element_type3A_2049 : vector<16xi1>, vector<16xi32>
    %swap3A_2061 = arith.constant 1344 : index
    %swap3A_2062 = tpu.vector_load %arg13[%swap3A_2061] {strides = array<i32>} : memref<2048xi32, #tpu.memory_space<vmem>>, vector<16xi32>,
    tpu.vector_store %arg13[%swap3A_2061], %select_n3A_2060 {strides = array<i32>} : memref<2048xi32, #tpu.memory_space<vmem>>, vector<16xi32>,
    %get3A_2063 = arith.constant 2640 : index
    %get3A_2064 = tpu.vector_load %arg9[%get3A_2063] {strides = array<i32>} : memref<4096xf32, #tpu.memory_space<vmem>>, vector<16xf32>,
    %get3A_2065 = arith.constant 2768 : index
    %get3A_2066 = tpu.vector_load %arg9[%get3A_2065] {strides = array<i32>} : memref<4096xf32, #tpu.memory_space<vmem>>, vector<16xf32>,
    %gt3A_2067 = arith.cmpf ogt, %get3A_2066, %get3A_2064 : vector<16xf32>
    %convert_element_type3A_2068 = arith.extui %gt3A_2067 : vector<16xi1> to vector<16xi32>
    %get3A_2069 = arith.constant 1360 : index
    %get3A_2070 = tpu.vector_load %arg10[%get3A_2069] {strides = array<i32>} : memref<2048xf32, #tpu.memory_space<vmem>>, vector<16xf32>,
    %slice3A_2071 = vector.extract_strided_slice %bitcast3A_1663 {offsets = [10], sizes = [1], strides = [1]} : vector<16xi32> to vector<1xi32>
    %squeeze3A_2072 = vector.extract %slice3A_2071[0] : i32 from vector<1xi32>
    %broadcast_in_dim3A_2073 = vector.broadcast %squeeze3A_2072 : i32 to vector<16xi32>
    %shift_right_arithmetic3A_2074 = arith.shrsi %broadcast_in_dim3A_2073, %add3A_387 : vector<16xi32>
    %and3A_2075 = arith.constant 1 : i32
    %and3A_2076 = vector.broadcast %and3A_2075 : i32 to vector<16xi32>
    %and3A_2077 = arith.andi %shift_right_arithmetic3A_2074, %and3A_2076 : vector<16xi32>
    %gt3A_2078 = arith.cmpf ogt, %broadcast_in_dim3A, %get3A_2070 : vector<16xf32>
    %select_n3A_2079 = arith.select %gt3A_2078, %and3A_2077, %convert_element_type3A_2068 : vector<16xi1>, vector<16xi32>
    %swap3A_2080 = arith.constant 1360 : index
    %swap3A_2081 = tpu.vector_load %arg13[%swap3A_2080] {strides = array<i32>} : memref<2048xi32, #tpu.memory_space<vmem>>, vector<16xi32>,
    tpu.vector_store %arg13[%swap3A_2080], %select_n3A_2079 {strides = array<i32>} : memref<2048xi32, #tpu.memory_space<vmem>>, vector<16xi32>,
    %get3A_2082 = arith.constant 2656 : index
    %get3A_2083 = tpu.vector_load %arg9[%get3A_2082] {strides = array<i32>} : memref<4096xf32, #tpu.memory_space<vmem>>, vector<16xf32>,
    %get3A_2084 = arith.constant 2784 : index
    %get3A_2085 = tpu.vector_load %arg9[%get3A_2084] {strides = array<i32>} : memref<4096xf32, #tpu.memory_space<vmem>>, vector<16xf32>,
    %gt3A_2086 = arith.cmpf ogt, %get3A_2085, %get3A_2083 : vector<16xf32>
    %convert_element_type3A_2087 = arith.extui %gt3A_2086 : vector<16xi1> to vector<16xi32>
    %get3A_2088 = arith.constant 1376 : index
    %get3A_2089 = tpu.vector_load %arg10[%get3A_2088] {strides = array<i32>} : memref<2048xf32, #tpu.memory_space<vmem>>, vector<16xf32>,
    %slice3A_2090 = vector.extract_strided_slice %bitcast3A_1663 {offsets = [11], sizes = [1], strides = [1]} : vector<16xi32> to vector<1xi32>
    %squeeze3A_2091 = vector.extract %slice3A_2090[0] : i32 from vector<1xi32>
    %broadcast_in_dim3A_2092 = vector.broadcast %squeeze3A_2091 : i32 to vector<16xi32>
    %shift_right_arithmetic3A_2093 = arith.shrsi %broadcast_in_dim3A_2092, %iota3A : vector<16xi32>
    %and3A_2094 = arith.constant 1 : i32
    %and3A_2095 = vector.broadcast %and3A_2094 : i32 to vector<16xi32>
    %and3A_2096 = arith.andi %shift_right_arithmetic3A_2093, %and3A_2095 : vector<16xi32>
    %gt3A_2097 = arith.cmpf ogt, %broadcast_in_dim3A, %get3A_2089 : vector<16xf32>
    %select_n3A_2098 = arith.select %gt3A_2097, %and3A_2096, %convert_element_type3A_2087 : vector<16xi1>, vector<16xi32>
    %swap3A_2099 = arith.constant 1376 : index
    %swap3A_2100 = tpu.vector_load %arg13[%swap3A_2099] {strides = array<i32>} : memref<2048xi32, #tpu.memory_space<vmem>>, vector<16xi32>,
    tpu.vector_store %arg13[%swap3A_2099], %select_n3A_2098 {strides = array<i32>} : memref<2048xi32, #tpu.memory_space<vmem>>, vector<16xi32>,
    %get3A_2101 = arith.constant 2672 : index
    %get3A_2102 = tpu.vector_load %arg9[%get3A_2101] {strides = array<i32>} : memref<4096xf32, #tpu.memory_space<vmem>>, vector<16xf32>,
    %get3A_2103 = arith.constant 2800 : index
    %get3A_2104 = tpu.vector_load %arg9[%get3A_2103] {strides = array<i32>} : memref<4096xf32, #tpu.memory_space<vmem>>, vector<16xf32>,
    %gt3A_2105 = arith.cmpf ogt, %get3A_2104, %get3A_2102 : vector<16xf32>
    %convert_element_type3A_2106 = arith.extui %gt3A_2105 : vector<16xi1> to vector<16xi32>
    %get3A_2107 = arith.constant 1392 : index
    %get3A_2108 = tpu.vector_load %arg10[%get3A_2107] {strides = array<i32>} : memref<2048xf32, #tpu.memory_space<vmem>>, vector<16xf32>,
    %slice3A_2109 = vector.extract_strided_slice %bitcast3A_1663 {offsets = [11], sizes = [1], strides = [1]} : vector<16xi32> to vector<1xi32>
    %squeeze3A_2110 = vector.extract %slice3A_2109[0] : i32 from vector<1xi32>
    %broadcast_in_dim3A_2111 = vector.broadcast %squeeze3A_2110 : i32 to vector<16xi32>
    %shift_right_arithmetic3A_2112 = arith.shrsi %broadcast_in_dim3A_2111, %add3A_387 : vector<16xi32>
    %and3A_2113 = arith.constant 1 : i32
    %and3A_2114 = vector.broadcast %and3A_2113 : i32 to vector<16xi32>
    %and3A_2115 = arith.andi %shift_right_arithmetic3A_2112, %and3A_2114 : vector<16xi32>
    %gt3A_2116 = arith.cmpf ogt, %broadcast_in_dim3A, %get3A_2108 : vector<16xf32>
    %select_n3A_2117 = arith.select %gt3A_2116, %and3A_2115, %convert_element_type3A_2106 : vector<16xi1>, vector<16xi32>
    %swap3A_2118 = arith.constant 1392 : index
    %swap3A_2119 = tpu.vector_load %arg13[%swap3A_2118] {strides = array<i32>} : memref<2048xi32, #tpu.memory_space<vmem>>, vector<16xi32>,
    tpu.vector_store %arg13[%swap3A_2118], %select_n3A_2117 {strides = array<i32>} : memref<2048xi32, #tpu.memory_space<vmem>>, vector<16xi32>,
    %get3A_2120 = arith.constant 2816 : index
    %get3A_2121 = tpu.vector_load %arg9[%get3A_2120] {strides = array<i32>} : memref<4096xf32, #tpu.memory_space<vmem>>, vector<16xf32>,
    %get3A_2122 = arith.constant 2944 : index
    %get3A_2123 = tpu.vector_load %arg9[%get3A_2122] {strides = array<i32>} : memref<4096xf32, #tpu.memory_space<vmem>>, vector<16xf32>,
    %gt3A_2124 = arith.cmpf ogt, %get3A_2123, %get3A_2121 : vector<16xf32>
    %convert_element_type3A_2125 = arith.extui %gt3A_2124 : vector<16xi1> to vector<16xi32>
    %get3A_2126 = arith.constant 1408 : index
    %get3A_2127 = tpu.vector_load %arg10[%get3A_2126] {strides = array<i32>} : memref<2048xf32, #tpu.memory_space<vmem>>, vector<16xf32>,
    %slice3A_2128 = vector.extract_strided_slice %bitcast3A_1663 {offsets = [12], sizes = [1], strides = [1]} : vector<16xi32> to vector<1xi32>
    %squeeze3A_2129 = vector.extract %slice3A_2128[0] : i32 from vector<1xi32>
    %broadcast_in_dim3A_2130 = vector.broadcast %squeeze3A_2129 : i32 to vector<16xi32>
    %shift_right_arithmetic3A_2131 = arith.shrsi %broadcast_in_dim3A_2130, %iota3A : vector<16xi32>
    %and3A_2132 = arith.constant 1 : i32
    %and3A_2133 = vector.broadcast %and3A_2132 : i32 to vector<16xi32>
    %and3A_2134 = arith.andi %shift_right_arithmetic3A_2131, %and3A_2133 : vector<16xi32>
    %gt3A_2135 = arith.cmpf ogt, %broadcast_in_dim3A, %get3A_2127 : vector<16xf32>
    %select_n3A_2136 = arith.select %gt3A_2135, %and3A_2134, %convert_element_type3A_2125 : vector<16xi1>, vector<16xi32>
    %swap3A_2137 = arith.constant 1408 : index
    %swap3A_2138 = tpu.vector_load %arg13[%swap3A_2137] {strides = array<i32>} : memref<2048xi32, #tpu.memory_space<vmem>>, vector<16xi32>,
    tpu.vector_store %arg13[%swap3A_2137], %select_n3A_2136 {strides = array<i32>} : memref<2048xi32, #tpu.memory_space<vmem>>, vector<16xi32>,
    %get3A_2139 = arith.constant 2832 : index
    %get3A_2140 = tpu.vector_load %arg9[%get3A_2139] {strides = array<i32>} : memref<4096xf32, #tpu.memory_space<vmem>>, vector<16xf32>,
    %get3A_2141 = arith.constant 2960 : index
    %get3A_2142 = tpu.vector_load %arg9[%get3A_2141] {strides = array<i32>} : memref<4096xf32, #tpu.memory_space<vmem>>, vector<16xf32>,
    %gt3A_2143 = arith.cmpf ogt, %get3A_2142, %get3A_2140 : vector<16xf32>
    %convert_element_type3A_2144 = arith.extui %gt3A_2143 : vector<16xi1> to vector<16xi32>
    %get3A_2145 = arith.constant 1424 : index
    %get3A_2146 = tpu.vector_load %arg10[%get3A_2145] {strides = array<i32>} : memref<2048xf32, #tpu.memory_space<vmem>>, vector<16xf32>,
    %slice3A_2147 = vector.extract_strided_slice %bitcast3A_1663 {offsets = [12], sizes = [1], strides = [1]} : vector<16xi32> to vector<1xi32>
    %squeeze3A_2148 = vector.extract %slice3A_2147[0] : i32 from vector<1xi32>
    %broadcast_in_dim3A_2149 = vector.broadcast %squeeze3A_2148 : i32 to vector<16xi32>
    %shift_right_arithmetic3A_2150 = arith.shrsi %broadcast_in_dim3A_2149, %add3A_387 : vector<16xi32>
    %and3A_2151 = arith.constant 1 : i32
    %and3A_2152 = vector.broadcast %and3A_2151 : i32 to vector<16xi32>
    %and3A_2153 = arith.andi %shift_right_arithmetic3A_2150, %and3A_2152 : vector<16xi32>
    %gt3A_2154 = arith.cmpf ogt, %broadcast_in_dim3A, %get3A_2146 : vector<16xf32>
    %select_n3A_2155 = arith.select %gt3A_2154, %and3A_2153, %convert_element_type3A_2144 : vector<16xi1>, vector<16xi32>
    %swap3A_2156 = arith.constant 1424 : index
    %swap3A_2157 = tpu.vector_load %arg13[%swap3A_2156] {strides = array<i32>} : memref<2048xi32, #tpu.memory_space<vmem>>, vector<16xi32>,
    tpu.vector_store %arg13[%swap3A_2156], %select_n3A_2155 {strides = array<i32>} : memref<2048xi32, #tpu.memory_space<vmem>>, vector<16xi32>,
    %get3A_2158 = arith.constant 2848 : index
    %get3A_2159 = tpu.vector_load %arg9[%get3A_2158] {strides = array<i32>} : memref<4096xf32, #tpu.memory_space<vmem>>, vector<16xf32>,
    %get3A_2160 = arith.constant 2976 : index
    %get3A_2161 = tpu.vector_load %arg9[%get3A_2160] {strides = array<i32>} : memref<4096xf32, #tpu.memory_space<vmem>>, vector<16xf32>,
    %gt3A_2162 = arith.cmpf ogt, %get3A_2161, %get3A_2159 : vector<16xf32>
    %convert_element_type3A_2163 = arith.extui %gt3A_2162 : vector<16xi1> to vector<16xi32>
    %get3A_2164 = arith.constant 1440 : index
    %get3A_2165 = tpu.vector_load %arg10[%get3A_2164] {strides = array<i32>} : memref<2048xf32, #tpu.memory_space<vmem>>, vector<16xf32>,
    %slice3A_2166 = vector.extract_strided_slice %bitcast3A_1663 {offsets = [13], sizes = [1], strides = [1]} : vector<16xi32> to vector<1xi32>
    %squeeze3A_2167 = vector.extract %slice3A_2166[0] : i32 from vector<1xi32>
    %broadcast_in_dim3A_2168 = vector.broadcast %squeeze3A_2167 : i32 to vector<16xi32>
    %shift_right_arithmetic3A_2169 = arith.shrsi %broadcast_in_dim3A_2168, %iota3A : vector<16xi32>
    %and3A_2170 = arith.constant 1 : i32
    %and3A_2171 = vector.broadcast %and3A_2170 : i32 to vector<16xi32>
    %and3A_2172 = arith.andi %shift_right_arithmetic3A_2169, %and3A_2171 : vector<16xi32>
    %gt3A_2173 = arith.cmpf ogt, %broadcast_in_dim3A, %get3A_2165 : vector<16xf32>
    %select_n3A_2174 = arith.select %gt3A_2173, %and3A_2172, %convert_element_type3A_2163 : vector<16xi1>, vector<16xi32>
    %swap3A_2175 = arith.constant 1440 : index
    %swap3A_2176 = tpu.vector_load %arg13[%swap3A_2175] {strides = array<i32>} : memref<2048xi32, #tpu.memory_space<vmem>>, vector<16xi32>,
    tpu.vector_store %arg13[%swap3A_2175], %select_n3A_2174 {strides = array<i32>} : memref<2048xi32, #tpu.memory_space<vmem>>, vector<16xi32>,
    %get3A_2177 = arith.constant 2864 : index
    %get3A_2178 = tpu.vector_load %arg9[%get3A_2177] {strides = array<i32>} : memref<4096xf32, #tpu.memory_space<vmem>>, vector<16xf32>,
    %get3A_2179 = arith.constant 2992 : index
    %get3A_2180 = tpu.vector_load %arg9[%get3A_2179] {strides = array<i32>} : memref<4096xf32, #tpu.memory_space<vmem>>, vector<16xf32>,
    %gt3A_2181 = arith.cmpf ogt, %get3A_2180, %get3A_2178 : vector<16xf32>
    %convert_element_type3A_2182 = arith.extui %gt3A_2181 : vector<16xi1> to vector<16xi32>
    %get3A_2183 = arith.constant 1456 : index
    %get3A_2184 = tpu.vector_load %arg10[%get3A_2183] {strides = array<i32>} : memref<2048xf32, #tpu.memory_space<vmem>>, vector<16xf32>,
    %slice3A_2185 = vector.extract_strided_slice %bitcast3A_1663 {offsets = [13], sizes = [1], strides = [1]} : vector<16xi32> to vector<1xi32>
    %squeeze3A_2186 = vector.extract %slice3A_2185[0] : i32 from vector<1xi32>
    %broadcast_in_dim3A_2187 = vector.broadcast %squeeze3A_2186 : i32 to vector<16xi32>
    %shift_right_arithmetic3A_2188 = arith.shrsi %broadcast_in_dim3A_2187, %add3A_387 : vector<16xi32>
    %and3A_2189 = arith.constant 1 : i32
    %and3A_2190 = vector.broadcast %and3A_2189 : i32 to vector<16xi32>
    %and3A_2191 = arith.andi %shift_right_arithmetic3A_2188, %and3A_2190 : vector<16xi32>
    %gt3A_2192 = arith.cmpf ogt, %broadcast_in_dim3A, %get3A_2184 : vector<16xf32>
    %select_n3A_2193 = arith.select %gt3A_2192, %and3A_2191, %convert_element_type3A_2182 : vector<16xi1>, vector<16xi32>
    %swap3A_2194 = arith.constant 1456 : index
    %swap3A_2195 = tpu.vector_load %arg13[%swap3A_2194] {strides = array<i32>} : memref<2048xi32, #tpu.memory_space<vmem>>, vector<16xi32>,
    tpu.vector_store %arg13[%swap3A_2194], %select_n3A_2193 {strides = array<i32>} : memref<2048xi32, #tpu.memory_space<vmem>>, vector<16xi32>,
    %get3A_2196 = arith.constant 2880 : index
    %get3A_2197 = tpu.vector_load %arg9[%get3A_2196] {strides = array<i32>} : memref<4096xf32, #tpu.memory_space<vmem>>, vector<16xf32>,
    %get3A_2198 = arith.constant 3008 : index
    %get3A_2199 = tpu.vector_load %arg9[%get3A_2198] {strides = array<i32>} : memref<4096xf32, #tpu.memory_space<vmem>>, vector<16xf32>,
    %gt3A_2200 = arith.cmpf ogt, %get3A_2199, %get3A_2197 : vector<16xf32>
    %convert_element_type3A_2201 = arith.extui %gt3A_2200 : vector<16xi1> to vector<16xi32>
    %get3A_2202 = arith.constant 1472 : index
    %get3A_2203 = tpu.vector_load %arg10[%get3A_2202] {strides = array<i32>} : memref<2048xf32, #tpu.memory_space<vmem>>, vector<16xf32>,
    %slice3A_2204 = vector.extract_strided_slice %bitcast3A_1663 {offsets = [14], sizes = [1], strides = [1]} : vector<16xi32> to vector<1xi32>
    %squeeze3A_2205 = vector.extract %slice3A_2204[0] : i32 from vector<1xi32>
    %broadcast_in_dim3A_2206 = vector.broadcast %squeeze3A_2205 : i32 to vector<16xi32>
    %shift_right_arithmetic3A_2207 = arith.shrsi %broadcast_in_dim3A_2206, %iota3A : vector<16xi32>
    %and3A_2208 = arith.constant 1 : i32
    %and3A_2209 = vector.broadcast %and3A_2208 : i32 to vector<16xi32>
    %and3A_2210 = arith.andi %shift_right_arithmetic3A_2207, %and3A_2209 : vector<16xi32>
    %gt3A_2211 = arith.cmpf ogt, %broadcast_in_dim3A, %get3A_2203 : vector<16xf32>
    %select_n3A_2212 = arith.select %gt3A_2211, %and3A_2210, %convert_element_type3A_2201 : vector<16xi1>, vector<16xi32>
    %swap3A_2213 = arith.constant 1472 : index
    %swap3A_2214 = tpu.vector_load %arg13[%swap3A_2213] {strides = array<i32>} : memref<2048xi32, #tpu.memory_space<vmem>>, vector<16xi32>,
    tpu.vector_store %arg13[%swap3A_2213], %select_n3A_2212 {strides = array<i32>} : memref<2048xi32, #tpu.memory_space<vmem>>, vector<16xi32>,
    %get3A_2215 = arith.constant 2896 : index
    %get3A_2216 = tpu.vector_load %arg9[%get3A_2215] {strides = array<i32>} : memref<4096xf32, #tpu.memory_space<vmem>>, vector<16xf32>,
    %get3A_2217 = arith.constant 3024 : index
    %get3A_2218 = tpu.vector_load %arg9[%get3A_2217] {strides = array<i32>} : memref<4096xf32, #tpu.memory_space<vmem>>, vector<16xf32>,
    %gt3A_2219 = arith.cmpf ogt, %get3A_2218, %get3A_2216 : vector<16xf32>
    %convert_element_type3A_2220 = arith.extui %gt3A_2219 : vector<16xi1> to vector<16xi32>
    %get3A_2221 = arith.constant 1488 : index
    %get3A_2222 = tpu.vector_load %arg10[%get3A_2221] {strides = array<i32>} : memref<2048xf32, #tpu.memory_space<vmem>>, vector<16xf32>,
    %slice3A_2223 = vector.extract_strided_slice %bitcast3A_1663 {offsets = [14], sizes = [1], strides = [1]} : vector<16xi32> to vector<1xi32>
    %squeeze3A_2224 = vector.extract %slice3A_2223[0] : i32 from vector<1xi32>
    %broadcast_in_dim3A_2225 = vector.broadcast %squeeze3A_2224 : i32 to vector<16xi32>
    %shift_right_arithmetic3A_2226 = arith.shrsi %broadcast_in_dim3A_2225, %add3A_387 : vector<16xi32>
    %and3A_2227 = arith.constant 1 : i32
    %and3A_2228 = vector.broadcast %and3A_2227 : i32 to vector<16xi32>
    %and3A_2229 = arith.andi %shift_right_arithmetic3A_2226, %and3A_2228 : vector<16xi32>
    %gt3A_2230 = arith.cmpf ogt, %broadcast_in_dim3A, %get3A_2222 : vector<16xf32>
    %select_n3A_2231 = arith.select %gt3A_2230, %and3A_2229, %convert_element_type3A_2220 : vector<16xi1>, vector<16xi32>
    %swap3A_2232 = arith.constant 1488 : index
    %swap3A_2233 = tpu.vector_load %arg13[%swap3A_2232] {strides = array<i32>} : memref<2048xi32, #tpu.memory_space<vmem>>, vector<16xi32>,
    tpu.vector_store %arg13[%swap3A_2232], %select_n3A_2231 {strides = array<i32>} : memref<2048xi32, #tpu.memory_space<vmem>>, vector<16xi32>,
    %get3A_2234 = arith.constant 2912 : index
    %get3A_2235 = tpu.vector_load %arg9[%get3A_2234] {strides = array<i32>} : memref<4096xf32, #tpu.memory_space<vmem>>, vector<16xf32>,
    %get3A_2236 = arith.constant 3040 : index
    %get3A_2237 = tpu.vector_load %arg9[%get3A_2236] {strides = array<i32>} : memref<4096xf32, #tpu.memory_space<vmem>>, vector<16xf32>,
    %gt3A_2238 = arith.cmpf ogt, %get3A_2237, %get3A_2235 : vector<16xf32>
    %convert_element_type3A_2239 = arith.extui %gt3A_2238 : vector<16xi1> to vector<16xi32>
    %get3A_2240 = arith.constant 1504 : index
    %get3A_2241 = tpu.vector_load %arg10[%get3A_2240] {strides = array<i32>} : memref<2048xf32, #tpu.memory_space<vmem>>, vector<16xf32>,
    %slice3A_2242 = vector.extract_strided_slice %bitcast3A_1663 {offsets = [15], sizes = [1], strides = [1]} : vector<16xi32> to vector<1xi32>
    %squeeze3A_2243 = vector.extract %slice3A_2242[0] : i32 from vector<1xi32>
    %broadcast_in_dim3A_2244 = vector.broadcast %squeeze3A_2243 : i32 to vector<16xi32>
    %shift_right_arithmetic3A_2245 = arith.shrsi %broadcast_in_dim3A_2244, %iota3A : vector<16xi32>
    %and3A_2246 = arith.constant 1 : i32
    %and3A_2247 = vector.broadcast %and3A_2246 : i32 to vector<16xi32>
    %and3A_2248 = arith.andi %shift_right_arithmetic3A_2245, %and3A_2247 : vector<16xi32>
    %gt3A_2249 = arith.cmpf ogt, %broadcast_in_dim3A, %get3A_2241 : vector<16xf32>
    %select_n3A_2250 = arith.select %gt3A_2249, %and3A_2248, %convert_element_type3A_2239 : vector<16xi1>, vector<16xi32>
    %swap3A_2251 = arith.constant 1504 : index
    %swap3A_2252 = tpu.vector_load %arg13[%swap3A_2251] {strides = array<i32>} : memref<2048xi32, #tpu.memory_space<vmem>>, vector<16xi32>,
    tpu.vector_store %arg13[%swap3A_2251], %select_n3A_2250 {strides = array<i32>} : memref<2048xi32, #tpu.memory_space<vmem>>, vector<16xi32>,
    %get3A_2253 = arith.constant 2928 : index
    %get3A_2254 = tpu.vector_load %arg9[%get3A_2253] {strides = array<i32>} : memref<4096xf32, #tpu.memory_space<vmem>>, vector<16xf32>,
    %get3A_2255 = arith.constant 3056 : index
    %get3A_2256 = tpu.vector_load %arg9[%get3A_2255] {strides = array<i32>} : memref<4096xf32, #tpu.memory_space<vmem>>, vector<16xf32>,
    %gt3A_2257 = arith.cmpf ogt, %get3A_2256, %get3A_2254 : vector<16xf32>
    %convert_element_type3A_2258 = arith.extui %gt3A_2257 : vector<16xi1> to vector<16xi32>
    %get3A_2259 = arith.constant 1520 : index
    %get3A_2260 = tpu.vector_load %arg10[%get3A_2259] {strides = array<i32>} : memref<2048xf32, #tpu.memory_space<vmem>>, vector<16xf32>,
    %slice3A_2261 = vector.extract_strided_slice %bitcast3A_1663 {offsets = [15], sizes = [1], strides = [1]} : vector<16xi32> to vector<1xi32>
    %squeeze3A_2262 = vector.extract %slice3A_2261[0] : i32 from vector<1xi32>
    %broadcast_in_dim3A_2263 = vector.broadcast %squeeze3A_2262 : i32 to vector<16xi32>
    %shift_right_arithmetic3A_2264 = arith.shrsi %broadcast_in_dim3A_2263, %add3A_387 : vector<16xi32>
    %and3A_2265 = arith.constant 1 : i32
    %and3A_2266 = vector.broadcast %and3A_2265 : i32 to vector<16xi32>
    %and3A_2267 = arith.andi %shift_right_arithmetic3A_2264, %and3A_2266 : vector<16xi32>
    %gt3A_2268 = arith.cmpf ogt, %broadcast_in_dim3A, %get3A_2260 : vector<16xf32>
    %select_n3A_2269 = arith.select %gt3A_2268, %and3A_2267, %convert_element_type3A_2258 : vector<16xi1>, vector<16xi32>
    %swap3A_2270 = arith.constant 1520 : index
    %swap3A_2271 = tpu.vector_load %arg13[%swap3A_2270] {strides = array<i32>} : memref<2048xi32, #tpu.memory_space<vmem>>, vector<16xi32>,
    tpu.vector_store %arg13[%swap3A_2270], %select_n3A_2269 {strides = array<i32>} : memref<2048xi32, #tpu.memory_space<vmem>>, vector<16xi32>,
    %dma_wait3A_2272 = arith.constant 3072 : i32
    %dma_wait3A_2273 = tpu.memref_slice %arg9[%dma_wait3A_2272] : memref<4096xf32, #tpu.memory_space<vmem>> -> memref<1024xf32, #tpu.memory_space<vmem>>
    %dma_wait3A_2274 = tpu.memref_slice %arg2[%add3A_101] : memref<65536xf32, #tpu.memory_space<hbm>> -> memref<1024xf32, #tpu.memory_space<hbm>>
    %dma_wait3A_2275 = arith.constant 3072 : i32
    %dma_wait3A_2276 = tpu.memref_slice %arg9[%dma_wait3A_2275] : memref<4096xf32, #tpu.memory_space<vmem>> -> memref<1024xf32, #tpu.memory_space<vmem>>
    %dma_wait3A_2277 = tpu.memref_slice %arg2[%add3A_101] : memref<65536xf32, #tpu.memory_space<hbm>> -> memref<1024xf32, #tpu.memory_space<hbm>>
    tpu.wait_dma2 semaphore(%arg18 : memref<!tpu.dma_semaphore, #tpu.memory_space<semaphore_mem>>) src(%dma_wait3A_2277 : memref<1024xf32, #tpu.memory_space<hbm>>) dst(%dma_wait3A_2276 : memref<1024xf32, #tpu.memory_space<vmem>>)
    %dma_wait3A_2278 = arith.constant 1536 : i32
    %dma_wait3A_2279 = tpu.memref_slice %arg10[%dma_wait3A_2278] : memref<2048xf32, #tpu.memory_space<vmem>> -> memref<512xf32, #tpu.memory_space<vmem>>
    %dma_wait3A_2280 = tpu.memref_slice %arg3[%add3A_109] : memref<33792xf32, #tpu.memory_space<hbm>> -> memref<512xf32, #tpu.memory_space<hbm>>
    %dma_wait3A_2281 = arith.constant 1536 : i32
    %dma_wait3A_2282 = tpu.memref_slice %arg10[%dma_wait3A_2281] : memref<2048xf32, #tpu.memory_space<vmem>> -> memref<512xf32, #tpu.memory_space<vmem>>
    %dma_wait3A_2283 = tpu.memref_slice %arg3[%add3A_109] : memref<33792xf32, #tpu.memory_space<hbm>> -> memref<512xf32, #tpu.memory_space<hbm>>
    tpu.wait_dma2 semaphore(%arg18 : memref<!tpu.dma_semaphore, #tpu.memory_space<semaphore_mem>>) src(%dma_wait3A_2283 : memref<512xf32, #tpu.memory_space<hbm>>) dst(%dma_wait3A_2282 : memref<512xf32, #tpu.memory_space<vmem>>)
    %dma_wait3A_2284 = arith.constant 48 : i32
    %dma_wait3A_2285 = tpu.memref_slice %arg11[%dma_wait3A_2284] : memref<64xf32, #tpu.memory_space<vmem>> -> memref<16xf32, #tpu.memory_space<vmem>>
    %dma_wait3A_2286 = tpu.memref_slice %arg3[%multiple_of3A_122] : memref<33792xf32, #tpu.memory_space<hbm>> -> memref<16xf32, #tpu.memory_space<hbm>>
    %dma_wait3A_2287 = arith.constant 48 : i32
    %dma_wait3A_2288 = tpu.memref_slice %arg11[%dma_wait3A_2287] : memref<64xf32, #tpu.memory_space<vmem>> -> memref<16xf32, #tpu.memory_space<vmem>>
    %dma_wait3A_2289 = tpu.memref_slice %arg3[%multiple_of3A_122] : memref<33792xf32, #tpu.memory_space<hbm>> -> memref<16xf32, #tpu.memory_space<hbm>>
    tpu.wait_dma2 semaphore(%arg18 : memref<!tpu.dma_semaphore, #tpu.memory_space<semaphore_mem>>) src(%dma_wait3A_2289 : memref<16xf32, #tpu.memory_space<hbm>>) dst(%dma_wait3A_2288 : memref<16xf32, #tpu.memory_space<vmem>>)
    %get3A_2290 = arith.constant 48 : index
    %get3A_2291 = tpu.vector_load %arg11[%get3A_2290] {strides = array<i32>} : memref<64xf32, #tpu.memory_space<vmem>>, vector<16xf32>,
    %bitcast3A_2292 = vector.bitcast %get3A_2291 : vector<16xf32> to vector<16xi32>
    %get3A_2293 = arith.constant 3072 : index
    %get3A_2294 = tpu.vector_load %arg9[%get3A_2293] {strides = array<i32>} : memref<4096xf32, #tpu.memory_space<vmem>>, vector<16xf32>,
    %get3A_2295 = arith.constant 3200 : index
    %get3A_2296 = tpu.vector_load %arg9[%get3A_2295] {strides = array<i32>} : memref<4096xf32, #tpu.memory_space<vmem>>, vector<16xf32>,
    %gt3A_2297 = arith.cmpf ogt, %get3A_2296, %get3A_2294 : vector<16xf32>
    %convert_element_type3A_2298 = arith.extui %gt3A_2297 : vector<16xi1> to vector<16xi32>
    %get3A_2299 = arith.constant 1536 : index
    %get3A_2300 = tpu.vector_load %arg10[%get3A_2299] {strides = array<i32>} : memref<2048xf32, #tpu.memory_space<vmem>>, vector<16xf32>,
    %slice3A_2301 = vector.extract_strided_slice %bitcast3A_2292 {offsets = [0], sizes = [1], strides = [1]} : vector<16xi32> to vector<1xi32>
    %squeeze3A_2302 = vector.extract %slice3A_2301[0] : i32 from vector<1xi32>
    %broadcast_in_dim3A_2303 = vector.broadcast %squeeze3A_2302 : i32 to vector<16xi32>
    %shift_right_arithmetic3A_2304 = arith.shrsi %broadcast_in_dim3A_2303, %iota3A : vector<16xi32>
    %and3A_2305 = arith.constant 1 : i32
    %and3A_2306 = vector.broadcast %and3A_2305 : i32 to vector<16xi32>
    %and3A_2307 = arith.andi %shift_right_arithmetic3A_2304, %and3A_2306 : vector<16xi32>
    %gt3A_2308 = arith.cmpf ogt, %broadcast_in_dim3A, %get3A_2300 : vector<16xf32>
    %select_n3A_2309 = arith.select %gt3A_2308, %and3A_2307, %convert_element_type3A_2298 : vector<16xi1>, vector<16xi32>
    %swap3A_2310 = arith.constant 1536 : index
    %swap3A_2311 = tpu.vector_load %arg13[%swap3A_2310] {strides = array<i32>} : memref<2048xi32, #tpu.memory_space<vmem>>, vector<16xi32>,
    tpu.vector_store %arg13[%swap3A_2310], %select_n3A_2309 {strides = array<i32>} : memref<2048xi32, #tpu.memory_space<vmem>>, vector<16xi32>,
    %get3A_2312 = arith.constant 3088 : index
    %get3A_2313 = tpu.vector_load %arg9[%get3A_2312] {strides = array<i32>} : memref<4096xf32, #tpu.memory_space<vmem>>, vector<16xf32>,
    %get3A_2314 = arith.constant 3216 : index
    %get3A_2315 = tpu.vector_load %arg9[%get3A_2314] {strides = array<i32>} : memref<4096xf32, #tpu.memory_space<vmem>>, vector<16xf32>,
    %gt3A_2316 = arith.cmpf ogt, %get3A_2315, %get3A_2313 : vector<16xf32>
    %convert_element_type3A_2317 = arith.extui %gt3A_2316 : vector<16xi1> to vector<16xi32>
    %get3A_2318 = arith.constant 1552 : index
    %get3A_2319 = tpu.vector_load %arg10[%get3A_2318] {strides = array<i32>} : memref<2048xf32, #tpu.memory_space<vmem>>, vector<16xf32>,
    %slice3A_2320 = vector.extract_strided_slice %bitcast3A_2292 {offsets = [0], sizes = [1], strides = [1]} : vector<16xi32> to vector<1xi32>
    %squeeze3A_2321 = vector.extract %slice3A_2320[0] : i32 from vector<1xi32>
    %broadcast_in_dim3A_2322 = vector.broadcast %squeeze3A_2321 : i32 to vector<16xi32>
    %shift_right_arithmetic3A_2323 = arith.shrsi %broadcast_in_dim3A_2322, %add3A_387 : vector<16xi32>
    %and3A_2324 = arith.constant 1 : i32
    %and3A_2325 = vector.broadcast %and3A_2324 : i32 to vector<16xi32>
    %and3A_2326 = arith.andi %shift_right_arithmetic3A_2323, %and3A_2325 : vector<16xi32>
    %gt3A_2327 = arith.cmpf ogt, %broadcast_in_dim3A, %get3A_2319 : vector<16xf32>
    %select_n3A_2328 = arith.select %gt3A_2327, %and3A_2326, %convert_element_type3A_2317 : vector<16xi1>, vector<16xi32>
    %swap3A_2329 = arith.constant 1552 : index
    %swap3A_2330 = tpu.vector_load %arg13[%swap3A_2329] {strides = array<i32>} : memref<2048xi32, #tpu.memory_space<vmem>>, vector<16xi32>,
    tpu.vector_store %arg13[%swap3A_2329], %select_n3A_2328 {strides = array<i32>} : memref<2048xi32, #tpu.memory_space<vmem>>, vector<16xi32>,
    %get3A_2331 = arith.constant 3104 : index
    %get3A_2332 = tpu.vector_load %arg9[%get3A_2331] {strides = array<i32>} : memref<4096xf32, #tpu.memory_space<vmem>>, vector<16xf32>,
    %get3A_2333 = arith.constant 3232 : index
    %get3A_2334 = tpu.vector_load %arg9[%get3A_2333] {strides = array<i32>} : memref<4096xf32, #tpu.memory_space<vmem>>, vector<16xf32>,
    %gt3A_2335 = arith.cmpf ogt, %get3A_2334, %get3A_2332 : vector<16xf32>
    %convert_element_type3A_2336 = arith.extui %gt3A_2335 : vector<16xi1> to vector<16xi32>
    %get3A_2337 = arith.constant 1568 : index
    %get3A_2338 = tpu.vector_load %arg10[%get3A_2337] {strides = array<i32>} : memref<2048xf32, #tpu.memory_space<vmem>>, vector<16xf32>,
    %slice3A_2339 = vector.extract_strided_slice %bitcast3A_2292 {offsets = [1], sizes = [1], strides = [1]} : vector<16xi32> to vector<1xi32>
    %squeeze3A_2340 = vector.extract %slice3A_2339[0] : i32 from vector<1xi32>
    %broadcast_in_dim3A_2341 = vector.broadcast %squeeze3A_2340 : i32 to vector<16xi32>
    %shift_right_arithmetic3A_2342 = arith.shrsi %broadcast_in_dim3A_2341, %iota3A : vector<16xi32>
    %and3A_2343 = arith.constant 1 : i32
    %and3A_2344 = vector.broadcast %and3A_2343 : i32 to vector<16xi32>
    %and3A_2345 = arith.andi %shift_right_arithmetic3A_2342, %and3A_2344 : vector<16xi32>
    %gt3A_2346 = arith.cmpf ogt, %broadcast_in_dim3A, %get3A_2338 : vector<16xf32>
    %select_n3A_2347 = arith.select %gt3A_2346, %and3A_2345, %convert_element_type3A_2336 : vector<16xi1>, vector<16xi32>
    %swap3A_2348 = arith.constant 1568 : index
    %swap3A_2349 = tpu.vector_load %arg13[%swap3A_2348] {strides = array<i32>} : memref<2048xi32, #tpu.memory_space<vmem>>, vector<16xi32>,
    tpu.vector_store %arg13[%swap3A_2348], %select_n3A_2347 {strides = array<i32>} : memref<2048xi32, #tpu.memory_space<vmem>>, vector<16xi32>,
    %get3A_2350 = arith.constant 3120 : index
    %get3A_2351 = tpu.vector_load %arg9[%get3A_2350] {strides = array<i32>} : memref<4096xf32, #tpu.memory_space<vmem>>, vector<16xf32>,
    %get3A_2352 = arith.constant 3248 : index
    %get3A_2353 = tpu.vector_load %arg9[%get3A_2352] {strides = array<i32>} : memref<4096xf32, #tpu.memory_space<vmem>>, vector<16xf32>,
    %gt3A_2354 = arith.cmpf ogt, %get3A_2353, %get3A_2351 : vector<16xf32>
    %convert_element_type3A_2355 = arith.extui %gt3A_2354 : vector<16xi1> to vector<16xi32>
    %get3A_2356 = arith.constant 1584 : index
    %get3A_2357 = tpu.vector_load %arg10[%get3A_2356] {strides = array<i32>} : memref<2048xf32, #tpu.memory_space<vmem>>, vector<16xf32>,
    %slice3A_2358 = vector.extract_strided_slice %bitcast3A_2292 {offsets = [1], sizes = [1], strides = [1]} : vector<16xi32> to vector<1xi32>
    %squeeze3A_2359 = vector.extract %slice3A_2358[0] : i32 from vector<1xi32>
    %broadcast_in_dim3A_2360 = vector.broadcast %squeeze3A_2359 : i32 to vector<16xi32>
    %shift_right_arithmetic3A_2361 = arith.shrsi %broadcast_in_dim3A_2360, %add3A_387 : vector<16xi32>
    %and3A_2362 = arith.constant 1 : i32
    %and3A_2363 = vector.broadcast %and3A_2362 : i32 to vector<16xi32>
    %and3A_2364 = arith.andi %shift_right_arithmetic3A_2361, %and3A_2363 : vector<16xi32>
    %gt3A_2365 = arith.cmpf ogt, %broadcast_in_dim3A, %get3A_2357 : vector<16xf32>
    %select_n3A_2366 = arith.select %gt3A_2365, %and3A_2364, %convert_element_type3A_2355 : vector<16xi1>, vector<16xi32>
    %swap3A_2367 = arith.constant 1584 : index
    %swap3A_2368 = tpu.vector_load %arg13[%swap3A_2367] {strides = array<i32>} : memref<2048xi32, #tpu.memory_space<vmem>>, vector<16xi32>,
    tpu.vector_store %arg13[%swap3A_2367], %select_n3A_2366 {strides = array<i32>} : memref<2048xi32, #tpu.memory_space<vmem>>, vector<16xi32>,
    %get3A_2369 = arith.constant 3136 : index
    %get3A_2370 = tpu.vector_load %arg9[%get3A_2369] {strides = array<i32>} : memref<4096xf32, #tpu.memory_space<vmem>>, vector<16xf32>,
    %get3A_2371 = arith.constant 3264 : index
    %get3A_2372 = tpu.vector_load %arg9[%get3A_2371] {strides = array<i32>} : memref<4096xf32, #tpu.memory_space<vmem>>, vector<16xf32>,
    %gt3A_2373 = arith.cmpf ogt, %get3A_2372, %get3A_2370 : vector<16xf32>
    %convert_element_type3A_2374 = arith.extui %gt3A_2373 : vector<16xi1> to vector<16xi32>
    %get3A_2375 = arith.constant 1600 : index
    %get3A_2376 = tpu.vector_load %arg10[%get3A_2375] {strides = array<i32>} : memref<2048xf32, #tpu.memory_space<vmem>>, vector<16xf32>,
    %slice3A_2377 = vector.extract_strided_slice %bitcast3A_2292 {offsets = [2], sizes = [1], strides = [1]} : vector<16xi32> to vector<1xi32>
    %squeeze3A_2378 = vector.extract %slice3A_2377[0] : i32 from vector<1xi32>
    %broadcast_in_dim3A_2379 = vector.broadcast %squeeze3A_2378 : i32 to vector<16xi32>
    %shift_right_arithmetic3A_2380 = arith.shrsi %broadcast_in_dim3A_2379, %iota3A : vector<16xi32>
    %and3A_2381 = arith.constant 1 : i32
    %and3A_2382 = vector.broadcast %and3A_2381 : i32 to vector<16xi32>
    %and3A_2383 = arith.andi %shift_right_arithmetic3A_2380, %and3A_2382 : vector<16xi32>
    %gt3A_2384 = arith.cmpf ogt, %broadcast_in_dim3A, %get3A_2376 : vector<16xf32>
    %select_n3A_2385 = arith.select %gt3A_2384, %and3A_2383, %convert_element_type3A_2374 : vector<16xi1>, vector<16xi32>
    %swap3A_2386 = arith.constant 1600 : index
    %swap3A_2387 = tpu.vector_load %arg13[%swap3A_2386] {strides = array<i32>} : memref<2048xi32, #tpu.memory_space<vmem>>, vector<16xi32>,
    tpu.vector_store %arg13[%swap3A_2386], %select_n3A_2385 {strides = array<i32>} : memref<2048xi32, #tpu.memory_space<vmem>>, vector<16xi32>,
    %get3A_2388 = arith.constant 3152 : index
    %get3A_2389 = tpu.vector_load %arg9[%get3A_2388] {strides = array<i32>} : memref<4096xf32, #tpu.memory_space<vmem>>, vector<16xf32>,
    %get3A_2390 = arith.constant 3280 : index
    %get3A_2391 = tpu.vector_load %arg9[%get3A_2390] {strides = array<i32>} : memref<4096xf32, #tpu.memory_space<vmem>>, vector<16xf32>,
    %gt3A_2392 = arith.cmpf ogt, %get3A_2391, %get3A_2389 : vector<16xf32>
    %convert_element_type3A_2393 = arith.extui %gt3A_2392 : vector<16xi1> to vector<16xi32>
    %get3A_2394 = arith.constant 1616 : index
    %get3A_2395 = tpu.vector_load %arg10[%get3A_2394] {strides = array<i32>} : memref<2048xf32, #tpu.memory_space<vmem>>, vector<16xf32>,
    %slice3A_2396 = vector.extract_strided_slice %bitcast3A_2292 {offsets = [2], sizes = [1], strides = [1]} : vector<16xi32> to vector<1xi32>
    %squeeze3A_2397 = vector.extract %slice3A_2396[0] : i32 from vector<1xi32>
    %broadcast_in_dim3A_2398 = vector.broadcast %squeeze3A_2397 : i32 to vector<16xi32>
    %shift_right_arithmetic3A_2399 = arith.shrsi %broadcast_in_dim3A_2398, %add3A_387 : vector<16xi32>
    %and3A_2400 = arith.constant 1 : i32
    %and3A_2401 = vector.broadcast %and3A_2400 : i32 to vector<16xi32>
    %and3A_2402 = arith.andi %shift_right_arithmetic3A_2399, %and3A_2401 : vector<16xi32>
    %gt3A_2403 = arith.cmpf ogt, %broadcast_in_dim3A, %get3A_2395 : vector<16xf32>
    %select_n3A_2404 = arith.select %gt3A_2403, %and3A_2402, %convert_element_type3A_2393 : vector<16xi1>, vector<16xi32>
    %swap3A_2405 = arith.constant 1616 : index
    %swap3A_2406 = tpu.vector_load %arg13[%swap3A_2405] {strides = array<i32>} : memref<2048xi32, #tpu.memory_space<vmem>>, vector<16xi32>,
    tpu.vector_store %arg13[%swap3A_2405], %select_n3A_2404 {strides = array<i32>} : memref<2048xi32, #tpu.memory_space<vmem>>, vector<16xi32>,
    %get3A_2407 = arith.constant 3168 : index
    %get3A_2408 = tpu.vector_load %arg9[%get3A_2407] {strides = array<i32>} : memref<4096xf32, #tpu.memory_space<vmem>>, vector<16xf32>,
    %get3A_2409 = arith.constant 3296 : index
    %get3A_2410 = tpu.vector_load %arg9[%get3A_2409] {strides = array<i32>} : memref<4096xf32, #tpu.memory_space<vmem>>, vector<16xf32>,
    %gt3A_2411 = arith.cmpf ogt, %get3A_2410, %get3A_2408 : vector<16xf32>
    %convert_element_type3A_2412 = arith.extui %gt3A_2411 : vector<16xi1> to vector<16xi32>
    %get3A_2413 = arith.constant 1632 : index
    %get3A_2414 = tpu.vector_load %arg10[%get3A_2413] {strides = array<i32>} : memref<2048xf32, #tpu.memory_space<vmem>>, vector<16xf32>,
    %slice3A_2415 = vector.extract_strided_slice %bitcast3A_2292 {offsets = [3], sizes = [1], strides = [1]} : vector<16xi32> to vector<1xi32>
    %squeeze3A_2416 = vector.extract %slice3A_2415[0] : i32 from vector<1xi32>
    %broadcast_in_dim3A_2417 = vector.broadcast %squeeze3A_2416 : i32 to vector<16xi32>
    %shift_right_arithmetic3A_2418 = arith.shrsi %broadcast_in_dim3A_2417, %iota3A : vector<16xi32>
    %and3A_2419 = arith.constant 1 : i32
    %and3A_2420 = vector.broadcast %and3A_2419 : i32 to vector<16xi32>
    %and3A_2421 = arith.andi %shift_right_arithmetic3A_2418, %and3A_2420 : vector<16xi32>
    %gt3A_2422 = arith.cmpf ogt, %broadcast_in_dim3A, %get3A_2414 : vector<16xf32>
    %select_n3A_2423 = arith.select %gt3A_2422, %and3A_2421, %convert_element_type3A_2412 : vector<16xi1>, vector<16xi32>
    %swap3A_2424 = arith.constant 1632 : index
    %swap3A_2425 = tpu.vector_load %arg13[%swap3A_2424] {strides = array<i32>} : memref<2048xi32, #tpu.memory_space<vmem>>, vector<16xi32>,
    tpu.vector_store %arg13[%swap3A_2424], %select_n3A_2423 {strides = array<i32>} : memref<2048xi32, #tpu.memory_space<vmem>>, vector<16xi32>,
    %get3A_2426 = arith.constant 3184 : index
    %get3A_2427 = tpu.vector_load %arg9[%get3A_2426] {strides = array<i32>} : memref<4096xf32, #tpu.memory_space<vmem>>, vector<16xf32>,
    %get3A_2428 = arith.constant 3312 : index
    %get3A_2429 = tpu.vector_load %arg9[%get3A_2428] {strides = array<i32>} : memref<4096xf32, #tpu.memory_space<vmem>>, vector<16xf32>,
    %gt3A_2430 = arith.cmpf ogt, %get3A_2429, %get3A_2427 : vector<16xf32>
    %convert_element_type3A_2431 = arith.extui %gt3A_2430 : vector<16xi1> to vector<16xi32>
    %get3A_2432 = arith.constant 1648 : index
    %get3A_2433 = tpu.vector_load %arg10[%get3A_2432] {strides = array<i32>} : memref<2048xf32, #tpu.memory_space<vmem>>, vector<16xf32>,
    %slice3A_2434 = vector.extract_strided_slice %bitcast3A_2292 {offsets = [3], sizes = [1], strides = [1]} : vector<16xi32> to vector<1xi32>
    %squeeze3A_2435 = vector.extract %slice3A_2434[0] : i32 from vector<1xi32>
    %broadcast_in_dim3A_2436 = vector.broadcast %squeeze3A_2435 : i32 to vector<16xi32>
    %shift_right_arithmetic3A_2437 = arith.shrsi %broadcast_in_dim3A_2436, %add3A_387 : vector<16xi32>
    %and3A_2438 = arith.constant 1 : i32
    %and3A_2439 = vector.broadcast %and3A_2438 : i32 to vector<16xi32>
    %and3A_2440 = arith.andi %shift_right_arithmetic3A_2437, %and3A_2439 : vector<16xi32>
    %gt3A_2441 = arith.cmpf ogt, %broadcast_in_dim3A, %get3A_2433 : vector<16xf32>
    %select_n3A_2442 = arith.select %gt3A_2441, %and3A_2440, %convert_element_type3A_2431 : vector<16xi1>, vector<16xi32>
    %swap3A_2443 = arith.constant 1648 : index
    %swap3A_2444 = tpu.vector_load %arg13[%swap3A_2443] {strides = array<i32>} : memref<2048xi32, #tpu.memory_space<vmem>>, vector<16xi32>,
    tpu.vector_store %arg13[%swap3A_2443], %select_n3A_2442 {strides = array<i32>} : memref<2048xi32, #tpu.memory_space<vmem>>, vector<16xi32>,
    %get3A_2445 = arith.constant 3328 : index
    %get3A_2446 = tpu.vector_load %arg9[%get3A_2445] {strides = array<i32>} : memref<4096xf32, #tpu.memory_space<vmem>>, vector<16xf32>,
    %get3A_2447 = arith.constant 3456 : index
    %get3A_2448 = tpu.vector_load %arg9[%get3A_2447] {strides = array<i32>} : memref<4096xf32, #tpu.memory_space<vmem>>, vector<16xf32>,
    %gt3A_2449 = arith.cmpf ogt, %get3A_2448, %get3A_2446 : vector<16xf32>
    %convert_element_type3A_2450 = arith.extui %gt3A_2449 : vector<16xi1> to vector<16xi32>
    %get3A_2451 = arith.constant 1664 : index
    %get3A_2452 = tpu.vector_load %arg10[%get3A_2451] {strides = array<i32>} : memref<2048xf32, #tpu.memory_space<vmem>>, vector<16xf32>,
    %slice3A_2453 = vector.extract_strided_slice %bitcast3A_2292 {offsets = [4], sizes = [1], strides = [1]} : vector<16xi32> to vector<1xi32>
    %squeeze3A_2454 = vector.extract %slice3A_2453[0] : i32 from vector<1xi32>
    %broadcast_in_dim3A_2455 = vector.broadcast %squeeze3A_2454 : i32 to vector<16xi32>
    %shift_right_arithmetic3A_2456 = arith.shrsi %broadcast_in_dim3A_2455, %iota3A : vector<16xi32>
    %and3A_2457 = arith.constant 1 : i32
    %and3A_2458 = vector.broadcast %and3A_2457 : i32 to vector<16xi32>
    %and3A_2459 = arith.andi %shift_right_arithmetic3A_2456, %and3A_2458 : vector<16xi32>
    %gt3A_2460 = arith.cmpf ogt, %broadcast_in_dim3A, %get3A_2452 : vector<16xf32>
    %select_n3A_2461 = arith.select %gt3A_2460, %and3A_2459, %convert_element_type3A_2450 : vector<16xi1>, vector<16xi32>
    %swap3A_2462 = arith.constant 1664 : index
    %swap3A_2463 = tpu.vector_load %arg13[%swap3A_2462] {strides = array<i32>} : memref<2048xi32, #tpu.memory_space<vmem>>, vector<16xi32>,
    tpu.vector_store %arg13[%swap3A_2462], %select_n3A_2461 {strides = array<i32>} : memref<2048xi32, #tpu.memory_space<vmem>>, vector<16xi32>,
    %get3A_2464 = arith.constant 3344 : index
    %get3A_2465 = tpu.vector_load %arg9[%get3A_2464] {strides = array<i32>} : memref<4096xf32, #tpu.memory_space<vmem>>, vector<16xf32>,
    %get3A_2466 = arith.constant 3472 : index
    %get3A_2467 = tpu.vector_load %arg9[%get3A_2466] {strides = array<i32>} : memref<4096xf32, #tpu.memory_space<vmem>>, vector<16xf32>,
    %gt3A_2468 = arith.cmpf ogt, %get3A_2467, %get3A_2465 : vector<16xf32>
    %convert_element_type3A_2469 = arith.extui %gt3A_2468 : vector<16xi1> to vector<16xi32>
    %get3A_2470 = arith.constant 1680 : index
    %get3A_2471 = tpu.vector_load %arg10[%get3A_2470] {strides = array<i32>} : memref<2048xf32, #tpu.memory_space<vmem>>, vector<16xf32>,
    %slice3A_2472 = vector.extract_strided_slice %bitcast3A_2292 {offsets = [4], sizes = [1], strides = [1]} : vector<16xi32> to vector<1xi32>
    %squeeze3A_2473 = vector.extract %slice3A_2472[0] : i32 from vector<1xi32>
    %broadcast_in_dim3A_2474 = vector.broadcast %squeeze3A_2473 : i32 to vector<16xi32>
    %shift_right_arithmetic3A_2475 = arith.shrsi %broadcast_in_dim3A_2474, %add3A_387 : vector<16xi32>
    %and3A_2476 = arith.constant 1 : i32
    %and3A_2477 = vector.broadcast %and3A_2476 : i32 to vector<16xi32>
    %and3A_2478 = arith.andi %shift_right_arithmetic3A_2475, %and3A_2477 : vector<16xi32>
    %gt3A_2479 = arith.cmpf ogt, %broadcast_in_dim3A, %get3A_2471 : vector<16xf32>
    %select_n3A_2480 = arith.select %gt3A_2479, %and3A_2478, %convert_element_type3A_2469 : vector<16xi1>, vector<16xi32>
    %swap3A_2481 = arith.constant 1680 : index
    %swap3A_2482 = tpu.vector_load %arg13[%swap3A_2481] {strides = array<i32>} : memref<2048xi32, #tpu.memory_space<vmem>>, vector<16xi32>,
    tpu.vector_store %arg13[%swap3A_2481], %select_n3A_2480 {strides = array<i32>} : memref<2048xi32, #tpu.memory_space<vmem>>, vector<16xi32>,
    %get3A_2483 = arith.constant 3360 : index
    %get3A_2484 = tpu.vector_load %arg9[%get3A_2483] {strides = array<i32>} : memref<4096xf32, #tpu.memory_space<vmem>>, vector<16xf32>,
    %get3A_2485 = arith.constant 3488 : index
    %get3A_2486 = tpu.vector_load %arg9[%get3A_2485] {strides = array<i32>} : memref<4096xf32, #tpu.memory_space<vmem>>, vector<16xf32>,
    %gt3A_2487 = arith.cmpf ogt, %get3A_2486, %get3A_2484 : vector<16xf32>
    %convert_element_type3A_2488 = arith.extui %gt3A_2487 : vector<16xi1> to vector<16xi32>
    %get3A_2489 = arith.constant 1696 : index
    %get3A_2490 = tpu.vector_load %arg10[%get3A_2489] {strides = array<i32>} : memref<2048xf32, #tpu.memory_space<vmem>>, vector<16xf32>,
    %slice3A_2491 = vector.extract_strided_slice %bitcast3A_2292 {offsets = [5], sizes = [1], strides = [1]} : vector<16xi32> to vector<1xi32>
    %squeeze3A_2492 = vector.extract %slice3A_2491[0] : i32 from vector<1xi32>
    %broadcast_in_dim3A_2493 = vector.broadcast %squeeze3A_2492 : i32 to vector<16xi32>
    %shift_right_arithmetic3A_2494 = arith.shrsi %broadcast_in_dim3A_2493, %iota3A : vector<16xi32>
    %and3A_2495 = arith.constant 1 : i32
    %and3A_2496 = vector.broadcast %and3A_2495 : i32 to vector<16xi32>
    %and3A_2497 = arith.andi %shift_right_arithmetic3A_2494, %and3A_2496 : vector<16xi32>
    %gt3A_2498 = arith.cmpf ogt, %broadcast_in_dim3A, %get3A_2490 : vector<16xf32>
    %select_n3A_2499 = arith.select %gt3A_2498, %and3A_2497, %convert_element_type3A_2488 : vector<16xi1>, vector<16xi32>
    %swap3A_2500 = arith.constant 1696 : index
    %swap3A_2501 = tpu.vector_load %arg13[%swap3A_2500] {strides = array<i32>} : memref<2048xi32, #tpu.memory_space<vmem>>, vector<16xi32>,
    tpu.vector_store %arg13[%swap3A_2500], %select_n3A_2499 {strides = array<i32>} : memref<2048xi32, #tpu.memory_space<vmem>>, vector<16xi32>,
    %get3A_2502 = arith.constant 3376 : index
    %get3A_2503 = tpu.vector_load %arg9[%get3A_2502] {strides = array<i32>} : memref<4096xf32, #tpu.memory_space<vmem>>, vector<16xf32>,
    %get3A_2504 = arith.constant 3504 : index
    %get3A_2505 = tpu.vector_load %arg9[%get3A_2504] {strides = array<i32>} : memref<4096xf32, #tpu.memory_space<vmem>>, vector<16xf32>,
    %gt3A_2506 = arith.cmpf ogt, %get3A_2505, %get3A_2503 : vector<16xf32>
    %convert_element_type3A_2507 = arith.extui %gt3A_2506 : vector<16xi1> to vector<16xi32>
    %get3A_2508 = arith.constant 1712 : index
    %get3A_2509 = tpu.vector_load %arg10[%get3A_2508] {strides = array<i32>} : memref<2048xf32, #tpu.memory_space<vmem>>, vector<16xf32>,
    %slice3A_2510 = vector.extract_strided_slice %bitcast3A_2292 {offsets = [5], sizes = [1], strides = [1]} : vector<16xi32> to vector<1xi32>
    %squeeze3A_2511 = vector.extract %slice3A_2510[0] : i32 from vector<1xi32>
    %broadcast_in_dim3A_2512 = vector.broadcast %squeeze3A_2511 : i32 to vector<16xi32>
    %shift_right_arithmetic3A_2513 = arith.shrsi %broadcast_in_dim3A_2512, %add3A_387 : vector<16xi32>
    %and3A_2514 = arith.constant 1 : i32
    %and3A_2515 = vector.broadcast %and3A_2514 : i32 to vector<16xi32>
    %and3A_2516 = arith.andi %shift_right_arithmetic3A_2513, %and3A_2515 : vector<16xi32>
    %gt3A_2517 = arith.cmpf ogt, %broadcast_in_dim3A, %get3A_2509 : vector<16xf32>
    %select_n3A_2518 = arith.select %gt3A_2517, %and3A_2516, %convert_element_type3A_2507 : vector<16xi1>, vector<16xi32>
    %swap3A_2519 = arith.constant 1712 : index
    %swap3A_2520 = tpu.vector_load %arg13[%swap3A_2519] {strides = array<i32>} : memref<2048xi32, #tpu.memory_space<vmem>>, vector<16xi32>,
    tpu.vector_store %arg13[%swap3A_2519], %select_n3A_2518 {strides = array<i32>} : memref<2048xi32, #tpu.memory_space<vmem>>, vector<16xi32>,
    %get3A_2521 = arith.constant 3392 : index
    %get3A_2522 = tpu.vector_load %arg9[%get3A_2521] {strides = array<i32>} : memref<4096xf32, #tpu.memory_space<vmem>>, vector<16xf32>,
    %get3A_2523 = arith.constant 3520 : index
    %get3A_2524 = tpu.vector_load %arg9[%get3A_2523] {strides = array<i32>} : memref<4096xf32, #tpu.memory_space<vmem>>, vector<16xf32>,
    %gt3A_2525 = arith.cmpf ogt, %get3A_2524, %get3A_2522 : vector<16xf32>
    %convert_element_type3A_2526 = arith.extui %gt3A_2525 : vector<16xi1> to vector<16xi32>
    %get3A_2527 = arith.constant 1728 : index
    %get3A_2528 = tpu.vector_load %arg10[%get3A_2527] {strides = array<i32>} : memref<2048xf32, #tpu.memory_space<vmem>>, vector<16xf32>,
    %slice3A_2529 = vector.extract_strided_slice %bitcast3A_2292 {offsets = [6], sizes = [1], strides = [1]} : vector<16xi32> to vector<1xi32>
    %squeeze3A_2530 = vector.extract %slice3A_2529[0] : i32 from vector<1xi32>
    %broadcast_in_dim3A_2531 = vector.broadcast %squeeze3A_2530 : i32 to vector<16xi32>
    %shift_right_arithmetic3A_2532 = arith.shrsi %broadcast_in_dim3A_2531, %iota3A : vector<16xi32>
    %and3A_2533 = arith.constant 1 : i32
    %and3A_2534 = vector.broadcast %and3A_2533 : i32 to vector<16xi32>
    %and3A_2535 = arith.andi %shift_right_arithmetic3A_2532, %and3A_2534 : vector<16xi32>
    %gt3A_2536 = arith.cmpf ogt, %broadcast_in_dim3A, %get3A_2528 : vector<16xf32>
    %select_n3A_2537 = arith.select %gt3A_2536, %and3A_2535, %convert_element_type3A_2526 : vector<16xi1>, vector<16xi32>
    %swap3A_2538 = arith.constant 1728 : index
    %swap3A_2539 = tpu.vector_load %arg13[%swap3A_2538] {strides = array<i32>} : memref<2048xi32, #tpu.memory_space<vmem>>, vector<16xi32>,
    tpu.vector_store %arg13[%swap3A_2538], %select_n3A_2537 {strides = array<i32>} : memref<2048xi32, #tpu.memory_space<vmem>>, vector<16xi32>,
    %get3A_2540 = arith.constant 3408 : index
    %get3A_2541 = tpu.vector_load %arg9[%get3A_2540] {strides = array<i32>} : memref<4096xf32, #tpu.memory_space<vmem>>, vector<16xf32>,
    %get3A_2542 = arith.constant 3536 : index
    %get3A_2543 = tpu.vector_load %arg9[%get3A_2542] {strides = array<i32>} : memref<4096xf32, #tpu.memory_space<vmem>>, vector<16xf32>,
    %gt3A_2544 = arith.cmpf ogt, %get3A_2543, %get3A_2541 : vector<16xf32>
    %convert_element_type3A_2545 = arith.extui %gt3A_2544 : vector<16xi1> to vector<16xi32>
    %get3A_2546 = arith.constant 1744 : index
    %get3A_2547 = tpu.vector_load %arg10[%get3A_2546] {strides = array<i32>} : memref<2048xf32, #tpu.memory_space<vmem>>, vector<16xf32>,
    %slice3A_2548 = vector.extract_strided_slice %bitcast3A_2292 {offsets = [6], sizes = [1], strides = [1]} : vector<16xi32> to vector<1xi32>
    %squeeze3A_2549 = vector.extract %slice3A_2548[0] : i32 from vector<1xi32>
    %broadcast_in_dim3A_2550 = vector.broadcast %squeeze3A_2549 : i32 to vector<16xi32>
    %shift_right_arithmetic3A_2551 = arith.shrsi %broadcast_in_dim3A_2550, %add3A_387 : vector<16xi32>
    %and3A_2552 = arith.constant 1 : i32
    %and3A_2553 = vector.broadcast %and3A_2552 : i32 to vector<16xi32>
    %and3A_2554 = arith.andi %shift_right_arithmetic3A_2551, %and3A_2553 : vector<16xi32>
    %gt3A_2555 = arith.cmpf ogt, %broadcast_in_dim3A, %get3A_2547 : vector<16xf32>
    %select_n3A_2556 = arith.select %gt3A_2555, %and3A_2554, %convert_element_type3A_2545 : vector<16xi1>, vector<16xi32>
    %swap3A_2557 = arith.constant 1744 : index
    %swap3A_2558 = tpu.vector_load %arg13[%swap3A_2557] {strides = array<i32>} : memref<2048xi32, #tpu.memory_space<vmem>>, vector<16xi32>,
    tpu.vector_store %arg13[%swap3A_2557], %select_n3A_2556 {strides = array<i32>} : memref<2048xi32, #tpu.memory_space<vmem>>, vector<16xi32>,
    %get3A_2559 = arith.constant 3424 : index
    %get3A_2560 = tpu.vector_load %arg9[%get3A_2559] {strides = array<i32>} : memref<4096xf32, #tpu.memory_space<vmem>>, vector<16xf32>,
    %get3A_2561 = arith.constant 3552 : index
    %get3A_2562 = tpu.vector_load %arg9[%get3A_2561] {strides = array<i32>} : memref<4096xf32, #tpu.memory_space<vmem>>, vector<16xf32>,
    %gt3A_2563 = arith.cmpf ogt, %get3A_2562, %get3A_2560 : vector<16xf32>
    %convert_element_type3A_2564 = arith.extui %gt3A_2563 : vector<16xi1> to vector<16xi32>
    %get3A_2565 = arith.constant 1760 : index
    %get3A_2566 = tpu.vector_load %arg10[%get3A_2565] {strides = array<i32>} : memref<2048xf32, #tpu.memory_space<vmem>>, vector<16xf32>,
    %slice3A_2567 = vector.extract_strided_slice %bitcast3A_2292 {offsets = [7], sizes = [1], strides = [1]} : vector<16xi32> to vector<1xi32>
    %squeeze3A_2568 = vector.extract %slice3A_2567[0] : i32 from vector<1xi32>
    %broadcast_in_dim3A_2569 = vector.broadcast %squeeze3A_2568 : i32 to vector<16xi32>
    %shift_right_arithmetic3A_2570 = arith.shrsi %broadcast_in_dim3A_2569, %iota3A : vector<16xi32>
    %and3A_2571 = arith.constant 1 : i32
    %and3A_2572 = vector.broadcast %and3A_2571 : i32 to vector<16xi32>
    %and3A_2573 = arith.andi %shift_right_arithmetic3A_2570, %and3A_2572 : vector<16xi32>
    %gt3A_2574 = arith.cmpf ogt, %broadcast_in_dim3A, %get3A_2566 : vector<16xf32>
    %select_n3A_2575 = arith.select %gt3A_2574, %and3A_2573, %convert_element_type3A_2564 : vector<16xi1>, vector<16xi32>
    %swap3A_2576 = arith.constant 1760 : index
    %swap3A_2577 = tpu.vector_load %arg13[%swap3A_2576] {strides = array<i32>} : memref<2048xi32, #tpu.memory_space<vmem>>, vector<16xi32>,
    tpu.vector_store %arg13[%swap3A_2576], %select_n3A_2575 {strides = array<i32>} : memref<2048xi32, #tpu.memory_space<vmem>>, vector<16xi32>,
    %get3A_2578 = arith.constant 3440 : index
    %get3A_2579 = tpu.vector_load %arg9[%get3A_2578] {strides = array<i32>} : memref<4096xf32, #tpu.memory_space<vmem>>, vector<16xf32>,
    %get3A_2580 = arith.constant 3568 : index
    %get3A_2581 = tpu.vector_load %arg9[%get3A_2580] {strides = array<i32>} : memref<4096xf32, #tpu.memory_space<vmem>>, vector<16xf32>,
    %gt3A_2582 = arith.cmpf ogt, %get3A_2581, %get3A_2579 : vector<16xf32>
    %convert_element_type3A_2583 = arith.extui %gt3A_2582 : vector<16xi1> to vector<16xi32>
    %get3A_2584 = arith.constant 1776 : index
    %get3A_2585 = tpu.vector_load %arg10[%get3A_2584] {strides = array<i32>} : memref<2048xf32, #tpu.memory_space<vmem>>, vector<16xf32>,
    %slice3A_2586 = vector.extract_strided_slice %bitcast3A_2292 {offsets = [7], sizes = [1], strides = [1]} : vector<16xi32> to vector<1xi32>
    %squeeze3A_2587 = vector.extract %slice3A_2586[0] : i32 from vector<1xi32>
    %broadcast_in_dim3A_2588 = vector.broadcast %squeeze3A_2587 : i32 to vector<16xi32>
    %shift_right_arithmetic3A_2589 = arith.shrsi %broadcast_in_dim3A_2588, %add3A_387 : vector<16xi32>
    %and3A_2590 = arith.constant 1 : i32
    %and3A_2591 = vector.broadcast %and3A_2590 : i32 to vector<16xi32>
    %and3A_2592 = arith.andi %shift_right_arithmetic3A_2589, %and3A_2591 : vector<16xi32>
    %gt3A_2593 = arith.cmpf ogt, %broadcast_in_dim3A, %get3A_2585 : vector<16xf32>
    %select_n3A_2594 = arith.select %gt3A_2593, %and3A_2592, %convert_element_type3A_2583 : vector<16xi1>, vector<16xi32>
    %swap3A_2595 = arith.constant 1776 : index
    %swap3A_2596 = tpu.vector_load %arg13[%swap3A_2595] {strides = array<i32>} : memref<2048xi32, #tpu.memory_space<vmem>>, vector<16xi32>,
    tpu.vector_store %arg13[%swap3A_2595], %select_n3A_2594 {strides = array<i32>} : memref<2048xi32, #tpu.memory_space<vmem>>, vector<16xi32>,
    %get3A_2597 = arith.constant 3584 : index
    %get3A_2598 = tpu.vector_load %arg9[%get3A_2597] {strides = array<i32>} : memref<4096xf32, #tpu.memory_space<vmem>>, vector<16xf32>,
    %get3A_2599 = arith.constant 3712 : index
    %get3A_2600 = tpu.vector_load %arg9[%get3A_2599] {strides = array<i32>} : memref<4096xf32, #tpu.memory_space<vmem>>, vector<16xf32>,
    %gt3A_2601 = arith.cmpf ogt, %get3A_2600, %get3A_2598 : vector<16xf32>
    %convert_element_type3A_2602 = arith.extui %gt3A_2601 : vector<16xi1> to vector<16xi32>
    %get3A_2603 = arith.constant 1792 : index
    %get3A_2604 = tpu.vector_load %arg10[%get3A_2603] {strides = array<i32>} : memref<2048xf32, #tpu.memory_space<vmem>>, vector<16xf32>,
    %slice3A_2605 = vector.extract_strided_slice %bitcast3A_2292 {offsets = [8], sizes = [1], strides = [1]} : vector<16xi32> to vector<1xi32>
    %squeeze3A_2606 = vector.extract %slice3A_2605[0] : i32 from vector<1xi32>
    %broadcast_in_dim3A_2607 = vector.broadcast %squeeze3A_2606 : i32 to vector<16xi32>
    %shift_right_arithmetic3A_2608 = arith.shrsi %broadcast_in_dim3A_2607, %iota3A : vector<16xi32>
    %and3A_2609 = arith.constant 1 : i32
    %and3A_2610 = vector.broadcast %and3A_2609 : i32 to vector<16xi32>
    %and3A_2611 = arith.andi %shift_right_arithmetic3A_2608, %and3A_2610 : vector<16xi32>
    %gt3A_2612 = arith.cmpf ogt, %broadcast_in_dim3A, %get3A_2604 : vector<16xf32>
    %select_n3A_2613 = arith.select %gt3A_2612, %and3A_2611, %convert_element_type3A_2602 : vector<16xi1>, vector<16xi32>
    %swap3A_2614 = arith.constant 1792 : index
    %swap3A_2615 = tpu.vector_load %arg13[%swap3A_2614] {strides = array<i32>} : memref<2048xi32, #tpu.memory_space<vmem>>, vector<16xi32>,
    tpu.vector_store %arg13[%swap3A_2614], %select_n3A_2613 {strides = array<i32>} : memref<2048xi32, #tpu.memory_space<vmem>>, vector<16xi32>,
    %get3A_2616 = arith.constant 3600 : index
    %get3A_2617 = tpu.vector_load %arg9[%get3A_2616] {strides = array<i32>} : memref<4096xf32, #tpu.memory_space<vmem>>, vector<16xf32>,
    %get3A_2618 = arith.constant 3728 : index
    %get3A_2619 = tpu.vector_load %arg9[%get3A_2618] {strides = array<i32>} : memref<4096xf32, #tpu.memory_space<vmem>>, vector<16xf32>,
    %gt3A_2620 = arith.cmpf ogt, %get3A_2619, %get3A_2617 : vector<16xf32>
    %convert_element_type3A_2621 = arith.extui %gt3A_2620 : vector<16xi1> to vector<16xi32>
    %get3A_2622 = arith.constant 1808 : index
    %get3A_2623 = tpu.vector_load %arg10[%get3A_2622] {strides = array<i32>} : memref<2048xf32, #tpu.memory_space<vmem>>, vector<16xf32>,
    %slice3A_2624 = vector.extract_strided_slice %bitcast3A_2292 {offsets = [8], sizes = [1], strides = [1]} : vector<16xi32> to vector<1xi32>
    %squeeze3A_2625 = vector.extract %slice3A_2624[0] : i32 from vector<1xi32>
    %broadcast_in_dim3A_2626 = vector.broadcast %squeeze3A_2625 : i32 to vector<16xi32>
    %shift_right_arithmetic3A_2627 = arith.shrsi %broadcast_in_dim3A_2626, %add3A_387 : vector<16xi32>
    %and3A_2628 = arith.constant 1 : i32
    %and3A_2629 = vector.broadcast %and3A_2628 : i32 to vector<16xi32>
    %and3A_2630 = arith.andi %shift_right_arithmetic3A_2627, %and3A_2629 : vector<16xi32>
    %gt3A_2631 = arith.cmpf ogt, %broadcast_in_dim3A, %get3A_2623 : vector<16xf32>
    %select_n3A_2632 = arith.select %gt3A_2631, %and3A_2630, %convert_element_type3A_2621 : vector<16xi1>, vector<16xi32>
    %swap3A_2633 = arith.constant 1808 : index
    %swap3A_2634 = tpu.vector_load %arg13[%swap3A_2633] {strides = array<i32>} : memref<2048xi32, #tpu.memory_space<vmem>>, vector<16xi32>,
    tpu.vector_store %arg13[%swap3A_2633], %select_n3A_2632 {strides = array<i32>} : memref<2048xi32, #tpu.memory_space<vmem>>, vector<16xi32>,
    %get3A_2635 = arith.constant 3616 : index
    %get3A_2636 = tpu.vector_load %arg9[%get3A_2635] {strides = array<i32>} : memref<4096xf32, #tpu.memory_space<vmem>>, vector<16xf32>,
    %get3A_2637 = arith.constant 3744 : index
    %get3A_2638 = tpu.vector_load %arg9[%get3A_2637] {strides = array<i32>} : memref<4096xf32, #tpu.memory_space<vmem>>, vector<16xf32>,
    %gt3A_2639 = arith.cmpf ogt, %get3A_2638, %get3A_2636 : vector<16xf32>
    %convert_element_type3A_2640 = arith.extui %gt3A_2639 : vector<16xi1> to vector<16xi32>
    %get3A_2641 = arith.constant 1824 : index
    %get3A_2642 = tpu.vector_load %arg10[%get3A_2641] {strides = array<i32>} : memref<2048xf32, #tpu.memory_space<vmem>>, vector<16xf32>,
    %slice3A_2643 = vector.extract_strided_slice %bitcast3A_2292 {offsets = [9], sizes = [1], strides = [1]} : vector<16xi32> to vector<1xi32>
    %squeeze3A_2644 = vector.extract %slice3A_2643[0] : i32 from vector<1xi32>
    %broadcast_in_dim3A_2645 = vector.broadcast %squeeze3A_2644 : i32 to vector<16xi32>
    %shift_right_arithmetic3A_2646 = arith.shrsi %broadcast_in_dim3A_2645, %iota3A : vector<16xi32>
    %and3A_2647 = arith.constant 1 : i32
    %and3A_2648 = vector.broadcast %and3A_2647 : i32 to vector<16xi32>
    %and3A_2649 = arith.andi %shift_right_arithmetic3A_2646, %and3A_2648 : vector<16xi32>
    %gt3A_2650 = arith.cmpf ogt, %broadcast_in_dim3A, %get3A_2642 : vector<16xf32>
    %select_n3A_2651 = arith.select %gt3A_2650, %and3A_2649, %convert_element_type3A_2640 : vector<16xi1>, vector<16xi32>
    %swap3A_2652 = arith.constant 1824 : index
    %swap3A_2653 = tpu.vector_load %arg13[%swap3A_2652] {strides = array<i32>} : memref<2048xi32, #tpu.memory_space<vmem>>, vector<16xi32>,
    tpu.vector_store %arg13[%swap3A_2652], %select_n3A_2651 {strides = array<i32>} : memref<2048xi32, #tpu.memory_space<vmem>>, vector<16xi32>,
    %get3A_2654 = arith.constant 3632 : index
    %get3A_2655 = tpu.vector_load %arg9[%get3A_2654] {strides = array<i32>} : memref<4096xf32, #tpu.memory_space<vmem>>, vector<16xf32>,
    %get3A_2656 = arith.constant 3760 : index
    %get3A_2657 = tpu.vector_load %arg9[%get3A_2656] {strides = array<i32>} : memref<4096xf32, #tpu.memory_space<vmem>>, vector<16xf32>,
    %gt3A_2658 = arith.cmpf ogt, %get3A_2657, %get3A_2655 : vector<16xf32>
    %convert_element_type3A_2659 = arith.extui %gt3A_2658 : vector<16xi1> to vector<16xi32>
    %get3A_2660 = arith.constant 1840 : index
    %get3A_2661 = tpu.vector_load %arg10[%get3A_2660] {strides = array<i32>} : memref<2048xf32, #tpu.memory_space<vmem>>, vector<16xf32>,
    %slice3A_2662 = vector.extract_strided_slice %bitcast3A_2292 {offsets = [9], sizes = [1], strides = [1]} : vector<16xi32> to vector<1xi32>
    %squeeze3A_2663 = vector.extract %slice3A_2662[0] : i32 from vector<1xi32>
    %broadcast_in_dim3A_2664 = vector.broadcast %squeeze3A_2663 : i32 to vector<16xi32>
    %shift_right_arithmetic3A_2665 = arith.shrsi %broadcast_in_dim3A_2664, %add3A_387 : vector<16xi32>
    %and3A_2666 = arith.constant 1 : i32
    %and3A_2667 = vector.broadcast %and3A_2666 : i32 to vector<16xi32>
    %and3A_2668 = arith.andi %shift_right_arithmetic3A_2665, %and3A_2667 : vector<16xi32>
    %gt3A_2669 = arith.cmpf ogt, %broadcast_in_dim3A, %get3A_2661 : vector<16xf32>
    %select_n3A_2670 = arith.select %gt3A_2669, %and3A_2668, %convert_element_type3A_2659 : vector<16xi1>, vector<16xi32>
    %swap3A_2671 = arith.constant 1840 : index
    %swap3A_2672 = tpu.vector_load %arg13[%swap3A_2671] {strides = array<i32>} : memref<2048xi32, #tpu.memory_space<vmem>>, vector<16xi32>,
    tpu.vector_store %arg13[%swap3A_2671], %select_n3A_2670 {strides = array<i32>} : memref<2048xi32, #tpu.memory_space<vmem>>, vector<16xi32>,
    %get3A_2673 = arith.constant 3648 : index
    %get3A_2674 = tpu.vector_load %arg9[%get3A_2673] {strides = array<i32>} : memref<4096xf32, #tpu.memory_space<vmem>>, vector<16xf32>,
    %get3A_2675 = arith.constant 3776 : index
    %get3A_2676 = tpu.vector_load %arg9[%get3A_2675] {strides = array<i32>} : memref<4096xf32, #tpu.memory_space<vmem>>, vector<16xf32>,
    %gt3A_2677 = arith.cmpf ogt, %get3A_2676, %get3A_2674 : vector<16xf32>
    %convert_element_type3A_2678 = arith.extui %gt3A_2677 : vector<16xi1> to vector<16xi32>
    %get3A_2679 = arith.constant 1856 : index
    %get3A_2680 = tpu.vector_load %arg10[%get3A_2679] {strides = array<i32>} : memref<2048xf32, #tpu.memory_space<vmem>>, vector<16xf32>,
    %slice3A_2681 = vector.extract_strided_slice %bitcast3A_2292 {offsets = [10], sizes = [1], strides = [1]} : vector<16xi32> to vector<1xi32>
    %squeeze3A_2682 = vector.extract %slice3A_2681[0] : i32 from vector<1xi32>
    %broadcast_in_dim3A_2683 = vector.broadcast %squeeze3A_2682 : i32 to vector<16xi32>
    %shift_right_arithmetic3A_2684 = arith.shrsi %broadcast_in_dim3A_2683, %iota3A : vector<16xi32>
    %and3A_2685 = arith.constant 1 : i32
    %and3A_2686 = vector.broadcast %and3A_2685 : i32 to vector<16xi32>
    %and3A_2687 = arith.andi %shift_right_arithmetic3A_2684, %and3A_2686 : vector<16xi32>
    %gt3A_2688 = arith.cmpf ogt, %broadcast_in_dim3A, %get3A_2680 : vector<16xf32>
    %select_n3A_2689 = arith.select %gt3A_2688, %and3A_2687, %convert_element_type3A_2678 : vector<16xi1>, vector<16xi32>
    %swap3A_2690 = arith.constant 1856 : index
    %swap3A_2691 = tpu.vector_load %arg13[%swap3A_2690] {strides = array<i32>} : memref<2048xi32, #tpu.memory_space<vmem>>, vector<16xi32>,
    tpu.vector_store %arg13[%swap3A_2690], %select_n3A_2689 {strides = array<i32>} : memref<2048xi32, #tpu.memory_space<vmem>>, vector<16xi32>,
    %get3A_2692 = arith.constant 3664 : index
    %get3A_2693 = tpu.vector_load %arg9[%get3A_2692] {strides = array<i32>} : memref<4096xf32, #tpu.memory_space<vmem>>, vector<16xf32>,
    %get3A_2694 = arith.constant 3792 : index
    %get3A_2695 = tpu.vector_load %arg9[%get3A_2694] {strides = array<i32>} : memref<4096xf32, #tpu.memory_space<vmem>>, vector<16xf32>,
    %gt3A_2696 = arith.cmpf ogt, %get3A_2695, %get3A_2693 : vector<16xf32>
    %convert_element_type3A_2697 = arith.extui %gt3A_2696 : vector<16xi1> to vector<16xi32>
    %get3A_2698 = arith.constant 1872 : index
    %get3A_2699 = tpu.vector_load %arg10[%get3A_2698] {strides = array<i32>} : memref<2048xf32, #tpu.memory_space<vmem>>, vector<16xf32>,
    %slice3A_2700 = vector.extract_strided_slice %bitcast3A_2292 {offsets = [10], sizes = [1], strides = [1]} : vector<16xi32> to vector<1xi32>
    %squeeze3A_2701 = vector.extract %slice3A_2700[0] : i32 from vector<1xi32>
    %broadcast_in_dim3A_2702 = vector.broadcast %squeeze3A_2701 : i32 to vector<16xi32>
    %shift_right_arithmetic3A_2703 = arith.shrsi %broadcast_in_dim3A_2702, %add3A_387 : vector<16xi32>
    %and3A_2704 = arith.constant 1 : i32
    %and3A_2705 = vector.broadcast %and3A_2704 : i32 to vector<16xi32>
    %and3A_2706 = arith.andi %shift_right_arithmetic3A_2703, %and3A_2705 : vector<16xi32>
    %gt3A_2707 = arith.cmpf ogt, %broadcast_in_dim3A, %get3A_2699 : vector<16xf32>
    %select_n3A_2708 = arith.select %gt3A_2707, %and3A_2706, %convert_element_type3A_2697 : vector<16xi1>, vector<16xi32>
    %swap3A_2709 = arith.constant 1872 : index
    %swap3A_2710 = tpu.vector_load %arg13[%swap3A_2709] {strides = array<i32>} : memref<2048xi32, #tpu.memory_space<vmem>>, vector<16xi32>,
    tpu.vector_store %arg13[%swap3A_2709], %select_n3A_2708 {strides = array<i32>} : memref<2048xi32, #tpu.memory_space<vmem>>, vector<16xi32>,
    %get3A_2711 = arith.constant 3680 : index
    %get3A_2712 = tpu.vector_load %arg9[%get3A_2711] {strides = array<i32>} : memref<4096xf32, #tpu.memory_space<vmem>>, vector<16xf32>,
    %get3A_2713 = arith.constant 3808 : index
    %get3A_2714 = tpu.vector_load %arg9[%get3A_2713] {strides = array<i32>} : memref<4096xf32, #tpu.memory_space<vmem>>, vector<16xf32>,
    %gt3A_2715 = arith.cmpf ogt, %get3A_2714, %get3A_2712 : vector<16xf32>
    %convert_element_type3A_2716 = arith.extui %gt3A_2715 : vector<16xi1> to vector<16xi32>
    %get3A_2717 = arith.constant 1888 : index
    %get3A_2718 = tpu.vector_load %arg10[%get3A_2717] {strides = array<i32>} : memref<2048xf32, #tpu.memory_space<vmem>>, vector<16xf32>,
    %slice3A_2719 = vector.extract_strided_slice %bitcast3A_2292 {offsets = [11], sizes = [1], strides = [1]} : vector<16xi32> to vector<1xi32>
    %squeeze3A_2720 = vector.extract %slice3A_2719[0] : i32 from vector<1xi32>
    %broadcast_in_dim3A_2721 = vector.broadcast %squeeze3A_2720 : i32 to vector<16xi32>
    %shift_right_arithmetic3A_2722 = arith.shrsi %broadcast_in_dim3A_2721, %iota3A : vector<16xi32>
    %and3A_2723 = arith.constant 1 : i32
    %and3A_2724 = vector.broadcast %and3A_2723 : i32 to vector<16xi32>
    %and3A_2725 = arith.andi %shift_right_arithmetic3A_2722, %and3A_2724 : vector<16xi32>
    %gt3A_2726 = arith.cmpf ogt, %broadcast_in_dim3A, %get3A_2718 : vector<16xf32>
    %select_n3A_2727 = arith.select %gt3A_2726, %and3A_2725, %convert_element_type3A_2716 : vector<16xi1>, vector<16xi32>
    %swap3A_2728 = arith.constant 1888 : index
    %swap3A_2729 = tpu.vector_load %arg13[%swap3A_2728] {strides = array<i32>} : memref<2048xi32, #tpu.memory_space<vmem>>, vector<16xi32>,
    tpu.vector_store %arg13[%swap3A_2728], %select_n3A_2727 {strides = array<i32>} : memref<2048xi32, #tpu.memory_space<vmem>>, vector<16xi32>,
    %get3A_2730 = arith.constant 3696 : index
    %get3A_2731 = tpu.vector_load %arg9[%get3A_2730] {strides = array<i32>} : memref<4096xf32, #tpu.memory_space<vmem>>, vector<16xf32>,
    %get3A_2732 = arith.constant 3824 : index
    %get3A_2733 = tpu.vector_load %arg9[%get3A_2732] {strides = array<i32>} : memref<4096xf32, #tpu.memory_space<vmem>>, vector<16xf32>,
    %gt3A_2734 = arith.cmpf ogt, %get3A_2733, %get3A_2731 : vector<16xf32>
    %convert_element_type3A_2735 = arith.extui %gt3A_2734 : vector<16xi1> to vector<16xi32>
    %get3A_2736 = arith.constant 1904 : index
    %get3A_2737 = tpu.vector_load %arg10[%get3A_2736] {strides = array<i32>} : memref<2048xf32, #tpu.memory_space<vmem>>, vector<16xf32>,
    %slice3A_2738 = vector.extract_strided_slice %bitcast3A_2292 {offsets = [11], sizes = [1], strides = [1]} : vector<16xi32> to vector<1xi32>
    %squeeze3A_2739 = vector.extract %slice3A_2738[0] : i32 from vector<1xi32>
    %broadcast_in_dim3A_2740 = vector.broadcast %squeeze3A_2739 : i32 to vector<16xi32>
    %shift_right_arithmetic3A_2741 = arith.shrsi %broadcast_in_dim3A_2740, %add3A_387 : vector<16xi32>
    %and3A_2742 = arith.constant 1 : i32
    %and3A_2743 = vector.broadcast %and3A_2742 : i32 to vector<16xi32>
    %and3A_2744 = arith.andi %shift_right_arithmetic3A_2741, %and3A_2743 : vector<16xi32>
    %gt3A_2745 = arith.cmpf ogt, %broadcast_in_dim3A, %get3A_2737 : vector<16xf32>
    %select_n3A_2746 = arith.select %gt3A_2745, %and3A_2744, %convert_element_type3A_2735 : vector<16xi1>, vector<16xi32>
    %swap3A_2747 = arith.constant 1904 : index
    %swap3A_2748 = tpu.vector_load %arg13[%swap3A_2747] {strides = array<i32>} : memref<2048xi32, #tpu.memory_space<vmem>>, vector<16xi32>,
    tpu.vector_store %arg13[%swap3A_2747], %select_n3A_2746 {strides = array<i32>} : memref<2048xi32, #tpu.memory_space<vmem>>, vector<16xi32>,
    %get3A_2749 = arith.constant 3840 : index
    %get3A_2750 = tpu.vector_load %arg9[%get3A_2749] {strides = array<i32>} : memref<4096xf32, #tpu.memory_space<vmem>>, vector<16xf32>,
    %get3A_2751 = arith.constant 3968 : index
    %get3A_2752 = tpu.vector_load %arg9[%get3A_2751] {strides = array<i32>} : memref<4096xf32, #tpu.memory_space<vmem>>, vector<16xf32>,
    %gt3A_2753 = arith.cmpf ogt, %get3A_2752, %get3A_2750 : vector<16xf32>
    %convert_element_type3A_2754 = arith.extui %gt3A_2753 : vector<16xi1> to vector<16xi32>
    %get3A_2755 = arith.constant 1920 : index
    %get3A_2756 = tpu.vector_load %arg10[%get3A_2755] {strides = array<i32>} : memref<2048xf32, #tpu.memory_space<vmem>>, vector<16xf32>,
    %slice3A_2757 = vector.extract_strided_slice %bitcast3A_2292 {offsets = [12], sizes = [1], strides = [1]} : vector<16xi32> to vector<1xi32>
    %squeeze3A_2758 = vector.extract %slice3A_2757[0] : i32 from vector<1xi32>
    %broadcast_in_dim3A_2759 = vector.broadcast %squeeze3A_2758 : i32 to vector<16xi32>
    %shift_right_arithmetic3A_2760 = arith.shrsi %broadcast_in_dim3A_2759, %iota3A : vector<16xi32>
    %and3A_2761 = arith.constant 1 : i32
    %and3A_2762 = vector.broadcast %and3A_2761 : i32 to vector<16xi32>
    %and3A_2763 = arith.andi %shift_right_arithmetic3A_2760, %and3A_2762 : vector<16xi32>
    %gt3A_2764 = arith.cmpf ogt, %broadcast_in_dim3A, %get3A_2756 : vector<16xf32>
    %select_n3A_2765 = arith.select %gt3A_2764, %and3A_2763, %convert_element_type3A_2754 : vector<16xi1>, vector<16xi32>
    %swap3A_2766 = arith.constant 1920 : index
    %swap3A_2767 = tpu.vector_load %arg13[%swap3A_2766] {strides = array<i32>} : memref<2048xi32, #tpu.memory_space<vmem>>, vector<16xi32>,
    tpu.vector_store %arg13[%swap3A_2766], %select_n3A_2765 {strides = array<i32>} : memref<2048xi32, #tpu.memory_space<vmem>>, vector<16xi32>,
    %get3A_2768 = arith.constant 3856 : index
    %get3A_2769 = tpu.vector_load %arg9[%get3A_2768] {strides = array<i32>} : memref<4096xf32, #tpu.memory_space<vmem>>, vector<16xf32>,
    %get3A_2770 = arith.constant 3984 : index
    %get3A_2771 = tpu.vector_load %arg9[%get3A_2770] {strides = array<i32>} : memref<4096xf32, #tpu.memory_space<vmem>>, vector<16xf32>,
    %gt3A_2772 = arith.cmpf ogt, %get3A_2771, %get3A_2769 : vector<16xf32>
    %convert_element_type3A_2773 = arith.extui %gt3A_2772 : vector<16xi1> to vector<16xi32>
    %get3A_2774 = arith.constant 1936 : index
    %get3A_2775 = tpu.vector_load %arg10[%get3A_2774] {strides = array<i32>} : memref<2048xf32, #tpu.memory_space<vmem>>, vector<16xf32>,
    %slice3A_2776 = vector.extract_strided_slice %bitcast3A_2292 {offsets = [12], sizes = [1], strides = [1]} : vector<16xi32> to vector<1xi32>
    %squeeze3A_2777 = vector.extract %slice3A_2776[0] : i32 from vector<1xi32>
    %broadcast_in_dim3A_2778 = vector.broadcast %squeeze3A_2777 : i32 to vector<16xi32>
    %shift_right_arithmetic3A_2779 = arith.shrsi %broadcast_in_dim3A_2778, %add3A_387 : vector<16xi32>
    %and3A_2780 = arith.constant 1 : i32
    %and3A_2781 = vector.broadcast %and3A_2780 : i32 to vector<16xi32>
    %and3A_2782 = arith.andi %shift_right_arithmetic3A_2779, %and3A_2781 : vector<16xi32>
    %gt3A_2783 = arith.cmpf ogt, %broadcast_in_dim3A, %get3A_2775 : vector<16xf32>
    %select_n3A_2784 = arith.select %gt3A_2783, %and3A_2782, %convert_element_type3A_2773 : vector<16xi1>, vector<16xi32>
    %swap3A_2785 = arith.constant 1936 : index
    %swap3A_2786 = tpu.vector_load %arg13[%swap3A_2785] {strides = array<i32>} : memref<2048xi32, #tpu.memory_space<vmem>>, vector<16xi32>,
    tpu.vector_store %arg13[%swap3A_2785], %select_n3A_2784 {strides = array<i32>} : memref<2048xi32, #tpu.memory_space<vmem>>, vector<16xi32>,
    %get3A_2787 = arith.constant 3872 : index
    %get3A_2788 = tpu.vector_load %arg9[%get3A_2787] {strides = array<i32>} : memref<4096xf32, #tpu.memory_space<vmem>>, vector<16xf32>,
    %get3A_2789 = arith.constant 4000 : index
    %get3A_2790 = tpu.vector_load %arg9[%get3A_2789] {strides = array<i32>} : memref<4096xf32, #tpu.memory_space<vmem>>, vector<16xf32>,
    %gt3A_2791 = arith.cmpf ogt, %get3A_2790, %get3A_2788 : vector<16xf32>
    %convert_element_type3A_2792 = arith.extui %gt3A_2791 : vector<16xi1> to vector<16xi32>
    %get3A_2793 = arith.constant 1952 : index
    %get3A_2794 = tpu.vector_load %arg10[%get3A_2793] {strides = array<i32>} : memref<2048xf32, #tpu.memory_space<vmem>>, vector<16xf32>,
    %slice3A_2795 = vector.extract_strided_slice %bitcast3A_2292 {offsets = [13], sizes = [1], strides = [1]} : vector<16xi32> to vector<1xi32>
    %squeeze3A_2796 = vector.extract %slice3A_2795[0] : i32 from vector<1xi32>
    %broadcast_in_dim3A_2797 = vector.broadcast %squeeze3A_2796 : i32 to vector<16xi32>
    %shift_right_arithmetic3A_2798 = arith.shrsi %broadcast_in_dim3A_2797, %iota3A : vector<16xi32>
    %and3A_2799 = arith.constant 1 : i32
    %and3A_2800 = vector.broadcast %and3A_2799 : i32 to vector<16xi32>
    %and3A_2801 = arith.andi %shift_right_arithmetic3A_2798, %and3A_2800 : vector<16xi32>
    %gt3A_2802 = arith.cmpf ogt, %broadcast_in_dim3A, %get3A_2794 : vector<16xf32>
    %select_n3A_2803 = arith.select %gt3A_2802, %and3A_2801, %convert_element_type3A_2792 : vector<16xi1>, vector<16xi32>
    %swap3A_2804 = arith.constant 1952 : index
    %swap3A_2805 = tpu.vector_load %arg13[%swap3A_2804] {strides = array<i32>} : memref<2048xi32, #tpu.memory_space<vmem>>, vector<16xi32>,
    tpu.vector_store %arg13[%swap3A_2804], %select_n3A_2803 {strides = array<i32>} : memref<2048xi32, #tpu.memory_space<vmem>>, vector<16xi32>,
    %get3A_2806 = arith.constant 3888 : index
    %get3A_2807 = tpu.vector_load %arg9[%get3A_2806] {strides = array<i32>} : memref<4096xf32, #tpu.memory_space<vmem>>, vector<16xf32>,
    %get3A_2808 = arith.constant 4016 : index
    %get3A_2809 = tpu.vector_load %arg9[%get3A_2808] {strides = array<i32>} : memref<4096xf32, #tpu.memory_space<vmem>>, vector<16xf32>,
    %gt3A_2810 = arith.cmpf ogt, %get3A_2809, %get3A_2807 : vector<16xf32>
    %convert_element_type3A_2811 = arith.extui %gt3A_2810 : vector<16xi1> to vector<16xi32>
    %get3A_2812 = arith.constant 1968 : index
    %get3A_2813 = tpu.vector_load %arg10[%get3A_2812] {strides = array<i32>} : memref<2048xf32, #tpu.memory_space<vmem>>, vector<16xf32>,
    %slice3A_2814 = vector.extract_strided_slice %bitcast3A_2292 {offsets = [13], sizes = [1], strides = [1]} : vector<16xi32> to vector<1xi32>
    %squeeze3A_2815 = vector.extract %slice3A_2814[0] : i32 from vector<1xi32>
    %broadcast_in_dim3A_2816 = vector.broadcast %squeeze3A_2815 : i32 to vector<16xi32>
    %shift_right_arithmetic3A_2817 = arith.shrsi %broadcast_in_dim3A_2816, %add3A_387 : vector<16xi32>
    %and3A_2818 = arith.constant 1 : i32
    %and3A_2819 = vector.broadcast %and3A_2818 : i32 to vector<16xi32>
    %and3A_2820 = arith.andi %shift_right_arithmetic3A_2817, %and3A_2819 : vector<16xi32>
    %gt3A_2821 = arith.cmpf ogt, %broadcast_in_dim3A, %get3A_2813 : vector<16xf32>
    %select_n3A_2822 = arith.select %gt3A_2821, %and3A_2820, %convert_element_type3A_2811 : vector<16xi1>, vector<16xi32>
    %swap3A_2823 = arith.constant 1968 : index
    %swap3A_2824 = tpu.vector_load %arg13[%swap3A_2823] {strides = array<i32>} : memref<2048xi32, #tpu.memory_space<vmem>>, vector<16xi32>,
    tpu.vector_store %arg13[%swap3A_2823], %select_n3A_2822 {strides = array<i32>} : memref<2048xi32, #tpu.memory_space<vmem>>, vector<16xi32>,
    %get3A_2825 = arith.constant 3904 : index
    %get3A_2826 = tpu.vector_load %arg9[%get3A_2825] {strides = array<i32>} : memref<4096xf32, #tpu.memory_space<vmem>>, vector<16xf32>,
    %get3A_2827 = arith.constant 4032 : index
    %get3A_2828 = tpu.vector_load %arg9[%get3A_2827] {strides = array<i32>} : memref<4096xf32, #tpu.memory_space<vmem>>, vector<16xf32>,
    %gt3A_2829 = arith.cmpf ogt, %get3A_2828, %get3A_2826 : vector<16xf32>
    %convert_element_type3A_2830 = arith.extui %gt3A_2829 : vector<16xi1> to vector<16xi32>
    %get3A_2831 = arith.constant 1984 : index
    %get3A_2832 = tpu.vector_load %arg10[%get3A_2831] {strides = array<i32>} : memref<2048xf32, #tpu.memory_space<vmem>>, vector<16xf32>,
    %slice3A_2833 = vector.extract_strided_slice %bitcast3A_2292 {offsets = [14], sizes = [1], strides = [1]} : vector<16xi32> to vector<1xi32>
    %squeeze3A_2834 = vector.extract %slice3A_2833[0] : i32 from vector<1xi32>
    %broadcast_in_dim3A_2835 = vector.broadcast %squeeze3A_2834 : i32 to vector<16xi32>
    %shift_right_arithmetic3A_2836 = arith.shrsi %broadcast_in_dim3A_2835, %iota3A : vector<16xi32>
    %and3A_2837 = arith.constant 1 : i32
    %and3A_2838 = vector.broadcast %and3A_2837 : i32 to vector<16xi32>
    %and3A_2839 = arith.andi %shift_right_arithmetic3A_2836, %and3A_2838 : vector<16xi32>
    %gt3A_2840 = arith.cmpf ogt, %broadcast_in_dim3A, %get3A_2832 : vector<16xf32>
    %select_n3A_2841 = arith.select %gt3A_2840, %and3A_2839, %convert_element_type3A_2830 : vector<16xi1>, vector<16xi32>
    %swap3A_2842 = arith.constant 1984 : index
    %swap3A_2843 = tpu.vector_load %arg13[%swap3A_2842] {strides = array<i32>} : memref<2048xi32, #tpu.memory_space<vmem>>, vector<16xi32>,
    tpu.vector_store %arg13[%swap3A_2842], %select_n3A_2841 {strides = array<i32>} : memref<2048xi32, #tpu.memory_space<vmem>>, vector<16xi32>,
    %get3A_2844 = arith.constant 3920 : index
    %get3A_2845 = tpu.vector_load %arg9[%get3A_2844] {strides = array<i32>} : memref<4096xf32, #tpu.memory_space<vmem>>, vector<16xf32>,
    %get3A_2846 = arith.constant 4048 : index
    %get3A_2847 = tpu.vector_load %arg9[%get3A_2846] {strides = array<i32>} : memref<4096xf32, #tpu.memory_space<vmem>>, vector<16xf32>,
    %gt3A_2848 = arith.cmpf ogt, %get3A_2847, %get3A_2845 : vector<16xf32>
    %convert_element_type3A_2849 = arith.extui %gt3A_2848 : vector<16xi1> to vector<16xi32>
    %get3A_2850 = arith.constant 2000 : index
    %get3A_2851 = tpu.vector_load %arg10[%get3A_2850] {strides = array<i32>} : memref<2048xf32, #tpu.memory_space<vmem>>, vector<16xf32>,
    %slice3A_2852 = vector.extract_strided_slice %bitcast3A_2292 {offsets = [14], sizes = [1], strides = [1]} : vector<16xi32> to vector<1xi32>
    %squeeze3A_2853 = vector.extract %slice3A_2852[0] : i32 from vector<1xi32>
    %broadcast_in_dim3A_2854 = vector.broadcast %squeeze3A_2853 : i32 to vector<16xi32>
    %shift_right_arithmetic3A_2855 = arith.shrsi %broadcast_in_dim3A_2854, %add3A_387 : vector<16xi32>
    %and3A_2856 = arith.constant 1 : i32
    %and3A_2857 = vector.broadcast %and3A_2856 : i32 to vector<16xi32>
    %and3A_2858 = arith.andi %shift_right_arithmetic3A_2855, %and3A_2857 : vector<16xi32>
    %gt3A_2859 = arith.cmpf ogt, %broadcast_in_dim3A, %get3A_2851 : vector<16xf32>
    %select_n3A_2860 = arith.select %gt3A_2859, %and3A_2858, %convert_element_type3A_2849 : vector<16xi1>, vector<16xi32>
    %swap3A_2861 = arith.constant 2000 : index
    %swap3A_2862 = tpu.vector_load %arg13[%swap3A_2861] {strides = array<i32>} : memref<2048xi32, #tpu.memory_space<vmem>>, vector<16xi32>,
    tpu.vector_store %arg13[%swap3A_2861], %select_n3A_2860 {strides = array<i32>} : memref<2048xi32, #tpu.memory_space<vmem>>, vector<16xi32>,
    %get3A_2863 = arith.constant 3936 : index
    %get3A_2864 = tpu.vector_load %arg9[%get3A_2863] {strides = array<i32>} : memref<4096xf32, #tpu.memory_space<vmem>>, vector<16xf32>,
    %get3A_2865 = arith.constant 4064 : index
    %get3A_2866 = tpu.vector_load %arg9[%get3A_2865] {strides = array<i32>} : memref<4096xf32, #tpu.memory_space<vmem>>, vector<16xf32>,
    %gt3A_2867 = arith.cmpf ogt, %get3A_2866, %get3A_2864 : vector<16xf32>
    %convert_element_type3A_2868 = arith.extui %gt3A_2867 : vector<16xi1> to vector<16xi32>
    %get3A_2869 = arith.constant 2016 : index
    %get3A_2870 = tpu.vector_load %arg10[%get3A_2869] {strides = array<i32>} : memref<2048xf32, #tpu.memory_space<vmem>>, vector<16xf32>,
    %slice3A_2871 = vector.extract_strided_slice %bitcast3A_2292 {offsets = [15], sizes = [1], strides = [1]} : vector<16xi32> to vector<1xi32>
    %squeeze3A_2872 = vector.extract %slice3A_2871[0] : i32 from vector<1xi32>
    %broadcast_in_dim3A_2873 = vector.broadcast %squeeze3A_2872 : i32 to vector<16xi32>
    %shift_right_arithmetic3A_2874 = arith.shrsi %broadcast_in_dim3A_2873, %iota3A : vector<16xi32>
    %and3A_2875 = arith.constant 1 : i32
    %and3A_2876 = vector.broadcast %and3A_2875 : i32 to vector<16xi32>
    %and3A_2877 = arith.andi %shift_right_arithmetic3A_2874, %and3A_2876 : vector<16xi32>
    %gt3A_2878 = arith.cmpf ogt, %broadcast_in_dim3A, %get3A_2870 : vector<16xf32>
    %select_n3A_2879 = arith.select %gt3A_2878, %and3A_2877, %convert_element_type3A_2868 : vector<16xi1>, vector<16xi32>
    %swap3A_2880 = arith.constant 2016 : index
    %swap3A_2881 = tpu.vector_load %arg13[%swap3A_2880] {strides = array<i32>} : memref<2048xi32, #tpu.memory_space<vmem>>, vector<16xi32>,
    tpu.vector_store %arg13[%swap3A_2880], %select_n3A_2879 {strides = array<i32>} : memref<2048xi32, #tpu.memory_space<vmem>>, vector<16xi32>,
    %get3A_2882 = arith.constant 3952 : index
    %get3A_2883 = tpu.vector_load %arg9[%get3A_2882] {strides = array<i32>} : memref<4096xf32, #tpu.memory_space<vmem>>, vector<16xf32>,
    %get3A_2884 = arith.constant 4080 : index
    %get3A_2885 = tpu.vector_load %arg9[%get3A_2884] {strides = array<i32>} : memref<4096xf32, #tpu.memory_space<vmem>>, vector<16xf32>,
    %gt3A_2886 = arith.cmpf ogt, %get3A_2885, %get3A_2883 : vector<16xf32>
    %convert_element_type3A_2887 = arith.extui %gt3A_2886 : vector<16xi1> to vector<16xi32>
    %get3A_2888 = arith.constant 2032 : index
    %get3A_2889 = tpu.vector_load %arg10[%get3A_2888] {strides = array<i32>} : memref<2048xf32, #tpu.memory_space<vmem>>, vector<16xf32>,
    %slice3A_2890 = vector.extract_strided_slice %bitcast3A_2292 {offsets = [15], sizes = [1], strides = [1]} : vector<16xi32> to vector<1xi32>
    %squeeze3A_2891 = vector.extract %slice3A_2890[0] : i32 from vector<1xi32>
    %broadcast_in_dim3A_2892 = vector.broadcast %squeeze3A_2891 : i32 to vector<16xi32>
    %shift_right_arithmetic3A_2893 = arith.shrsi %broadcast_in_dim3A_2892, %add3A_387 : vector<16xi32>
    %and3A_2894 = arith.constant 1 : i32
    %and3A_2895 = vector.broadcast %and3A_2894 : i32 to vector<16xi32>
    %and3A_2896 = arith.andi %shift_right_arithmetic3A_2893, %and3A_2895 : vector<16xi32>
    %gt3A_2897 = arith.cmpf ogt, %broadcast_in_dim3A, %get3A_2889 : vector<16xf32>
    %select_n3A_2898 = arith.select %gt3A_2897, %and3A_2896, %convert_element_type3A_2887 : vector<16xi1>, vector<16xi32>
    %swap3A_2899 = arith.constant 2032 : index
    %swap3A_2900 = tpu.vector_load %arg13[%swap3A_2899] {strides = array<i32>} : memref<2048xi32, #tpu.memory_space<vmem>>, vector<16xi32>,
    tpu.vector_store %arg13[%swap3A_2899], %select_n3A_2898 {strides = array<i32>} : memref<2048xi32, #tpu.memory_space<vmem>>, vector<16xi32>,
    %dma_start3A_2901 = tpu.memref_slice %arg7[%mul3A_2] : memref<32768xi32, #tpu.memory_space<hbm>> -> memref<2048xi32, #tpu.memory_space<hbm>>
    %dma_start3A_2902 = tpu.memref_slice %arg7[%mul3A_2] : memref<32768xi32, #tpu.memory_space<hbm>> -> memref<2048xi32, #tpu.memory_space<hbm>>
    tpu.enqueue_dma source(%arg13 : memref<2048xi32, #tpu.memory_space<vmem>>) target(%dma_start3A_2902 : memref<2048xi32, #tpu.memory_space<hbm>>) target_semaphore(%arg20 : memref<!tpu.dma_semaphore, #tpu.memory_space<semaphore_mem>>)
    %dma_wait3A_2903 = arith.constant 0 : i32
    %dma_wait3A_2904 = tpu.memref_slice %arg14[%dma_wait3A_2903] : memref<4096xi32, #tpu.memory_space<vmem>> -> memref<128xi32, #tpu.memory_space<vmem>>
    %dma_wait3A_2905 = tpu.memref_slice %arg4[%add3A_130] : memref<32768xi32, #tpu.memory_space<hbm>> -> memref<128xi32, #tpu.memory_space<hbm>>
    %dma_wait3A_2906 = arith.constant 0 : i32
    %dma_wait3A_2907 = tpu.memref_slice %arg14[%dma_wait3A_2906] : memref<4096xi32, #tpu.memory_space<vmem>> -> memref<128xi32, #tpu.memory_space<vmem>>
    %dma_wait3A_2908 = tpu.memref_slice %arg4[%add3A_130] : memref<32768xi32, #tpu.memory_space<hbm>> -> memref<128xi32, #tpu.memory_space<hbm>>
    tpu.wait_dma2 semaphore(%arg19 : memref<!tpu.dma_semaphore, #tpu.memory_space<semaphore_mem>>) src(%dma_wait3A_2908 : memref<128xi32, #tpu.memory_space<hbm>>) dst(%dma_wait3A_2907 : memref<128xi32, #tpu.memory_space<vmem>>)
    %dma_wait3A_2909 = arith.constant 128 : i32
    %dma_wait3A_2910 = tpu.memref_slice %arg14[%dma_wait3A_2909] : memref<4096xi32, #tpu.memory_space<vmem>> -> memref<128xi32, #tpu.memory_space<vmem>>
    %dma_wait3A_2911 = tpu.memref_slice %arg5[%add3A_138] : memref<32768xi32, #tpu.memory_space<hbm>> -> memref<128xi32, #tpu.memory_space<hbm>>
    %dma_wait3A_2912 = arith.constant 128 : i32
    %dma_wait3A_2913 = tpu.memref_slice %arg14[%dma_wait3A_2912] : memref<4096xi32, #tpu.memory_space<vmem>> -> memref<128xi32, #tpu.memory_space<vmem>>
    %dma_wait3A_2914 = tpu.memref_slice %arg5[%add3A_138] : memref<32768xi32, #tpu.memory_space<hbm>> -> memref<128xi32, #tpu.memory_space<hbm>>
    tpu.wait_dma2 semaphore(%arg19 : memref<!tpu.dma_semaphore, #tpu.memory_space<semaphore_mem>>) src(%dma_wait3A_2914 : memref<128xi32, #tpu.memory_space<hbm>>) dst(%dma_wait3A_2913 : memref<128xi32, #tpu.memory_space<vmem>>)
    %dma_wait3A_2915 = arith.constant 256 : i32
    %dma_wait3A_2916 = tpu.memref_slice %arg14[%dma_wait3A_2915] : memref<4096xi32, #tpu.memory_space<vmem>> -> memref<128xi32, #tpu.memory_space<vmem>>
    %dma_wait3A_2917 = tpu.memref_slice %arg4[%add3A_146] : memref<32768xi32, #tpu.memory_space<hbm>> -> memref<128xi32, #tpu.memory_space<hbm>>
    %dma_wait3A_2918 = arith.constant 256 : i32
    %dma_wait3A_2919 = tpu.memref_slice %arg14[%dma_wait3A_2918] : memref<4096xi32, #tpu.memory_space<vmem>> -> memref<128xi32, #tpu.memory_space<vmem>>
    %dma_wait3A_2920 = tpu.memref_slice %arg4[%add3A_146] : memref<32768xi32, #tpu.memory_space<hbm>> -> memref<128xi32, #tpu.memory_space<hbm>>
    tpu.wait_dma2 semaphore(%arg19 : memref<!tpu.dma_semaphore, #tpu.memory_space<semaphore_mem>>) src(%dma_wait3A_2920 : memref<128xi32, #tpu.memory_space<hbm>>) dst(%dma_wait3A_2919 : memref<128xi32, #tpu.memory_space<vmem>>)
    %dma_wait3A_2921 = arith.constant 384 : i32
    %dma_wait3A_2922 = tpu.memref_slice %arg14[%dma_wait3A_2921] : memref<4096xi32, #tpu.memory_space<vmem>> -> memref<128xi32, #tpu.memory_space<vmem>>
    %dma_wait3A_2923 = tpu.memref_slice %arg5[%add3A_154] : memref<32768xi32, #tpu.memory_space<hbm>> -> memref<128xi32, #tpu.memory_space<hbm>>
    %dma_wait3A_2924 = arith.constant 384 : i32
    %dma_wait3A_2925 = tpu.memref_slice %arg14[%dma_wait3A_2924] : memref<4096xi32, #tpu.memory_space<vmem>> -> memref<128xi32, #tpu.memory_space<vmem>>
    %dma_wait3A_2926 = tpu.memref_slice %arg5[%add3A_154] : memref<32768xi32, #tpu.memory_space<hbm>> -> memref<128xi32, #tpu.memory_space<hbm>>
    tpu.wait_dma2 semaphore(%arg19 : memref<!tpu.dma_semaphore, #tpu.memory_space<semaphore_mem>>) src(%dma_wait3A_2926 : memref<128xi32, #tpu.memory_space<hbm>>) dst(%dma_wait3A_2925 : memref<128xi32, #tpu.memory_space<vmem>>)
    %dma_wait3A_2927 = arith.constant 512 : i32
    %dma_wait3A_2928 = tpu.memref_slice %arg14[%dma_wait3A_2927] : memref<4096xi32, #tpu.memory_space<vmem>> -> memref<128xi32, #tpu.memory_space<vmem>>
    %dma_wait3A_2929 = tpu.memref_slice %arg4[%add3A_162] : memref<32768xi32, #tpu.memory_space<hbm>> -> memref<128xi32, #tpu.memory_space<hbm>>
    %dma_wait3A_2930 = arith.constant 512 : i32
    %dma_wait3A_2931 = tpu.memref_slice %arg14[%dma_wait3A_2930] : memref<4096xi32, #tpu.memory_space<vmem>> -> memref<128xi32, #tpu.memory_space<vmem>>
    %dma_wait3A_2932 = tpu.memref_slice %arg4[%add3A_162] : memref<32768xi32, #tpu.memory_space<hbm>> -> memref<128xi32, #tpu.memory_space<hbm>>
    tpu.wait_dma2 semaphore(%arg19 : memref<!tpu.dma_semaphore, #tpu.memory_space<semaphore_mem>>) src(%dma_wait3A_2932 : memref<128xi32, #tpu.memory_space<hbm>>) dst(%dma_wait3A_2931 : memref<128xi32, #tpu.memory_space<vmem>>)
    %dma_wait3A_2933 = arith.constant 640 : i32
    %dma_wait3A_2934 = tpu.memref_slice %arg14[%dma_wait3A_2933] : memref<4096xi32, #tpu.memory_space<vmem>> -> memref<128xi32, #tpu.memory_space<vmem>>
    %dma_wait3A_2935 = tpu.memref_slice %arg5[%add3A_170] : memref<32768xi32, #tpu.memory_space<hbm>> -> memref<128xi32, #tpu.memory_space<hbm>>
    %dma_wait3A_2936 = arith.constant 640 : i32
    %dma_wait3A_2937 = tpu.memref_slice %arg14[%dma_wait3A_2936] : memref<4096xi32, #tpu.memory_space<vmem>> -> memref<128xi32, #tpu.memory_space<vmem>>
    %dma_wait3A_2938 = tpu.memref_slice %arg5[%add3A_170] : memref<32768xi32, #tpu.memory_space<hbm>> -> memref<128xi32, #tpu.memory_space<hbm>>
    tpu.wait_dma2 semaphore(%arg19 : memref<!tpu.dma_semaphore, #tpu.memory_space<semaphore_mem>>) src(%dma_wait3A_2938 : memref<128xi32, #tpu.memory_space<hbm>>) dst(%dma_wait3A_2937 : memref<128xi32, #tpu.memory_space<vmem>>)
    %dma_wait3A_2939 = arith.constant 768 : i32
    %dma_wait3A_2940 = tpu.memref_slice %arg14[%dma_wait3A_2939] : memref<4096xi32, #tpu.memory_space<vmem>> -> memref<128xi32, #tpu.memory_space<vmem>>
    %dma_wait3A_2941 = tpu.memref_slice %arg4[%add3A_178] : memref<32768xi32, #tpu.memory_space<hbm>> -> memref<128xi32, #tpu.memory_space<hbm>>
    %dma_wait3A_2942 = arith.constant 768 : i32
    %dma_wait3A_2943 = tpu.memref_slice %arg14[%dma_wait3A_2942] : memref<4096xi32, #tpu.memory_space<vmem>> -> memref<128xi32, #tpu.memory_space<vmem>>
    %dma_wait3A_2944 = tpu.memref_slice %arg4[%add3A_178] : memref<32768xi32, #tpu.memory_space<hbm>> -> memref<128xi32, #tpu.memory_space<hbm>>
    tpu.wait_dma2 semaphore(%arg19 : memref<!tpu.dma_semaphore, #tpu.memory_space<semaphore_mem>>) src(%dma_wait3A_2944 : memref<128xi32, #tpu.memory_space<hbm>>) dst(%dma_wait3A_2943 : memref<128xi32, #tpu.memory_space<vmem>>)
    %dma_wait3A_2945 = arith.constant 896 : i32
    %dma_wait3A_2946 = tpu.memref_slice %arg14[%dma_wait3A_2945] : memref<4096xi32, #tpu.memory_space<vmem>> -> memref<128xi32, #tpu.memory_space<vmem>>
    %dma_wait3A_2947 = tpu.memref_slice %arg5[%add3A_186] : memref<32768xi32, #tpu.memory_space<hbm>> -> memref<128xi32, #tpu.memory_space<hbm>>
    %dma_wait3A_2948 = arith.constant 896 : i32
    %dma_wait3A_2949 = tpu.memref_slice %arg14[%dma_wait3A_2948] : memref<4096xi32, #tpu.memory_space<vmem>> -> memref<128xi32, #tpu.memory_space<vmem>>
    %dma_wait3A_2950 = tpu.memref_slice %arg5[%add3A_186] : memref<32768xi32, #tpu.memory_space<hbm>> -> memref<128xi32, #tpu.memory_space<hbm>>
    tpu.wait_dma2 semaphore(%arg19 : memref<!tpu.dma_semaphore, #tpu.memory_space<semaphore_mem>>) src(%dma_wait3A_2950 : memref<128xi32, #tpu.memory_space<hbm>>) dst(%dma_wait3A_2949 : memref<128xi32, #tpu.memory_space<vmem>>)
    %dma_wait3A_2951 = arith.constant 1024 : i32
    %dma_wait3A_2952 = tpu.memref_slice %arg14[%dma_wait3A_2951] : memref<4096xi32, #tpu.memory_space<vmem>> -> memref<128xi32, #tpu.memory_space<vmem>>
    %dma_wait3A_2953 = tpu.memref_slice %arg4[%add3A_194] : memref<32768xi32, #tpu.memory_space<hbm>> -> memref<128xi32, #tpu.memory_space<hbm>>
    %dma_wait3A_2954 = arith.constant 1024 : i32
    %dma_wait3A_2955 = tpu.memref_slice %arg14[%dma_wait3A_2954] : memref<4096xi32, #tpu.memory_space<vmem>> -> memref<128xi32, #tpu.memory_space<vmem>>
    %dma_wait3A_2956 = tpu.memref_slice %arg4[%add3A_194] : memref<32768xi32, #tpu.memory_space<hbm>> -> memref<128xi32, #tpu.memory_space<hbm>>
    tpu.wait_dma2 semaphore(%arg19 : memref<!tpu.dma_semaphore, #tpu.memory_space<semaphore_mem>>) src(%dma_wait3A_2956 : memref<128xi32, #tpu.memory_space<hbm>>) dst(%dma_wait3A_2955 : memref<128xi32, #tpu.memory_space<vmem>>)
    %dma_wait3A_2957 = arith.constant 1152 : i32
    %dma_wait3A_2958 = tpu.memref_slice %arg14[%dma_wait3A_2957] : memref<4096xi32, #tpu.memory_space<vmem>> -> memref<128xi32, #tpu.memory_space<vmem>>
    %dma_wait3A_2959 = tpu.memref_slice %arg5[%add3A_202] : memref<32768xi32, #tpu.memory_space<hbm>> -> memref<128xi32, #tpu.memory_space<hbm>>
    %dma_wait3A_2960 = arith.constant 1152 : i32
    %dma_wait3A_2961 = tpu.memref_slice %arg14[%dma_wait3A_2960] : memref<4096xi32, #tpu.memory_space<vmem>> -> memref<128xi32, #tpu.memory_space<vmem>>
    %dma_wait3A_2962 = tpu.memref_slice %arg5[%add3A_202] : memref<32768xi32, #tpu.memory_space<hbm>> -> memref<128xi32, #tpu.memory_space<hbm>>
    tpu.wait_dma2 semaphore(%arg19 : memref<!tpu.dma_semaphore, #tpu.memory_space<semaphore_mem>>) src(%dma_wait3A_2962 : memref<128xi32, #tpu.memory_space<hbm>>) dst(%dma_wait3A_2961 : memref<128xi32, #tpu.memory_space<vmem>>)
    %dma_wait3A_2963 = arith.constant 1280 : i32
    %dma_wait3A_2964 = tpu.memref_slice %arg14[%dma_wait3A_2963] : memref<4096xi32, #tpu.memory_space<vmem>> -> memref<128xi32, #tpu.memory_space<vmem>>
    %dma_wait3A_2965 = tpu.memref_slice %arg4[%add3A_210] : memref<32768xi32, #tpu.memory_space<hbm>> -> memref<128xi32, #tpu.memory_space<hbm>>
    %dma_wait3A_2966 = arith.constant 1280 : i32
    %dma_wait3A_2967 = tpu.memref_slice %arg14[%dma_wait3A_2966] : memref<4096xi32, #tpu.memory_space<vmem>> -> memref<128xi32, #tpu.memory_space<vmem>>
    %dma_wait3A_2968 = tpu.memref_slice %arg4[%add3A_210] : memref<32768xi32, #tpu.memory_space<hbm>> -> memref<128xi32, #tpu.memory_space<hbm>>
    tpu.wait_dma2 semaphore(%arg19 : memref<!tpu.dma_semaphore, #tpu.memory_space<semaphore_mem>>) src(%dma_wait3A_2968 : memref<128xi32, #tpu.memory_space<hbm>>) dst(%dma_wait3A_2967 : memref<128xi32, #tpu.memory_space<vmem>>)
    %dma_wait3A_2969 = arith.constant 1408 : i32
    %dma_wait3A_2970 = tpu.memref_slice %arg14[%dma_wait3A_2969] : memref<4096xi32, #tpu.memory_space<vmem>> -> memref<128xi32, #tpu.memory_space<vmem>>
    %dma_wait3A_2971 = tpu.memref_slice %arg5[%add3A_218] : memref<32768xi32, #tpu.memory_space<hbm>> -> memref<128xi32, #tpu.memory_space<hbm>>
    %dma_wait3A_2972 = arith.constant 1408 : i32
    %dma_wait3A_2973 = tpu.memref_slice %arg14[%dma_wait3A_2972] : memref<4096xi32, #tpu.memory_space<vmem>> -> memref<128xi32, #tpu.memory_space<vmem>>
    %dma_wait3A_2974 = tpu.memref_slice %arg5[%add3A_218] : memref<32768xi32, #tpu.memory_space<hbm>> -> memref<128xi32, #tpu.memory_space<hbm>>
    tpu.wait_dma2 semaphore(%arg19 : memref<!tpu.dma_semaphore, #tpu.memory_space<semaphore_mem>>) src(%dma_wait3A_2974 : memref<128xi32, #tpu.memory_space<hbm>>) dst(%dma_wait3A_2973 : memref<128xi32, #tpu.memory_space<vmem>>)
    %dma_wait3A_2975 = arith.constant 1536 : i32
    %dma_wait3A_2976 = tpu.memref_slice %arg14[%dma_wait3A_2975] : memref<4096xi32, #tpu.memory_space<vmem>> -> memref<128xi32, #tpu.memory_space<vmem>>
    %dma_wait3A_2977 = tpu.memref_slice %arg4[%add3A_226] : memref<32768xi32, #tpu.memory_space<hbm>> -> memref<128xi32, #tpu.memory_space<hbm>>
    %dma_wait3A_2978 = arith.constant 1536 : i32
    %dma_wait3A_2979 = tpu.memref_slice %arg14[%dma_wait3A_2978] : memref<4096xi32, #tpu.memory_space<vmem>> -> memref<128xi32, #tpu.memory_space<vmem>>
    %dma_wait3A_2980 = tpu.memref_slice %arg4[%add3A_226] : memref<32768xi32, #tpu.memory_space<hbm>> -> memref<128xi32, #tpu.memory_space<hbm>>
    tpu.wait_dma2 semaphore(%arg19 : memref<!tpu.dma_semaphore, #tpu.memory_space<semaphore_mem>>) src(%dma_wait3A_2980 : memref<128xi32, #tpu.memory_space<hbm>>) dst(%dma_wait3A_2979 : memref<128xi32, #tpu.memory_space<vmem>>)
    %dma_wait3A_2981 = arith.constant 1664 : i32
    %dma_wait3A_2982 = tpu.memref_slice %arg14[%dma_wait3A_2981] : memref<4096xi32, #tpu.memory_space<vmem>> -> memref<128xi32, #tpu.memory_space<vmem>>
    %dma_wait3A_2983 = tpu.memref_slice %arg5[%add3A_234] : memref<32768xi32, #tpu.memory_space<hbm>> -> memref<128xi32, #tpu.memory_space<hbm>>
    %dma_wait3A_2984 = arith.constant 1664 : i32
    %dma_wait3A_2985 = tpu.memref_slice %arg14[%dma_wait3A_2984] : memref<4096xi32, #tpu.memory_space<vmem>> -> memref<128xi32, #tpu.memory_space<vmem>>
    %dma_wait3A_2986 = tpu.memref_slice %arg5[%add3A_234] : memref<32768xi32, #tpu.memory_space<hbm>> -> memref<128xi32, #tpu.memory_space<hbm>>
    tpu.wait_dma2 semaphore(%arg19 : memref<!tpu.dma_semaphore, #tpu.memory_space<semaphore_mem>>) src(%dma_wait3A_2986 : memref<128xi32, #tpu.memory_space<hbm>>) dst(%dma_wait3A_2985 : memref<128xi32, #tpu.memory_space<vmem>>)
    %dma_wait3A_2987 = arith.constant 1792 : i32
    %dma_wait3A_2988 = tpu.memref_slice %arg14[%dma_wait3A_2987] : memref<4096xi32, #tpu.memory_space<vmem>> -> memref<128xi32, #tpu.memory_space<vmem>>
    %dma_wait3A_2989 = tpu.memref_slice %arg4[%add3A_242] : memref<32768xi32, #tpu.memory_space<hbm>> -> memref<128xi32, #tpu.memory_space<hbm>>
    %dma_wait3A_2990 = arith.constant 1792 : i32
    %dma_wait3A_2991 = tpu.memref_slice %arg14[%dma_wait3A_2990] : memref<4096xi32, #tpu.memory_space<vmem>> -> memref<128xi32, #tpu.memory_space<vmem>>
    %dma_wait3A_2992 = tpu.memref_slice %arg4[%add3A_242] : memref<32768xi32, #tpu.memory_space<hbm>> -> memref<128xi32, #tpu.memory_space<hbm>>
    tpu.wait_dma2 semaphore(%arg19 : memref<!tpu.dma_semaphore, #tpu.memory_space<semaphore_mem>>) src(%dma_wait3A_2992 : memref<128xi32, #tpu.memory_space<hbm>>) dst(%dma_wait3A_2991 : memref<128xi32, #tpu.memory_space<vmem>>)
    %dma_wait3A_2993 = arith.constant 1920 : i32
    %dma_wait3A_2994 = tpu.memref_slice %arg14[%dma_wait3A_2993] : memref<4096xi32, #tpu.memory_space<vmem>> -> memref<128xi32, #tpu.memory_space<vmem>>
    %dma_wait3A_2995 = tpu.memref_slice %arg5[%add3A_250] : memref<32768xi32, #tpu.memory_space<hbm>> -> memref<128xi32, #tpu.memory_space<hbm>>
    %dma_wait3A_2996 = arith.constant 1920 : i32
    %dma_wait3A_2997 = tpu.memref_slice %arg14[%dma_wait3A_2996] : memref<4096xi32, #tpu.memory_space<vmem>> -> memref<128xi32, #tpu.memory_space<vmem>>
    %dma_wait3A_2998 = tpu.memref_slice %arg5[%add3A_250] : memref<32768xi32, #tpu.memory_space<hbm>> -> memref<128xi32, #tpu.memory_space<hbm>>
    tpu.wait_dma2 semaphore(%arg19 : memref<!tpu.dma_semaphore, #tpu.memory_space<semaphore_mem>>) src(%dma_wait3A_2998 : memref<128xi32, #tpu.memory_space<hbm>>) dst(%dma_wait3A_2997 : memref<128xi32, #tpu.memory_space<vmem>>)
    %dma_wait3A_2999 = arith.constant 2048 : i32
    %dma_wait3A_3000 = tpu.memref_slice %arg14[%dma_wait3A_2999] : memref<4096xi32, #tpu.memory_space<vmem>> -> memref<128xi32, #tpu.memory_space<vmem>>
    %dma_wait3A_3001 = tpu.memref_slice %arg4[%add3A_258] : memref<32768xi32, #tpu.memory_space<hbm>> -> memref<128xi32, #tpu.memory_space<hbm>>
    %dma_wait3A_3002 = arith.constant 2048 : i32
    %dma_wait3A_3003 = tpu.memref_slice %arg14[%dma_wait3A_3002] : memref<4096xi32, #tpu.memory_space<vmem>> -> memref<128xi32, #tpu.memory_space<vmem>>
    %dma_wait3A_3004 = tpu.memref_slice %arg4[%add3A_258] : memref<32768xi32, #tpu.memory_space<hbm>> -> memref<128xi32, #tpu.memory_space<hbm>>
    tpu.wait_dma2 semaphore(%arg19 : memref<!tpu.dma_semaphore, #tpu.memory_space<semaphore_mem>>) src(%dma_wait3A_3004 : memref<128xi32, #tpu.memory_space<hbm>>) dst(%dma_wait3A_3003 : memref<128xi32, #tpu.memory_space<vmem>>)
    %dma_wait3A_3005 = arith.constant 2176 : i32
    %dma_wait3A_3006 = tpu.memref_slice %arg14[%dma_wait3A_3005] : memref<4096xi32, #tpu.memory_space<vmem>> -> memref<128xi32, #tpu.memory_space<vmem>>
    %dma_wait3A_3007 = tpu.memref_slice %arg5[%add3A_266] : memref<32768xi32, #tpu.memory_space<hbm>> -> memref<128xi32, #tpu.memory_space<hbm>>
    %dma_wait3A_3008 = arith.constant 2176 : i32
    %dma_wait3A_3009 = tpu.memref_slice %arg14[%dma_wait3A_3008] : memref<4096xi32, #tpu.memory_space<vmem>> -> memref<128xi32, #tpu.memory_space<vmem>>
    %dma_wait3A_3010 = tpu.memref_slice %arg5[%add3A_266] : memref<32768xi32, #tpu.memory_space<hbm>> -> memref<128xi32, #tpu.memory_space<hbm>>
    tpu.wait_dma2 semaphore(%arg19 : memref<!tpu.dma_semaphore, #tpu.memory_space<semaphore_mem>>) src(%dma_wait3A_3010 : memref<128xi32, #tpu.memory_space<hbm>>) dst(%dma_wait3A_3009 : memref<128xi32, #tpu.memory_space<vmem>>)
    %dma_wait3A_3011 = arith.constant 2304 : i32
    %dma_wait3A_3012 = tpu.memref_slice %arg14[%dma_wait3A_3011] : memref<4096xi32, #tpu.memory_space<vmem>> -> memref<128xi32, #tpu.memory_space<vmem>>
    %dma_wait3A_3013 = tpu.memref_slice %arg4[%add3A_274] : memref<32768xi32, #tpu.memory_space<hbm>> -> memref<128xi32, #tpu.memory_space<hbm>>
    %dma_wait3A_3014 = arith.constant 2304 : i32
    %dma_wait3A_3015 = tpu.memref_slice %arg14[%dma_wait3A_3014] : memref<4096xi32, #tpu.memory_space<vmem>> -> memref<128xi32, #tpu.memory_space<vmem>>
    %dma_wait3A_3016 = tpu.memref_slice %arg4[%add3A_274] : memref<32768xi32, #tpu.memory_space<hbm>> -> memref<128xi32, #tpu.memory_space<hbm>>
    tpu.wait_dma2 semaphore(%arg19 : memref<!tpu.dma_semaphore, #tpu.memory_space<semaphore_mem>>) src(%dma_wait3A_3016 : memref<128xi32, #tpu.memory_space<hbm>>) dst(%dma_wait3A_3015 : memref<128xi32, #tpu.memory_space<vmem>>)
    %dma_wait3A_3017 = arith.constant 2432 : i32
    %dma_wait3A_3018 = tpu.memref_slice %arg14[%dma_wait3A_3017] : memref<4096xi32, #tpu.memory_space<vmem>> -> memref<128xi32, #tpu.memory_space<vmem>>
    %dma_wait3A_3019 = tpu.memref_slice %arg5[%add3A_282] : memref<32768xi32, #tpu.memory_space<hbm>> -> memref<128xi32, #tpu.memory_space<hbm>>
    %dma_wait3A_3020 = arith.constant 2432 : i32
    %dma_wait3A_3021 = tpu.memref_slice %arg14[%dma_wait3A_3020] : memref<4096xi32, #tpu.memory_space<vmem>> -> memref<128xi32, #tpu.memory_space<vmem>>
    %dma_wait3A_3022 = tpu.memref_slice %arg5[%add3A_282] : memref<32768xi32, #tpu.memory_space<hbm>> -> memref<128xi32, #tpu.memory_space<hbm>>
    tpu.wait_dma2 semaphore(%arg19 : memref<!tpu.dma_semaphore, #tpu.memory_space<semaphore_mem>>) src(%dma_wait3A_3022 : memref<128xi32, #tpu.memory_space<hbm>>) dst(%dma_wait3A_3021 : memref<128xi32, #tpu.memory_space<vmem>>)
    %dma_wait3A_3023 = arith.constant 2560 : i32
    %dma_wait3A_3024 = tpu.memref_slice %arg14[%dma_wait3A_3023] : memref<4096xi32, #tpu.memory_space<vmem>> -> memref<128xi32, #tpu.memory_space<vmem>>
    %dma_wait3A_3025 = tpu.memref_slice %arg4[%add3A_290] : memref<32768xi32, #tpu.memory_space<hbm>> -> memref<128xi32, #tpu.memory_space<hbm>>
    %dma_wait3A_3026 = arith.constant 2560 : i32
    %dma_wait3A_3027 = tpu.memref_slice %arg14[%dma_wait3A_3026] : memref<4096xi32, #tpu.memory_space<vmem>> -> memref<128xi32, #tpu.memory_space<vmem>>
    %dma_wait3A_3028 = tpu.memref_slice %arg4[%add3A_290] : memref<32768xi32, #tpu.memory_space<hbm>> -> memref<128xi32, #tpu.memory_space<hbm>>
    tpu.wait_dma2 semaphore(%arg19 : memref<!tpu.dma_semaphore, #tpu.memory_space<semaphore_mem>>) src(%dma_wait3A_3028 : memref<128xi32, #tpu.memory_space<hbm>>) dst(%dma_wait3A_3027 : memref<128xi32, #tpu.memory_space<vmem>>)
    %dma_wait3A_3029 = arith.constant 2688 : i32
    %dma_wait3A_3030 = tpu.memref_slice %arg14[%dma_wait3A_3029] : memref<4096xi32, #tpu.memory_space<vmem>> -> memref<128xi32, #tpu.memory_space<vmem>>
    %dma_wait3A_3031 = tpu.memref_slice %arg5[%add3A_298] : memref<32768xi32, #tpu.memory_space<hbm>> -> memref<128xi32, #tpu.memory_space<hbm>>
    %dma_wait3A_3032 = arith.constant 2688 : i32
    %dma_wait3A_3033 = tpu.memref_slice %arg14[%dma_wait3A_3032] : memref<4096xi32, #tpu.memory_space<vmem>> -> memref<128xi32, #tpu.memory_space<vmem>>
    %dma_wait3A_3034 = tpu.memref_slice %arg5[%add3A_298] : memref<32768xi32, #tpu.memory_space<hbm>> -> memref<128xi32, #tpu.memory_space<hbm>>
    tpu.wait_dma2 semaphore(%arg19 : memref<!tpu.dma_semaphore, #tpu.memory_space<semaphore_mem>>) src(%dma_wait3A_3034 : memref<128xi32, #tpu.memory_space<hbm>>) dst(%dma_wait3A_3033 : memref<128xi32, #tpu.memory_space<vmem>>)
    %dma_wait3A_3035 = arith.constant 2816 : i32
    %dma_wait3A_3036 = tpu.memref_slice %arg14[%dma_wait3A_3035] : memref<4096xi32, #tpu.memory_space<vmem>> -> memref<128xi32, #tpu.memory_space<vmem>>
    %dma_wait3A_3037 = tpu.memref_slice %arg4[%add3A_306] : memref<32768xi32, #tpu.memory_space<hbm>> -> memref<128xi32, #tpu.memory_space<hbm>>
    %dma_wait3A_3038 = arith.constant 2816 : i32
    %dma_wait3A_3039 = tpu.memref_slice %arg14[%dma_wait3A_3038] : memref<4096xi32, #tpu.memory_space<vmem>> -> memref<128xi32, #tpu.memory_space<vmem>>
    %dma_wait3A_3040 = tpu.memref_slice %arg4[%add3A_306] : memref<32768xi32, #tpu.memory_space<hbm>> -> memref<128xi32, #tpu.memory_space<hbm>>
    tpu.wait_dma2 semaphore(%arg19 : memref<!tpu.dma_semaphore, #tpu.memory_space<semaphore_mem>>) src(%dma_wait3A_3040 : memref<128xi32, #tpu.memory_space<hbm>>) dst(%dma_wait3A_3039 : memref<128xi32, #tpu.memory_space<vmem>>)
    %dma_wait3A_3041 = arith.constant 2944 : i32
    %dma_wait3A_3042 = tpu.memref_slice %arg14[%dma_wait3A_3041] : memref<4096xi32, #tpu.memory_space<vmem>> -> memref<128xi32, #tpu.memory_space<vmem>>
    %dma_wait3A_3043 = tpu.memref_slice %arg5[%add3A_314] : memref<32768xi32, #tpu.memory_space<hbm>> -> memref<128xi32, #tpu.memory_space<hbm>>
    %dma_wait3A_3044 = arith.constant 2944 : i32
    %dma_wait3A_3045 = tpu.memref_slice %arg14[%dma_wait3A_3044] : memref<4096xi32, #tpu.memory_space<vmem>> -> memref<128xi32, #tpu.memory_space<vmem>>
    %dma_wait3A_3046 = tpu.memref_slice %arg5[%add3A_314] : memref<32768xi32, #tpu.memory_space<hbm>> -> memref<128xi32, #tpu.memory_space<hbm>>
    tpu.wait_dma2 semaphore(%arg19 : memref<!tpu.dma_semaphore, #tpu.memory_space<semaphore_mem>>) src(%dma_wait3A_3046 : memref<128xi32, #tpu.memory_space<hbm>>) dst(%dma_wait3A_3045 : memref<128xi32, #tpu.memory_space<vmem>>)
    %dma_wait3A_3047 = arith.constant 3072 : i32
    %dma_wait3A_3048 = tpu.memref_slice %arg14[%dma_wait3A_3047] : memref<4096xi32, #tpu.memory_space<vmem>> -> memref<128xi32, #tpu.memory_space<vmem>>
    %dma_wait3A_3049 = tpu.memref_slice %arg4[%add3A_322] : memref<32768xi32, #tpu.memory_space<hbm>> -> memref<128xi32, #tpu.memory_space<hbm>>
    %dma_wait3A_3050 = arith.constant 3072 : i32
    %dma_wait3A_3051 = tpu.memref_slice %arg14[%dma_wait3A_3050] : memref<4096xi32, #tpu.memory_space<vmem>> -> memref<128xi32, #tpu.memory_space<vmem>>
    %dma_wait3A_3052 = tpu.memref_slice %arg4[%add3A_322] : memref<32768xi32, #tpu.memory_space<hbm>> -> memref<128xi32, #tpu.memory_space<hbm>>
    tpu.wait_dma2 semaphore(%arg19 : memref<!tpu.dma_semaphore, #tpu.memory_space<semaphore_mem>>) src(%dma_wait3A_3052 : memref<128xi32, #tpu.memory_space<hbm>>) dst(%dma_wait3A_3051 : memref<128xi32, #tpu.memory_space<vmem>>)
    %dma_wait3A_3053 = arith.constant 3200 : i32
    %dma_wait3A_3054 = tpu.memref_slice %arg14[%dma_wait3A_3053] : memref<4096xi32, #tpu.memory_space<vmem>> -> memref<128xi32, #tpu.memory_space<vmem>>
    %dma_wait3A_3055 = tpu.memref_slice %arg5[%add3A_330] : memref<32768xi32, #tpu.memory_space<hbm>> -> memref<128xi32, #tpu.memory_space<hbm>>
    %dma_wait3A_3056 = arith.constant 3200 : i32
    %dma_wait3A_3057 = tpu.memref_slice %arg14[%dma_wait3A_3056] : memref<4096xi32, #tpu.memory_space<vmem>> -> memref<128xi32, #tpu.memory_space<vmem>>
    %dma_wait3A_3058 = tpu.memref_slice %arg5[%add3A_330] : memref<32768xi32, #tpu.memory_space<hbm>> -> memref<128xi32, #tpu.memory_space<hbm>>
    tpu.wait_dma2 semaphore(%arg19 : memref<!tpu.dma_semaphore, #tpu.memory_space<semaphore_mem>>) src(%dma_wait3A_3058 : memref<128xi32, #tpu.memory_space<hbm>>) dst(%dma_wait3A_3057 : memref<128xi32, #tpu.memory_space<vmem>>)
    %dma_wait3A_3059 = arith.constant 3328 : i32
    %dma_wait3A_3060 = tpu.memref_slice %arg14[%dma_wait3A_3059] : memref<4096xi32, #tpu.memory_space<vmem>> -> memref<128xi32, #tpu.memory_space<vmem>>
    %dma_wait3A_3061 = tpu.memref_slice %arg4[%add3A_338] : memref<32768xi32, #tpu.memory_space<hbm>> -> memref<128xi32, #tpu.memory_space<hbm>>
    %dma_wait3A_3062 = arith.constant 3328 : i32
    %dma_wait3A_3063 = tpu.memref_slice %arg14[%dma_wait3A_3062] : memref<4096xi32, #tpu.memory_space<vmem>> -> memref<128xi32, #tpu.memory_space<vmem>>
    %dma_wait3A_3064 = tpu.memref_slice %arg4[%add3A_338] : memref<32768xi32, #tpu.memory_space<hbm>> -> memref<128xi32, #tpu.memory_space<hbm>>
    tpu.wait_dma2 semaphore(%arg19 : memref<!tpu.dma_semaphore, #tpu.memory_space<semaphore_mem>>) src(%dma_wait3A_3064 : memref<128xi32, #tpu.memory_space<hbm>>) dst(%dma_wait3A_3063 : memref<128xi32, #tpu.memory_space<vmem>>)
    %dma_wait3A_3065 = arith.constant 3456 : i32
    %dma_wait3A_3066 = tpu.memref_slice %arg14[%dma_wait3A_3065] : memref<4096xi32, #tpu.memory_space<vmem>> -> memref<128xi32, #tpu.memory_space<vmem>>
    %dma_wait3A_3067 = tpu.memref_slice %arg5[%add3A_346] : memref<32768xi32, #tpu.memory_space<hbm>> -> memref<128xi32, #tpu.memory_space<hbm>>
    %dma_wait3A_3068 = arith.constant 3456 : i32
    %dma_wait3A_3069 = tpu.memref_slice %arg14[%dma_wait3A_3068] : memref<4096xi32, #tpu.memory_space<vmem>> -> memref<128xi32, #tpu.memory_space<vmem>>
    %dma_wait3A_3070 = tpu.memref_slice %arg5[%add3A_346] : memref<32768xi32, #tpu.memory_space<hbm>> -> memref<128xi32, #tpu.memory_space<hbm>>
    tpu.wait_dma2 semaphore(%arg19 : memref<!tpu.dma_semaphore, #tpu.memory_space<semaphore_mem>>) src(%dma_wait3A_3070 : memref<128xi32, #tpu.memory_space<hbm>>) dst(%dma_wait3A_3069 : memref<128xi32, #tpu.memory_space<vmem>>)
    %dma_wait3A_3071 = arith.constant 3584 : i32
    %dma_wait3A_3072 = tpu.memref_slice %arg14[%dma_wait3A_3071] : memref<4096xi32, #tpu.memory_space<vmem>> -> memref<128xi32, #tpu.memory_space<vmem>>
    %dma_wait3A_3073 = tpu.memref_slice %arg4[%add3A_354] : memref<32768xi32, #tpu.memory_space<hbm>> -> memref<128xi32, #tpu.memory_space<hbm>>
    %dma_wait3A_3074 = arith.constant 3584 : i32
    %dma_wait3A_3075 = tpu.memref_slice %arg14[%dma_wait3A_3074] : memref<4096xi32, #tpu.memory_space<vmem>> -> memref<128xi32, #tpu.memory_space<vmem>>
    %dma_wait3A_3076 = tpu.memref_slice %arg4[%add3A_354] : memref<32768xi32, #tpu.memory_space<hbm>> -> memref<128xi32, #tpu.memory_space<hbm>>
    tpu.wait_dma2 semaphore(%arg19 : memref<!tpu.dma_semaphore, #tpu.memory_space<semaphore_mem>>) src(%dma_wait3A_3076 : memref<128xi32, #tpu.memory_space<hbm>>) dst(%dma_wait3A_3075 : memref<128xi32, #tpu.memory_space<vmem>>)
    %dma_wait3A_3077 = arith.constant 3712 : i32
    %dma_wait3A_3078 = tpu.memref_slice %arg14[%dma_wait3A_3077] : memref<4096xi32, #tpu.memory_space<vmem>> -> memref<128xi32, #tpu.memory_space<vmem>>
    %dma_wait3A_3079 = tpu.memref_slice %arg5[%add3A_362] : memref<32768xi32, #tpu.memory_space<hbm>> -> memref<128xi32, #tpu.memory_space<hbm>>
    %dma_wait3A_3080 = arith.constant 3712 : i32
    %dma_wait3A_3081 = tpu.memref_slice %arg14[%dma_wait3A_3080] : memref<4096xi32, #tpu.memory_space<vmem>> -> memref<128xi32, #tpu.memory_space<vmem>>
    %dma_wait3A_3082 = tpu.memref_slice %arg5[%add3A_362] : memref<32768xi32, #tpu.memory_space<hbm>> -> memref<128xi32, #tpu.memory_space<hbm>>
    tpu.wait_dma2 semaphore(%arg19 : memref<!tpu.dma_semaphore, #tpu.memory_space<semaphore_mem>>) src(%dma_wait3A_3082 : memref<128xi32, #tpu.memory_space<hbm>>) dst(%dma_wait3A_3081 : memref<128xi32, #tpu.memory_space<vmem>>)
    %dma_wait3A_3083 = arith.constant 3840 : i32
    %dma_wait3A_3084 = tpu.memref_slice %arg14[%dma_wait3A_3083] : memref<4096xi32, #tpu.memory_space<vmem>> -> memref<128xi32, #tpu.memory_space<vmem>>
    %dma_wait3A_3085 = tpu.memref_slice %arg4[%add3A_370] : memref<32768xi32, #tpu.memory_space<hbm>> -> memref<128xi32, #tpu.memory_space<hbm>>
    %dma_wait3A_3086 = arith.constant 3840 : i32
    %dma_wait3A_3087 = tpu.memref_slice %arg14[%dma_wait3A_3086] : memref<4096xi32, #tpu.memory_space<vmem>> -> memref<128xi32, #tpu.memory_space<vmem>>
    %dma_wait3A_3088 = tpu.memref_slice %arg4[%add3A_370] : memref<32768xi32, #tpu.memory_space<hbm>> -> memref<128xi32, #tpu.memory_space<hbm>>
    tpu.wait_dma2 semaphore(%arg19 : memref<!tpu.dma_semaphore, #tpu.memory_space<semaphore_mem>>) src(%dma_wait3A_3088 : memref<128xi32, #tpu.memory_space<hbm>>) dst(%dma_wait3A_3087 : memref<128xi32, #tpu.memory_space<vmem>>)
    %dma_wait3A_3089 = arith.constant 3968 : i32
    %dma_wait3A_3090 = tpu.memref_slice %arg14[%dma_wait3A_3089] : memref<4096xi32, #tpu.memory_space<vmem>> -> memref<128xi32, #tpu.memory_space<vmem>>
    %dma_wait3A_3091 = tpu.memref_slice %arg5[%add3A_378] : memref<32768xi32, #tpu.memory_space<hbm>> -> memref<128xi32, #tpu.memory_space<hbm>>
    %dma_wait3A_3092 = arith.constant 3968 : i32
    %dma_wait3A_3093 = tpu.memref_slice %arg14[%dma_wait3A_3092] : memref<4096xi32, #tpu.memory_space<vmem>> -> memref<128xi32, #tpu.memory_space<vmem>>
    %dma_wait3A_3094 = tpu.memref_slice %arg5[%add3A_378] : memref<32768xi32, #tpu.memory_space<hbm>> -> memref<128xi32, #tpu.memory_space<hbm>>
    tpu.wait_dma2 semaphore(%arg19 : memref<!tpu.dma_semaphore, #tpu.memory_space<semaphore_mem>>) src(%dma_wait3A_3094 : memref<128xi32, #tpu.memory_space<hbm>>) dst(%dma_wait3A_3093 : memref<128xi32, #tpu.memory_space<vmem>>)
    %mul3A_3095 = arith.constant 2 : i32
    %mul3A_3096 = arith.muli %mul3A_3095, %mul3A_2 : i32
    %dma_start3A_3097 = tpu.memref_slice %arg8[%mul3A_3096] : memref<65536xi32, #tpu.memory_space<hbm>> -> memref<4096xi32, #tpu.memory_space<hbm>>
    %dma_start3A_3098 = tpu.memref_slice %arg8[%mul3A_3096] : memref<65536xi32, #tpu.memory_space<hbm>> -> memref<4096xi32, #tpu.memory_space<hbm>>
    tpu.enqueue_dma source(%arg14 : memref<4096xi32, #tpu.memory_space<vmem>>) target(%dma_start3A_3098 : memref<4096xi32, #tpu.memory_space<hbm>>) target_semaphore(%arg20 : memref<!tpu.dma_semaphore, #tpu.memory_space<semaphore_mem>>)
    %dma_wait3A_3099 = tpu.memref_slice %arg8[%mul3A_3096] : memref<65536xi32, #tpu.memory_space<hbm>> -> memref<4096xi32, #tpu.memory_space<hbm>>
    %dma_wait3A_3100 = tpu.memref_slice %arg8[%mul3A_3096] : memref<65536xi32, #tpu.memory_space<hbm>> -> memref<4096xi32, #tpu.memory_space<hbm>>
    tpu.wait_dma2 semaphore(%arg20 : memref<!tpu.dma_semaphore, #tpu.memory_space<semaphore_mem>>) src(%arg14 : memref<4096xi32, #tpu.memory_space<vmem>>) dst(%dma_wait3A_3100 : memref<4096xi32, #tpu.memory_space<hbm>>)
    %dma_wait3A_3101 = tpu.memref_slice %arg7[%mul3A_2] : memref<32768xi32, #tpu.memory_space<hbm>> -> memref<2048xi32, #tpu.memory_space<hbm>>
    %dma_wait3A_3102 = tpu.memref_slice %arg7[%mul3A_2] : memref<32768xi32, #tpu.memory_space<hbm>> -> memref<2048xi32, #tpu.memory_space<hbm>>
    tpu.wait_dma2 semaphore(%arg20 : memref<!tpu.dma_semaphore, #tpu.memory_space<semaphore_mem>>) src(%arg13 : memref<2048xi32, #tpu.memory_space<vmem>>) dst(%dma_wait3A_3102 : memref<2048xi32, #tpu.memory_space<hbm>>)
    return
  }
}

</mosaic_0001>

<sc_bundles>
// kernel: kernel.3.cloned.1.call-start
scs
__scs_entry_jumppad:
0x0: {  	(pc) =	sbr.rel $0x88, $3  }
0x1: {  	(tag) =	ssettag $0x0;
	lr =	simm.s32 $0x1  }
0x2: {  	[smem:$0x3F9C] =	sst lr;
	_ =	strace $0xD0000000  }
0x3: {  	_ = 	snop  }
0x4: {  	_ = 	snop  }
0x5: {  	_ = 	snop  }
0x6: {  	_ = 	snop  }
0x7: {  	_ = 	snop  }
__scs_overlays_trampoline_lowered:
0x8: {  	[smem:$0x3FAB] =	sst s0  }
0x9: {  	[smem:$0x3FAC] =	sst s1  }
0xa: {  	[smem:$0x3FAD] =	sst s2  }
0xb: {  	[smem:$0x3FAE] =	sst s3  }
0xc: {  	[smem:$0x3FAF] =	sst s4  }
0xd: {  	[smem:$0x3FB0] =	sst s5  }
0xe: {  	[smem:$0x3FB1] =	sst s6  }
0xf: {  	[smem:$0x3FB2] =	sst s7  }
0x10: {  	[smem:$0x3FB3] =	sst s8  }
0x11: {  	[smem:$0x3FB4] =	sst s9;
	s0 =	simm.s32 @!p0 $0x0  }
0x12: {  	s1 =	sld [smem:$0x3F9A];
	s0 =	simm.s32 @p0 $0x1  }
0x13: {  	[smem:$0x3FB5] =	sst s0;
	s0 =	simm.s32 @!p1 $0x0  }
0x14: {  	s2 =	sld [smem:$0x3F99];
	s0 =	simm.s32 @p1 $0x1  }
0x15: {  	[smem:$0x3FB6] =	sst s0;
	s0 =	simm.s32 @!p2 $0x0  }
0x16: {  	s3 =	sld [smem:$0x3FDB];
	s0 =	simm.s32 @p2 $0x1  }
0x17: {  	s4 =	simm.s32 $0x1BF5;
	[smem:$0x3FB8] =	sst s0  }
0x18: {  	s0 =	sld [smem:$0x3F9B];
	_ =	swait.ge [sflag:s4], $0x0  }
0x19: {  	s7 =	sld [smem:$0x3F9C]  }
0x1a: {  	s8 =	sadd.s32 $0xFFFFE003, lr  }
0x1b: {  	s9 =	sadd.s32 $0xFFFFFEF7, lr;
	s5 =	simm.s32 $0xFFFFFFFF;
	p2 =	slt.u32 s8, $0xFFFFF086  }
0x1c: {  	p1 =	slt.u32 s9, $0xF7A;
	s5 =	simm.s32 @!p2 $0x0  }
0x1d: {  	s5 =	simm.s32 @p1 $0x1;
	p0 =	seq.s32 s7, s2  }
0x1e: {  	s7 =	smul.u32 @!p0 $0xF7A, s2;
	p2 =	seq.s32 @!p0 s5, $0x0  }
0x1f: {  	s9 =	smul.u32 $0xF7A, s1;
	s8 =	simm.s32 @!p0 $0x1BF5;
	p2 =	por !p2, p0  }
0x20: {  	[sflag:s8] =	ssyncset.s32 @!p0 $0xFFFFF086;
	s6 =	sadd.s32 @!p0 s3, s7;
	s7 =	simm.s32 @!p0 $0x108  }
0x21: {  	s3 =	sadd.s32 s3, s9;
	s6 =	sadd.s32 @!p0 $0x88, s6;
	s7 =	simm.s32 @p2 $0x1082  }
0x22: {  	[simem:s7], [sflag:s8] =	dma.local @!p0 [hbm:s6], $0xF7A  }
0x23: {  	s9 =	sor.u32 $0xD0000000, s2;
	s6 =	simm.s32 $0x108;
	_ =	swait.ge @!p0 [sflag:s8], $0x0  }
0x24: {  	s3 =	sadd.s32 $0x88, s3;
	s6 =	simm.s32 @!p1 $0x1082;
	[sflag:s4] =	ssyncset.s32 $0xFFFFF086  }
0x25: {  	[simem:s6], [sflag:s4] =	dma.local [hbm:s3], $0xF7A  }
0x26: {  	[smem:$0x3F9C] =	sst s1;
	(tag) =	ssettag s2;
	_ =	strace s9  }
0x27: {  	s1 =	sld [smem:$0x3FAC]  }
0x28: {  	s2 =	sld [smem:$0x3FAD]  }
0x29: {  	s4 =	sld [smem:$0x3FAF]  }
0x2a: {  	p0 =	seq.s32 s5, $0x0;
	s5 =	sld [smem:$0x3FB0]  }
0x2b: {  	s6 =	sld [smem:$0x3FB1]  }
0x2c: {  	s7 =	sld [smem:$0x3FB2]  }
0x2d: {  	s3 =	simm.s32 $0x108;
	s8 =	sld [smem:$0x3FB3]  }
0x2e: {  	s3 =	simm.s32 @!p0 $0x1082;
	s9 =	sld [smem:$0x3FB4]  }
0x2f: {  	lr =	sadd.s32 s0, s3;
	s0 =	sld [smem:$0x3FAB]  }
0x30: {  	s3 =	sld [smem:$0x3FAE]  }
0x31: {  	[smem:$0x3FB7] =	sst s10  }
0x32: {  	s10 =	sld [smem:$0x3FB5];
	_ =	sdelay $0x3  }
0x33: {  	p0 =	seq.s32 s10, $0x1;
	s10 =	sld [smem:$0x3FB7];
	_ =	sdelay $0x3  }
0x34: {  	[smem:$0x3FB7] =	sst s10  }
0x35: {  	s10 =	sld [smem:$0x3FB6];
	_ =	sdelay $0x3  }
0x36: {  	p1 =	seq.s32 s10, $0x1;
	s10 =	sld [smem:$0x3FB7];
	_ =	sdelay $0x3  }
0x37: {  	[smem:$0x3FB7] =	sst s10  }
0x38: {  	s10 =	sld [smem:$0x3FB8]  }
0x39: {  	_ = 	snop;
	(pc) =	sbr.ind lr, $3  }
0x3a: {  	_ = 	snop  }
0x3b: {  	_ = 	snop  }
0x3c: {  	p2 =	seq.s32 s10, $0x1;
	s10 =	sld [smem:$0x3FB7]  }
0x3d: {  	_ =	shalt  }
0x3e: {  	_ =	shalt  }
0x3f: {  	_ =	shalt  }
0x40: {  	_ =	shalt  }
0x41: {  	_ =	shalt  }
0x42: {  	_ =	shalt  }
0x43: {  	_ =	shalt  }
0x44: {  	_ =	shalt  }
0x45: {  	_ =	shalt  }
0x46: {  	_ =	shalt  }
0x47: {  	_ =	shalt  }
0x48: {  	_ =	shalt  }
0x49: {  	_ =	shalt  }
0x4a: {  	_ =	shalt  }
0x4b: {  	_ =	shalt  }
0x4c: {  	_ =	shalt  }
0x4d: {  	_ =	shalt  }
0x4e: {  	_ =	shalt  }
0x4f: {  	_ =	shalt  }
0x50: {  	_ =	shalt  }
0x51: {  	_ =	shalt  }
0x52: {  	_ =	shalt  }
0x53: {  	_ =	shalt  }
0x54: {  	_ =	shalt  }
0x55: {  	_ =	shalt  }
0x56: {  	_ =	shalt  }
0x57: {  	_ =	shalt  }
0x58: {  	_ =	shalt  }
0x59: {  	_ =	shalt  }
0x5a: {  	_ =	shalt  }
0x5b: {  	_ =	shalt  }
0x5c: {  	_ =	shalt  }
0x5d: {  	_ =	shalt  }
0x5e: {  	_ =	shalt  }
0x5f: {  	_ =	shalt  }
0x60: {  	_ =	shalt  }
0x61: {  	_ =	shalt  }
0x62: {  	_ =	shalt  }
0x63: {  	_ =	shalt  }
0x64: {  	_ =	shalt  }
0x65: {  	_ =	shalt  }
0x66: {  	_ =	shalt  }
0x67: {  	_ =	shalt  }
0x68: {  	_ =	shalt  }
0x69: {  	_ =	shalt  }
0x6a: {  	_ =	shalt  }
0x6b: {  	_ =	shalt  }
0x6c: {  	_ =	shalt  }
0x6d: {  	_ =	shalt  }
0x6e: {  	_ =	shalt  }
0x6f: {  	_ =	shalt  }
0x70: {  	_ =	shalt  }
0x71: {  	_ =	shalt  }
0x72: {  	_ =	shalt  }
0x73: {  	_ =	shalt  }
0x74: {  	_ =	shalt  }
0x75: {  	_ =	shalt  }
0x76: {  	_ =	shalt  }
0x77: {  	_ =	shalt  }
0x78: {  	_ =	shalt  }
0x79: {  	_ =	shalt  }
0x7a: {  	_ =	shalt  }
0x7b: {  	_ =	shalt  }
0x7c: {  	_ =	shalt  }
0x7d: {  	_ =	shalt  }
0x7e: {  	_ =	shalt  }
0x7f: {  	_ =	shalt  }
0x80: {  	_ =	shalt  }
0x81: {  	_ =	shalt  }
0x82: {  	_ =	shalt  }
0x83: {  	_ =	shalt  }
0x84: {  	_ =	shalt  }
0x85: {  	_ =	shalt  }
0x86: {  	_ =	shalt  }
0x87: {  	_ =	shalt  }
.Lfunc_end0:
.L_simem_size_0:
called_computation_lowered:
.L_overlay_start_0:
0x88: {  	s0 =	sld [smem:$0x3FD9]  }
0x89: {  	s1 =	sld [smem:$0x3FFE];
	_ =	sdelay $0x3  }
0x8a: {  	s0 =	sadd.s32 s1, s0  }
0x8b: {  	[smem:$0x3FC3] =	sst s0  }
0x8c: {  	_ = 	snop  }
0x8d: {  	s0 =	sld [smem:$0x3FD0]  }
0x8e: {  	s13 =	sld [smem:$0x3FC9]  }
0x8f: {  	s2 =	sld [smem:$0x3FC8]  }
0x90: {  	s4 =	simm.s32 $0xA;
	s5 =	simm.s32 $0x10;
	s3 =	sld [smem:$0x3FC7]  }
0x91: {  	[smem:s5], [sflag:s4] =	dma.local [hbm:s0], $0x1  }
0x92: {  	_ =	swait.eq [sflag:s4], $0x1  }
0x93: {  	[sflag:s4] =	ssyncset.done $0x0  }
0x94: {  	s14 =	sld [smem:$0x10];
	[sflag:s4] =	ssyncadd.s32 $0xFFFFFFFF  }
0x95: {  	s15 =	sld [smem:$0x11];
	(tm) =	ssettm $0x1  }
0x96: {  	s16 =	sld [smem:$0x3FFB];
	_ =	sdelay $0x3  }
0x97: {  	_ =	strace s16  }
0x98: {  	s5 =	sld [smem:$0x3FFC];
	_ =	sdelay $0x3  }
0x99: {  	_ =	strace s5  }
0x9a: {  	s5 =	sld [smem:$0x3FFD];
	_ =	sdelay $0x3  }
0x9b: {  	_ =	strace s5  }
0x9c: {  	_ =	strace $0x8FFFFFFF  }
0x9d: {  	s17 =	sld [smem:$0x3FDB];
	_ =	sdelay $0x1  }
0x9e: {  	s6 =	simm.s32 $_scs_section_size  }
0x9f: {  	s7 =	simm.s32 $_size__tile_overlayer_lowered;
	s8 =	simm.s32 $_tile_overlayer_lowered  }
0xa0: {  	s20 =	simm.s32 $0x1BFF;
	s19 =	sshll.u32 s8, $0x1;
	s5 =	sadd.s32 s6, s17  }
0xa1: {  	s9 =	simm.s32 $0x0;
	s18 =	sshll.u32 s7, $0x1;
	s7 =	sadd.s32 s19, s5  }
0xa2: {  	[timem:s9], [sflag:s20] =	dma.local [hbm:s7], s18  }
0xa3: {  	_ =	swait.ge [sflag:s20], s18  }
0xa4: {  	s6 =	ssub.s32 $0x0, s18;
	[sflag:s20] =	ssyncset.done $0x0  }
0xa5: {  	[sflag:s20] =	ssyncadd.s32 s6;
	_ =	sdelay $0x1  }
0xa6: {  	s21 =	simm.s32 $0x1B8B  }
0xa7: {  	_ =	swait.ge [sflag:s21], $0x1  }
0xa8: {  	[sflag:s21] =	ssyncset.done $0x0  }
0xa9: {  	s23 =	simm.s32 $0x1B8E;
	s22 =	sld [smem:$0x3FFE];
	[sflag:s21] =	ssyncadd.s32 $0xFFFFFFFF  }
0xaa: {  	s24 =	simm.s32 $execute0_lowered;
	[smem:$0x3FD2] =	sst s23  }
0xab: {  	s7 =	sshll.u32 s24, $0x1;
	_ =	strace $0x80000046;
	[dreg:$0x1] =	wrdreg $0xFFFFFFFF  }
0xac: {  	s25 =	simm.s32 $_size_execute0_lowered;
	s5 =	sadd.s32 s5, s7;
	[dreg:$0x0] =	wrdreg $0x0  }
0xad: {  	s7 =	sshll.u32 s25, $0x1;
	[dreg:$0x2] =	wrdreg s5  }
0xae: {  	[dreg:$0x3] =	wrdreg s7  }
0xaf: {  	[dreg:$0x4] =	wrdreg $0xC0  }
0xb0: {  	_ =	task [dreg:s9], $0x5FFFF  }
0xb1: {  	[dreg:$0x1] =	wrdreg $0xFFFFFFFF  }
0xb2: {  	[dreg:$0x0] =	wrdreg $0x60  }
0xb3: {  	[dreg:$0x2] =	wrdreg s13  }
0xb4: {  	[dreg:$0x3] =	wrdreg s22  }
0xb5: {  	[dreg:$0x4] =	wrdreg s2  }
0xb6: {  	[dreg:$0x5] =	wrdreg s3  }
0xb7: {  	[dreg:$0x6] =	wrdreg s14  }
0xb8: {  	[dreg:$0x7] =	wrdreg s15  }
0xb9: {  	[dreg:$0x8] =	wrdreg $0x9  }
0xba: {  	_ =	task.clear_ibuf [dreg:s9], $0x9FFFF;
	_ =	strace $0x90000046  }
0xbb: {  	s26 =	simm.s32 $0x9;
	_ =	strace $0x80000048  }
0xbc: {  	_ =	swait.ge [sflag:s26], $0x1  }
0xbd: {  	[sflag:s26] =	ssyncadd.s32 $0xFFFFFFFF  }
0xbe: {  	_ =	strace $0x90000048  }
0xbf: {  	_ =	sfence  }
0xc0: {  	s28 =	sld [smem:$0x0];
	_ =	sdelay $0x1  }
0xc1: {  	s29 =	srdreg.scid  }
0xc2: {  	s30 =	sshll.u32 s29, $0xD;
	s31 =	sshrl.u32 s29, $0x2  }
0xc3: {  	s1 =	sand.u32 $0x1, s29;
	s2 =	sand.u32 $0x4000, s30;
	s0 =	sadd.s32 s31, s28  }
0xc4: {  	s1 =	sor.u32 s2, s1;
	s0 =	sshll.u32 s0, $0x11  }
0xc5: {  	s0 =	sor.u32 s0, s1  }
0xc6: {  	s0 =	sadd.s32 $0x8F2B, s0  }
0xc7: {  	[sflag:s0] =	ssyncadd.remote.s32 $0x1  }
0xc8: {  	_ =	sfence.sel $0xFFFF  }
0xc9: {  	[dreg:$0x0] =	wrdreg $0xFFFFFFFF;
	(pc) =	sbr.abs _section_cstart, $3  }
0xca: {  	[dreg:$0x1] =	wrdreg $0xFFFFFFFF  }
0xcb: {  	_ =	task.clear_ibuf [dreg:s9], $0x2FFFF;
	_ =	strace $0x9FFFFFFF  }
0xcc: {  	(tm) =	ssettm $0x7FFFFFFF  }
0xcd: {  	_ =	shalt  }
tec
execute0_lowered:
.L_overlay_start_1:
0x0: {  	(tag) =	ssettag $0x1  }
0x1: {  	s5 =	rddreg [dreg:$0x0]  }
0x2: {  	s10 =	rddreg [dreg:$0x1]  }
0x3: {  	s9 =	rddreg [dreg:$0x2]  }
0x4: {  	s8 =	rddreg [dreg:$0x3]  }
0x5: {  	s6 =	rddreg [dreg:$0x4]  }
0x6: {  	s2 =	rddreg [dreg:$0x5]  }
0x7: {  	s0 =	rddreg [dreg:$0x6];
	s3 =	simm.s32 $0x0  }
0x8: {  	s1 =	stileid.u32;
	[smem:$0x7FF] =	sst s3  }
0x9: {  	s12 =	sadd.s32 $0xA00, s10;
	s4 =	sshll.u32 s1, $0x9;
	s7 =	sshll.u32 s1, $0x8  }
0xa: {  	s11 =	sshll.u32 s1, $0x3;
	_ =	strace $0x80000047;
	s5 =	sadd.s32 s5, s4  }
0xb: {  	[tilespmem:s3], [sflag:$0x1] =	stream.linear.gather [hbm4b:s5+s3], $0x400, $0x38;
	[tilespmem:$0x3100] =	vst v63  }
0xc: {  	s18 =	simm.s32 $0x1000;
	s13 =	sadd.s32 s12, s7;
	s14 =	sadd.s32 s11, s12  }
0xd: {  	[tilespmem:s18], [sflag:$0x1] =	stream.linear.gather [hbm4b:s13+s3], $0x200, $0x38;
	[tilespmem:$0x3100] =	vst v63  }
0xe: {  	s20 =	simm.s32 $0x1800;
	s19 =	sadd.s32 $0x1000, s14  }
0xf: {  	[tilespmem:s20], [sflag:$0x1] =	stream.linear.gather [hbm4b:s19+s3], $0x10, $0x38;
	[tilespmem:$0x3100] =	vst v63  }
0x10: {  	s21 =	simm.s32 $0x1880;
	s10 =	sadd.s32 $0x800, s10  }
0x11: {  	[tilespmem:s21], [sflag:$0x1] =	stream.linear.gather [hbm4b:s10+s3], $0x1, $0x38;
	[tilespmem:$0x3100] =	vst v63  }
0x12: {  	s23 =	simm.s32 $0x400;
	s22 =	sadd.s32 $0x80, s5;
	s13 =	sor.u32 $0x40, s7  }
0x13: {  	[tilespmem:s23], [sflag:$0x2] =	stream.linear.gather [hbm4b:s22+s3], $0x400, $0x38;
	[tilespmem:$0x3100] =	vst v63  }
0x14: {  	s25 =	simm.s32 $0x1200;
	s24 =	sadd.s32 s12, s13  }
0x15: {  	[tilespmem:s25], [sflag:$0x2] =	stream.linear.gather [hbm4b:s24+s3], $0x200, $0x38;
	[tilespmem:$0x3100] =	vst v63  }
0x16: {  	s28 =	simm.s32 $0x1810;
	s26 =	sadd.s32 $0x1002, s14  }
0x17: {  	[tilespmem:s28], [sflag:$0x2] =	stream.linear.gather [hbm4b:s26+s3], $0x10, $0x38;
	[tilespmem:$0x3100] =	vst v63  }
0x18: {  	s15 =	simm.s32 $0x800;
	s11 =	sor.u32 $0x80, s7;
	s29 =	sadd.s32 $0x100, s5  }
0x19: {  	[tilespmem:s15], [sflag:$0x3] =	stream.linear.gather [hbm4b:s29+s3], $0x400, $0x38;
	[tilespmem:$0x3100] =	vst v63  }
0x1a: {  	s31 =	simm.s32 $0x1400;
	s30 =	sadd.s32 s12, s11  }
0x1b: {  	[tilespmem:s31], [sflag:$0x3] =	stream.linear.gather [hbm4b:s30+s3], $0x200, $0x38;
	[tilespmem:$0x3100] =	vst v63  }
0x1c: {  	s16 =	simm.s32 $0x1820;
	s15 =	sadd.s32 $0x1004, s14  }
0x1d: {  	[tilespmem:s16], [sflag:$0x3] =	stream.linear.gather [hbm4b:s15+s3], $0x10, $0x38;
	[tilespmem:$0x3100] =	vst v63  }
0x1e: {  	s17 =	simm.s32 $0xC00;
	s5 =	sadd.s32 $0x180, s5;
	s10 =	sor.u32 $0xC0, s7  }
0x1f: {  	[tilespmem:s17], [sflag:$0x4] =	stream.linear.gather [hbm4b:s5+s3], $0x400, $0x38;
	[tilespmem:$0x3100] =	vst v63  }
0x20: {  	s19 =	simm.s32 $0x1600;
	s18 =	sadd.s32 s12, s10  }
0x21: {  	[tilespmem:s19], [sflag:$0x4] =	stream.linear.gather [hbm4b:s18+s3], $0x200, $0x38;
	[tilespmem:$0x3100] =	vst v63  }
0x22: {  	s20 =	sadd.s32 $0x1006, s14;
	s21 =	simm.s32 $0x1830  }
0x23: {  	[tilespmem:s21], [sflag:$0x4] =	stream.linear.gather [hbm4b:s20+s3], $0x10, $0x38;
	[tilespmem:$0x3100] =	vst v63  }
0x24: {  	s22 =	sadd.s32 s9, s7;
	s5 =	simm.s32 $0x2100  }
0x25: {  	[tilespmem:s5], [sflag:$0x5] =	stream.linear.gather [hbm4b:s22+s3], $0x80, $0x38;
	[tilespmem:$0x3100] =	vst v63  }
0x26: {  	s23 =	sadd.s32 s8, s7;
	s24 =	sor.u32 $0x10, s7;
	s25 =	simm.s32 $0x2180  }
0x27: {  	[tilespmem:s25], [sflag:$0x5] =	stream.linear.gather [hbm4b:s23+s3], $0x80, $0x38;
	[tilespmem:$0x3100] =	vst v63  }
0x28: {  	s26 =	sadd.s32 s9, s24;
	s28 =	simm.s32 $0x2200  }
0x29: {  	[tilespmem:s28], [sflag:$0x5] =	stream.linear.gather [hbm4b:s26+s3], $0x80, $0x38;
	[tilespmem:$0x3100] =	vst v63  }
0x2a: {  	s29 =	sadd.s32 s8, s24;
	s30 =	sor.u32 $0x20, s7;
	s31 =	simm.s32 $0x2280  }
0x2b: {  	[tilespmem:s31], [sflag:$0x5] =	stream.linear.gather [hbm4b:s29+s3], $0x80, $0x38;
	[tilespmem:$0x3100] =	vst v63  }
0x2c: {  	s15 =	sadd.s32 s9, s30;
	s16 =	simm.s32 $0x2300  }
0x2d: {  	[tilespmem:s16], [sflag:$0x5] =	stream.linear.gather [hbm4b:s15+s3], $0x80, $0x38;
	[tilespmem:$0x3100] =	vst v63  }
0x2e: {  	s17 =	sadd.s32 s8, s30;
	s18 =	sor.u32 $0x30, s7;
	s19 =	simm.s32 $0x2380  }
0x2f: {  	[tilespmem:s19], [sflag:$0x5] =	stream.linear.gather [hbm4b:s17+s3], $0x80, $0x38;
	[tilespmem:$0x3100] =	vst v63  }
0x30: {  	s20 =	sadd.s32 s9, s18;
	s21 =	simm.s32 $0x2400  }
0x31: {  	[tilespmem:s21], [sflag:$0x5] =	stream.linear.gather [hbm4b:s20+s3], $0x80, $0x38;
	[tilespmem:$0x3100] =	vst v63  }
0x32: {  	s22 =	sadd.s32 s8, s18;
	s23 =	simm.s32 $0x2480  }
0x33: {  	[tilespmem:s23], [sflag:$0x5] =	stream.linear.gather [hbm4b:s22+s3], $0x80, $0x38;
	[tilespmem:$0x3100] =	vst v63  }
0x34: {  	s24 =	sadd.s32 s9, s13;
	s25 =	simm.s32 $0x2500  }
0x35: {  	[tilespmem:s25], [sflag:$0x5] =	stream.linear.gather [hbm4b:s24+s3], $0x80, $0x38;
	[tilespmem:$0x3100] =	vst v63  }
0x36: {  	s26 =	sadd.s32 s8, s13;
	s28 =	sor.u32 $0x50, s7;
	s29 =	simm.s32 $0x2580  }
0x37: {  	[tilespmem:s29], [sflag:$0x5] =	stream.linear.gather [hbm4b:s26+s3], $0x80, $0x38;
	[tilespmem:$0x3100] =	vst v63  }
0x38: {  	s30 =	sadd.s32 s9, s28;
	s31 =	simm.s32 $0x2600  }
0x39: {  	[tilespmem:s31], [sflag:$0x5] =	stream.linear.gather [hbm4b:s30+s3], $0x80, $0x38;
	[tilespmem:$0x3100] =	vst v63  }
0x3a: {  	s15 =	sadd.s32 s8, s28;
	s16 =	sor.u32 $0x60, s7;
	s17 =	simm.s32 $0x2680  }
0x3b: {  	[tilespmem:s17], [sflag:$0x5] =	stream.linear.gather [hbm4b:s15+s3], $0x80, $0x38;
	[tilespmem:$0x3100] =	vst v63  }
0x3c: {  	s18 =	sadd.s32 s9, s16;
	s19 =	simm.s32 $0x2700  }
0x3d: {  	[tilespmem:s19], [sflag:$0x5] =	stream.linear.gather [hbm4b:s18+s3], $0x80, $0x38;
	[tilespmem:$0x3100] =	vst v63  }
0x3e: {  	s20 =	sadd.s32 s8, s16;
	s21 =	sor.u32 $0x70, s7;
	s22 =	simm.s32 $0x2780  }
0x3f: {  	[tilespmem:s22], [sflag:$0x5] =	stream.linear.gather [hbm4b:s20+s3], $0x80, $0x38;
	[tilespmem:$0x3100] =	vst v63  }
0x40: {  	s23 =	sadd.s32 s9, s21;
	s24 =	simm.s32 $0x2800  }
0x41: {  	[tilespmem:s24], [sflag:$0x5] =	stream.linear.gather [hbm4b:s23+s3], $0x80, $0x38;
	[tilespmem:$0x3100] =	vst v63  }
0x42: {  	s25 =	sadd.s32 s8, s21;
	s26 =	simm.s32 $0x2880  }
0x43: {  	[tilespmem:s26], [sflag:$0x5] =	stream.linear.gather [hbm4b:s25+s3], $0x80, $0x38;
	[tilespmem:$0x3100] =	vst v63  }
0x44: {  	s28 =	sadd.s32 s9, s11;
	s29 =	simm.s32 $0x2900  }
0x45: {  	[tilespmem:s29], [sflag:$0x5] =	stream.linear.gather [hbm4b:s28+s3], $0x80, $0x38;
	[tilespmem:$0x3100] =	vst v63  }
0x46: {  	s11 =	sadd.s32 s8, s11;
	s30 =	sor.u32 $0x90, s7;
	s31 =	simm.s32 $0x2980  }
0x47: {  	[tilespmem:s31], [sflag:$0x5] =	stream.linear.gather [hbm4b:s11+s3], $0x80, $0x38;
	[tilespmem:$0x3100] =	vst v63  }
0x48: {  	s14 =	simm.s32 $0x2A00;
	s13 =	sadd.s32 s9, s30  }
0x49: {  	[tilespmem:s14], [sflag:$0x5] =	stream.linear.gather [hbm4b:s13+s3], $0x80, $0x38;
	[tilespmem:$0x3100] =	vst v63  }
0x4a: {  	s16 =	sor.u32 $0xA0, s7;
	s15 =	sadd.s32 s8, s30;
	s17 =	simm.s32 $0x2A80  }
0x4b: {  	[tilespmem:s17], [sflag:$0x5] =	stream.linear.gather [hbm4b:s15+s3], $0x80, $0x38;
	[tilespmem:$0x3100] =	vst v63  }
0x4c: {  	s18 =	sadd.s32 s9, s16;
	s19 =	simm.s32 $0x2B00  }
0x4d: {  	[tilespmem:s19], [sflag:$0x5] =	stream.linear.gather [hbm4b:s18+s3], $0x80, $0x38;
	[tilespmem:$0x3100] =	vst v63  }
0x4e: {  	s21 =	sor.u32 $0xB0, s7;
	s20 =	sadd.s32 s8, s16;
	s22 =	simm.s32 $0x2B80  }
0x4f: {  	[tilespmem:s22], [sflag:$0x5] =	stream.linear.gather [hbm4b:s20+s3], $0x80, $0x38;
	[tilespmem:$0x3100] =	vst v63  }
0x50: {  	s23 =	sadd.s32 s9, s21;
	s24 =	simm.s32 $0x2C00  }
0x51: {  	[tilespmem:s24], [sflag:$0x5] =	stream.linear.gather [hbm4b:s23+s3], $0x80, $0x38;
	[tilespmem:$0x3100] =	vst v63  }
0x52: {  	s25 =	sadd.s32 s8, s21;
	s26 =	simm.s32 $0x2C80  }
0x53: {  	[tilespmem:s26], [sflag:$0x5] =	stream.linear.gather [hbm4b:s25+s3], $0x80, $0x38;
	[tilespmem:$0x3100] =	vst v63  }
0x54: {  	s28 =	sadd.s32 s9, s10;
	s29 =	simm.s32 $0x2D00  }
0x55: {  	[tilespmem:s29], [sflag:$0x5] =	stream.linear.gather [hbm4b:s28+s3], $0x80, $0x38;
	[tilespmem:$0x3100] =	vst v63  }
0x56: {  	s30 =	sor.u32 $0xD0, s7;
	s10 =	sadd.s32 s8, s10;
	s31 =	simm.s32 $0x2D80  }
0x57: {  	[tilespmem:s31], [sflag:$0x5] =	stream.linear.gather [hbm4b:s10+s3], $0x80, $0x38;
	[tilespmem:$0x3100] =	vst v63  }
0x58: {  	s12 =	sadd.s32 s9, s30;
	s13 =	simm.s32 $0x2E00  }
0x59: {  	[tilespmem:s13], [sflag:$0x5] =	stream.linear.gather [hbm4b:s12+s3], $0x80, $0x38;
	[tilespmem:$0x3100] =	vst v63  }
0x5a: {  	s16 =	simm.s32 $0x2E80;
	s14 =	sadd.s32 s8, s30;
	s15 =	sor.u32 $0xE0, s7  }
0x5b: {  	[tilespmem:s16], [sflag:$0x5] =	stream.linear.gather [hbm4b:s14+s3], $0x80, $0x38;
	[tilespmem:$0x3100] =	vst v63  }
0x5c: {  	s17 =	sadd.s32 s9, s15;
	s18 =	simm.s32 $0x2F00  }
0x5d: {  	[tilespmem:s18], [sflag:$0x5] =	stream.linear.gather [hbm4b:s17+s3], $0x80, $0x38;
	[tilespmem:$0x3100] =	vst v63  }
0x5e: {  	s21 =	sor.u32 $0xF0, s7;
	s19 =	sadd.s32 s8, s15;
	s20 =	simm.s32 $0x2F80  }
0x5f: {  	[tilespmem:s20], [sflag:$0x5] =	stream.linear.gather [hbm4b:s19+s3], $0x80, $0x38;
	[tilespmem:$0x3100] =	vst v63  }
0x60: {  	s9 =	sadd.s32 s9, s21;
	s22 =	simm.s32 $0x3000  }
0x61: {  	[tilespmem:s22], [sflag:$0x5] =	stream.linear.gather [hbm4b:s9+s3], $0x80, $0x38;
	[tilespmem:$0x3100] =	vst v63  }
0x62: {  	s8 =	sadd.s32 s8, s21;
	s23 =	simm.s32 $0x3080;
	s24 =	simm.s32 $0x1  }
0x63: {  	[tilespmem:s23], [sflag:$0x5] =	stream.linear.gather [hbm4b:s8+s3], $0x80, $0x38;
	[tilespmem:$0x3100] =	vst v63  }
0x64: {  	_ =	swait.ge [sflag:s24], $0x400  }
0x65: {  	[sflag:s24] =	ssyncset.done $0x0  }
0x66: {  	[sflag:s24] =	ssyncadd.s32 $0xFFFFFC00  }
0x67: {  	_ =	swait.ge [sflag:s24], $0x200  }
0x68: {  	[sflag:s24] =	ssyncset.done $0x0  }
0x69: {  	[sflag:s24] =	ssyncadd.s32 $0xFFFFFE00  }
0x6a: {  	_ =	swait.ge [sflag:s24], $0x10  }
0x6b: {  	[sflag:s24] =	ssyncset.done $0x0  }
0x6c: {  	[sflag:s24] =	ssyncadd.s32 $0xFFFFFFF0  }
0x6d: {  	_ =	swait.ge [sflag:s24], $0x1  }
0x6e: {  	[sflag:s24] =	ssyncset.done $0x0  }
0x6f: {  	[sflag:s24] =	ssyncadd.s32 $0xFFFFFFFF  }
0x70: {  	v0 =	vld.msk [tilespmem:$0x1880 ss:$0x0], $0xffff  }
0x71: {  	v4 =	vld [tilespmem:$0x1800]  }
0x72: {  	v1 =	vld [tilespmem:$0x0]  }
0x73: {  	v2 =	vld [tilespmem:$0x80]  }
0x74: {  	v5 =	vld [tilespmem:$0x1000]  }
0x75: {  	v6 =	vld [tilespmem:$0x10]  }
0x76: {  	v7 =	vld [tilespmem:$0x90]  }
0x77: {  	v8 =	vld [tilespmem:$0x1010]  }
0x78: {  	v9 =	vld [tilespmem:$0x20]  }
0x79: {  	v10 =	vld [tilespmem:$0xA0]  }
0x7a: {  	v11 =	vld [tilespmem:$0x1020]  }
0x7b: {  	v12 =	vld [tilespmem:$0x30]  }
0x7c: {  	v13 =	vld [tilespmem:$0xB0]  }
0x7d: {  	v14 =	vld [tilespmem:$0x1030]  }
0x7e: {  	v15 =	vld [tilespmem:$0x40]  }
0x7f: {  	v16 =	vld [tilespmem:$0xC0]  }
0x80: {  	v17 =	vld [tilespmem:$0x1040]  }
0x81: {  	v18 =	vld [tilespmem:$0x50]  }
0x82: {  	v19 =	vld [tilespmem:$0xD0]  }
0x83: {  	v20 =	vld [tilespmem:$0x1050]  }
0x84: {  	v21 =	vld [tilespmem:$0x60]  }
0x85: {  	v22 =	vld [tilespmem:$0xE0]  }
0x86: {  	v23 =	vld [tilespmem:$0x1060]  }
0x87: {  	v24 =	vld [tilespmem:$0x70]  }
0x88: {  	v25 =	vld [tilespmem:$0xF0]  }
0x89: {  	v26 =	vld [tilespmem:$0x1070]  }
0x8a: {  	v27 =	vld [tilespmem:$0x100]  }
0x8b: {  	v29 =	vld [tilespmem:$0x180]  }
0x8c: {  	v3 =	vlaneseq.u32;
	v30 =	vld [tilespmem:$0x1080];
	v28 =	vbroadcast v4, $0x0;
	vm0 =	vgt.f32 v2, v1  }
0x8d: {  	v32 =	vld [tilespmem:$0x110];
	v1 =	vimm.s32 $0x0;
	vm15 =	vgt.f32 v0, v5;
	v2 =	vor.u32 $0x10, v3  }
0x8e: {  	v46 =	vld [tilespmem:$0x190];
	vm1 =	vgt.f32 v7, v6;
	v48 =	vbroadcast v4, $0x1;
	vm4 =	vgt.f32 v0, v8  }
0x8f: {  	v34 =	vld [tilespmem:$0x120];
	vm5 =	vgt.f32 v10, v9;
	vm6 =	vgt.f32 v13, v12;
	v53 =	vbroadcast v4, $0x2  }
0x90: {  	v54 =	vld [tilespmem:$0x130];
	vm7 =	vgt.f32 v0, v11;
	vm8 =	vgt.f32 v0, v14;
	vm2 =	vgt.f32 v16, v15  }
0x91: {  	v35 =	vld [tilespmem:$0x1B0];
	vm9 =	vgt.f32 v0, v17;
	vm10 =	vgt.f32 v19, v18;
	v60 =	vbroadcast v4, $0x3  }
0x92: {  	v58 =	vld [tilespmem:$0x140];
	vm11 =	vgt.f32 v0, v20;
	vm12 =	vgt.f32 v22, v21;
	vm13 =	vgt.f32 v0, v23  }
0x93: {  	v59 =	vld [tilespmem:$0x1C0];
	vm14 =	vgt.f32 v25, v24;
	v39 =	vbroadcast v4, $0x4;
	v31 =	vsel vm0, $0x1, v1  }
0x94: {  	v51 =	vld [tilespmem:$0x1A0];
	v49 =	vsel vm1, $0x1, v1;
	v10 =	vsel vm5, $0x1, v1;
	v55 =	vsel vm6, $0x1, v1  }
0x95: {  	v52 =	vld [tilespmem:$0x10A0];
	v16 =	vsel vm2, $0x1, v1;
	v18 =	vsel vm10, $0x1, v1;
	v21 =	vsel vm12, $0x1, v1  }
0x96: {  	v57 =	vld [tilespmem:$0x10B0];
	v40 =	vsel vm14, $0x1, v1;
	vm5 =	vgt.f32 v46, v32;
	v46 =	vbroadcast v4, $0x5  }
0x97: {  	v61 =	vld [tilespmem:$0x10C0];
	vm6 =	vgt.f32 v0, v30;
	vm10 =	vgt.f32 v35, v54;
	v54 =	vbroadcast v4, $0x6  }
0x98: {  	v63 =	vld [tilespmem:$0x1D0];
	vm12 =	vgt.f32 v59, v58;
	v45 =	vshrl.u32 v28, v3;
	v47 =	vshrl.u32 v28, v2  }
0x99: {  	v41 =	vld [tilespmem:$0x1E0];
	v50 =	vshrl.u32 v48, v3;
	v7 =	vshrl.u32 v48, v2;
	v56 =	vshrl.u32 v53, v3  }
0x9a: {  	v44 =	vld [tilespmem:$0x170];
	v12 =	vshrl.u32 v53, v2;
	v62 =	vshrl.u32 v60, v3;
	v42 =	vshrl.u32 v39, v3  }
0x9b: {  	v36 =	vld [tilespmem:$0x10F0];
	v48 =	vsel vm5, $0x1, v1;
	v33 =	vand.u32 $0x1, v45;
	v6 =	vand.u32 $0x1, v47  }
0x9c: {  	v37 =	vld [tilespmem:$0x2A0];
	v8 =	vand.u32 $0x1, v50;
	v7 =	vand.u32 $0x1, v7;
	v14 =	vand.u32 $0x1, v56  }
0x9d: {  	v19 =	vld [tilespmem:$0x150];
	v12 =	vand.u32 $0x1, v12;
	v45 =	vshrl.u32 v39, v2;
	v53 =	vshrl.u32 v46, v2  }
0x9e: {  	v22 =	vld [tilespmem:$0x10D0];
	v56 =	vsel vm10, $0x1, v1;
	v58 =	vshrl.u32 v54, v3;
	v31 =	vsel vm15, v33, v31  }
0x9f: {  	v24 =	vld [tilespmem:$0x160];
	v6 =	vsel vm4, v6, v49;
	v8 =	vsel vm7, v8, v10;
	v7 =	vsel vm8, v7, v55  }
0xa0: {  	v59 =	vld [tilespmem:$0x1110];
	v10 =	vsel vm9, v14, v16;
	v12 =	vsel vm11, v12, v18;
	v18 =	vand.u32 $0x1, v62  }
0xa1: {  	v30 =	vld [tilespmem:$0x270];
	v14 =	vshrl.u32 v60, v2;
	vm15 =	vgt.f32 v0, v26;
	vm4 =	vgt.f32 v29, v27  }
0xa2: {  	v35 =	vld [tilespmem:$0x1170];
	v26 =	vand.u32 $0x1, v42;
	v5 =	vand.u32 $0x1, v45;
	vm8 =	vgt.f32 v51, v34  }
0xa3: {  	v28 =	vld [tilespmem:$0x1090];
	v49 =	vshrl.u32 v46, v3;
	vm9 =	vgt.f32 v0, v52;
	v13 =	vand.u32 $0x1, v53  }
0xa4: {  	v47 =	vld [tilespmem:$0x1F0];
	vm11 =	vgt.f32 v0, v57;
	v60 =	vsel vm12, $0x1, v1;
	v11 =	vand.u32 $0x1, v58  }
0xa5: {  	v50 =	vld [tilespmem:$0x200];
	v62 =	vshrl.u32 v54, v2;
	v54 =	vbroadcast v4, $0x9;
	v18 =	vsel vm13, v18, v21  }
0xa6: {  	v39 =	vld [tilespmem:$0x1120];
	v14 =	vand.u32 $0x1, v14;
	v43 =	vsel vm4, $0x1, v1;
	v34 =	vsel vm8, $0x1, v1  }
0xa7: {  	v27 =	vld [tilespmem:$0x10E0];
	v9 =	vand.u32 $0x1, v49;
	v13 =	vsel vm11, v13, v56;
	vm13 =	vgt.f32 v0, v61  }
0xa8: {  	v51 =	vld [tilespmem:$0x280];
	vm14 =	vgt.f32 v63, v19;
	v63 =	vbroadcast v4, $0x7;
	v19 =	vand.u32 $0x1, v62  }
0xa9: {  	v52 =	vld [tilespmem:$0x1100];
	vm4 =	vgt.f32 v41, v24;
	v14 =	vsel vm15, v14, v40;
	v21 =	vsel vm6, v26, v43  }
0xaa: {  	v55 =	vld [tilespmem:$0x210];
	v9 =	vsel vm9, v9, v34;
	v11 =	vsel vm13, v11, v60;
	v38 =	vsel vm14, $0x1, v1  }
0xab: {  	v57 =	vld [tilespmem:$0x290];
	vm15 =	vgt.f32 v0, v22;
	v25 =	vsel vm4, $0x1, v1;
	v43 =	vbroadcast v4, $0x8  }
0xac: {  	v42 =	vld [tilespmem:$0x2B0];
	vm11 =	vgt.f32 v0, v59;
	v58 =	vshrl.u32 v54, v3;
	v62 =	vshrl.u32 v54, v2  }
0xad: {  	v46 =	vld [tilespmem:$0x240];
	[tilespmem:$0x1900] =	vst v31;
	vm7 =	vgt.f32 v0, v28;
	v40 =	vshrl.u32 v63, v3;
	v19 =	vsel vm15, v19, v38  }
0xae: {  	v33 =	vld [tilespmem:$0x2F0];
	v20 =	vshrl.u32 v63, v2;
	[tilespmem:$0x1970] =	vst v14;
	v14 =	vand.u32 $0x1, v58;
	v63 =	vbroadcast v4, $0xA  }
0xaf: {  	v61 =	vld [tilespmem:$0x220];
	[tilespmem:$0x1910] =	vst v6;
	v5 =	vsel vm7, v5, v48;
	v22 =	vand.u32 $0x1, v40;
	vm5 =	vgt.f32 v47, v44  }
0xb0: {  	v41 =	vld [tilespmem:$0x230];
	[tilespmem:$0x1920] =	vst v8;
	v20 =	vand.u32 $0x1, v20;
	vm7 =	vgt.f32 v0, v36;
	v47 =	vshrl.u32 v43, v3  }
0xb1: {  	[tilespmem:$0x1930] =	vst v7;
	v24 =	vld [tilespmem:$0x1160];
	v53 =	vshrl.u32 v43, v2;
	vm13 =	vgt.f32 v0, v39;
	vm6 =	vgt.f32 v0, v27  }
0xb2: {  	[tilespmem:$0x1940] =	vst v10;
	v59 =	vld [tilespmem:$0x260];
	v45 =	vsel vm5, $0x1, v1;
	vm8 =	vgt.f32 v51, v50;
	v8 =	vand.u32 $0x1, v47  }
0xb3: {  	[tilespmem:$0x1950] =	vst v12;
	v38 =	vld [tilespmem:$0x300];
	vm9 =	vgt.f32 v0, v52;
	vm10 =	vgt.f32 v57, v55;
	v12 =	vand.u32 $0x1, v53  }
0xb4: {  	v44 =	vld [tilespmem:$0x1130];
	[tilespmem:$0x1990] =	vst v5;
	v5 =	vand.u32 $0x1, v62;
	v32 =	vshrl.u32 v63, v3;
	v36 =	vshrl.u32 v63, v2  }
0xb5: {  	[tilespmem:$0x1960] =	vst v18;
	v48 =	vld [tilespmem:$0x2C0];
	v47 =	vbroadcast v4, $0xC;
	v49 =	vsel vm8, $0x1, v1;
	v51 =	vsel vm6, v22, v25  }
0xb6: {  	[tilespmem:$0x19B0] =	vst v13;
	v40 =	vld [tilespmem:$0x380];
	v6 =	vsel vm7, v20, v45;
	v56 =	vsel vm10, $0x1, v1;
	vm12 =	vgt.f32 v37, v61  }
0xb7: {  	[tilespmem:$0x1980] =	vst v21;
	v50 =	vld [tilespmem:$0x1140];
	vm14 =	vgt.f32 v42, v41;
	v13 =	vand.u32 $0x1, v32;
	v37 =	vbroadcast v4, $0xB  }
0xb8: {  	[tilespmem:$0x19A0] =	vst v9;
	v52 =	vld [tilespmem:$0x250];
	vm10 =	vgt.f32 v33, v30;
	v7 =	vsel vm9, v8, v49;
	v12 =	vsel vm11, v12, v56  }
0xb9: {  	[tilespmem:$0x19C0] =	vst v11;
	v55 =	vld [tilespmem:$0x2D0];
	v60 =	vsel vm12, $0x1, v1;
	v29 =	vsel vm14, $0x1, v1;
	v8 =	vand.u32 $0x1, v36  }
0xba: {  	[tilespmem:$0x19D0] =	vst v19;
	v57 =	vld [tilespmem:$0x1150];
	vm9 =	vgt.f32 v0, v24;
	v49 =	vsel vm10, $0x1, v1;
	vm11 =	vgt.f32 v0, v35  }
0xbb: {  	v61 =	vld [tilespmem:$0x2E0];
	[tilespmem:$0x19E0] =	vst v51;
	v53 =	vshrl.u32 v47, v2;
	v25 =	vsel vm13, v14, v60;
	v41 =	vshrl.u32 v37, v3  }
0xbc: {  	v42 =	vld [tilespmem:$0x1180];
	[tilespmem:$0x1A00] =	vst v7;
	v7 =	vand.u32 $0x1, v53;
	vm15 =	vgt.f32 v0, v44;
	vm4 =	vgt.f32 v48, v46  }
0xbd: {  	v45 =	vld [tilespmem:$0x390];
	[tilespmem:$0x19F0] =	vst v6;
	v6 =	vand.u32 $0x1, v41;
	v46 =	vshrl.u32 v37, v2;
	vm12 =	vgt.f32 v40, v38  }
0xbe: {  	[tilespmem:$0x1A10] =	vst v12;
	v44 =	vld [tilespmem:$0x310];
	v5 =	vsel vm15, v5, v29;
	v34 =	vsel vm4, $0x1, v1;
	vm5 =	vgt.f32 v55, v52  }
0xbf: {  	[tilespmem:$0x1A20] =	vst v25;
	v48 =	vld [tilespmem:$0x1190];
	vm6 =	vgt.f32 v0, v50;
	vm7 =	vgt.f32 v0, v57;
	v9 =	vand.u32 $0x1, v46  }
0xc0: {  	v50 =	vshrl.u32 v47, v3;
	v51 =	vsel vm12, $0x1, v1;
	v11 =	vsel vm6, v13, v34;
	[tilespmem:$0x1A30] =	vst v5  }
0xc1: {  	v39 =	vsel vm5, $0x1, v1;
	vm8 =	vgt.f32 v61, v59;
	v5 =	vsel vm11, v9, v49;
	[tilespmem:$0x1A40] =	vst v11  }
0xc2: {  	v9 =	vand.u32 $0x1, v50;
	vm13 =	vgt.f32 v0, v42;
	v8 =	vsel vm7, v8, v39;
	[tilespmem:$0x1A70] =	vst v5  }
0xc3: {  	v43 =	vsel vm8, $0x1, v1;
	v52 =	vsel vm13, v9, v51;
	[tilespmem:$0x1A50] =	vst v8;
	vm14 =	vgt.f32 v45, v44  }
0xc4: {  	v6 =	vsel vm9, v6, v43;
	[tilespmem:$0x1A80] =	vst v52;
	vm15 =	vgt.f32 v0, v48;
	v54 =	vsel vm14, $0x1, v1  }
0xc5: {  	[tilespmem:$0x1A60] =	vst v6;
	v5 =	vsel vm15, v7, v54  }
0xc6: {  	[tilespmem:$0x1A90] =	vst v5  }
0xc7: {  	v5 =	vld [tilespmem:$0x320]  }
0xc8: {  	v55 =	vld [tilespmem:$0x3A0]  }
0xc9: {  	v56 =	vld [tilespmem:$0x11A0]  }
0xca: {  	v57 =	vld [tilespmem:$0x330]  }
0xcb: {  	v58 =	vld [tilespmem:$0x3B0]  }
0xcc: {  	v59 =	vld [tilespmem:$0x11B0]  }
0xcd: {  	v60 =	vld [tilespmem:$0x340]  }
0xce: {  	v61 =	vld [tilespmem:$0x3C0]  }
0xcf: {  	v63 =	vld [tilespmem:$0x11C0]  }
0xd0: {  	v21 =	vld [tilespmem:$0x350]  }
0xd1: {  	v62 =	vbroadcast v4, $0xD;
	v23 =	vld [tilespmem:$0x3D0]  }
0xd2: {  	v27 =	vbroadcast v4, $0xE;
	v4 =	vbroadcast v4, $0xF;
	v25 =	vld [tilespmem:$0x11D0]  }
0xd3: {  	v22 =	vshrl.u32 v62, v3;
	v26 =	vshrl.u32 v62, v2;
	v28 =	vld [tilespmem:$0x360]  }
0xd4: {  	v31 =	vshrl.u32 v27, v3;
	v40 =	vshrl.u32 v4, v3;
	v4 =	vshrl.u32 v4, v2;
	v30 =	vld [tilespmem:$0x3E0]  }
0xd5: {  	v36 =	vshrl.u32 v27, v2;
	v10 =	vand.u32 $0x1, v31;
	v4 =	vand.u32 $0x1, v4;
	v32 =	vld [tilespmem:$0x11E0]  }
0xd6: {  	v8 =	vand.u32 $0x1, v26;
	v6 =	vand.u32 $0x1, v36;
	v33 =	vld [tilespmem:$0x370];
	vm4 =	vgt.f32 v55, v5  }
0xd7: {  	v35 =	vld [tilespmem:$0x3F0];
	v5 =	vand.u32 $0x1, v22;
	vm5 =	vgt.f32 v58, v57;
	vm6 =	vgt.f32 v0, v56  }
0xd8: {  	v37 =	vld [tilespmem:$0x11F0];
	vm7 =	vgt.f32 v0, v59;
	vm8 =	vgt.f32 v61, v60;
	vm9 =	vgt.f32 v0, v63  }
0xd9: {  	vm10 =	vgt.f32 v23, v21;
	vm11 =	vgt.f32 v0, v25;
	v24 =	vsel vm4, $0x1, v1  }
0xda: {  	vm12 =	vgt.f32 v30, v28;
	v29 =	vsel vm5, $0x1, v1;
	v5 =	vsel vm6, v5, v24  }
0xdb: {  	vm13 =	vgt.f32 v0, v32;
	v12 =	vsel vm8, $0x1, v1;
	v7 =	vsel vm7, v8, v29;
	[tilespmem:$0x1AA0] =	vst v5  }
0xdc: {  	vm14 =	vgt.f32 v35, v33;
	v38 =	vsel vm10, $0x1, v1;
	v34 =	vsel vm9, v10, v12;
	[tilespmem:$0x1AB0] =	vst v7  }
0xdd: {  	vm15 =	vgt.f32 v0, v37;
	v42 =	vsel vm14, $0x1, v1;
	v39 =	vsel vm11, v6, v38;
	[tilespmem:$0x1AC0] =	vst v34  }
0xde: {  	v41 =	vsel vm12, $0x1, v1;
	v6 =	vand.u32 $0x1, v40;
	v4 =	vsel vm15, v4, v42;
	[tilespmem:$0x1AD0] =	vst v39  }
0xdf: {  	v6 =	vsel vm13, v6, v41;
	[tilespmem:$0x1AF0] =	vst v4  }
0xe0: {  	s25 =	simm.s32 $0x2;
	[tilespmem:$0x1AE0] =	vst v6  }
0xe1: {  	_ =	swait.ge [sflag:s25], $0x400  }
0xe2: {  	[sflag:s25] =	ssyncset.done $0x0  }
0xe3: {  	[sflag:s25] =	ssyncadd.s32 $0xFFFFFC00  }
0xe4: {  	_ =	swait.ge [sflag:s25], $0x200  }
0xe5: {  	[sflag:s25] =	ssyncset.done $0x0  }
0xe6: {  	[sflag:s25] =	ssyncadd.s32 $0xFFFFFE00  }
0xe7: {  	_ =	swait.ge [sflag:s25], $0x10  }
0xe8: {  	[sflag:s25] =	ssyncset.done $0x0  }
0xe9: {  	[sflag:s25] =	ssyncadd.s32 $0xFFFFFFF0  }
0xea: {  	v4 =	vld [tilespmem:$0x1810]  }
0xeb: {  	v43 =	vld [tilespmem:$0x400]  }
0xec: {  	v45 =	vld [tilespmem:$0x480]  }
0xed: {  	v46 =	vld [tilespmem:$0x1200]  }
0xee: {  	v47 =	vld [tilespmem:$0x410]  }
0xef: {  	v48 =	vld [tilespmem:$0x490]  }
0xf0: {  	v10 =	vld [tilespmem:$0x1210]  }
0xf1: {  	v49 =	vld [tilespmem:$0x420]  }
0xf2: {  	v50 =	vld [tilespmem:$0x4A0]  }
0xf3: {  	v13 =	vld [tilespmem:$0x1220]  }
0xf4: {  	v51 =	vld [tilespmem:$0x430]  }
0xf5: {  	v52 =	vld [tilespmem:$0x4B0]  }
0xf6: {  	v16 =	vld [tilespmem:$0x1230]  }
0xf7: {  	v53 =	vld [tilespmem:$0x440]  }
0xf8: {  	v54 =	vld [tilespmem:$0x4C0]  }
0xf9: {  	v55 =	vld [tilespmem:$0x1240]  }
0xfa: {  	v56 =	vld [tilespmem:$0x450]  }
0xfb: {  	v57 =	vld [tilespmem:$0x4D0]  }
0xfc: {  	v22 =	vld [tilespmem:$0x1250]  }
0xfd: {  	v58 =	vld [tilespmem:$0x460]  }
0xfe: {  	v59 =	vld [tilespmem:$0x4E0]  }
0xff: {  	v25 =	vld [tilespmem:$0x1260]  }
0x100: {  	v60 =	vld [tilespmem:$0x470]  }
0x101: {  	v61 =	vld [tilespmem:$0x4F0]  }
0x102: {  	v28 =	vld [tilespmem:$0x1270]  }
0x103: {  	v62 =	vld [tilespmem:$0x500]  }
0x104: {  	v63 =	vld [tilespmem:$0x580]  }
0x105: {  	v31 =	vld [tilespmem:$0x1280]  }
0x106: {  	v32 =	vld [tilespmem:$0x510]  }
0x107: {  	v33 =	vld [tilespmem:$0x590]  }
0x108: {  	v34 =	vld [tilespmem:$0x1290]  }
0x109: {  	v36 =	vld [tilespmem:$0x520]  }
0x10a: {  	v37 =	vld [tilespmem:$0x5A0]  }
0x10b: {  	v38 =	vld [tilespmem:$0x12A0];
	v44 =	vbroadcast v4, $0x0;
	vm4 =	vgt.f32 v45, v43;
	vm5 =	vgt.f32 v0, v46  }
0x10c: {  	v39 =	vld [tilespmem:$0x530];
	vm6 =	vgt.f32 v48, v47;
	v47 =	vbroadcast v4, $0x1;
	vm7 =	vgt.f32 v0, v10  }
0x10d: {  	v35 =	vld [tilespmem:$0x5B0];
	vm8 =	vgt.f32 v50, v49;
	vm9 =	vgt.f32 v52, v51;
	v51 =	vbroadcast v4, $0x2  }
0x10e: {  	v40 =	vld [tilespmem:$0x12B0];
	vm10 =	vgt.f32 v0, v13;
	vm11 =	vgt.f32 v0, v16;
	vm12 =	vgt.f32 v54, v53  }
0x10f: {  	v11 =	vld [tilespmem:$0x5C0];
	vm13 =	vgt.f32 v0, v55;
	vm14 =	vgt.f32 v57, v56;
	v56 =	vbroadcast v4, $0x3  }
0x110: {  	v14 =	vld [tilespmem:$0x12C0];
	vm15 =	vgt.f32 v0, v22;
	v43 =	vbroadcast v4, $0x5;
	v6 =	vsel vm4, $0x1, v1  }
0x111: {  	v15 =	vld [tilespmem:$0x550];
	v48 =	vsel vm6, $0x1, v1;
	v50 =	vsel vm8, $0x1, v1;
	v52 =	vsel vm9, $0x1, v1  }
0x112: {  	v19 =	vld [tilespmem:$0x12D0];
	v18 =	vsel vm12, $0x1, v1;
	v57 =	vsel vm14, $0x1, v1;
	vm4 =	vgt.f32 v59, v58  }
0x113: {  	v21 =	vld [tilespmem:$0x570];
	vm6 =	vgt.f32 v61, v60;
	v60 =	vbroadcast v4, $0x4;
	vm8 =	vgt.f32 v63, v62  }
0x114: {  	v23 =	vld [tilespmem:$0x5F0];
	vm9 =	vgt.f32 v33, v32;
	vm12 =	vgt.f32 v37, v36;
	vm14 =	vgt.f32 v35, v39  }
0x115: {  	v20 =	vld [tilespmem:$0x12E0];
	v45 =	vshrl.u32 v44, v3;
	v46 =	vshrl.u32 v44, v2;
	v49 =	vshrl.u32 v47, v3  }
0x116: {  	v26 =	vld [tilespmem:$0x600];
	v8 =	vshrl.u32 v47, v2;
	v53 =	vshrl.u32 v51, v3;
	v55 =	vshrl.u32 v51, v2  }
0x117: {  	v29 =	vld [tilespmem:$0x1300];
	v58 =	vshrl.u32 v56, v3;
	v59 =	vsel vm4, $0x1, v1;
	v12 =	vshrl.u32 v56, v2  }
0x118: {  	v10 =	vld [tilespmem:$0x540];
	v61 =	vsel vm6, $0x1, v1;
	v42 =	vsel vm8, $0x1, v1;
	v44 =	vsel vm9, $0x1, v1  }
0x119: {  	v54 =	vld [tilespmem:$0x5D0];
	v37 =	vsel vm12, $0x1, v1;
	v30 =	vshrl.u32 v43, v2;
	vm9 =	vgt.f32 v23, v21  }
0x11a: {  	v13 =	vld [tilespmem:$0x560];
	v5 =	vand.u32 $0x1, v45;
	v7 =	vand.u32 $0x1, v46;
	v9 =	vand.u32 $0x1, v49  }
0x11b: {  	v63 =	vld [tilespmem:$0x680];
	v8 =	vand.u32 $0x1, v8;
	v16 =	vand.u32 $0x1, v53;
	v12 =	vand.u32 $0x1, v12  }
0x11c: {  	v32 =	vld [tilespmem:$0x610];
	v62 =	vshrl.u32 v60, v3;
	v24 =	vshrl.u32 v60, v2;
	v46 =	vshrl.u32 v43, v3  }
0x11d: {  	v35 =	vld [tilespmem:$0x1320];
	v49 =	vbroadcast v4, $0x6;
	v30 =	vand.u32 $0x1, v30;
	v60 =	vbroadcast v4, $0x8  }
0x11e: {  	v39 =	vld [tilespmem:$0x630];
	v5 =	vsel vm5, v5, v6;
	v6 =	vsel vm7, v7, v48;
	v41 =	vsel vm10, v9, v50  }
0x11f: {  	v33 =	vld [tilespmem:$0x770];
	v8 =	vsel vm11, v8, v52;
	v7 =	vsel vm13, v16, v18;
	v9 =	vand.u32 $0x1, v55  }
0x120: {  	v47 =	vld [tilespmem:$0x1310];
	v18 =	vand.u32 $0x1, v58;
	vm5 =	vgt.f32 v0, v25;
	vm7 =	vgt.f32 v0, v28  }
0x121: {  	v45 =	vld [tilespmem:$0x690];
	v27 =	vand.u32 $0x1, v62;
	vm10 =	vgt.f32 v0, v31;
	v24 =	vand.u32 $0x1, v24  }
0x122: {  	v43 =	vld [tilespmem:$0x6E0];
	vm11 =	vgt.f32 v0, v34;
	v34 =	vand.u32 $0x1, v46;
	vm13 =	vgt.f32 v0, v38  }
0x123: {  	v16 =	vld [tilespmem:$0x5E0];
	v50 =	vsel vm14, $0x1, v1;
	v55 =	vbroadcast v4, $0x7;
	v62 =	vsel vm9, $0x1, v1  }
0x124: {  	v25 =	vld [tilespmem:$0x12F0];
	v9 =	vsel vm15, v9, v57;
	v18 =	vsel vm5, v18, v59;
	v12 =	vsel vm7, v12, v61  }
0x125: {  	v38 =	vld [tilespmem:$0x620];
	v22 =	vsel vm10, v27, v42;
	v24 =	vsel vm11, v24, v44;
	v27 =	vsel vm13, v34, v37  }
0x126: {  	v48 =	vld [tilespmem:$0x6A0];
	vm15 =	vgt.f32 v0, v40;
	vm4 =	vgt.f32 v11, v10;
	v51 =	vshrl.u32 v49, v3  }
0x127: {  	v52 =	vld [tilespmem:$0x6B0];
	vm5 =	vgt.f32 v0, v14;
	vm6 =	vgt.f32 v54, v15;
	v54 =	vshrl.u32 v49, v2  }
0x128: {  	v46 =	vld [tilespmem:$0x670];
	vm7 =	vgt.f32 v0, v19;
	vm10 =	vgt.f32 v0, v20;
	vm13 =	vgt.f32 v0, v29  }
0x129: {  	v31 =	vld [tilespmem:$0x13E0];
	v21 =	vshrl.u32 v60, v2;
	v30 =	vsel vm15, v30, v50;
	v53 =	vsel vm4, $0x1, v1  }
0x12a: {  	v14 =	vld [tilespmem:$0x1330];
	v10 =	vand.u32 $0x1, v51;
	v56 =	vsel vm6, $0x1, v1;
	v15 =	vand.u32 $0x1, v54  }
0x12b: {  	v34 =	vld [tilespmem:$0x640];
	v58 =	vshrl.u32 v55, v3;
	v17 =	vshrl.u32 v55, v2;
	vm12 =	vgt.f32 v63, v26  }
0x12c: {  	v57 =	vld [tilespmem:$0x6C0];
	v63 =	vshrl.u32 v60, v3;
	v21 =	vand.u32 $0x1, v21;
	v10 =	vsel vm5, v10, v53  }
0x12d: {  	v37 =	vld [tilespmem:$0x650];
	v15 =	vsel vm7, v15, v56;
	v17 =	vand.u32 $0x1, v17;
	v28 =	vsel vm12, $0x1, v1  }
0x12e: {  	v61 =	vld [tilespmem:$0x6D0];
	vm15 =	vgt.f32 v0, v47;
	vm5 =	vgt.f32 v0, v35;
	v53 =	vbroadcast v4, $0xA  }
0x12f: {  	v42 =	vld [tilespmem:$0x1350];
	vm14 =	vgt.f32 v45, v32;
	v45 =	vbroadcast v4, $0x9;
	vm8 =	vgt.f32 v16, v13  }
0x130: {  	v44 =	vld [tilespmem:$0x1360];
	v13 =	vand.u32 $0x1, v58;
	vm11 =	vgt.f32 v0, v25;
	v25 =	vand.u32 $0x1, v63  }
0x131: {  	v49 =	vld [tilespmem:$0x1370];
	v32 =	vsel vm14, $0x1, v1;
	vm4 =	vgt.f32 v48, v38;
	vm6 =	vgt.f32 v52, v39  }
0x132: {  	[tilespmem:$0x1B20] =	vst v41;
	v41 =	vld [tilespmem:$0x13A0];
	v59 =	vsel vm8, $0x1, v1;
	v17 =	vsel vm11, v17, v62;
	v19 =	vsel vm13, v25, v28  }
0x133: {  	[tilespmem:$0x1B00] =	vst v5;
	v26 =	vld [tilespmem:$0x660];
	v5 =	vsel vm15, v21, v32;
	v48 =	vshrl.u32 v45, v3;
	v50 =	vsel vm4, $0x1, v1  }
0x134: {  	[tilespmem:$0x1B10] =	vst v6;
	v51 =	vld [tilespmem:$0x700];
	v52 =	vshrl.u32 v45, v2;
	v55 =	vsel vm6, $0x1, v1;
	vm7 =	vgt.f32 v0, v14  }
0x135: {  	[tilespmem:$0x1B30] =	vst v8;
	v54 =	vld [tilespmem:$0x780];
	vm8 =	vgt.f32 v57, v34;
	v57 =	vshrl.u32 v53, v3;
	vm9 =	vgt.f32 v61, v37  }
0x136: {  	[tilespmem:$0x1B40] =	vst v7;
	v29 =	vld [tilespmem:$0x7E0];
	v61 =	vshrl.u32 v53, v2;
	v62 =	vbroadcast v4, $0xB;
	vm11 =	vgt.f32 v0, v42  }
0x137: {  	[tilespmem:$0x1B50] =	vst v9;
	v47 =	vld [tilespmem:$0x6F0];
	vm13 =	vgt.f32 v0, v44;
	vm15 =	vgt.f32 v0, v49;
	v25 =	vbroadcast v4, $0xE  }
0x138: {  	v60 =	vld [tilespmem:$0x790];
	[tilespmem:$0x1B60] =	vst v18;
	v13 =	vsel vm10, v13, v59;
	v21 =	vand.u32 $0x1, v48;
	v11 =	vand.u32 $0x1, v52  }
0x139: {  	[tilespmem:$0x1B70] =	vst v12;
	v56 =	vld [tilespmem:$0x1380];
	v59 =	vsel vm8, $0x1, v1;
	v7 =	vand.u32 $0x1, v57;
	v34 =	vsel vm9, $0x1, v1  }
0x13a: {  	[tilespmem:$0x1B80] =	vst v22;
	v35 =	vld [tilespmem:$0x7F0];
	v36 =	vand.u32 $0x1, v61;
	vm12 =	vgt.f32 v43, v26;
	vm4 =	vgt.f32 v54, v51  }
0x13b: {  	[tilespmem:$0x1B90] =	vst v24;
	v16 =	vld [tilespmem:$0x1340];
	v6 =	vsel vm5, v21, v50;
	v8 =	vsel vm7, v11, v55;
	v38 =	vshrl.u32 v62, v3  }
0x13c: {  	[tilespmem:$0x1BA0] =	vst v27;
	v58 =	vld [tilespmem:$0x710];
	v40 =	vsel vm12, $0x1, v1;
	v42 =	vsel vm11, v36, v34;
	vm14 =	vgt.f32 v47, v46  }
0x13d: {  	[tilespmem:$0x1BB0] =	vst v30;
	v63 =	vld [tilespmem:$0x1390];
	v45 =	vshrl.u32 v62, v2;
	v46 =	vbroadcast v4, $0xC;
	v52 =	vsel vm4, $0x1, v1  }
0x13e: {  	[tilespmem:$0x1BC0] =	vst v10;
	v39 =	vld [tilespmem:$0x7A0];
	vm5 =	vgt.f32 v0, v56;
	v55 =	vbroadcast v4, $0xD;
	v30 =	vshrl.u32 v25, v3  }
0x13f: {  	[tilespmem:$0x1BD0] =	vst v15;
	v37 =	vld [tilespmem:$0x720];
	v36 =	vshrl.u32 v25, v2;
	v4 =	vbroadcast v4, $0xF;
	v22 =	vand.u32 $0x1, v38  }
0x140: {  	v44 =	vld [tilespmem:$0x730];
	[tilespmem:$0x1BF0] =	vst v17;
	v48 =	vsel vm14, $0x1, v1;
	v9 =	vand.u32 $0x1, v30;
	vm10 =	vgt.f32 v0, v16  }
0x141: {  	v49 =	vld [tilespmem:$0x13B0];
	[tilespmem:$0x1C00] =	vst v19;
	v43 =	vsel vm13, v22, v40;
	v22 =	vand.u32 $0x1, v45;
	v50 =	vshrl.u32 v46, v3  }
0x142: {  	v53 =	vld [tilespmem:$0x7C0];
	[tilespmem:$0x1C10] =	vst v5;
	vm6 =	vgt.f32 v60, v58;
	v54 =	vshrl.u32 v46, v2;
	vm7 =	vgt.f32 v0, v63  }
0x143: {  	v51 =	vld [tilespmem:$0x740];
	[tilespmem:$0x1BE0] =	vst v13;
	v24 =	vshrl.u32 v55, v2;
	v40 =	vshrl.u32 v4, v3;
	v4 =	vshrl.u32 v4, v2  }
0x144: {  	v26 =	vld [tilespmem:$0x760];
	[tilespmem:$0x1C20] =	vst v6;
	v7 =	vsel vm10, v7, v59;
	v10 =	vsel vm15, v22, v48;
	v15 =	vand.u32 $0x1, v50  }
0x145: {  	v47 =	vld [tilespmem:$0x7B0];
	[tilespmem:$0x1C30] =	vst v8;
	v57 =	vsel vm6, $0x1, v1;
	v11 =	vand.u32 $0x1, v54;
	vm8 =	vgt.f32 v39, v37  }
0x146: {  	v56 =	vld [tilespmem:$0x13C0];
	[tilespmem:$0x1C50] =	vst v42;
	v59 =	vshrl.u32 v55, v3;
	vm10 =	vgt.f32 v0, v41;
	v8 =	vand.u32 $0x1, v24  }
0x147: {  	v58 =	vld [tilespmem:$0x750];
	vm11 =	vgt.f32 v0, v49;
	[tilespmem:$0x1C60] =	vst v43;
	v6 =	vand.u32 $0x1, v40;
	vm6 =	vgt.f32 v35, v33  }
0x148: {  	v60 =	vld [tilespmem:$0x7D0];
	v4 =	vand.u32 $0x1, v4;
	v13 =	vsel vm5, v15, v52;
	v61 =	vsel vm7, v11, v57;
	[tilespmem:$0x1C40] =	vst v7  }
0x149: {  	v63 =	vld [tilespmem:$0x13D0];
	v62 =	vsel vm8, $0x1, v1;
	v5 =	vand.u32 $0x1, v59;
	vm12 =	vgt.f32 v53, v51;
	[tilespmem:$0x1C70] =	vst v10  }
0x14a: {  	v37 =	vld [tilespmem:$0x13F0];
	v10 =	vand.u32 $0x1, v36;
	vm4 =	vgt.f32 v29, v26;
	vm5 =	vgt.f32 v0, v31;
	[tilespmem:$0x1C80] =	vst v13  }
0x14b: {  	v32 =	vsel vm12, $0x1, v1;
	vm13 =	vgt.f32 v0, v56;
	v5 =	vsel vm10, v5, v62;
	[tilespmem:$0x1C90] =	vst v61  }
0x14c: {  	vm9 =	vgt.f32 v47, v44;
	v41 =	vsel vm4, $0x1, v1;
	v34 =	vsel vm13, v9, v32;
	[tilespmem:$0x1CA0] =	vst v5  }
0x14d: {  	v28 =	vsel vm9, $0x1, v1;
	v6 =	vsel vm5, v6, v41;
	vm14 =	vgt.f32 v60, v58;
	[tilespmem:$0x1CC0] =	vst v34  }
0x14e: {  	v7 =	vsel vm11, v8, v28;
	vm15 =	vgt.f32 v0, v63;
	[tilespmem:$0x1CE0] =	vst v6;
	v38 =	vsel vm14, $0x1, v1  }
0x14f: {  	v42 =	vsel vm6, $0x1, v1;
	[tilespmem:$0x1CB0] =	vst v7;
	vm7 =	vgt.f32 v0, v37;
	v39 =	vsel vm15, v10, v38  }
0x150: {  	v4 =	vsel vm7, v4, v42;
	[tilespmem:$0x1CD0] =	vst v39  }
0x151: {  	s26 =	simm.s32 $0x3;
	[tilespmem:$0x1CF0] =	vst v4  }
0x152: {  	_ =	swait.ge [sflag:s26], $0x400  }
0x153: {  	[sflag:s26] =	ssyncset.done $0x0  }
0x154: {  	[sflag:s26] =	ssyncadd.s32 $0xFFFFFC00  }
0x155: {  	_ =	swait.ge [sflag:s26], $0x200  }
0x156: {  	[sflag:s26] =	ssyncset.done $0x0  }
0x157: {  	[sflag:s26] =	ssyncadd.s32 $0xFFFFFE00  }
0x158: {  	_ =	swait.ge [sflag:s26], $0x10  }
0x159: {  	[sflag:s26] =	ssyncset.done $0x0  }
0x15a: {  	[sflag:s26] =	ssyncadd.s32 $0xFFFFFFF0  }
0x15b: {  	v4 =	vld [tilespmem:$0x1820]  }
0x15c: {  	v43 =	vld [tilespmem:$0x800]  }
0x15d: {  	v45 =	vld [tilespmem:$0x880]  }
0x15e: {  	v46 =	vld [tilespmem:$0x1400]  }
0x15f: {  	v47 =	vld [tilespmem:$0x810]  }
0x160: {  	v48 =	vld [tilespmem:$0x890]  }
0x161: {  	v10 =	vld [tilespmem:$0x1410]  }
0x162: {  	v49 =	vld [tilespmem:$0x820]  }
0x163: {  	v50 =	vld [tilespmem:$0x8A0]  }
0x164: {  	v13 =	vld [tilespmem:$0x1420]  }
0x165: {  	v51 =	vld [tilespmem:$0x830]  }
0x166: {  	v52 =	vld [tilespmem:$0x8B0]  }
0x167: {  	v16 =	vld [tilespmem:$0x1430]  }
0x168: {  	v53 =	vld [tilespmem:$0x840]  }
0x169: {  	v54 =	vld [tilespmem:$0x8C0]  }
0x16a: {  	v55 =	vld [tilespmem:$0x1440]  }
0x16b: {  	v56 =	vld [tilespmem:$0x850]  }
0x16c: {  	v57 =	vld [tilespmem:$0x8D0]  }
0x16d: {  	v22 =	vld [tilespmem:$0x1450]  }
0x16e: {  	v58 =	vld [tilespmem:$0x860]  }
0x16f: {  	v59 =	vld [tilespmem:$0x8E0]  }
0x170: {  	v25 =	vld [tilespmem:$0x1460]  }
0x171: {  	v60 =	vld [tilespmem:$0x870]  }
0x172: {  	v61 =	vld [tilespmem:$0x8F0]  }
0x173: {  	v28 =	vld [tilespmem:$0x1470]  }
0x174: {  	v62 =	vld [tilespmem:$0x900]  }
0x175: {  	v63 =	vld [tilespmem:$0x980]  }
0x176: {  	v31 =	vld [tilespmem:$0x1480]  }
0x177: {  	v32 =	vld [tilespmem:$0x910]  }
0x178: {  	v33 =	vld [tilespmem:$0x990]  }
0x179: {  	v34 =	vld [tilespmem:$0x1490]  }
0x17a: {  	v36 =	vld [tilespmem:$0x920]  }
0x17b: {  	v37 =	vld [tilespmem:$0x9A0]  }
0x17c: {  	v38 =	vld [tilespmem:$0x14A0];
	v44 =	vbroadcast v4, $0x0;
	vm8 =	vgt.f32 v45, v43;
	vm9 =	vgt.f32 v0, v46  }
0x17d: {  	v39 =	vld [tilespmem:$0x930];
	vm10 =	vgt.f32 v48, v47;
	v47 =	vbroadcast v4, $0x1;
	vm11 =	vgt.f32 v0, v10  }
0x17e: {  	v35 =	vld [tilespmem:$0x9B0];
	vm12 =	vgt.f32 v50, v49;
	vm13 =	vgt.f32 v52, v51;
	v51 =	vbroadcast v4, $0x2  }
0x17f: {  	v40 =	vld [tilespmem:$0x14B0];
	vm14 =	vgt.f32 v0, v13;
	vm15 =	vgt.f32 v0, v16;
	vm4 =	vgt.f32 v54, v53  }
0x180: {  	v11 =	vld [tilespmem:$0x9C0];
	vm5 =	vgt.f32 v0, v55;
	vm6 =	vgt.f32 v57, v56;
	v56 =	vbroadcast v4, $0x3  }
0x181: {  	v14 =	vld [tilespmem:$0x14C0];
	vm7 =	vgt.f32 v0, v22;
	v43 =	vbroadcast v4, $0x5;
	v6 =	vsel vm8, $0x1, v1  }
0x182: {  	v15 =	vld [tilespmem:$0x950];
	v48 =	vsel vm10, $0x1, v1;
	v50 =	vsel vm12, $0x1, v1;
	v52 =	vsel vm13, $0x1, v1  }
0x183: {  	v19 =	vld [tilespmem:$0x14D0];
	v18 =	vsel vm4, $0x1, v1;
	v57 =	vsel vm6, $0x1, v1;
	vm8 =	vgt.f32 v59, v58  }
0x184: {  	v21 =	vld [tilespmem:$0x970];
	vm10 =	vgt.f32 v61, v60;
	v60 =	vbroadcast v4, $0x4;
	vm12 =	vgt.f32 v63, v62  }
0x185: {  	v23 =	vld [tilespmem:$0x9F0];
	vm13 =	vgt.f32 v33, v32;
	vm4 =	vgt.f32 v37, v36;
	vm6 =	vgt.f32 v35, v39  }
0x186: {  	v20 =	vld [tilespmem:$0x14E0];
	v45 =	vshrl.u32 v44, v3;
	v46 =	vshrl.u32 v44, v2;
	v49 =	vshrl.u32 v47, v3  }
0x187: {  	v26 =	vld [tilespmem:$0xA00];
	v8 =	vshrl.u32 v47, v2;
	v53 =	vshrl.u32 v51, v3;
	v55 =	vshrl.u32 v51, v2  }
0x188: {  	v29 =	vld [tilespmem:$0x1500];
	v58 =	vshrl.u32 v56, v3;
	v59 =	vsel vm8, $0x1, v1;
	v12 =	vshrl.u32 v56, v2  }
0x189: {  	v10 =	vld [tilespmem:$0x940];
	v61 =	vsel vm10, $0x1, v1;
	v42 =	vsel vm12, $0x1, v1;
	v44 =	vsel vm13, $0x1, v1  }
0x18a: {  	v54 =	vld [tilespmem:$0x9D0];
	v37 =	vsel vm4, $0x1, v1;
	v30 =	vshrl.u32 v43, v2;
	vm13 =	vgt.f32 v23, v21  }
0x18b: {  	v13 =	vld [tilespmem:$0x960];
	v5 =	vand.u32 $0x1, v45;
	v7 =	vand.u32 $0x1, v46;
	v9 =	vand.u32 $0x1, v49  }
0x18c: {  	v63 =	vld [tilespmem:$0xA80];
	v8 =	vand.u32 $0x1, v8;
	v16 =	vand.u32 $0x1, v53;
	v12 =	vand.u32 $0x1, v12  }
0x18d: {  	v32 =	vld [tilespmem:$0xA10];
	v62 =	vshrl.u32 v60, v3;
	v24 =	vshrl.u32 v60, v2;
	v46 =	vshrl.u32 v43, v3  }
0x18e: {  	v35 =	vld [tilespmem:$0x1520];
	v49 =	vbroadcast v4, $0x6;
	v30 =	vand.u32 $0x1, v30;
	v60 =	vbroadcast v4, $0x8  }
0x18f: {  	v39 =	vld [tilespmem:$0xA30];
	v5 =	vsel vm9, v5, v6;
	v6 =	vsel vm11, v7, v48;
	v41 =	vsel vm14, v9, v50  }
0x190: {  	v33 =	vld [tilespmem:$0xB70];
	v8 =	vsel vm15, v8, v52;
	v7 =	vsel vm5, v16, v18;
	v9 =	vand.u32 $0x1, v55  }
0x191: {  	v47 =	vld [tilespmem:$0x1510];
	v18 =	vand.u32 $0x1, v58;
	vm9 =	vgt.f32 v0, v25;
	vm11 =	vgt.f32 v0, v28  }
0x192: {  	v45 =	vld [tilespmem:$0xA90];
	v27 =	vand.u32 $0x1, v62;
	vm14 =	vgt.f32 v0, v31;
	v24 =	vand.u32 $0x1, v24  }
0x193: {  	v43 =	vld [tilespmem:$0xAE0];
	vm15 =	vgt.f32 v0, v34;
	v34 =	vand.u32 $0x1, v46;
	vm5 =	vgt.f32 v0, v38  }
0x194: {  	v16 =	vld [tilespmem:$0x9E0];
	v50 =	vsel vm6, $0x1, v1;
	v55 =	vbroadcast v4, $0x7;
	v62 =	vsel vm13, $0x1, v1  }
0x195: {  	v25 =	vld [tilespmem:$0x14F0];
	v9 =	vsel vm7, v9, v57;
	v18 =	vsel vm9, v18, v59;
	v12 =	vsel vm11, v12, v61  }
0x196: {  	v38 =	vld [tilespmem:$0xA20];
	v22 =	vsel vm14, v27, v42;
	v24 =	vsel vm15, v24, v44;
	v27 =	vsel vm5, v34, v37  }
0x197: {  	v48 =	vld [tilespmem:$0xAA0];
	vm7 =	vgt.f32 v0, v40;
	vm8 =	vgt.f32 v11, v10;
	v51 =	vshrl.u32 v49, v3  }
0x198: {  	v52 =	vld [tilespmem:$0xAB0];
	vm9 =	vgt.f32 v0, v14;
	vm10 =	vgt.f32 v54, v15;
	v54 =	vshrl.u32 v49, v2  }
0x199: {  	v46 =	vld [tilespmem:$0xA70];
	vm11 =	vgt.f32 v0, v19;
	vm14 =	vgt.f32 v0, v20;
	vm5 =	vgt.f32 v0, v29  }
0x19a: {  	v31 =	vld [tilespmem:$0x15E0];
	v21 =	vshrl.u32 v60, v2;
	v30 =	vsel vm7, v30, v50;
	v53 =	vsel vm8, $0x1, v1  }
0x19b: {  	v14 =	vld [tilespmem:$0x1530];
	v10 =	vand.u32 $0x1, v51;
	v56 =	vsel vm10, $0x1, v1;
	v15 =	vand.u32 $0x1, v54  }
0x19c: {  	v34 =	vld [tilespmem:$0xA40];
	v58 =	vshrl.u32 v55, v3;
	v17 =	vshrl.u32 v55, v2;
	vm4 =	vgt.f32 v63, v26  }
0x19d: {  	v57 =	vld [tilespmem:$0xAC0];
	v63 =	vshrl.u32 v60, v3;
	v21 =	vand.u32 $0x1, v21;
	v10 =	vsel vm9, v10, v53  }
0x19e: {  	v37 =	vld [tilespmem:$0xA50];
	v15 =	vsel vm11, v15, v56;
	v17 =	vand.u32 $0x1, v17;
	v28 =	vsel vm4, $0x1, v1  }
0x19f: {  	v61 =	vld [tilespmem:$0xAD0];
	vm7 =	vgt.f32 v0, v47;
	vm9 =	vgt.f32 v0, v35;
	v53 =	vbroadcast v4, $0xA  }
0x1a0: {  	v42 =	vld [tilespmem:$0x1550];
	vm6 =	vgt.f32 v45, v32;
	v45 =	vbroadcast v4, $0x9;
	vm12 =	vgt.f32 v16, v13  }
0x1a1: {  	v44 =	vld [tilespmem:$0x1560];
	v13 =	vand.u32 $0x1, v58;
	vm15 =	vgt.f32 v0, v25;
	v25 =	vand.u32 $0x1, v63  }
0x1a2: {  	v49 =	vld [tilespmem:$0x1570];
	v32 =	vsel vm6, $0x1, v1;
	vm8 =	vgt.f32 v48, v38;
	vm10 =	vgt.f32 v52, v39  }
0x1a3: {  	[tilespmem:$0x1D20] =	vst v41;
	v41 =	vld [tilespmem:$0x15A0];
	v59 =	vsel vm12, $0x1, v1;
	v17 =	vsel vm15, v17, v62;
	v19 =	vsel vm5, v25, v28  }
0x1a4: {  	[tilespmem:$0x1D00] =	vst v5;
	v26 =	vld [tilespmem:$0xA60];
	v5 =	vsel vm7, v21, v32;
	v48 =	vshrl.u32 v45, v3;
	v50 =	vsel vm8, $0x1, v1  }
0x1a5: {  	[tilespmem:$0x1D10] =	vst v6;
	v51 =	vld [tilespmem:$0xB00];
	v52 =	vshrl.u32 v45, v2;
	v55 =	vsel vm10, $0x1, v1;
	vm11 =	vgt.f32 v0, v14  }
0x1a6: {  	[tilespmem:$0x1D30] =	vst v8;
	v54 =	vld [tilespmem:$0xB80];
	vm12 =	vgt.f32 v57, v34;
	v57 =	vshrl.u32 v53, v3;
	vm13 =	vgt.f32 v61, v37  }
0x1a7: {  	[tilespmem:$0x1D40] =	vst v7;
	v29 =	vld [tilespmem:$0xBE0];
	v61 =	vshrl.u32 v53, v2;
	v62 =	vbroadcast v4, $0xB;
	vm15 =	vgt.f32 v0, v42  }
0x1a8: {  	[tilespmem:$0x1D50] =	vst v9;
	v47 =	vld [tilespmem:$0xAF0];
	vm5 =	vgt.f32 v0, v44;
	vm7 =	vgt.f32 v0, v49;
	v25 =	vbroadcast v4, $0xE  }
0x1a9: {  	v60 =	vld [tilespmem:$0xB90];
	[tilespmem:$0x1D60] =	vst v18;
	v13 =	vsel vm14, v13, v59;
	v21 =	vand.u32 $0x1, v48;
	v11 =	vand.u32 $0x1, v52  }
0x1aa: {  	[tilespmem:$0x1D70] =	vst v12;
	v56 =	vld [tilespmem:$0x1580];
	v59 =	vsel vm12, $0x1, v1;
	v7 =	vand.u32 $0x1, v57;
	v34 =	vsel vm13, $0x1, v1  }
0x1ab: {  	[tilespmem:$0x1D80] =	vst v22;
	v35 =	vld [tilespmem:$0xBF0];
	v36 =	vand.u32 $0x1, v61;
	vm4 =	vgt.f32 v43, v26;
	vm8 =	vgt.f32 v54, v51  }
0x1ac: {  	[tilespmem:$0x1D90] =	vst v24;
	v16 =	vld [tilespmem:$0x1540];
	v6 =	vsel vm9, v21, v50;
	v8 =	vsel vm11, v11, v55;
	v38 =	vshrl.u32 v62, v3  }
0x1ad: {  	[tilespmem:$0x1DA0] =	vst v27;
	v58 =	vld [tilespmem:$0xB10];
	v40 =	vsel vm4, $0x1, v1;
	v42 =	vsel vm15, v36, v34;
	vm6 =	vgt.f32 v47, v46  }
0x1ae: {  	[tilespmem:$0x1DB0] =	vst v30;
	v63 =	vld [tilespmem:$0x1590];
	v45 =	vshrl.u32 v62, v2;
	v46 =	vbroadcast v4, $0xC;
	v52 =	vsel vm8, $0x1, v1  }
0x1af: {  	[tilespmem:$0x1DC0] =	vst v10;
	v39 =	vld [tilespmem:$0xBA0];
	vm9 =	vgt.f32 v0, v56;
	v55 =	vbroadcast v4, $0xD;
	v30 =	vshrl.u32 v25, v3  }
0x1b0: {  	[tilespmem:$0x1DD0] =	vst v15;
	v37 =	vld [tilespmem:$0xB20];
	v36 =	vshrl.u32 v25, v2;
	v4 =	vbroadcast v4, $0xF;
	v22 =	vand.u32 $0x1, v38  }
0x1b1: {  	v44 =	vld [tilespmem:$0xB30];
	[tilespmem:$0x1DF0] =	vst v17;
	v48 =	vsel vm6, $0x1, v1;
	v9 =	vand.u32 $0x1, v30;
	vm14 =	vgt.f32 v0, v16  }
0x1b2: {  	v49 =	vld [tilespmem:$0x15B0];
	[tilespmem:$0x1E00] =	vst v19;
	v43 =	vsel vm5, v22, v40;
	v22 =	vand.u32 $0x1, v45;
	v50 =	vshrl.u32 v46, v3  }
0x1b3: {  	v53 =	vld [tilespmem:$0xBC0];
	[tilespmem:$0x1E10] =	vst v5;
	vm10 =	vgt.f32 v60, v58;
	v54 =	vshrl.u32 v46, v2;
	vm11 =	vgt.f32 v0, v63  }
0x1b4: {  	v51 =	vld [tilespmem:$0xB40];
	[tilespmem:$0x1DE0] =	vst v13;
	v24 =	vshrl.u32 v55, v2;
	v40 =	vshrl.u32 v4, v3;
	v4 =	vshrl.u32 v4, v2  }
0x1b5: {  	v26 =	vld [tilespmem:$0xB60];
	[tilespmem:$0x1E20] =	vst v6;
	v7 =	vsel vm14, v7, v59;
	v10 =	vsel vm7, v22, v48;
	v15 =	vand.u32 $0x1, v50  }
0x1b6: {  	v47 =	vld [tilespmem:$0xBB0];
	[tilespmem:$0x1E30] =	vst v8;
	v57 =	vsel vm10, $0x1, v1;
	v11 =	vand.u32 $0x1, v54;
	vm12 =	vgt.f32 v39, v37  }
0x1b7: {  	v56 =	vld [tilespmem:$0x15C0];
	[tilespmem:$0x1E50] =	vst v42;
	v59 =	vshrl.u32 v55, v3;
	vm14 =	vgt.f32 v0, v41;
	v8 =	vand.u32 $0x1, v24  }
0x1b8: {  	v58 =	vld [tilespmem:$0xB50];
	vm15 =	vgt.f32 v0, v49;
	[tilespmem:$0x1E60] =	vst v43;
	v6 =	vand.u32 $0x1, v40;
	vm10 =	vgt.f32 v35, v33  }
0x1b9: {  	v60 =	vld [tilespmem:$0xBD0];
	v4 =	vand.u32 $0x1, v4;
	v13 =	vsel vm9, v15, v52;
	v61 =	vsel vm11, v11, v57;
	[tilespmem:$0x1E40] =	vst v7  }
0x1ba: {  	v63 =	vld [tilespmem:$0x15D0];
	v62 =	vsel vm12, $0x1, v1;
	v5 =	vand.u32 $0x1, v59;
	vm4 =	vgt.f32 v53, v51;
	[tilespmem:$0x1E70] =	vst v10  }
0x1bb: {  	v37 =	vld [tilespmem:$0x15F0];
	v10 =	vand.u32 $0x1, v36;
	vm8 =	vgt.f32 v29, v26;
	vm9 =	vgt.f32 v0, v31;
	[tilespmem:$0x1E80] =	vst v13  }
0x1bc: {  	v32 =	vsel vm4, $0x1, v1;
	vm5 =	vgt.f32 v0, v56;
	v5 =	vsel vm14, v5, v62;
	[tilespmem:$0x1E90] =	vst v61  }
0x1bd: {  	vm13 =	vgt.f32 v47, v44;
	v41 =	vsel vm8, $0x1, v1;
	v34 =	vsel vm5, v9, v32;
	[tilespmem:$0x1EA0] =	vst v5  }
0x1be: {  	v28 =	vsel vm13, $0x1, v1;
	v6 =	vsel vm9, v6, v41;
	vm6 =	vgt.f32 v60, v58;
	[tilespmem:$0x1EC0] =	vst v34  }
0x1bf: {  	v7 =	vsel vm15, v8, v28;
	vm7 =	vgt.f32 v0, v63;
	[tilespmem:$0x1EE0] =	vst v6;
	v38 =	vsel vm6, $0x1, v1  }
0x1c0: {  	v42 =	vsel vm10, $0x1, v1;
	[tilespmem:$0x1EB0] =	vst v7;
	vm11 =	vgt.f32 v0, v37;
	v39 =	vsel vm7, v10, v38  }
0x1c1: {  	v4 =	vsel vm11, v4, v42;
	[tilespmem:$0x1ED0] =	vst v39  }
0x1c2: {  	s28 =	simm.s32 $0x4;
	[tilespmem:$0x1EF0] =	vst v4  }
0x1c3: {  	_ =	swait.ge [sflag:s28], $0x400  }
0x1c4: {  	[sflag:s28] =	ssyncset.done $0x0  }
0x1c5: {  	[sflag:s28] =	ssyncadd.s32 $0xFFFFFC00  }
0x1c6: {  	_ =	swait.ge [sflag:s28], $0x200  }
0x1c7: {  	[sflag:s28] =	ssyncset.done $0x0  }
0x1c8: {  	[sflag:s28] =	ssyncadd.s32 $0xFFFFFE00  }
0x1c9: {  	_ =	swait.ge [sflag:s28], $0x10  }
0x1ca: {  	[sflag:s28] =	ssyncset.done $0x0  }
0x1cb: {  	[sflag:s28] =	ssyncadd.s32 $0xFFFFFFF0  }
0x1cc: {  	v4 =	vld [tilespmem:$0x1830]  }
0x1cd: {  	v43 =	vld [tilespmem:$0xC00]  }
0x1ce: {  	v56 =	vld [tilespmem:$0xC80]  }
0x1cf: {  	v57 =	vld [tilespmem:$0x1600]  }
0x1d0: {  	v58 =	vld [tilespmem:$0xC10]  }
0x1d1: {  	v59 =	vld [tilespmem:$0xC90]  }
0x1d2: {  	v10 =	vld [tilespmem:$0x1610]  }
0x1d3: {  	v60 =	vld [tilespmem:$0xC20]  }
0x1d4: {  	v61 =	vld [tilespmem:$0xCA0]  }
0x1d5: {  	v13 =	vld [tilespmem:$0x1620]  }
0x1d6: {  	v62 =	vld [tilespmem:$0xC30]  }
0x1d7: {  	v63 =	vld [tilespmem:$0xCB0]  }
0x1d8: {  	v44 =	vld [tilespmem:$0x1630]  }
0x1d9: {  	v45 =	vld [tilespmem:$0xC40]  }
0x1da: {  	v46 =	vld [tilespmem:$0xCC0]  }
0x1db: {  	v47 =	vld [tilespmem:$0x1640]  }
0x1dc: {  	v48 =	vld [tilespmem:$0xC50]  }
0x1dd: {  	v49 =	vld [tilespmem:$0xCD0]  }
0x1de: {  	v22 =	vld [tilespmem:$0x1650]  }
0x1df: {  	v50 =	vld [tilespmem:$0xC60]  }
0x1e0: {  	v51 =	vld [tilespmem:$0xCE0]  }
0x1e1: {  	v52 =	vld [tilespmem:$0x1660]  }
0x1e2: {  	v53 =	vld [tilespmem:$0xC70]  }
0x1e3: {  	v54 =	vld [tilespmem:$0xCF0]  }
0x1e4: {  	v28 =	vld [tilespmem:$0x1670]  }
0x1e5: {  	v29 =	vld [tilespmem:$0xD00]  }
0x1e6: {  	v30 =	vld [tilespmem:$0xD80]  }
0x1e7: {  	v31 =	vld [tilespmem:$0x1680]  }
0x1e8: {  	v32 =	vld [tilespmem:$0xD10]  }
0x1e9: {  	v33 =	vld [tilespmem:$0xD90]  }
0x1ea: {  	v34 =	vld [tilespmem:$0x1690]  }
0x1eb: {  	v36 =	vld [tilespmem:$0xD20]  }
0x1ec: {  	v37 =	vld [tilespmem:$0xDA0]  }
0x1ed: {  	v38 =	vld [tilespmem:$0x16A0]  }
0x1ee: {  	v39 =	vld [tilespmem:$0xD30]  }
0x1ef: {  	v35 =	vld [tilespmem:$0xDB0];
	v55 =	vbroadcast v4, $0x0;
	vm12 =	vgt.f32 v56, v43;
	vm13 =	vgt.f32 v0, v57  }
0x1f0: {  	v40 =	vld [tilespmem:$0x16B0];
	vm14 =	vgt.f32 v59, v58;
	v58 =	vbroadcast v4, $0x1;
	vm15 =	vgt.f32 v0, v10  }
0x1f1: {  	v11 =	vld [tilespmem:$0xDC0];
	vm4 =	vgt.f32 v61, v60;
	vm5 =	vgt.f32 v63, v62;
	v62 =	vbroadcast v4, $0x2  }
0x1f2: {  	v14 =	vld [tilespmem:$0x16C0];
	vm6 =	vgt.f32 v0, v13;
	vm7 =	vgt.f32 v0, v44;
	vm8 =	vgt.f32 v46, v45  }
0x1f3: {  	v15 =	vld [tilespmem:$0xD50];
	vm9 =	vgt.f32 v0, v47;
	vm10 =	vgt.f32 v49, v48;
	v47 =	vbroadcast v4, $0x3  }
0x1f4: {  	v19 =	vld [tilespmem:$0x16D0];
	vm11 =	vgt.f32 v0, v22;
	v6 =	vsel vm12, $0x1, v1;
	v59 =	vsel vm14, $0x1, v1  }
0x1f5: {  	v20 =	vld [tilespmem:$0x16E0];
	v61 =	vsel vm4, $0x1, v1;
	v63 =	vsel vm5, $0x1, v1;
	v18 =	vsel vm8, $0x1, v1  }
0x1f6: {  	v21 =	vld [tilespmem:$0xD70];
	v49 =	vsel vm10, $0x1, v1;
	vm12 =	vgt.f32 v51, v50;
	vm14 =	vgt.f32 v54, v53  }
0x1f7: {  	v25 =	vld [tilespmem:$0x16F0];
	v53 =	vbroadcast v4, $0x4;
	vm4 =	vgt.f32 v30, v29;
	vm5 =	vgt.f32 v33, v32  }
0x1f8: {  	v26 =	vld [tilespmem:$0xE00];
	vm8 =	vgt.f32 v37, v36;
	vm10 =	vgt.f32 v35, v39;
	v56 =	vshrl.u32 v55, v3  }
0x1f9: {  	v10 =	vld [tilespmem:$0xD40];
	v57 =	vshrl.u32 v55, v2;
	v60 =	vshrl.u32 v58, v3;
	v8 =	vshrl.u32 v58, v2  }
0x1fa: {  	v45 =	vld [tilespmem:$0xDD0];
	v44 =	vshrl.u32 v62, v3;
	v46 =	vshrl.u32 v62, v2;
	v50 =	vshrl.u32 v47, v3  }
0x1fb: {  	v13 =	vld [tilespmem:$0xD60];
	v51 =	vsel vm12, $0x1, v1;
	v12 =	vshrl.u32 v47, v2;
	v54 =	vsel vm14, $0x1, v1  }
0x1fc: {  	v48 =	vld [tilespmem:$0xDE0];
	v58 =	vsel vm5, $0x1, v1;
	v37 =	vsel vm8, $0x1, v1;
	v5 =	vand.u32 $0x1, v56  }
0x1fd: {  	v29 =	vld [tilespmem:$0x1700];
	v7 =	vand.u32 $0x1, v57;
	v9 =	vand.u32 $0x1, v60;
	v8 =	vand.u32 $0x1, v8  }
0x1fe: {  	v32 =	vld [tilespmem:$0xE10];
	v16 =	vand.u32 $0x1, v44;
	v12 =	vand.u32 $0x1, v12;
	v55 =	vshrl.u32 v53, v3  }
0x1ff: {  	v33 =	vld [tilespmem:$0xE90];
	v56 =	vsel vm4, $0x1, v1;
	v24 =	vshrl.u32 v53, v2;
	v57 =	vbroadcast v4, $0x5  }
0x200: {  	v36 =	vld [tilespmem:$0x1710];
	v60 =	vbroadcast v4, $0x6;
	v5 =	vsel vm13, v5, v6;
	v6 =	vsel vm15, v7, v59  }
0x201: {  	v35 =	vld [tilespmem:$0x1720];
	v41 =	vsel vm6, v9, v61;
	v8 =	vsel vm7, v8, v63;
	v7 =	vsel vm9, v16, v18  }
0x202: {  	v39 =	vld [tilespmem:$0xE30];
	v9 =	vand.u32 $0x1, v46;
	v18 =	vand.u32 $0x1, v50;
	vm13 =	vgt.f32 v0, v52  }
0x203: {  	v47 =	vld [tilespmem:$0xEC0];
	vm15 =	vgt.f32 v0, v28;
	v27 =	vand.u32 $0x1, v55;
	vm6 =	vgt.f32 v0, v31  }
0x204: {  	v53 =	vld [tilespmem:$0xED0];
	v24 =	vand.u32 $0x1, v24;
	vm7 =	vgt.f32 v0, v34;
	vm9 =	vgt.f32 v0, v38  }
0x205: {  	v52 =	vld [tilespmem:$0xDF0];
	v61 =	vsel vm10, $0x1, v1;
	v9 =	vsel vm11, v9, v49;
	v18 =	vsel vm13, v18, v51  }
0x206: {  	v28 =	vld [tilespmem:$0xE80];
	v12 =	vsel vm15, v12, v54;
	v59 =	vshrl.u32 v57, v3;
	v22 =	vsel vm6, v27, v56  }
0x207: {  	v38 =	vld [tilespmem:$0xE20];
	v24 =	vsel vm7, v24, v58;
	v30 =	vshrl.u32 v57, v2;
	vm11 =	vgt.f32 v0, v40  }
0x208: {  	v31 =	vld [tilespmem:$0xEA0];
	vm12 =	vgt.f32 v11, v10;
	v62 =	vshrl.u32 v60, v3;
	vm13 =	vgt.f32 v0, v14  }
0x209: {  	v63 =	vld [tilespmem:$0xEB0];
	vm14 =	vgt.f32 v45, v15;
	v44 =	vshrl.u32 v60, v2;
	v45 =	vbroadcast v4, $0x7  }
0x20a: {  	v55 =	vld [tilespmem:$0x1750];
	vm15 =	vgt.f32 v0, v19;
	vm4 =	vgt.f32 v48, v13;
	vm6 =	vgt.f32 v0, v20  }
0x20b: {  	v14 =	vld [tilespmem:$0x1730];
	vm7 =	vgt.f32 v0, v25;
	v60 =	vbroadcast v4, $0x9;
	v34 =	vand.u32 $0x1, v59  }
0x20c: {  	v49 =	vld [tilespmem:$0x1740];
	v30 =	vand.u32 $0x1, v30;
	v43 =	vsel vm12, $0x1, v1;
	v10 =	vand.u32 $0x1, v62  }
0x20d: {  	v51 =	vld [tilespmem:$0xE50];
	v46 =	vsel vm14, $0x1, v1;
	v15 =	vand.u32 $0x1, v44;
	v50 =	vsel vm4, $0x1, v1  }
0x20e: {  	v57 =	vld [tilespmem:$0xE60];
	vm10 =	vgt.f32 v33, v32;
	vm14 =	vgt.f32 v0, v35;
	v44 =	vbroadcast v4, $0xA  }
0x20f: {  	v58 =	vld [tilespmem:$0xEE0];
	v27 =	vsel vm9, v34, v37;
	v30 =	vsel vm11, v30, v61;
	v10 =	vsel vm13, v10, v43  }
0x210: {  	[tilespmem:$0x1F20] =	vst v41;
	v41 =	vld [tilespmem:$0xF80];
	v48 =	vshrl.u32 v45, v3;
	v15 =	vsel vm15, v15, v46;
	v17 =	vshrl.u32 v45, v2  }
0x211: {  	v40 =	vld [tilespmem:$0xF50];
	vm9 =	vgt.f32 v0, v29;
	v32 =	vsel vm10, $0x1, v1;
	vm11 =	vgt.f32 v0, v36  }
0x212: {  	v59 =	vld [tilespmem:$0x1760];
	v62 =	vshrl.u32 v60, v3;
	v13 =	vand.u32 $0x1, v48;
	v17 =	vand.u32 $0x1, v17  }
0x213: {  	v33 =	vld [tilespmem:$0xF40];
	v36 =	vand.u32 $0x1, v62;
	v48 =	vshrl.u32 v44, v3;
	vm5 =	vgt.f32 v52, v21  }
0x214: {  	v34 =	vld [tilespmem:$0xE40];
	v52 =	vbroadcast v4, $0x8;
	vm8 =	vgt.f32 v28, v26;
	v13 =	vsel vm6, v13, v50  }
0x215: {  	v61 =	vld [tilespmem:$0xEF0];
	vm12 =	vgt.f32 v31, v38;
	vm13 =	vgt.f32 v63, v39;
	v11 =	vand.u32 $0x1, v48  }
0x216: {  	v45 =	vld [tilespmem:$0x1780];
	v50 =	vbroadcast v4, $0xB;
	v48 =	vbroadcast v4, $0xE;
	v54 =	vsel vm5, $0x1, v1  }
0x217: {  	[tilespmem:$0x1F00] =	vst v5;
	v46 =	vld [tilespmem:$0xF10];
	v28 =	vsel vm8, $0x1, v1;
	v63 =	vsel vm12, $0x1, v1;
	v39 =	vsel vm13, $0x1, v1  }
0x218: {  	[tilespmem:$0x1FB0] =	vst v30;
	v30 =	vld [tilespmem:$0x17B0];
	vm15 =	vgt.f32 v0, v14;
	vm5 =	vgt.f32 v0, v49;
	vm6 =	vgt.f32 v53, v51  }
0x219: {  	[tilespmem:$0x1F10] =	vst v6;
	v31 =	vld [tilespmem:$0x1770];
	v14 =	vshrl.u32 v44, v2;
	vm8 =	vgt.f32 v58, v57;
	v56 =	vshrl.u32 v52, v3  }
0x21a: {  	[tilespmem:$0x1F30] =	vst v8;
	v38 =	vld [tilespmem:$0xF00];
	v17 =	vsel vm7, v17, v54;
	v21 =	vshrl.u32 v52, v2;
	v6 =	vsel vm14, v36, v63  }
0x21b: {  	[tilespmem:$0x1F40] =	vst v7;
	v49 =	vld [tilespmem:$0xF90];
	v52 =	vsel vm6, $0x1, v1;
	vm7 =	vgt.f32 v0, v55;
	v14 =	vand.u32 $0x1, v14  }
0x21c: {  	[tilespmem:$0x1F60] =	vst v18;
	v51 =	vld [tilespmem:$0x1790];
	v54 =	vshrl.u32 v50, v3;
	v18 =	vshrl.u32 v50, v2;
	v25 =	vand.u32 $0x1, v56  }
0x21d: {  	[tilespmem:$0x1F50] =	vst v9;
	v53 =	vld [tilespmem:$0xF20];
	v21 =	vand.u32 $0x1, v21;
	vm4 =	vgt.f32 v47, v34;
	v56 =	vsel vm8, $0x1, v1  }
0x21e: {  	[tilespmem:$0x1F80] =	vst v22;
	v57 =	vld [tilespmem:$0x17A0];
	v22 =	vand.u32 $0x1, v54;
	v58 =	vsel vm7, v14, v52;
	v18 =	vand.u32 $0x1, v18  }
0x21f: {  	[tilespmem:$0x1F70] =	vst v12;
	v55 =	vld [tilespmem:$0xFA0];
	vm14 =	vgt.f32 v0, v45;
	v19 =	vsel vm9, v25, v28;
	v5 =	vsel vm11, v21, v32  }
0x220: {  	[tilespmem:$0x1F90] =	vst v24;
	v36 =	vld [tilespmem:$0xFC0];
	v25 =	vshrl.u32 v60, v2;
	v47 =	vsel vm4, $0x1, v1;
	vm9 =	vgt.f32 v0, v59  }
0x221: {  	[tilespmem:$0x1FA0] =	vst v27;
	v62 =	vld [tilespmem:$0xFB0];
	vm7 =	vgt.f32 v0, v30;
	v43 =	vand.u32 $0x1, v25;
	v9 =	vsel vm5, v11, v47  }
0x222: {  	[tilespmem:$0x1FC0] =	vst v10;
	v54 =	vld [tilespmem:$0x17E0];
	v59 =	vsel vm9, v22, v56;
	vm11 =	vgt.f32 v0, v31;
	vm12 =	vgt.f32 v41, v38  }
0x223: {  	[tilespmem:$0x1FD0] =	vst v15;
	v28 =	vld [tilespmem:$0xE70];
	v7 =	vsel vm15, v43, v39;
	vm13 =	vgt.f32 v49, v46;
	v34 =	vsel vm12, $0x1, v1  }
0x224: {  	[tilespmem:$0x1FE0] =	vst v13;
	v60 =	vld [tilespmem:$0xF30];
	vm15 =	vgt.f32 v0, v51;
	v39 =	vbroadcast v4, $0xD;
	vm5 =	vgt.f32 v0, v57  }
0x225: {  	[tilespmem:$0x1FF0] =	vst v17;
	v38 =	vld [tilespmem:$0x17C0];
	v16 =	vsel vm13, $0x1, v1;
	vm4 =	vgt.f32 v55, v53;
	vm8 =	vgt.f32 v36, v33  }
0x226: {  	[tilespmem:$0x2020] =	vst v6;
	v43 =	vld [tilespmem:$0xFD0];
	v53 =	vshrl.u32 v48, v3;
	v44 =	vsel vm4, $0x1, v1;
	v45 =	vshrl.u32 v39, v3  }
0x227: {  	[tilespmem:$0x2000] =	vst v19;
	v46 =	vld [tilespmem:$0x17D0];
	v19 =	vshrl.u32 v39, v2;
	v55 =	vsel vm8, $0x1, v1;
	v15 =	vand.u32 $0x1, v53  }
0x228: {  	[tilespmem:$0x2050] =	vst v58;
	v49 =	vld [tilespmem:$0xF60];
	vm13 =	vgt.f32 v0, v54;
	vm10 =	vgt.f32 v61, v28;
	v61 =	vbroadcast v4, $0xC  }
0x229: {  	[tilespmem:$0x2010] =	vst v5;
	v51 =	vld [tilespmem:$0xFE0];
	v47 =	vand.u32 $0x1, v45;
	vm6 =	vgt.f32 v62, v60;
	v52 =	vand.u32 $0x1, v19  }
0x22a: {  	[tilespmem:$0x2040] =	vst v9;
	v60 =	vshrl.u32 v48, v2;
	v4 =	vbroadcast v4, $0xF;
	v63 =	vsel vm10, $0x1, v1  }
0x22b: {  	[tilespmem:$0x2060] =	vst v59;
	v50 =	vsel vm6, $0x1, v1;
	vm9 =	vgt.f32 v0, v38;
	v6 =	vsel vm5, v47, v44  }
0x22c: {  	v56 =	vld [tilespmem:$0xF70];
	[tilespmem:$0x2030] =	vst v7;
	v5 =	vand.u32 $0x1, v60;
	v10 =	vsel vm11, v18, v63;
	v31 =	vshrl.u32 v61, v3  }
0x22d: {  	v59 =	vld [tilespmem:$0xFF0];
	v37 =	vshrl.u32 v61, v2;
	v57 =	vsel vm7, v52, v50;
	v58 =	vsel vm9, v15, v55;
	[tilespmem:$0x20A0] =	vst v6  }
0x22e: {  	vm10 =	vgt.f32 v43, v40;
	v61 =	vld [tilespmem:$0x17F0];
	vm11 =	vgt.f32 v0, v46;
	vm12 =	vgt.f32 v51, v49;
	[tilespmem:$0x2070] =	vst v10  }
0x22f: {  	v3 =	vshrl.u32 v4, v3;
	v2 =	vshrl.u32 v4, v2;
	v35 =	vand.u32 $0x1, v31;
	[tilespmem:$0x20B0] =	vst v57  }
0x230: {  	v17 =	vand.u32 $0x1, v37;
	v62 =	vsel vm10, $0x1, v1;
	[tilespmem:$0x20C0] =	vst v58;
	v41 =	vsel vm14, v35, v34  }
0x231: {  	v63 =	vsel vm12, $0x1, v1;
	v3 =	vand.u32 $0x1, v3;
	v42 =	vsel vm15, v17, v16;
	[tilespmem:$0x2080] =	vst v41  }
0x232: {  	v2 =	vand.u32 $0x1, v2;
	v5 =	vsel vm11, v5, v62;
	vm14 =	vgt.f32 v59, v56;
	[tilespmem:$0x2090] =	vst v42  }
0x233: {  	v3 =	vsel vm13, v3, v63;
	[tilespmem:$0x20D0] =	vst v5;
	v1 =	vsel vm14, $0x1, v1;
	vm15 =	vgt.f32 v0, v61  }
0x234: {  	[tilespmem:$0x20E0] =	vst v3;
	v0 =	vsel vm15, v2, v1  }
0x235: {  	s6 =	sadd.s32 s6, s7;
	s30 =	simm.s32 $0x5;
	s29 =	simm.s32 $0x1900;
	[tilespmem:$0x20F0] =	vst v0  }
0x236: {  	[hbm4b:s6+s3] =	stream.linear.scatter [tilespmem:s29], [sflag:$0x6], $0x800, $0x38;
	[tilespmem:$0x3100] =	vst v63  }
0x237: {  	_ =	swait.ge [sflag:s30], $0x80  }
0x238: {  	[sflag:s30] =	ssyncset.done $0x0  }
0x239: {  	[sflag:s30] =	ssyncadd.s32 $0xFFFFFF80  }
0x23a: {  	_ =	swait.ge [sflag:s30], $0x80  }
0x23b: {  	[sflag:s30] =	ssyncset.done $0x0  }
0x23c: {  	[sflag:s30] =	ssyncadd.s32 $0xFFFFFF80  }
0x23d: {  	_ =	swait.ge [sflag:s30], $0x80  }
0x23e: {  	[sflag:s30] =	ssyncset.done $0x0  }
0x23f: {  	[sflag:s30] =	ssyncadd.s32 $0xFFFFFF80  }
0x240: {  	_ =	swait.ge [sflag:s30], $0x80  }
0x241: {  	[sflag:s30] =	ssyncset.done $0x0  }
0x242: {  	[sflag:s30] =	ssyncadd.s32 $0xFFFFFF80  }
0x243: {  	_ =	swait.ge [sflag:s30], $0x80  }
0x244: {  	[sflag:s30] =	ssyncset.done $0x0  }
0x245: {  	[sflag:s30] =	ssyncadd.s32 $0xFFFFFF80  }
0x246: {  	_ =	swait.ge [sflag:s30], $0x80  }
0x247: {  	[sflag:s30] =	ssyncset.done $0x0  }
0x248: {  	[sflag:s30] =	ssyncadd.s32 $0xFFFFFF80  }
0x249: {  	_ =	swait.ge [sflag:s30], $0x80  }
0x24a: {  	[sflag:s30] =	ssyncset.done $0x0  }
0x24b: {  	[sflag:s30] =	ssyncadd.s32 $0xFFFFFF80  }
0x24c: {  	_ =	swait.ge [sflag:s30], $0x80  }
0x24d: {  	[sflag:s30] =	ssyncset.done $0x0  }
0x24e: {  	[sflag:s30] =	ssyncadd.s32 $0xFFFFFF80  }
0x24f: {  	_ =	swait.ge [sflag:s30], $0x80  }
0x250: {  	[sflag:s30] =	ssyncset.done $0x0  }
0x251: {  	[sflag:s30] =	ssyncadd.s32 $0xFFFFFF80  }
0x252: {  	_ =	swait.ge [sflag:s30], $0x80  }
0x253: {  	[sflag:s30] =	ssyncset.done $0x0  }
0x254: {  	[sflag:s30] =	ssyncadd.s32 $0xFFFFFF80  }
0x255: {  	_ =	swait.ge [sflag:s30], $0x80  }
0x256: {  	[sflag:s30] =	ssyncset.done $0x0  }
0x257: {  	[sflag:s30] =	ssyncadd.s32 $0xFFFFFF80  }
0x258: {  	_ =	swait.ge [sflag:s30], $0x80  }
0x259: {  	[sflag:s30] =	ssyncset.done $0x0  }
0x25a: {  	[sflag:s30] =	ssyncadd.s32 $0xFFFFFF80  }
0x25b: {  	_ =	swait.ge [sflag:s30], $0x80  }
0x25c: {  	[sflag:s30] =	ssyncset.done $0x0  }
0x25d: {  	[sflag:s30] =	ssyncadd.s32 $0xFFFFFF80  }
0x25e: {  	_ =	swait.ge [sflag:s30], $0x80  }
0x25f: {  	[sflag:s30] =	ssyncset.done $0x0  }
0x260: {  	[sflag:s30] =	ssyncadd.s32 $0xFFFFFF80  }
0x261: {  	_ =	swait.ge [sflag:s30], $0x80  }
0x262: {  	[sflag:s30] =	ssyncset.done $0x0  }
0x263: {  	[sflag:s30] =	ssyncadd.s32 $0xFFFFFF80  }
0x264: {  	_ =	swait.ge [sflag:s30], $0x80  }
0x265: {  	[sflag:s30] =	ssyncset.done $0x0  }
0x266: {  	[sflag:s30] =	ssyncadd.s32 $0xFFFFFF80  }
0x267: {  	_ =	swait.ge [sflag:s30], $0x80  }
0x268: {  	[sflag:s30] =	ssyncset.done $0x0  }
0x269: {  	[sflag:s30] =	ssyncadd.s32 $0xFFFFFF80  }
0x26a: {  	_ =	swait.ge [sflag:s30], $0x80  }
0x26b: {  	[sflag:s30] =	ssyncset.done $0x0  }
0x26c: {  	[sflag:s30] =	ssyncadd.s32 $0xFFFFFF80  }
0x26d: {  	_ =	swait.ge [sflag:s30], $0x80  }
0x26e: {  	[sflag:s30] =	ssyncset.done $0x0  }
0x26f: {  	[sflag:s30] =	ssyncadd.s32 $0xFFFFFF80  }
0x270: {  	_ =	swait.ge [sflag:s30], $0x80  }
0x271: {  	[sflag:s30] =	ssyncset.done $0x0  }
0x272: {  	[sflag:s30] =	ssyncadd.s32 $0xFFFFFF80  }
0x273: {  	_ =	swait.ge [sflag:s30], $0x80  }
0x274: {  	[sflag:s30] =	ssyncset.done $0x0  }
0x275: {  	[sflag:s30] =	ssyncadd.s32 $0xFFFFFF80  }
0x276: {  	_ =	swait.ge [sflag:s30], $0x80  }
0x277: {  	[sflag:s30] =	ssyncset.done $0x0  }
0x278: {  	[sflag:s30] =	ssyncadd.s32 $0xFFFFFF80  }
0x279: {  	_ =	swait.ge [sflag:s30], $0x80  }
0x27a: {  	[sflag:s30] =	ssyncset.done $0x0  }
0x27b: {  	[sflag:s30] =	ssyncadd.s32 $0xFFFFFF80  }
0x27c: {  	_ =	swait.ge [sflag:s30], $0x80  }
0x27d: {  	[sflag:s30] =	ssyncset.done $0x0  }
0x27e: {  	[sflag:s30] =	ssyncadd.s32 $0xFFFFFF80  }
0x27f: {  	_ =	swait.ge [sflag:s30], $0x80  }
0x280: {  	[sflag:s30] =	ssyncset.done $0x0  }
0x281: {  	[sflag:s30] =	ssyncadd.s32 $0xFFFFFF80  }
0x282: {  	_ =	swait.ge [sflag:s30], $0x80  }
0x283: {  	[sflag:s30] =	ssyncset.done $0x0  }
0x284: {  	[sflag:s30] =	ssyncadd.s32 $0xFFFFFF80  }
0x285: {  	_ =	swait.ge [sflag:s30], $0x80  }
0x286: {  	[sflag:s30] =	ssyncset.done $0x0  }
0x287: {  	[sflag:s30] =	ssyncadd.s32 $0xFFFFFF80  }
0x288: {  	_ =	swait.ge [sflag:s30], $0x80  }
0x289: {  	[sflag:s30] =	ssyncset.done $0x0  }
0x28a: {  	[sflag:s30] =	ssyncadd.s32 $0xFFFFFF80  }
0x28b: {  	_ =	swait.ge [sflag:s30], $0x80  }
0x28c: {  	[sflag:s30] =	ssyncset.done $0x0  }
0x28d: {  	[sflag:s30] =	ssyncadd.s32 $0xFFFFFF80  }
0x28e: {  	_ =	swait.ge [sflag:s30], $0x80  }
0x28f: {  	[sflag:s30] =	ssyncset.done $0x0  }
0x290: {  	[sflag:s30] =	ssyncadd.s32 $0xFFFFFF80  }
0x291: {  	_ =	swait.ge [sflag:s30], $0x80  }
0x292: {  	[sflag:s30] =	ssyncset.done $0x0  }
0x293: {  	[sflag:s30] =	ssyncadd.s32 $0xFFFFFF80  }
0x294: {  	_ =	swait.ge [sflag:s30], $0x80  }
0x295: {  	[sflag:s30] =	ssyncset.done $0x0  }
0x296: {  	s2 =	sadd.s32 s2, s4;
	s31 =	simm.s32 $0x6;
	[sflag:s30] =	ssyncadd.s32 $0xFFFFFF80  }
0x297: {  	[hbm4b:s2+s3] =	stream.linear.scatter [tilespmem:s5], [sflag:$0x6], $0x1000, $0x38;
	[tilespmem:$0x3100] =	vst v63  }
0x298: {  	_ =	swait.ge [sflag:s31], $0x1000  }
0x299: {  	[sflag:s31] =	ssyncset.done $0x0  }
0x29a: {  	[sflag:s31] =	ssyncadd.s32 $0xFFFFF000  }
0x29b: {  	_ =	swait.ge [sflag:s31], $0x800  }
0x29c: {  	[sflag:s31] =	ssyncset.done $0x0  }
0x29d: {  	[sflag:s31] =	ssyncadd.s32 $0xFFFFF800  }
0x29e: {  	_ =	sfence.sel $0x180000  }
0x29f: {  	[bflag:$0x0] =	sbarrier.arrive $0xFFFF  }
0x2a0: {  	p0 =	sne.s32 s1, $0x0;
	_ =	strace $0x90000047  }
0x2a1: {  	s0 =	sadd.s32 @!p0 $0x100000, s0;
	[bflag:$0x2] =	sbarrier.arrive $0xFFFF  }
0x2a2: {  	[sflag:s0] =	ssyncadd.tile.s32 @!p0 $0x1;
	_ =	shalt  }
.Lfunc_end2:
_tile_overlayer_lowered:
.L_overlay_start_2:
0x2a3: {  	(tag) =	ssettag $0x2  }
0x2a4: {  	s0 =	rddreg [dreg:$0x0];
	s2 =	stileid.u32  }
0x2a5: {  	s1 =	rddreg [dreg:$0x1];
	p0 =	sne.s32 s2, $0x0  }
0x2a6: {  	s3 =	rddreg [dreg:$0x2];
	[bflag:$0x3] =	sbarrier.arrive $0xFFFF;
	s2 =	simm.s32 @!p0 $0x1C07  }
0x2a7: {  	[timem:s3], [sflag:s2] =	dma.local @!p0 [hbm:s0], s1  }
0x2a8: {  	s0 =	simm.s32 @!p0 $0x7  }
0x2a9: {  	_ =	swait.ge @!p0 [sflag:s0], s1  }
0x2aa: {  	s1 =	ssub.s32 @!p0 $0x0, s1;
	[sflag:s0] =	ssyncset.done @!p0 $0x0  }
0x2ab: {  	[sflag:s0] =	ssyncadd.s32 @!p0 s1  }
0x2ac: {  	[bflag:$0x3] =	sbarrier.arrive $0xFFFF  }
0x2ad: {  	_ =	shalt  }

</sc_bundles>
